<compile_context>
chip_gen: v7x
topology: tpu7x:2x2x1
jax: 0.10.2.dev20260603
libtpu: 0.0.44.dev20260713+nightly
codegen_flags: <defaults>
</compile_context>

<pallas_src>
import functools

import jax
import jax.numpy as jnp
from jax import lax
from jax.experimental import pallas as pl
from jax.experimental.pallas import tpu as pltpu
from jax.experimental.pallas import tpu_sc as plsc

B, N, K = 2, 2048, 3
DIM, IN_F = 128, 128
POS_H, ATT_H = 64, 512
L = 3
BN = B * N
EB = K * N
PPAD = 128

F32 = jnp.float32

QB = 512
NQ = N // QB


def _knn_body(posq_ref, posc_ref, x_ref, we_ref, be_ref, wq_ref,
              wk_ref, wv_ref, idx_ref, q_ref, kv_ref):
    q3 = posq_ref[...]
    pc = posc_ref[0]
    d = None
    for c in range(3):
        rel = q3[:, c:c + 1] - pc[c:c + 1, :]
        sq = rel * rel
        d = sq if d is None else d + sq
    iota = lax.broadcasted_iota(jnp.int32, (QB, N), 1)
    lane = lax.broadcasted_iota(jnp.int32, (QB, 128), 1)
    acc = jnp.zeros((QB, 128), jnp.int32)
    for t in range(K):
        it = jnp.argmin(d, axis=1).reshape(QB, 1)
        if t < K - 1:
            d = jnp.where(iota == it, jnp.float32(jnp.inf), d)
        acc = acc + jnp.where(lane == t, it, 0)
    idx_ref[...] = acc
    h = (jnp.dot(x_ref[...], we_ref[...], preferred_element_type=F32)
         + be_ref[...])
    q_ref[...] = jnp.dot(h, wq_ref[...], preferred_element_type=F32)
    kk = jnp.dot(h, wk_ref[...], preferred_element_type=F32)
    vv = jnp.dot(h, wv_ref[...], preferred_element_type=F32)
    kv_ref[...] = jnp.concatenate([kk, vv], axis=1)


@functools.lru_cache(maxsize=None)
def _make_knn(b):
    return pl.pallas_call(
        _knn_body,
        grid=(NQ,),
        in_specs=[
            pl.BlockSpec((QB, 3), lambda i: (b * NQ + i, 0)),
            pl.BlockSpec((1, 3, N), lambda i: (b, 0, 0)),
            pl.BlockSpec((QB, IN_F), lambda i: (b * NQ + i, 0)),
            pl.BlockSpec((IN_F, DIM), lambda i: (0, 0)),
            pl.BlockSpec((1, DIM), lambda i: (0, 0)),
            pl.BlockSpec((DIM, DIM), lambda i: (0, 0)),
            pl.BlockSpec((DIM, DIM), lambda i: (0, 0)),
            pl.BlockSpec((DIM, DIM), lambda i: (0, 0)),
        ],
        out_specs=[
            pl.BlockSpec((QB, 128), lambda i: (i, 0)),
            pl.BlockSpec((QB, DIM), lambda i: (i, 0)),
            pl.BlockSpec((QB, 2 * DIM), lambda i: (i, 0)),
        ],
        out_shape=[jax.ShapeDtypeStruct((N, 128), jnp.int32),
                   jax.ShapeDtypeStruct((N, DIM), F32),
                   jax.ShapeDtypeStruct((N, 2 * DIM), F32)],
    )

NC, NS = 2, 16
NW = NC * NS
RPW = EB // NW
CH = 2
CHW = RPW // CH


@functools.lru_cache(maxsize=None)
def _make_gather(with_pos):
    _sc_mesh = plsc.VectorSubcoreMesh(core_axis_name="c", subcore_axis_name="s",
                                      num_cores=NC, num_subcores=NS)

    def body(tab, idx_hbm, out, idx_v, buf, sem):
        wid = lax.axis_index("s") * NC + lax.axis_index("c")
        row0 = wid * RPW
        pltpu.sync_copy(idx_hbm.at[wid], idx_v)
        copies = []
        for j in range(CH):
            copies.append(pltpu.async_copy(tab.at[idx_v.at[j, pl.ds(0, CHW)]],
                                           buf.at[pl.ds(j * CHW, CHW)],
                                           sem))
        for cp in copies:
            cp.wait()
        pltpu.sync_copy(buf, out.at[pl.ds(row0, RPW)])

    width = DIM if with_pos else 2 * DIM
    return pl.kernel(
        body,
        out_type=[jax.ShapeDtypeStruct((EB, width), F32)],
        mesh=_sc_mesh,
        scratch_types=[pltpu.VMEM((8, 128), jnp.int32),
                       pltpu.VMEM((RPW, width), F32),
                       pltpu.SemaphoreType.DMA])


def _gather_pos(p, pages):
    return _make_gather(True)(p, pages)[0]


def _gather_kv(kv, pages):
    return _make_gather(False)(kv, pages)[0]

QL = 512
NPB = N // QL


def _layer_body(mode, *refs):
    if mode == 0:
        (q_ref, kvg_ref, pg_ref, posr_ref,
         wp1_ref, bp1_ref, wp2_ref, bp2_ref,
         wa1_ref, ba1_ref, wa2_ref, ba2_ref,
         wq_ref, wk_ref, wv_ref,
         qo_ref, kvo_ref, relo_ref) = refs
    elif mode == 1:
        (q_ref, kvg_ref, rel_ref,
         wp1_ref, bp1_ref, wp2_ref, bp2_ref,
         wa1_ref, ba1_ref, wa2_ref, ba2_ref,
         wq_ref, wk_ref, wv_ref,
         qo_ref, kvo_ref) = refs
    else:
        (q_ref, kvg_ref, rel_ref,
         wp1_ref, bp1_ref, wp2_ref, bp2_ref,
         wa1_ref, ba1_ref, wa2_ref, ba2_ref,
         wfc_ref, bfc_ref,
         pool_ref, head_ref) = refs
    q = q_ref[...]
    wp1 = wp1_ref[...]
    bp1 = bp1_ref[...]
    wp2 = wp2_ref[...]
    bp2 = bp2_ref[...]
    wa1 = wa1_ref[...]
    ba1 = ba1_ref[...]
    wa2 = wa2_ref[...]
    ba2 = ba2_ref[...]
    sims = []
    ves = []
    rels = []
    for t in range(K):
        if mode == 0:
            rel = posr_ref[...] - pg_ref[t][:, 0:8]
            rels.append(rel)
        else:
            rel = rel_ref[t]
        p1 = jnp.maximum(
            jnp.dot(rel, wp1, preferred_element_type=F32) + bp1, 0.0)
        pe = jnp.dot(p1, wp2, preferred_element_type=F32) + bp2
        w = kvg_ref[t]
        u = q - w[:, :DIM] + pe
        s = jnp.maximum(
            jnp.dot(u, wa1, preferred_element_type=F32) + ba1, 0.0)
        sims.append(jnp.dot(s, wa2, preferred_element_type=F32) + ba2)
        ves.append(w[:, DIM:] + pe)
    m = jnp.maximum(jnp.maximum(sims[0], sims[1]), sims[2])
    es = [jnp.exp(sv - m) for sv in sims]
    den = es[0] + es[1] + es[2]
    h = (es[0] * ves[0] + es[1] * ves[1] + es[2] * ves[2]) / den
    if mode < 2:
        qo_ref[...] = jnp.dot(h, wq_ref[...], preferred_element_type=F32)
        kk = jnp.dot(h, wk_ref[...], preferred_element_type=F32)
        vv = jnp.dot(h, wv_ref[...], preferred_element_type=F32)
        kvo_ref[...] = jnp.concatenate([kk, vv], axis=1)
        if mode == 0:
            relo_ref[...] = jnp.stack(rels, axis=0)
    else:
        i = pl.program_id(0)
        part = jnp.sum(h, axis=0, keepdims=True)

        @pl.when(i == 0)
        def _():
            pool_ref[...] = jnp.zeros_like(pool_ref)

        pool_ref[...] += part[None]

        @pl.when(i == NPB - 1)
        def _():
            pooled = pool_ref[...].reshape(1, DIM) * (1.0 / N)
            head_ref[...] = (jnp.dot(pooled, wfc_ref[...],
                                     preferred_element_type=F32)
                             + bfc_ref[...]).reshape(1, 1, 128)


@functools.lru_cache(maxsize=None)
def _make_layer(mode):
    in_specs = [
        pl.BlockSpec((QL, DIM), lambda i: (i, 0)),
        pl.BlockSpec((K, QL, 2 * DIM), lambda i: (0, i, 0)),
    ]
    if mode == 0:
        in_specs += [
            pl.BlockSpec((K, QL, PPAD), lambda i: (0, i, 0)),
            pl.BlockSpec((QL, 8), lambda i: (i, 0)),
        ]
    else:
        in_specs += [pl.BlockSpec((K, QL, 8), lambda i: (0, i, 0))]
    in_specs += [
        pl.BlockSpec((8, POS_H), lambda i: (0, 0)),
        pl.BlockSpec((1, POS_H), lambda i: (0, 0)),
        pl.BlockSpec((POS_H, DIM), lambda i: (0, 0)),
        pl.BlockSpec((1, DIM), lambda i: (0, 0)),
        pl.BlockSpec((DIM, ATT_H), lambda i: (0, 0)),
        pl.BlockSpec((1, ATT_H), lambda i: (0, 0)),
        pl.BlockSpec((ATT_H, DIM), lambda i: (0, 0)),
        pl.BlockSpec((1, DIM), lambda i: (0, 0)),
    ]
    if mode < 2:
        in_specs += [pl.BlockSpec((DIM, DIM), lambda i: (0, 0))] * 3
        out_specs = [pl.BlockSpec((QL, DIM), lambda i: (i, 0)),
                     pl.BlockSpec((QL, 2 * DIM), lambda i: (i, 0))]
        out_shape = [jax.ShapeDtypeStruct((N, DIM), F32),
                     jax.ShapeDtypeStruct((N, 2 * DIM), F32)]
        if mode == 0:
            out_specs += [pl.BlockSpec((K, QL, 8), lambda i: (0, i, 0))]
            out_shape += [jax.ShapeDtypeStruct((K, N, 8), F32)]
    else:
        in_specs += [
            pl.BlockSpec((DIM, 128), lambda i: (0, 0)),
            pl.BlockSpec((1, 128), lambda i: (0, 0)),
        ]
        out_specs = [
            pl.BlockSpec((1, 1, DIM), lambda i: (0, 0, 0)),
            pl.BlockSpec((1, 1, 128), lambda i: (0, 0, 0)),
        ]
        out_shape = [jax.ShapeDtypeStruct((1, 1, DIM), F32),
                     jax.ShapeDtypeStruct((1, 1, 128), F32)]
    return pl.pallas_call(
        functools.partial(_layer_body, mode),
        grid=(NPB,),
        in_specs=in_specs,
        out_specs=out_specs,
        out_shape=out_shape,
    )



def _pages(idx_cols):
    flat = idx_cols[:, :K].T.reshape(NW, CH, CHW)
    return jnp.pad(flat, ((0, 0), (0, 8 - CH), (0, 128 - CHW)))


def kernel(x, pos, W_enc, b_enc, Wqkv, Wp1, bp1, Wp2, bp2, Wa1, ba1,
           Wa2, ba2, W_fc, b_fc):
    pos3 = pos.reshape(BN, 3)
    posc = jnp.transpose(pos, (0, 2, 1))
    xf = x.reshape(BN, IN_F)
    Wq = Wqkv[:, :, :DIM]
    Wk = Wqkv[:, :, DIM:2 * DIM]
    Wv = Wqkv[:, :, 2 * DIM:]
    Wp1p = jnp.pad(Wp1, ((0, 0), (0, 5), (0, 0)))
    wfc_pad = jnp.pad(W_fc, ((0, 0), (0, 128 - 1)))
    bfc_pad = jnp.pad(b_fc.reshape(1, 1), ((0, 0), (0, 128 - 1)))

    be = b_enc.reshape(1, DIM)
    q, kv, pages, pg, posr8, rel8, head = {}, {}, {}, {}, {}, {}, {}
    for b in range(B):
        idx_cols, q[b], kv[b] = _make_knn(b)(pos3, posc, xf, W_enc, be,
                                             Wq[0], Wk[0], Wv[0])
        pages[b] = _pages(idx_cols)
        posr8[b] = jnp.pad(pos3[b * N:(b + 1) * N], ((0, 0), (0, 5)))
        ptab = jnp.pad(posr8[b], ((0, 0), (0, PPAD - 8)))
        pg[b] = _gather_pos(ptab, pages[b]).reshape(K, N, PPAD)

    for l in range(L):
        wargs = (Wp1p[l], bp1[l].reshape(1, POS_H), Wp2[l],
                 bp2[l].reshape(1, DIM), Wa1[l], ba1[l].reshape(1, ATT_H),
                 Wa2[l], ba2[l].reshape(1, DIM))
        for b in range(B):
            kvg = _gather_kv(kv[b], pages[b]).reshape(K, N, 2 * DIM)
            if l == 0:
                q[b], kv[b], rel8[b] = _make_layer(0)(
                    q[b], kvg, pg[b], posr8[b], *wargs, Wq[1], Wk[1], Wv[1])
            elif l < L - 1:
                q[b], kv[b] = _make_layer(1)(q[b], kvg, rel8[b], *wargs,
                                             Wq[l + 1], Wk[l + 1], Wv[l + 1])
            else:
                _, head[b] = _make_layer(2)(q[b], kvg, rel8[b], *wargs,
                                            wfc_pad, bfc_pad)
    return jnp.concatenate([head[0][:, 0, 0:1], head[1][:, 0, 0:1]], axis=0)

# --- scband reference (transcript-rebuilt; emitter-appended) ---
"""Pipeline reference for scband-pt-83580063580288 (READ-ONLY COPY).

The authoritative reference and input builder live on the scoring server;
editing this copy changes nothing except your own understanding.
"""

import jax, jax.numpy as jnp
import numpy as np

B, N, K = 2, 2048, 3
DIM, IN_F = 128, 128
POS_H, ATT_H = 64, 512
L = 3


def setup_inputs(seed: int = 0) -> dict:
    key = jax.random.key(seed)
    ks = jax.random.split(key, 12)
    s = 0.05
    return {
        "x": jax.random.normal(ks[0], (B, N, IN_F), jnp.float32),
        "pos": jax.random.normal(ks[1], (B, N, 3), jnp.float32),
        "W_enc": jax.random.normal(ks[2], (IN_F, DIM), jnp.float32) * s,
        "b_enc": jnp.zeros((DIM,), jnp.float32),
        "Wqkv": jax.random.normal(ks[3], (L, DIM, 3 * DIM), jnp.float32) * s,
        "Wp1": jax.random.normal(ks[4], (L, 3, POS_H), jnp.float32) * s,
        "bp1": jnp.zeros((L, POS_H), jnp.float32),
        "Wp2": jax.random.normal(ks[5], (L, POS_H, DIM), jnp.float32) * s,
        "bp2": jnp.zeros((L, DIM), jnp.float32),
        "Wa1": jax.random.normal(ks[6], (L, DIM, ATT_H), jnp.float32) * s,
        "ba1": jnp.zeros((L, ATT_H), jnp.float32),
        "Wa2": jax.random.normal(ks[7], (L, ATT_H, DIM), jnp.float32) * s,
        "ba2": jnp.zeros((L, DIM), jnp.float32),
        "W_fc": jax.random.normal(ks[8], (DIM, 1), jnp.float32) * s,
        "b_fc": jnp.zeros((1,), jnp.float32),
    }


def _pt_layer(h, rel_pos_k, idx, Wqkv, Wp1, bp1, Wp2, bp2, Wa1, ba1, Wa2, ba2):
    # lucidrains PointTransformerLayer with num_neighbors=K
    qkv = h @ Wqkv
    q, k_, v = jnp.split(qkv, 3, axis=-1)
    b_idx = jnp.arange(h.shape[0])[:, None, None]
    k_g = k_[b_idx, idx]  # (B, N, K, DIM) gathered keys of K nearest neighbors
    v_g = v[b_idx, idx]   # (B, N, K, DIM)
    # relative positional embedding MLP (applied pointwise, gathered first: same math)
    pos_emb = jax.nn.relu(rel_pos_k @ Wp1 + bp1) @ Wp2 + bp2  # (B, N, K, DIM)
    qk_rel = q[:, :, None, :] - k_g
    v_g = v_g + pos_emb
    sim = jax.nn.relu((qk_rel + pos_emb) @ Wa1 + ba1) @ Wa2 + ba2  # attn_mlp
    attn = jax.nn.softmax(sim, axis=-2)  # softmax over neighbor axis
    return jnp.sum(attn * v_g, axis=2)  # (B, N, DIM)


def reference(x, pos, W_enc, b_enc, Wqkv, Wp1, bp1, Wp2, bp2, Wa1, ba1, Wa2, ba2, W_fc, b_fc):
    # kNN in 3D (sparse attention neighborhood); squared dist gives identical ordering to norm
    rel_pos = pos[:, :, None, :] - pos[:, None, :, :]          # (B, N, N, 3)
    rel_dist = jnp.sum(rel_pos * rel_pos, axis=-1)             # (B, N, N)
    _, idx = jax.lax.top_k(-rel_dist, K)                       # (B, N, K) smallest dists
    b_idx = jnp.arange(B)[:, None, None]
    n_idx = jnp.arange(N)[None, :, None]
    rel_pos_k = rel_pos[b_idx, n_idx, idx]                     # (B, N, K, 3)
    # input encoder: get_mlp_layers([in_features, encoder_features]) == single Linear + Identity
    h = x @ W_enc + b_enc
    for l in range(L):
        h = _pt_layer(h, rel_pos_k, idx, Wqkv[l], Wp1[l], bp1[l], Wp2[l], bp2[l],
                      Wa1[l], ba1[l], Wa2[l], ba2[l])
    pooled = jnp.mean(h, axis=1)  # global_mean_pool over points per cloud
    out = pooled @ W_fc + b_fc    # fc head -> age regression, no sigmoid
    return out

if __name__ == "__main__":
    import jax
    _d = setup_inputs()
    print(jax.jit(kernel)(*tuple(_d.values())))

</pallas_src>

<mosaic_0001>
#map = affine_map<(d0, d1) -> (0, 0)>
#map1 = affine_map<(d0, d1) -> (0, 0, 0)>
module attributes {stable_mosaic.version = 14 : i64} {
  func.func @body(%arg0: i32, %arg1: i32, %arg2: memref<2048x256xf32, #tpu.memory_space<hbm>>, %arg3: memref<32x8x128xi32, #tpu.memory_space<hbm>>, %arg4: memref<6144x256xf32, #tpu.memory_space<hbm>>, %arg5: memref<8x128xi32, #tpu.memory_space<vmem>>, %arg6: memref<192x256xf32, #tpu.memory_space<vmem>>, %arg7: memref<!tpu.dma_semaphore, #tpu.memory_space<semaphore_mem>>) attributes {dimension_semantics = [#tpu.dimension_semantics<core_parallel>, #tpu.dimension_semantics<subcore_parallel>], iteration_bounds = array<i64: 2, 16>, scalar_prefetch = 0 : i64, scratch_operands = 3 : i64, tpu.core_type = #tpu.core_type<sc_vector_subcore>, window_params = [{transform_indices = #map}, {transform_indices = #map1}, {transform_indices = #map}]} {
    %mul3A = arith.constant 2 : i32
    %mul3A_0 = arith.muli %arg1, %mul3A : i32
    %add3A = arith.addi %mul3A_0, %arg0 : i32
    %mul3A_1 = arith.constant 192 : i32
    %mul3A_2 = arith.muli %add3A, %mul3A_1 : i32
    "tpu.region"() ({
      %run_scoped3A = tpu.sem_alloc : memref<!tpu.dma_semaphore, #tpu.memory_space<semaphore_mem>>
      %dma_start3A_41 = arith.constant 0 : i32
      %dma_start3A_42 = arith.constant 0 : i32
      %dma_start3A_43 = tpu.memref_slice %arg3[%add3A, %dma_start3A_41, %dma_start3A_42] : memref<32x8x128xi32, #tpu.memory_space<hbm>> -> memref<1x8x128xi32, #tpu.memory_space<hbm>>
      %dma_start3A_44 = tpu.memref_squeeze %dma_start3A_43 : memref<1x8x128xi32, #tpu.memory_space<hbm>> -> memref<8x128xi32, #tpu.memory_space<hbm>>
      %dma_start3A_45 = arith.constant 0 : i32
      %dma_start3A_46 = arith.constant 0 : i32
      %dma_start3A_47 = tpu.memref_slice %arg3[%add3A, %dma_start3A_45, %dma_start3A_46] : memref<32x8x128xi32, #tpu.memory_space<hbm>> -> memref<1x8x128xi32, #tpu.memory_space<hbm>>
      %dma_start3A_48 = tpu.memref_squeeze %dma_start3A_47 : memref<1x8x128xi32, #tpu.memory_space<hbm>> -> memref<8x128xi32, #tpu.memory_space<hbm>>
      tpu.enqueue_dma source(%dma_start3A_48 : memref<8x128xi32, #tpu.memory_space<hbm>>) target(%arg5 : memref<8x128xi32, #tpu.memory_space<vmem>>) target_semaphore(%run_scoped3A : memref<!tpu.dma_semaphore, #tpu.memory_space<semaphore_mem>>)
      %dma_wait3A_49 = arith.constant 0 : i32
      %dma_wait3A_50 = arith.constant 0 : i32
      %dma_wait3A_51 = tpu.memref_slice %arg3[%add3A, %dma_wait3A_49, %dma_wait3A_50] : memref<32x8x128xi32, #tpu.memory_space<hbm>> -> memref<1x8x128xi32, #tpu.memory_space<hbm>>
      %dma_wait3A_52 = tpu.memref_squeeze %dma_wait3A_51 : memref<1x8x128xi32, #tpu.memory_space<hbm>> -> memref<8x128xi32, #tpu.memory_space<hbm>>
      %dma_wait3A_53 = arith.constant 0 : i32
      %dma_wait3A_54 = arith.constant 0 : i32
      %dma_wait3A_55 = tpu.memref_slice %arg3[%add3A, %dma_wait3A_53, %dma_wait3A_54] : memref<32x8x128xi32, #tpu.memory_space<hbm>> -> memref<1x8x128xi32, #tpu.memory_space<hbm>>
      %dma_wait3A_56 = tpu.memref_squeeze %dma_wait3A_55 : memref<1x8x128xi32, #tpu.memory_space<hbm>> -> memref<8x128xi32, #tpu.memory_space<hbm>>
      tpu.wait_dma2 semaphore(%run_scoped3A : memref<!tpu.dma_semaphore, #tpu.memory_space<semaphore_mem>>) src(%dma_wait3A_56 : memref<8x128xi32, #tpu.memory_space<hbm>>) dst(%arg5 : memref<8x128xi32, #tpu.memory_space<vmem>>)
      tpu.yield
    }) : () -> ()
    %dma_start3A = arith.constant 0 : i32
    %dma_start3A_3 = arith.constant 0 : i32
    %dma_start3A_4 = arith.constant 0 : i32
    %dma_start3A_5 = tpu.memref_slice %arg6[%dma_start3A_3, %dma_start3A_4] : memref<192x256xf32, #tpu.memory_space<vmem>> -> memref<96x256xf32, #tpu.memory_space<vmem>>
    %dma_start3A_6 = arith.constant 0 : i32
    %dma_start3A_7 = tpu.memref_slice %arg5[%dma_start3A, %dma_start3A_6] : memref<8x128xi32, #tpu.memory_space<vmem>> -> memref<1x96xi32, #tpu.memory_space<vmem>>
    %dma_start3A_8 = tpu.memref_squeeze %dma_start3A_7 : memref<1x96xi32, #tpu.memory_space<vmem>> -> memref<96xi32, #tpu.memory_space<vmem>>
    %dma_start3A_9 = arith.constant 0 : i32
    %dma_start3A_10 = arith.constant 0 : i32
    %dma_start3A_11 = tpu.memref_slice %arg2[%dma_start3A_9, %dma_start3A_10] : memref<2048x256xf32, #tpu.memory_space<hbm>> -> memref<2048x256xf32, #tpu.memory_space<hbm>>
    tpu.enqueue_indirect_dma source(%dma_start3A_11 : memref<2048x256xf32, #tpu.memory_space<hbm>>) target(%dma_start3A_5 : memref<96x256xf32, #tpu.memory_space<vmem>>) offsets(%dma_start3A_8 : memref<96xi32, #tpu.memory_space<vmem>>) semaphore(%arg7 : memref<!tpu.dma_semaphore, #tpu.memory_space<semaphore_mem>>)
    %dma_start3A_12 = arith.constant 1 : i32
    %dma_start3A_13 = arith.constant 96 : i32
    %dma_start3A_14 = arith.constant 0 : i32
    %dma_start3A_15 = tpu.memref_slice %arg6[%dma_start3A_13, %dma_start3A_14] : memref<192x256xf32, #tpu.memory_space<vmem>> -> memref<96x256xf32, #tpu.memory_space<vmem>>
    %dma_start3A_16 = arith.constant 0 : i32
    %dma_start3A_17 = tpu.memref_slice %arg5[%dma_start3A_12, %dma_start3A_16] : memref<8x128xi32, #tpu.memory_space<vmem>> -> memref<1x96xi32, #tpu.memory_space<vmem>>
    %dma_start3A_18 = tpu.memref_squeeze %dma_start3A_17 : memref<1x96xi32, #tpu.memory_space<vmem>> -> memref<96xi32, #tpu.memory_space<vmem>>
    %dma_start3A_19 = arith.constant 0 : i32
    %dma_start3A_20 = arith.constant 0 : i32
    %dma_start3A_21 = tpu.memref_slice %arg2[%dma_start3A_19, %dma_start3A_20] : memref<2048x256xf32, #tpu.memory_space<hbm>> -> memref<2048x256xf32, #tpu.memory_space<hbm>>
    tpu.enqueue_indirect_dma source(%dma_start3A_21 : memref<2048x256xf32, #tpu.memory_space<hbm>>) target(%dma_start3A_15 : memref<96x256xf32, #tpu.memory_space<vmem>>) offsets(%dma_start3A_18 : memref<96xi32, #tpu.memory_space<vmem>>) semaphore(%arg7 : memref<!tpu.dma_semaphore, #tpu.memory_space<semaphore_mem>>)
    %dma_wait3A = arith.constant 0 : i32
    %dma_wait3A_22 = arith.constant 0 : i32
    %dma_wait3A_23 = arith.constant 0 : i32
    %dma_wait3A_24 = tpu.memref_slice %arg6[%dma_wait3A_22, %dma_wait3A_23] : memref<192x256xf32, #tpu.memory_space<vmem>> -> memref<96x256xf32, #tpu.memory_space<vmem>>
    %dma_wait3A_25 = arith.constant 0 : i32
    %dma_wait3A_26 = tpu.memref_slice %arg5[%dma_wait3A, %dma_wait3A_25] : memref<8x128xi32, #tpu.memory_space<vmem>> -> memref<1x96xi32, #tpu.memory_space<vmem>>
    %dma_wait3A_27 = tpu.memref_squeeze %dma_wait3A_26 : memref<1x96xi32, #tpu.memory_space<vmem>> -> memref<96xi32, #tpu.memory_space<vmem>>
    %dma_wait3A_28 = arith.constant 0 : i32
    %dma_wait3A_29 = arith.constant 0 : i32
    %dma_wait3A_30 = tpu.memref_slice %arg2[%dma_wait3A_28, %dma_wait3A_29] : memref<2048x256xf32, #tpu.memory_space<hbm>> -> memref<2048x256xf32, #tpu.memory_space<hbm>>
    tpu.wait_indirect_dma semaphore(%arg7 : memref<!tpu.dma_semaphore, #tpu.memory_space<semaphore_mem>>) src(%dma_wait3A_30 : memref<2048x256xf32, #tpu.memory_space<hbm>>) dst(%dma_wait3A_24 : memref<96x256xf32, #tpu.memory_space<vmem>>)
    %dma_wait3A_31 = arith.constant 1 : i32
    %dma_wait3A_32 = arith.constant 96 : i32
    %dma_wait3A_33 = arith.constant 0 : i32
    %dma_wait3A_34 = tpu.memref_slice %arg6[%dma_wait3A_32, %dma_wait3A_33] : memref<192x256xf32, #tpu.memory_space<vmem>> -> memref<96x256xf32, #tpu.memory_space<vmem>>
    %dma_wait3A_35 = arith.constant 0 : i32
    %dma_wait3A_36 = tpu.memref_slice %arg5[%dma_wait3A_31, %dma_wait3A_35] : memref<8x128xi32, #tpu.memory_space<vmem>> -> memref<1x96xi32, #tpu.memory_space<vmem>>
    %dma_wait3A_37 = tpu.memref_squeeze %dma_wait3A_36 : memref<1x96xi32, #tpu.memory_space<vmem>> -> memref<96xi32, #tpu.memory_space<vmem>>
    %dma_wait3A_38 = arith.constant 0 : i32
    %dma_wait3A_39 = arith.constant 0 : i32
    %dma_wait3A_40 = tpu.memref_slice %arg2[%dma_wait3A_38, %dma_wait3A_39] : memref<2048x256xf32, #tpu.memory_space<hbm>> -> memref<2048x256xf32, #tpu.memory_space<hbm>>
    tpu.wait_indirect_dma semaphore(%arg7 : memref<!tpu.dma_semaphore, #tpu.memory_space<semaphore_mem>>) src(%dma_wait3A_40 : memref<2048x256xf32, #tpu.memory_space<hbm>>) dst(%dma_wait3A_34 : memref<96x256xf32, #tpu.memory_space<vmem>>)
    "tpu.region"() ({
      %run_scoped3A = tpu.sem_alloc : memref<!tpu.dma_semaphore, #tpu.memory_space<semaphore_mem>>
      %dma_start3A_41 = arith.constant 0 : i32
      %dma_start3A_42 = tpu.memref_slice %arg4[%mul3A_2, %dma_start3A_41] : memref<6144x256xf32, #tpu.memory_space<hbm>> -> memref<192x256xf32, #tpu.memory_space<hbm>>
      %dma_start3A_43 = arith.constant 0 : i32
      %dma_start3A_44 = tpu.memref_slice %arg4[%mul3A_2, %dma_start3A_43] : memref<6144x256xf32, #tpu.memory_space<hbm>> -> memref<192x256xf32, #tpu.memory_space<hbm>>
      tpu.enqueue_dma source(%arg6 : memref<192x256xf32, #tpu.memory_space<vmem>>) target(%dma_start3A_44 : memref<192x256xf32, #tpu.memory_space<hbm>>) target_semaphore(%run_scoped3A : memref<!tpu.dma_semaphore, #tpu.memory_space<semaphore_mem>>)
      %dma_wait3A_45 = arith.constant 0 : i32
      %dma_wait3A_46 = tpu.memref_slice %arg4[%mul3A_2, %dma_wait3A_45] : memref<6144x256xf32, #tpu.memory_space<hbm>> -> memref<192x256xf32, #tpu.memory_space<hbm>>
      %dma_wait3A_47 = arith.constant 0 : i32
      %dma_wait3A_48 = tpu.memref_slice %arg4[%mul3A_2, %dma_wait3A_47] : memref<6144x256xf32, #tpu.memory_space<hbm>> -> memref<192x256xf32, #tpu.memory_space<hbm>>
      tpu.wait_dma2 semaphore(%run_scoped3A : memref<!tpu.dma_semaphore, #tpu.memory_space<semaphore_mem>>) src(%arg6 : memref<192x256xf32, #tpu.memory_space<vmem>>) dst(%dma_wait3A_48 : memref<192x256xf32, #tpu.memory_space<hbm>>)
      tpu.yield
    }) : () -> ()
    return
  }
}

#map = affine_map<(d0, d1) -> (0, 0)>
#map1 = affine_map<(d0, d1) -> (0, 0, 0)>
module attributes {stable_mosaic.version = 14 : i64} {
  func.func @body(%arg0: i32, %arg1: i32, %arg2: memref<2048x256xf32, #tpu.memory_space<hbm>>, %arg3: memref<32x8x128xi32, #tpu.memory_space<hbm>>, %arg4: memref<6144x256xf32, #tpu.memory_space<hbm>>, %arg5: memref<8x128xi32, #tpu.memory_space<vmem>>, %arg6: memref<192x256xf32, #tpu.memory_space<vmem>>, %arg7: memref<!tpu.dma_semaphore, #tpu.memory_space<semaphore_mem>>) attributes {dimension_semantics = [#tpu.dimension_semantics<core_parallel>, #tpu.dimension_semantics<subcore_parallel>], iteration_bounds = array<i64: 2, 16>, scalar_prefetch = 0 : i64, scratch_operands = 3 : i64, tpu.core_type = #tpu.core_type<sc_vector_subcore>, window_params = [{transform_indices = #map}, {transform_indices = #map1}, {transform_indices = #map}]} {
    %mul3A = arith.constant 2 : i32
    %mul3A_0 = arith.muli %arg1, %mul3A : i32
    %add3A = arith.addi %mul3A_0, %arg0 : i32
    %mul3A_1 = arith.constant 192 : i32
    %mul3A_2 = arith.muli %add3A, %mul3A_1 : i32
    "tpu.region"() ({
      %run_scoped3A = tpu.sem_alloc : memref<!tpu.dma_semaphore, #tpu.memory_space<semaphore_mem>>
      %dma_start3A_41 = arith.constant 0 : i32
      %dma_start3A_42 = arith.constant 0 : i32
      %dma_start3A_43 = tpu.memref_slice %arg3[%add3A, %dma_start3A_41, %dma_start3A_42] : memref<32x8x128xi32, #tpu.memory_space<hbm>> -> memref<1x8x128xi32, #tpu.memory_space<hbm>>
      %dma_start3A_44 = tpu.memref_squeeze %dma_start3A_43 : memref<1x8x128xi32, #tpu.memory_space<hbm>> -> memref<8x128xi32, #tpu.memory_space<hbm>>
      %dma_start3A_45 = arith.constant 0 : i32
      %dma_start3A_46 = arith.constant 0 : i32
      %dma_start3A_47 = tpu.memref_slice %arg3[%add3A, %dma_start3A_45, %dma_start3A_46] : memref<32x8x128xi32, #tpu.memory_space<hbm>> -> memref<1x8x128xi32, #tpu.memory_space<hbm>>
      %dma_start3A_48 = tpu.memref_squeeze %dma_start3A_47 : memref<1x8x128xi32, #tpu.memory_space<hbm>> -> memref<8x128xi32, #tpu.memory_space<hbm>>
      tpu.enqueue_dma source(%dma_start3A_48 : memref<8x128xi32, #tpu.memory_space<hbm>>) target(%arg5 : memref<8x128xi32, #tpu.memory_space<vmem>>) target_semaphore(%run_scoped3A : memref<!tpu.dma_semaphore, #tpu.memory_space<semaphore_mem>>)
      %dma_wait3A_49 = arith.constant 0 : i32
      %dma_wait3A_50 = arith.constant 0 : i32
      %dma_wait3A_51 = tpu.memref_slice %arg3[%add3A, %dma_wait3A_49, %dma_wait3A_50] : memref<32x8x128xi32, #tpu.memory_space<hbm>> -> memref<1x8x128xi32, #tpu.memory_space<hbm>>
      %dma_wait3A_52 = tpu.memref_squeeze %dma_wait3A_51 : memref<1x8x128xi32, #tpu.memory_space<hbm>> -> memref<8x128xi32, #tpu.memory_space<hbm>>
      %dma_wait3A_53 = arith.constant 0 : i32
      %dma_wait3A_54 = arith.constant 0 : i32
      %dma_wait3A_55 = tpu.memref_slice %arg3[%add3A, %dma_wait3A_53, %dma_wait3A_54] : memref<32x8x128xi32, #tpu.memory_space<hbm>> -> memref<1x8x128xi32, #tpu.memory_space<hbm>>
      %dma_wait3A_56 = tpu.memref_squeeze %dma_wait3A_55 : memref<1x8x128xi32, #tpu.memory_space<hbm>> -> memref<8x128xi32, #tpu.memory_space<hbm>>
      tpu.wait_dma2 semaphore(%run_scoped3A : memref<!tpu.dma_semaphore, #tpu.memory_space<semaphore_mem>>) src(%dma_wait3A_56 : memref<8x128xi32, #tpu.memory_space<hbm>>) dst(%arg5 : memref<8x128xi32, #tpu.memory_space<vmem>>)
      tpu.yield
    }) : () -> ()
    %dma_start3A = arith.constant 0 : i32
    %dma_start3A_3 = arith.constant 0 : i32
    %dma_start3A_4 = arith.constant 0 : i32
    %dma_start3A_5 = tpu.memref_slice %arg6[%dma_start3A_3, %dma_start3A_4] : memref<192x256xf32, #tpu.memory_space<vmem>> -> memref<96x256xf32, #tpu.memory_space<vmem>>
    %dma_start3A_6 = arith.constant 0 : i32
    %dma_start3A_7 = tpu.memref_slice %arg5[%dma_start3A, %dma_start3A_6] : memref<8x128xi32, #tpu.memory_space<vmem>> -> memref<1x96xi32, #tpu.memory_space<vmem>>
    %dma_start3A_8 = tpu.memref_squeeze %dma_start3A_7 : memref<1x96xi32, #tpu.memory_space<vmem>> -> memref<96xi32, #tpu.memory_space<vmem>>
    %dma_start3A_9 = arith.constant 0 : i32
    %dma_start3A_10 = arith.constant 0 : i32
    %dma_start3A_11 = tpu.memref_slice %arg2[%dma_start3A_9, %dma_start3A_10] : memref<2048x256xf32, #tpu.memory_space<hbm>> -> memref<2048x256xf32, #tpu.memory_space<hbm>>
    tpu.enqueue_indirect_dma source(%dma_start3A_11 : memref<2048x256xf32, #tpu.memory_space<hbm>>) target(%dma_start3A_5 : memref<96x256xf32, #tpu.memory_space<vmem>>) offsets(%dma_start3A_8 : memref<96xi32, #tpu.memory_space<vmem>>) semaphore(%arg7 : memref<!tpu.dma_semaphore, #tpu.memory_space<semaphore_mem>>)
    %dma_start3A_12 = arith.constant 1 : i32
    %dma_start3A_13 = arith.constant 96 : i32
    %dma_start3A_14 = arith.constant 0 : i32
    %dma_start3A_15 = tpu.memref_slice %arg6[%dma_start3A_13, %dma_start3A_14] : memref<192x256xf32, #tpu.memory_space<vmem>> -> memref<96x256xf32, #tpu.memory_space<vmem>>
    %dma_start3A_16 = arith.constant 0 : i32
    %dma_start3A_17 = tpu.memref_slice %arg5[%dma_start3A_12, %dma_start3A_16] : memref<8x128xi32, #tpu.memory_space<vmem>> -> memref<1x96xi32, #tpu.memory_space<vmem>>
    %dma_start3A_18 = tpu.memref_squeeze %dma_start3A_17 : memref<1x96xi32, #tpu.memory_space<vmem>> -> memref<96xi32, #tpu.memory_space<vmem>>
    %dma_start3A_19 = arith.constant 0 : i32
    %dma_start3A_20 = arith.constant 0 : i32
    %dma_start3A_21 = tpu.memref_slice %arg2[%dma_start3A_19, %dma_start3A_20] : memref<2048x256xf32, #tpu.memory_space<hbm>> -> memref<2048x256xf32, #tpu.memory_space<hbm>>
    tpu.enqueue_indirect_dma source(%dma_start3A_21 : memref<2048x256xf32, #tpu.memory_space<hbm>>) target(%dma_start3A_15 : memref<96x256xf32, #tpu.memory_space<vmem>>) offsets(%dma_start3A_18 : memref<96xi32, #tpu.memory_space<vmem>>) semaphore(%arg7 : memref<!tpu.dma_semaphore, #tpu.memory_space<semaphore_mem>>)
    %dma_wait3A = arith.constant 0 : i32
    %dma_wait3A_22 = arith.constant 0 : i32
    %dma_wait3A_23 = arith.constant 0 : i32
    %dma_wait3A_24 = tpu.memref_slice %arg6[%dma_wait3A_22, %dma_wait3A_23] : memref<192x256xf32, #tpu.memory_space<vmem>> -> memref<96x256xf32, #tpu.memory_space<vmem>>
    %dma_wait3A_25 = arith.constant 0 : i32
    %dma_wait3A_26 = tpu.memref_slice %arg5[%dma_wait3A, %dma_wait3A_25] : memref<8x128xi32, #tpu.memory_space<vmem>> -> memref<1x96xi32, #tpu.memory_space<vmem>>
    %dma_wait3A_27 = tpu.memref_squeeze %dma_wait3A_26 : memref<1x96xi32, #tpu.memory_space<vmem>> -> memref<96xi32, #tpu.memory_space<vmem>>
    %dma_wait3A_28 = arith.constant 0 : i32
    %dma_wait3A_29 = arith.constant 0 : i32
    %dma_wait3A_30 = tpu.memref_slice %arg2[%dma_wait3A_28, %dma_wait3A_29] : memref<2048x256xf32, #tpu.memory_space<hbm>> -> memref<2048x256xf32, #tpu.memory_space<hbm>>
    tpu.wait_indirect_dma semaphore(%arg7 : memref<!tpu.dma_semaphore, #tpu.memory_space<semaphore_mem>>) src(%dma_wait3A_30 : memref<2048x256xf32, #tpu.memory_space<hbm>>) dst(%dma_wait3A_24 : memref<96x256xf32, #tpu.memory_space<vmem>>)
    %dma_wait3A_31 = arith.constant 1 : i32
    %dma_wait3A_32 = arith.constant 96 : i32
    %dma_wait3A_33 = arith.constant 0 : i32
    %dma_wait3A_34 = tpu.memref_slice %arg6[%dma_wait3A_32, %dma_wait3A_33] : memref<192x256xf32, #tpu.memory_space<vmem>> -> memref<96x256xf32, #tpu.memory_space<vmem>>
    %dma_wait3A_35 = arith.constant 0 : i32
    %dma_wait3A_36 = tpu.memref_slice %arg5[%dma_wait3A_31, %dma_wait3A_35] : memref<8x128xi32, #tpu.memory_space<vmem>> -> memref<1x96xi32, #tpu.memory_space<vmem>>
    %dma_wait3A_37 = tpu.memref_squeeze %dma_wait3A_36 : memref<1x96xi32, #tpu.memory_space<vmem>> -> memref<96xi32, #tpu.memory_space<vmem>>
    %dma_wait3A_38 = arith.constant 0 : i32
    %dma_wait3A_39 = arith.constant 0 : i32
    %dma_wait3A_40 = tpu.memref_slice %arg2[%dma_wait3A_38, %dma_wait3A_39] : memref<2048x256xf32, #tpu.memory_space<hbm>> -> memref<2048x256xf32, #tpu.memory_space<hbm>>
    tpu.wait_indirect_dma semaphore(%arg7 : memref<!tpu.dma_semaphore, #tpu.memory_space<semaphore_mem>>) src(%dma_wait3A_40 : memref<2048x256xf32, #tpu.memory_space<hbm>>) dst(%dma_wait3A_34 : memref<96x256xf32, #tpu.memory_space<vmem>>)
    "tpu.region"() ({
      %run_scoped3A = tpu.sem_alloc : memref<!tpu.dma_semaphore, #tpu.memory_space<semaphore_mem>>
      %dma_start3A_41 = arith.constant 0 : i32
      %dma_start3A_42 = tpu.memref_slice %arg4[%mul3A_2, %dma_start3A_41] : memref<6144x256xf32, #tpu.memory_space<hbm>> -> memref<192x256xf32, #tpu.memory_space<hbm>>
      %dma_start3A_43 = arith.constant 0 : i32
      %dma_start3A_44 = tpu.memref_slice %arg4[%mul3A_2, %dma_start3A_43] : memref<6144x256xf32, #tpu.memory_space<hbm>> -> memref<192x256xf32, #tpu.memory_space<hbm>>
      tpu.enqueue_dma source(%arg6 : memref<192x256xf32, #tpu.memory_space<vmem>>) target(%dma_start3A_44 : memref<192x256xf32, #tpu.memory_space<hbm>>) target_semaphore(%run_scoped3A : memref<!tpu.dma_semaphore, #tpu.memory_space<semaphore_mem>>)
      %dma_wait3A_45 = arith.constant 0 : i32
      %dma_wait3A_46 = tpu.memref_slice %arg4[%mul3A_2, %dma_wait3A_45] : memref<6144x256xf32, #tpu.memory_space<hbm>> -> memref<192x256xf32, #tpu.memory_space<hbm>>
      %dma_wait3A_47 = arith.constant 0 : i32
      %dma_wait3A_48 = tpu.memref_slice %arg4[%mul3A_2, %dma_wait3A_47] : memref<6144x256xf32, #tpu.memory_space<hbm>> -> memref<192x256xf32, #tpu.memory_space<hbm>>
      tpu.wait_dma2 semaphore(%run_scoped3A : memref<!tpu.dma_semaphore, #tpu.memory_space<semaphore_mem>>) src(%arg6 : memref<192x256xf32, #tpu.memory_space<vmem>>) dst(%dma_wait3A_48 : memref<192x256xf32, #tpu.memory_space<hbm>>)
      tpu.yield
    }) : () -> ()
    return
  }
}

#map = affine_map<(d0, d1) -> (0, 0)>
#map1 = affine_map<(d0, d1) -> (0, 0, 0)>
module attributes {stable_mosaic.version = 14 : i64} {
  func.func @body(%arg0: i32, %arg1: i32, %arg2: memref<2048x128xf32, #tpu.memory_space<hbm>>, %arg3: memref<32x8x128xi32, #tpu.memory_space<hbm>>, %arg4: memref<6144x128xf32, #tpu.memory_space<hbm>>, %arg5: memref<8x128xi32, #tpu.memory_space<vmem>>, %arg6: memref<192x128xf32, #tpu.memory_space<vmem>>, %arg7: memref<!tpu.dma_semaphore, #tpu.memory_space<semaphore_mem>>) attributes {dimension_semantics = [#tpu.dimension_semantics<core_parallel>, #tpu.dimension_semantics<subcore_parallel>], iteration_bounds = array<i64: 2, 16>, scalar_prefetch = 0 : i64, scratch_operands = 3 : i64, tpu.core_type = #tpu.core_type<sc_vector_subcore>, window_params = [{transform_indices = #map}, {transform_indices = #map1}, {transform_indices = #map}]} {
    %mul3A = arith.constant 2 : i32
    %mul3A_0 = arith.muli %arg1, %mul3A : i32
    %add3A = arith.addi %mul3A_0, %arg0 : i32
    %mul3A_1 = arith.constant 192 : i32
    %mul3A_2 = arith.muli %add3A, %mul3A_1 : i32
    "tpu.region"() ({
      %run_scoped3A = tpu.sem_alloc : memref<!tpu.dma_semaphore, #tpu.memory_space<semaphore_mem>>
      %dma_start3A_41 = arith.constant 0 : i32
      %dma_start3A_42 = arith.constant 0 : i32
      %dma_start3A_43 = tpu.memref_slice %arg3[%add3A, %dma_start3A_41, %dma_start3A_42] : memref<32x8x128xi32, #tpu.memory_space<hbm>> -> memref<1x8x128xi32, #tpu.memory_space<hbm>>
      %dma_start3A_44 = tpu.memref_squeeze %dma_start3A_43 : memref<1x8x128xi32, #tpu.memory_space<hbm>> -> memref<8x128xi32, #tpu.memory_space<hbm>>
      %dma_start3A_45 = arith.constant 0 : i32
      %dma_start3A_46 = arith.constant 0 : i32
      %dma_start3A_47 = tpu.memref_slice %arg3[%add3A, %dma_start3A_45, %dma_start3A_46] : memref<32x8x128xi32, #tpu.memory_space<hbm>> -> memref<1x8x128xi32, #tpu.memory_space<hbm>>
      %dma_start3A_48 = tpu.memref_squeeze %dma_start3A_47 : memref<1x8x128xi32, #tpu.memory_space<hbm>> -> memref<8x128xi32, #tpu.memory_space<hbm>>
      tpu.enqueue_dma source(%dma_start3A_48 : memref<8x128xi32, #tpu.memory_space<hbm>>) target(%arg5 : memref<8x128xi32, #tpu.memory_space<vmem>>) target_semaphore(%run_scoped3A : memref<!tpu.dma_semaphore, #tpu.memory_space<semaphore_mem>>)
      %dma_wait3A_49 = arith.constant 0 : i32
      %dma_wait3A_50 = arith.constant 0 : i32
      %dma_wait3A_51 = tpu.memref_slice %arg3[%add3A, %dma_wait3A_49, %dma_wait3A_50] : memref<32x8x128xi32, #tpu.memory_space<hbm>> -> memref<1x8x128xi32, #tpu.memory_space<hbm>>
      %dma_wait3A_52 = tpu.memref_squeeze %dma_wait3A_51 : memref<1x8x128xi32, #tpu.memory_space<hbm>> -> memref<8x128xi32, #tpu.memory_space<hbm>>
      %dma_wait3A_53 = arith.constant 0 : i32
      %dma_wait3A_54 = arith.constant 0 : i32
      %dma_wait3A_55 = tpu.memref_slice %arg3[%add3A, %dma_wait3A_53, %dma_wait3A_54] : memref<32x8x128xi32, #tpu.memory_space<hbm>> -> memref<1x8x128xi32, #tpu.memory_space<hbm>>
      %dma_wait3A_56 = tpu.memref_squeeze %dma_wait3A_55 : memref<1x8x128xi32, #tpu.memory_space<hbm>> -> memref<8x128xi32, #tpu.memory_space<hbm>>
      tpu.wait_dma2 semaphore(%run_scoped3A : memref<!tpu.dma_semaphore, #tpu.memory_space<semaphore_mem>>) src(%dma_wait3A_56 : memref<8x128xi32, #tpu.memory_space<hbm>>) dst(%arg5 : memref<8x128xi32, #tpu.memory_space<vmem>>)
      tpu.yield
    }) : () -> ()
    %dma_start3A = arith.constant 0 : i32
    %dma_start3A_3 = arith.constant 0 : i32
    %dma_start3A_4 = arith.constant 0 : i32
    %dma_start3A_5 = tpu.memref_slice %arg6[%dma_start3A_3, %dma_start3A_4] : memref<192x128xf32, #tpu.memory_space<vmem>> -> memref<96x128xf32, #tpu.memory_space<vmem>>
    %dma_start3A_6 = arith.constant 0 : i32
    %dma_start3A_7 = tpu.memref_slice %arg5[%dma_start3A, %dma_start3A_6] : memref<8x128xi32, #tpu.memory_space<vmem>> -> memref<1x96xi32, #tpu.memory_space<vmem>>
    %dma_start3A_8 = tpu.memref_squeeze %dma_start3A_7 : memref<1x96xi32, #tpu.memory_space<vmem>> -> memref<96xi32, #tpu.memory_space<vmem>>
    %dma_start3A_9 = arith.constant 0 : i32
    %dma_start3A_10 = arith.constant 0 : i32
    %dma_start3A_11 = tpu.memref_slice %arg2[%dma_start3A_9, %dma_start3A_10] : memref<2048x128xf32, #tpu.memory_space<hbm>> -> memref<2048x128xf32, #tpu.memory_space<hbm>>
    tpu.enqueue_indirect_dma source(%dma_start3A_11 : memref<2048x128xf32, #tpu.memory_space<hbm>>) target(%dma_start3A_5 : memref<96x128xf32, #tpu.memory_space<vmem>>) offsets(%dma_start3A_8 : memref<96xi32, #tpu.memory_space<vmem>>) semaphore(%arg7 : memref<!tpu.dma_semaphore, #tpu.memory_space<semaphore_mem>>)
    %dma_start3A_12 = arith.constant 1 : i32
    %dma_start3A_13 = arith.constant 96 : i32
    %dma_start3A_14 = arith.constant 0 : i32
    %dma_start3A_15 = tpu.memref_slice %arg6[%dma_start3A_13, %dma_start3A_14] : memref<192x128xf32, #tpu.memory_space<vmem>> -> memref<96x128xf32, #tpu.memory_space<vmem>>
    %dma_start3A_16 = arith.constant 0 : i32
    %dma_start3A_17 = tpu.memref_slice %arg5[%dma_start3A_12, %dma_start3A_16] : memref<8x128xi32, #tpu.memory_space<vmem>> -> memref<1x96xi32, #tpu.memory_space<vmem>>
    %dma_start3A_18 = tpu.memref_squeeze %dma_start3A_17 : memref<1x96xi32, #tpu.memory_space<vmem>> -> memref<96xi32, #tpu.memory_space<vmem>>
    %dma_start3A_19 = arith.constant 0 : i32
    %dma_start3A_20 = arith.constant 0 : i32
    %dma_start3A_21 = tpu.memref_slice %arg2[%dma_start3A_19, %dma_start3A_20] : memref<2048x128xf32, #tpu.memory_space<hbm>> -> memref<2048x128xf32, #tpu.memory_space<hbm>>
    tpu.enqueue_indirect_dma source(%dma_start3A_21 : memref<2048x128xf32, #tpu.memory_space<hbm>>) target(%dma_start3A_15 : memref<96x128xf32, #tpu.memory_space<vmem>>) offsets(%dma_start3A_18 : memref<96xi32, #tpu.memory_space<vmem>>) semaphore(%arg7 : memref<!tpu.dma_semaphore, #tpu.memory_space<semaphore_mem>>)
    %dma_wait3A = arith.constant 0 : i32
    %dma_wait3A_22 = arith.constant 0 : i32
    %dma_wait3A_23 = arith.constant 0 : i32
    %dma_wait3A_24 = tpu.memref_slice %arg6[%dma_wait3A_22, %dma_wait3A_23] : memref<192x128xf32, #tpu.memory_space<vmem>> -> memref<96x128xf32, #tpu.memory_space<vmem>>
    %dma_wait3A_25 = arith.constant 0 : i32
    %dma_wait3A_26 = tpu.memref_slice %arg5[%dma_wait3A, %dma_wait3A_25] : memref<8x128xi32, #tpu.memory_space<vmem>> -> memref<1x96xi32, #tpu.memory_space<vmem>>
    %dma_wait3A_27 = tpu.memref_squeeze %dma_wait3A_26 : memref<1x96xi32, #tpu.memory_space<vmem>> -> memref<96xi32, #tpu.memory_space<vmem>>
    %dma_wait3A_28 = arith.constant 0 : i32
    %dma_wait3A_29 = arith.constant 0 : i32
    %dma_wait3A_30 = tpu.memref_slice %arg2[%dma_wait3A_28, %dma_wait3A_29] : memref<2048x128xf32, #tpu.memory_space<hbm>> -> memref<2048x128xf32, #tpu.memory_space<hbm>>
    tpu.wait_indirect_dma semaphore(%arg7 : memref<!tpu.dma_semaphore, #tpu.memory_space<semaphore_mem>>) src(%dma_wait3A_30 : memref<2048x128xf32, #tpu.memory_space<hbm>>) dst(%dma_wait3A_24 : memref<96x128xf32, #tpu.memory_space<vmem>>)
    %dma_wait3A_31 = arith.constant 1 : i32
    %dma_wait3A_32 = arith.constant 96 : i32
    %dma_wait3A_33 = arith.constant 0 : i32
    %dma_wait3A_34 = tpu.memref_slice %arg6[%dma_wait3A_32, %dma_wait3A_33] : memref<192x128xf32, #tpu.memory_space<vmem>> -> memref<96x128xf32, #tpu.memory_space<vmem>>
    %dma_wait3A_35 = arith.constant 0 : i32
    %dma_wait3A_36 = tpu.memref_slice %arg5[%dma_wait3A_31, %dma_wait3A_35] : memref<8x128xi32, #tpu.memory_space<vmem>> -> memref<1x96xi32, #tpu.memory_space<vmem>>
    %dma_wait3A_37 = tpu.memref_squeeze %dma_wait3A_36 : memref<1x96xi32, #tpu.memory_space<vmem>> -> memref<96xi32, #tpu.memory_space<vmem>>
    %dma_wait3A_38 = arith.constant 0 : i32
    %dma_wait3A_39 = arith.constant 0 : i32
    %dma_wait3A_40 = tpu.memref_slice %arg2[%dma_wait3A_38, %dma_wait3A_39] : memref<2048x128xf32, #tpu.memory_space<hbm>> -> memref<2048x128xf32, #tpu.memory_space<hbm>>
    tpu.wait_indirect_dma semaphore(%arg7 : memref<!tpu.dma_semaphore, #tpu.memory_space<semaphore_mem>>) src(%dma_wait3A_40 : memref<2048x128xf32, #tpu.memory_space<hbm>>) dst(%dma_wait3A_34 : memref<96x128xf32, #tpu.memory_space<vmem>>)
    "tpu.region"() ({
      %run_scoped3A = tpu.sem_alloc : memref<!tpu.dma_semaphore, #tpu.memory_space<semaphore_mem>>
      %dma_start3A_41 = arith.constant 0 : i32
      %dma_start3A_42 = tpu.memref_slice %arg4[%mul3A_2, %dma_start3A_41] : memref<6144x128xf32, #tpu.memory_space<hbm>> -> memref<192x128xf32, #tpu.memory_space<hbm>>
      %dma_start3A_43 = arith.constant 0 : i32
      %dma_start3A_44 = tpu.memref_slice %arg4[%mul3A_2, %dma_start3A_43] : memref<6144x128xf32, #tpu.memory_space<hbm>> -> memref<192x128xf32, #tpu.memory_space<hbm>>
      tpu.enqueue_dma source(%arg6 : memref<192x128xf32, #tpu.memory_space<vmem>>) target(%dma_start3A_44 : memref<192x128xf32, #tpu.memory_space<hbm>>) target_semaphore(%run_scoped3A : memref<!tpu.dma_semaphore, #tpu.memory_space<semaphore_mem>>)
      %dma_wait3A_45 = arith.constant 0 : i32
      %dma_wait3A_46 = tpu.memref_slice %arg4[%mul3A_2, %dma_wait3A_45] : memref<6144x128xf32, #tpu.memory_space<hbm>> -> memref<192x128xf32, #tpu.memory_space<hbm>>
      %dma_wait3A_47 = arith.constant 0 : i32
      %dma_wait3A_48 = tpu.memref_slice %arg4[%mul3A_2, %dma_wait3A_47] : memref<6144x128xf32, #tpu.memory_space<hbm>> -> memref<192x128xf32, #tpu.memory_space<hbm>>
      tpu.wait_dma2 semaphore(%run_scoped3A : memref<!tpu.dma_semaphore, #tpu.memory_space<semaphore_mem>>) src(%arg6 : memref<192x128xf32, #tpu.memory_space<vmem>>) dst(%dma_wait3A_48 : memref<192x128xf32, #tpu.memory_space<hbm>>)
      tpu.yield
    }) : () -> ()
    return
  }
}

#map = affine_map<(d0, d1) -> (0, 0)>
#map1 = affine_map<(d0, d1) -> (0, 0, 0)>
module attributes {stable_mosaic.version = 14 : i64} {
  func.func @body(%arg0: i32, %arg1: i32, %arg2: memref<2048x128xf32, #tpu.memory_space<hbm>>, %arg3: memref<32x8x128xi32, #tpu.memory_space<hbm>>, %arg4: memref<6144x128xf32, #tpu.memory_space<hbm>>, %arg5: memref<8x128xi32, #tpu.memory_space<vmem>>, %arg6: memref<192x128xf32, #tpu.memory_space<vmem>>, %arg7: memref<!tpu.dma_semaphore, #tpu.memory_space<semaphore_mem>>) attributes {dimension_semantics = [#tpu.dimension_semantics<core_parallel>, #tpu.dimension_semantics<subcore_parallel>], iteration_bounds = array<i64: 2, 16>, scalar_prefetch = 0 : i64, scratch_operands = 3 : i64, tpu.core_type = #tpu.core_type<sc_vector_subcore>, window_params = [{transform_indices = #map}, {transform_indices = #map1}, {transform_indices = #map}]} {
    %mul3A = arith.constant 2 : i32
    %mul3A_0 = arith.muli %arg1, %mul3A : i32
    %add3A = arith.addi %mul3A_0, %arg0 : i32
    %mul3A_1 = arith.constant 192 : i32
    %mul3A_2 = arith.muli %add3A, %mul3A_1 : i32
    "tpu.region"() ({
      %run_scoped3A = tpu.sem_alloc : memref<!tpu.dma_semaphore, #tpu.memory_space<semaphore_mem>>
      %dma_start3A_41 = arith.constant 0 : i32
      %dma_start3A_42 = arith.constant 0 : i32
      %dma_start3A_43 = tpu.memref_slice %arg3[%add3A, %dma_start3A_41, %dma_start3A_42] : memref<32x8x128xi32, #tpu.memory_space<hbm>> -> memref<1x8x128xi32, #tpu.memory_space<hbm>>
      %dma_start3A_44 = tpu.memref_squeeze %dma_start3A_43 : memref<1x8x128xi32, #tpu.memory_space<hbm>> -> memref<8x128xi32, #tpu.memory_space<hbm>>
      %dma_start3A_45 = arith.constant 0 : i32
      %dma_start3A_46 = arith.constant 0 : i32
      %dma_start3A_47 = tpu.memref_slice %arg3[%add3A, %dma_start3A_45, %dma_start3A_46] : memref<32x8x128xi32, #tpu.memory_space<hbm>> -> memref<1x8x128xi32, #tpu.memory_space<hbm>>
      %dma_start3A_48 = tpu.memref_squeeze %dma_start3A_47 : memref<1x8x128xi32, #tpu.memory_space<hbm>> -> memref<8x128xi32, #tpu.memory_space<hbm>>
      tpu.enqueue_dma source(%dma_start3A_48 : memref<8x128xi32, #tpu.memory_space<hbm>>) target(%arg5 : memref<8x128xi32, #tpu.memory_space<vmem>>) target_semaphore(%run_scoped3A : memref<!tpu.dma_semaphore, #tpu.memory_space<semaphore_mem>>)
      %dma_wait3A_49 = arith.constant 0 : i32
      %dma_wait3A_50 = arith.constant 0 : i32
      %dma_wait3A_51 = tpu.memref_slice %arg3[%add3A, %dma_wait3A_49, %dma_wait3A_50] : memref<32x8x128xi32, #tpu.memory_space<hbm>> -> memref<1x8x128xi32, #tpu.memory_space<hbm>>
      %dma_wait3A_52 = tpu.memref_squeeze %dma_wait3A_51 : memref<1x8x128xi32, #tpu.memory_space<hbm>> -> memref<8x128xi32, #tpu.memory_space<hbm>>
      %dma_wait3A_53 = arith.constant 0 : i32
      %dma_wait3A_54 = arith.constant 0 : i32
      %dma_wait3A_55 = tpu.memref_slice %arg3[%add3A, %dma_wait3A_53, %dma_wait3A_54] : memref<32x8x128xi32, #tpu.memory_space<hbm>> -> memref<1x8x128xi32, #tpu.memory_space<hbm>>
      %dma_wait3A_56 = tpu.memref_squeeze %dma_wait3A_55 : memref<1x8x128xi32, #tpu.memory_space<hbm>> -> memref<8x128xi32, #tpu.memory_space<hbm>>
      tpu.wait_dma2 semaphore(%run_scoped3A : memref<!tpu.dma_semaphore, #tpu.memory_space<semaphore_mem>>) src(%dma_wait3A_56 : memref<8x128xi32, #tpu.memory_space<hbm>>) dst(%arg5 : memref<8x128xi32, #tpu.memory_space<vmem>>)
      tpu.yield
    }) : () -> ()
    %dma_start3A = arith.constant 0 : i32
    %dma_start3A_3 = arith.constant 0 : i32
    %dma_start3A_4 = arith.constant 0 : i32
    %dma_start3A_5 = tpu.memref_slice %arg6[%dma_start3A_3, %dma_start3A_4] : memref<192x128xf32, #tpu.memory_space<vmem>> -> memref<96x128xf32, #tpu.memory_space<vmem>>
    %dma_start3A_6 = arith.constant 0 : i32
    %dma_start3A_7 = tpu.memref_slice %arg5[%dma_start3A, %dma_start3A_6] : memref<8x128xi32, #tpu.memory_space<vmem>> -> memref<1x96xi32, #tpu.memory_space<vmem>>
    %dma_start3A_8 = tpu.memref_squeeze %dma_start3A_7 : memref<1x96xi32, #tpu.memory_space<vmem>> -> memref<96xi32, #tpu.memory_space<vmem>>
    %dma_start3A_9 = arith.constant 0 : i32
    %dma_start3A_10 = arith.constant 0 : i32
    %dma_start3A_11 = tpu.memref_slice %arg2[%dma_start3A_9, %dma_start3A_10] : memref<2048x128xf32, #tpu.memory_space<hbm>> -> memref<2048x128xf32, #tpu.memory_space<hbm>>
    tpu.enqueue_indirect_dma source(%dma_start3A_11 : memref<2048x128xf32, #tpu.memory_space<hbm>>) target(%dma_start3A_5 : memref<96x128xf32, #tpu.memory_space<vmem>>) offsets(%dma_start3A_8 : memref<96xi32, #tpu.memory_space<vmem>>) semaphore(%arg7 : memref<!tpu.dma_semaphore, #tpu.memory_space<semaphore_mem>>)
    %dma_start3A_12 = arith.constant 1 : i32
    %dma_start3A_13 = arith.constant 96 : i32
    %dma_start3A_14 = arith.constant 0 : i32
    %dma_start3A_15 = tpu.memref_slice %arg6[%dma_start3A_13, %dma_start3A_14] : memref<192x128xf32, #tpu.memory_space<vmem>> -> memref<96x128xf32, #tpu.memory_space<vmem>>
    %dma_start3A_16 = arith.constant 0 : i32
    %dma_start3A_17 = tpu.memref_slice %arg5[%dma_start3A_12, %dma_start3A_16] : memref<8x128xi32, #tpu.memory_space<vmem>> -> memref<1x96xi32, #tpu.memory_space<vmem>>
    %dma_start3A_18 = tpu.memref_squeeze %dma_start3A_17 : memref<1x96xi32, #tpu.memory_space<vmem>> -> memref<96xi32, #tpu.memory_space<vmem>>
    %dma_start3A_19 = arith.constant 0 : i32
    %dma_start3A_20 = arith.constant 0 : i32
    %dma_start3A_21 = tpu.memref_slice %arg2[%dma_start3A_19, %dma_start3A_20] : memref<2048x128xf32, #tpu.memory_space<hbm>> -> memref<2048x128xf32, #tpu.memory_space<hbm>>
    tpu.enqueue_indirect_dma source(%dma_start3A_21 : memref<2048x128xf32, #tpu.memory_space<hbm>>) target(%dma_start3A_15 : memref<96x128xf32, #tpu.memory_space<vmem>>) offsets(%dma_start3A_18 : memref<96xi32, #tpu.memory_space<vmem>>) semaphore(%arg7 : memref<!tpu.dma_semaphore, #tpu.memory_space<semaphore_mem>>)
    %dma_wait3A = arith.constant 0 : i32
    %dma_wait3A_22 = arith.constant 0 : i32
    %dma_wait3A_23 = arith.constant 0 : i32
    %dma_wait3A_24 = tpu.memref_slice %arg6[%dma_wait3A_22, %dma_wait3A_23] : memref<192x128xf32, #tpu.memory_space<vmem>> -> memref<96x128xf32, #tpu.memory_space<vmem>>
    %dma_wait3A_25 = arith.constant 0 : i32
    %dma_wait3A_26 = tpu.memref_slice %arg5[%dma_wait3A, %dma_wait3A_25] : memref<8x128xi32, #tpu.memory_space<vmem>> -> memref<1x96xi32, #tpu.memory_space<vmem>>
    %dma_wait3A_27 = tpu.memref_squeeze %dma_wait3A_26 : memref<1x96xi32, #tpu.memory_space<vmem>> -> memref<96xi32, #tpu.memory_space<vmem>>
    %dma_wait3A_28 = arith.constant 0 : i32
    %dma_wait3A_29 = arith.constant 0 : i32
    %dma_wait3A_30 = tpu.memref_slice %arg2[%dma_wait3A_28, %dma_wait3A_29] : memref<2048x128xf32, #tpu.memory_space<hbm>> -> memref<2048x128xf32, #tpu.memory_space<hbm>>
    tpu.wait_indirect_dma semaphore(%arg7 : memref<!tpu.dma_semaphore, #tpu.memory_space<semaphore_mem>>) src(%dma_wait3A_30 : memref<2048x128xf32, #tpu.memory_space<hbm>>) dst(%dma_wait3A_24 : memref<96x128xf32, #tpu.memory_space<vmem>>)
    %dma_wait3A_31 = arith.constant 1 : i32
    %dma_wait3A_32 = arith.constant 96 : i32
    %dma_wait3A_33 = arith.constant 0 : i32
    %dma_wait3A_34 = tpu.memref_slice %arg6[%dma_wait3A_32, %dma_wait3A_33] : memref<192x128xf32, #tpu.memory_space<vmem>> -> memref<96x128xf32, #tpu.memory_space<vmem>>
    %dma_wait3A_35 = arith.constant 0 : i32
    %dma_wait3A_36 = tpu.memref_slice %arg5[%dma_wait3A_31, %dma_wait3A_35] : memref<8x128xi32, #tpu.memory_space<vmem>> -> memref<1x96xi32, #tpu.memory_space<vmem>>
    %dma_wait3A_37 = tpu.memref_squeeze %dma_wait3A_36 : memref<1x96xi32, #tpu.memory_space<vmem>> -> memref<96xi32, #tpu.memory_space<vmem>>
    %dma_wait3A_38 = arith.constant 0 : i32
    %dma_wait3A_39 = arith.constant 0 : i32
    %dma_wait3A_40 = tpu.memref_slice %arg2[%dma_wait3A_38, %dma_wait3A_39] : memref<2048x128xf32, #tpu.memory_space<hbm>> -> memref<2048x128xf32, #tpu.memory_space<hbm>>
    tpu.wait_indirect_dma semaphore(%arg7 : memref<!tpu.dma_semaphore, #tpu.memory_space<semaphore_mem>>) src(%dma_wait3A_40 : memref<2048x128xf32, #tpu.memory_space<hbm>>) dst(%dma_wait3A_34 : memref<96x128xf32, #tpu.memory_space<vmem>>)
    "tpu.region"() ({
      %run_scoped3A = tpu.sem_alloc : memref<!tpu.dma_semaphore, #tpu.memory_space<semaphore_mem>>
      %dma_start3A_41 = arith.constant 0 : i32
      %dma_start3A_42 = tpu.memref_slice %arg4[%mul3A_2, %dma_start3A_41] : memref<6144x128xf32, #tpu.memory_space<hbm>> -> memref<192x128xf32, #tpu.memory_space<hbm>>
      %dma_start3A_43 = arith.constant 0 : i32
      %dma_start3A_44 = tpu.memref_slice %arg4[%mul3A_2, %dma_start3A_43] : memref<6144x128xf32, #tpu.memory_space<hbm>> -> memref<192x128xf32, #tpu.memory_space<hbm>>
      tpu.enqueue_dma source(%arg6 : memref<192x128xf32, #tpu.memory_space<vmem>>) target(%dma_start3A_44 : memref<192x128xf32, #tpu.memory_space<hbm>>) target_semaphore(%run_scoped3A : memref<!tpu.dma_semaphore, #tpu.memory_space<semaphore_mem>>)
      %dma_wait3A_45 = arith.constant 0 : i32
      %dma_wait3A_46 = tpu.memref_slice %arg4[%mul3A_2, %dma_wait3A_45] : memref<6144x128xf32, #tpu.memory_space<hbm>> -> memref<192x128xf32, #tpu.memory_space<hbm>>
      %dma_wait3A_47 = arith.constant 0 : i32
      %dma_wait3A_48 = tpu.memref_slice %arg4[%mul3A_2, %dma_wait3A_47] : memref<6144x128xf32, #tpu.memory_space<hbm>> -> memref<192x128xf32, #tpu.memory_space<hbm>>
      tpu.wait_dma2 semaphore(%run_scoped3A : memref<!tpu.dma_semaphore, #tpu.memory_space<semaphore_mem>>) src(%arg6 : memref<192x128xf32, #tpu.memory_space<vmem>>) dst(%dma_wait3A_48 : memref<192x128xf32, #tpu.memory_space<hbm>>)
      tpu.yield
    }) : () -> ()
    return
  }
}

#map = affine_map<(d0, d1) -> (0, 0)>
#map1 = affine_map<(d0, d1) -> (0, 0, 0)>
module attributes {stable_mosaic.version = 14 : i64} {
  func.func @body(%arg0: i32, %arg1: i32, %arg2: memref<2048x256xf32, #tpu.memory_space<hbm>>, %arg3: memref<32x8x128xi32, #tpu.memory_space<hbm>>, %arg4: memref<6144x256xf32, #tpu.memory_space<hbm>>, %arg5: memref<8x128xi32, #tpu.memory_space<vmem>>, %arg6: memref<192x256xf32, #tpu.memory_space<vmem>>, %arg7: memref<!tpu.dma_semaphore, #tpu.memory_space<semaphore_mem>>) attributes {dimension_semantics = [#tpu.dimension_semantics<core_parallel>, #tpu.dimension_semantics<subcore_parallel>], iteration_bounds = array<i64: 2, 16>, scalar_prefetch = 0 : i64, scratch_operands = 3 : i64, tpu.core_type = #tpu.core_type<sc_vector_subcore>, window_params = [{transform_indices = #map}, {transform_indices = #map1}, {transform_indices = #map}]} {
    %mul3A = arith.constant 2 : i32
    %mul3A_0 = arith.muli %arg1, %mul3A : i32
    %add3A = arith.addi %mul3A_0, %arg0 : i32
    %mul3A_1 = arith.constant 192 : i32
    %mul3A_2 = arith.muli %add3A, %mul3A_1 : i32
    "tpu.region"() ({
      %run_scoped3A = tpu.sem_alloc : memref<!tpu.dma_semaphore, #tpu.memory_space<semaphore_mem>>
      %dma_start3A_41 = arith.constant 0 : i32
      %dma_start3A_42 = arith.constant 0 : i32
      %dma_start3A_43 = tpu.memref_slice %arg3[%add3A, %dma_start3A_41, %dma_start3A_42] : memref<32x8x128xi32, #tpu.memory_space<hbm>> -> memref<1x8x128xi32, #tpu.memory_space<hbm>>
      %dma_start3A_44 = tpu.memref_squeeze %dma_start3A_43 : memref<1x8x128xi32, #tpu.memory_space<hbm>> -> memref<8x128xi32, #tpu.memory_space<hbm>>
      %dma_start3A_45 = arith.constant 0 : i32
      %dma_start3A_46 = arith.constant 0 : i32
      %dma_start3A_47 = tpu.memref_slice %arg3[%add3A, %dma_start3A_45, %dma_start3A_46] : memref<32x8x128xi32, #tpu.memory_space<hbm>> -> memref<1x8x128xi32, #tpu.memory_space<hbm>>
      %dma_start3A_48 = tpu.memref_squeeze %dma_start3A_47 : memref<1x8x128xi32, #tpu.memory_space<hbm>> -> memref<8x128xi32, #tpu.memory_space<hbm>>
      tpu.enqueue_dma source(%dma_start3A_48 : memref<8x128xi32, #tpu.memory_space<hbm>>) target(%arg5 : memref<8x128xi32, #tpu.memory_space<vmem>>) target_semaphore(%run_scoped3A : memref<!tpu.dma_semaphore, #tpu.memory_space<semaphore_mem>>)
      %dma_wait3A_49 = arith.constant 0 : i32
      %dma_wait3A_50 = arith.constant 0 : i32
      %dma_wait3A_51 = tpu.memref_slice %arg3[%add3A, %dma_wait3A_49, %dma_wait3A_50] : memref<32x8x128xi32, #tpu.memory_space<hbm>> -> memref<1x8x128xi32, #tpu.memory_space<hbm>>
      %dma_wait3A_52 = tpu.memref_squeeze %dma_wait3A_51 : memref<1x8x128xi32, #tpu.memory_space<hbm>> -> memref<8x128xi32, #tpu.memory_space<hbm>>
      %dma_wait3A_53 = arith.constant 0 : i32
      %dma_wait3A_54 = arith.constant 0 : i32
      %dma_wait3A_55 = tpu.memref_slice %arg3[%add3A, %dma_wait3A_53, %dma_wait3A_54] : memref<32x8x128xi32, #tpu.memory_space<hbm>> -> memref<1x8x128xi32, #tpu.memory_space<hbm>>
      %dma_wait3A_56 = tpu.memref_squeeze %dma_wait3A_55 : memref<1x8x128xi32, #tpu.memory_space<hbm>> -> memref<8x128xi32, #tpu.memory_space<hbm>>
      tpu.wait_dma2 semaphore(%run_scoped3A : memref<!tpu.dma_semaphore, #tpu.memory_space<semaphore_mem>>) src(%dma_wait3A_56 : memref<8x128xi32, #tpu.memory_space<hbm>>) dst(%arg5 : memref<8x128xi32, #tpu.memory_space<vmem>>)
      tpu.yield
    }) : () -> ()
    %dma_start3A = arith.constant 0 : i32
    %dma_start3A_3 = arith.constant 0 : i32
    %dma_start3A_4 = arith.constant 0 : i32
    %dma_start3A_5 = tpu.memref_slice %arg6[%dma_start3A_3, %dma_start3A_4] : memref<192x256xf32, #tpu.memory_space<vmem>> -> memref<96x256xf32, #tpu.memory_space<vmem>>
    %dma_start3A_6 = arith.constant 0 : i32
    %dma_start3A_7 = tpu.memref_slice %arg5[%dma_start3A, %dma_start3A_6] : memref<8x128xi32, #tpu.memory_space<vmem>> -> memref<1x96xi32, #tpu.memory_space<vmem>>
    %dma_start3A_8 = tpu.memref_squeeze %dma_start3A_7 : memref<1x96xi32, #tpu.memory_space<vmem>> -> memref<96xi32, #tpu.memory_space<vmem>>
    %dma_start3A_9 = arith.constant 0 : i32
    %dma_start3A_10 = arith.constant 0 : i32
    %dma_start3A_11 = tpu.memref_slice %arg2[%dma_start3A_9, %dma_start3A_10] : memref<2048x256xf32, #tpu.memory_space<hbm>> -> memref<2048x256xf32, #tpu.memory_space<hbm>>
    tpu.enqueue_indirect_dma source(%dma_start3A_11 : memref<2048x256xf32, #tpu.memory_space<hbm>>) target(%dma_start3A_5 : memref<96x256xf32, #tpu.memory_space<vmem>>) offsets(%dma_start3A_8 : memref<96xi32, #tpu.memory_space<vmem>>) semaphore(%arg7 : memref<!tpu.dma_semaphore, #tpu.memory_space<semaphore_mem>>)
    %dma_start3A_12 = arith.constant 1 : i32
    %dma_start3A_13 = arith.constant 96 : i32
    %dma_start3A_14 = arith.constant 0 : i32
    %dma_start3A_15 = tpu.memref_slice %arg6[%dma_start3A_13, %dma_start3A_14] : memref<192x256xf32, #tpu.memory_space<vmem>> -> memref<96x256xf32, #tpu.memory_space<vmem>>
    %dma_start3A_16 = arith.constant 0 : i32
    %dma_start3A_17 = tpu.memref_slice %arg5[%dma_start3A_12, %dma_start3A_16] : memref<8x128xi32, #tpu.memory_space<vmem>> -> memref<1x96xi32, #tpu.memory_space<vmem>>
    %dma_start3A_18 = tpu.memref_squeeze %dma_start3A_17 : memref<1x96xi32, #tpu.memory_space<vmem>> -> memref<96xi32, #tpu.memory_space<vmem>>
    %dma_start3A_19 = arith.constant 0 : i32
    %dma_start3A_20 = arith.constant 0 : i32
    %dma_start3A_21 = tpu.memref_slice %arg2[%dma_start3A_19, %dma_start3A_20] : memref<2048x256xf32, #tpu.memory_space<hbm>> -> memref<2048x256xf32, #tpu.memory_space<hbm>>
    tpu.enqueue_indirect_dma source(%dma_start3A_21 : memref<2048x256xf32, #tpu.memory_space<hbm>>) target(%dma_start3A_15 : memref<96x256xf32, #tpu.memory_space<vmem>>) offsets(%dma_start3A_18 : memref<96xi32, #tpu.memory_space<vmem>>) semaphore(%arg7 : memref<!tpu.dma_semaphore, #tpu.memory_space<semaphore_mem>>)
    %dma_wait3A = arith.constant 0 : i32
    %dma_wait3A_22 = arith.constant 0 : i32
    %dma_wait3A_23 = arith.constant 0 : i32
    %dma_wait3A_24 = tpu.memref_slice %arg6[%dma_wait3A_22, %dma_wait3A_23] : memref<192x256xf32, #tpu.memory_space<vmem>> -> memref<96x256xf32, #tpu.memory_space<vmem>>
    %dma_wait3A_25 = arith.constant 0 : i32
    %dma_wait3A_26 = tpu.memref_slice %arg5[%dma_wait3A, %dma_wait3A_25] : memref<8x128xi32, #tpu.memory_space<vmem>> -> memref<1x96xi32, #tpu.memory_space<vmem>>
    %dma_wait3A_27 = tpu.memref_squeeze %dma_wait3A_26 : memref<1x96xi32, #tpu.memory_space<vmem>> -> memref<96xi32, #tpu.memory_space<vmem>>
    %dma_wait3A_28 = arith.constant 0 : i32
    %dma_wait3A_29 = arith.constant 0 : i32
    %dma_wait3A_30 = tpu.memref_slice %arg2[%dma_wait3A_28, %dma_wait3A_29] : memref<2048x256xf32, #tpu.memory_space<hbm>> -> memref<2048x256xf32, #tpu.memory_space<hbm>>
    tpu.wait_indirect_dma semaphore(%arg7 : memref<!tpu.dma_semaphore, #tpu.memory_space<semaphore_mem>>) src(%dma_wait3A_30 : memref<2048x256xf32, #tpu.memory_space<hbm>>) dst(%dma_wait3A_24 : memref<96x256xf32, #tpu.memory_space<vmem>>)
    %dma_wait3A_31 = arith.constant 1 : i32
    %dma_wait3A_32 = arith.constant 96 : i32
    %dma_wait3A_33 = arith.constant 0 : i32
    %dma_wait3A_34 = tpu.memref_slice %arg6[%dma_wait3A_32, %dma_wait3A_33] : memref<192x256xf32, #tpu.memory_space<vmem>> -> memref<96x256xf32, #tpu.memory_space<vmem>>
    %dma_wait3A_35 = arith.constant 0 : i32
    %dma_wait3A_36 = tpu.memref_slice %arg5[%dma_wait3A_31, %dma_wait3A_35] : memref<8x128xi32, #tpu.memory_space<vmem>> -> memref<1x96xi32, #tpu.memory_space<vmem>>
    %dma_wait3A_37 = tpu.memref_squeeze %dma_wait3A_36 : memref<1x96xi32, #tpu.memory_space<vmem>> -> memref<96xi32, #tpu.memory_space<vmem>>
    %dma_wait3A_38 = arith.constant 0 : i32
    %dma_wait3A_39 = arith.constant 0 : i32
    %dma_wait3A_40 = tpu.memref_slice %arg2[%dma_wait3A_38, %dma_wait3A_39] : memref<2048x256xf32, #tpu.memory_space<hbm>> -> memref<2048x256xf32, #tpu.memory_space<hbm>>
    tpu.wait_indirect_dma semaphore(%arg7 : memref<!tpu.dma_semaphore, #tpu.memory_space<semaphore_mem>>) src(%dma_wait3A_40 : memref<2048x256xf32, #tpu.memory_space<hbm>>) dst(%dma_wait3A_34 : memref<96x256xf32, #tpu.memory_space<vmem>>)
    "tpu.region"() ({
      %run_scoped3A = tpu.sem_alloc : memref<!tpu.dma_semaphore, #tpu.memory_space<semaphore_mem>>
      %dma_start3A_41 = arith.constant 0 : i32
      %dma_start3A_42 = tpu.memref_slice %arg4[%mul3A_2, %dma_start3A_41] : memref<6144x256xf32, #tpu.memory_space<hbm>> -> memref<192x256xf32, #tpu.memory_space<hbm>>
      %dma_start3A_43 = arith.constant 0 : i32
      %dma_start3A_44 = tpu.memref_slice %arg4[%mul3A_2, %dma_start3A_43] : memref<6144x256xf32, #tpu.memory_space<hbm>> -> memref<192x256xf32, #tpu.memory_space<hbm>>
      tpu.enqueue_dma source(%arg6 : memref<192x256xf32, #tpu.memory_space<vmem>>) target(%dma_start3A_44 : memref<192x256xf32, #tpu.memory_space<hbm>>) target_semaphore(%run_scoped3A : memref<!tpu.dma_semaphore, #tpu.memory_space<semaphore_mem>>)
      %dma_wait3A_45 = arith.constant 0 : i32
      %dma_wait3A_46 = tpu.memref_slice %arg4[%mul3A_2, %dma_wait3A_45] : memref<6144x256xf32, #tpu.memory_space<hbm>> -> memref<192x256xf32, #tpu.memory_space<hbm>>
      %dma_wait3A_47 = arith.constant 0 : i32
      %dma_wait3A_48 = tpu.memref_slice %arg4[%mul3A_2, %dma_wait3A_47] : memref<6144x256xf32, #tpu.memory_space<hbm>> -> memref<192x256xf32, #tpu.memory_space<hbm>>
      tpu.wait_dma2 semaphore(%run_scoped3A : memref<!tpu.dma_semaphore, #tpu.memory_space<semaphore_mem>>) src(%arg6 : memref<192x256xf32, #tpu.memory_space<vmem>>) dst(%dma_wait3A_48 : memref<192x256xf32, #tpu.memory_space<hbm>>)
      tpu.yield
    }) : () -> ()
    return
  }
}

#map = affine_map<(d0, d1) -> (0, 0)>
#map1 = affine_map<(d0, d1) -> (0, 0, 0)>
module attributes {stable_mosaic.version = 14 : i64} {
  func.func @body(%arg0: i32, %arg1: i32, %arg2: memref<2048x256xf32, #tpu.memory_space<hbm>>, %arg3: memref<32x8x128xi32, #tpu.memory_space<hbm>>, %arg4: memref<6144x256xf32, #tpu.memory_space<hbm>>, %arg5: memref<8x128xi32, #tpu.memory_space<vmem>>, %arg6: memref<192x256xf32, #tpu.memory_space<vmem>>, %arg7: memref<!tpu.dma_semaphore, #tpu.memory_space<semaphore_mem>>) attributes {dimension_semantics = [#tpu.dimension_semantics<core_parallel>, #tpu.dimension_semantics<subcore_parallel>], iteration_bounds = array<i64: 2, 16>, scalar_prefetch = 0 : i64, scratch_operands = 3 : i64, tpu.core_type = #tpu.core_type<sc_vector_subcore>, window_params = [{transform_indices = #map}, {transform_indices = #map1}, {transform_indices = #map}]} {
    %mul3A = arith.constant 2 : i32
    %mul3A_0 = arith.muli %arg1, %mul3A : i32
    %add3A = arith.addi %mul3A_0, %arg0 : i32
    %mul3A_1 = arith.constant 192 : i32
    %mul3A_2 = arith.muli %add3A, %mul3A_1 : i32
    "tpu.region"() ({
      %run_scoped3A = tpu.sem_alloc : memref<!tpu.dma_semaphore, #tpu.memory_space<semaphore_mem>>
      %dma_start3A_41 = arith.constant 0 : i32
      %dma_start3A_42 = arith.constant 0 : i32
      %dma_start3A_43 = tpu.memref_slice %arg3[%add3A, %dma_start3A_41, %dma_start3A_42] : memref<32x8x128xi32, #tpu.memory_space<hbm>> -> memref<1x8x128xi32, #tpu.memory_space<hbm>>
      %dma_start3A_44 = tpu.memref_squeeze %dma_start3A_43 : memref<1x8x128xi32, #tpu.memory_space<hbm>> -> memref<8x128xi32, #tpu.memory_space<hbm>>
      %dma_start3A_45 = arith.constant 0 : i32
      %dma_start3A_46 = arith.constant 0 : i32
      %dma_start3A_47 = tpu.memref_slice %arg3[%add3A, %dma_start3A_45, %dma_start3A_46] : memref<32x8x128xi32, #tpu.memory_space<hbm>> -> memref<1x8x128xi32, #tpu.memory_space<hbm>>
      %dma_start3A_48 = tpu.memref_squeeze %dma_start3A_47 : memref<1x8x128xi32, #tpu.memory_space<hbm>> -> memref<8x128xi32, #tpu.memory_space<hbm>>
      tpu.enqueue_dma source(%dma_start3A_48 : memref<8x128xi32, #tpu.memory_space<hbm>>) target(%arg5 : memref<8x128xi32, #tpu.memory_space<vmem>>) target_semaphore(%run_scoped3A : memref<!tpu.dma_semaphore, #tpu.memory_space<semaphore_mem>>)
      %dma_wait3A_49 = arith.constant 0 : i32
      %dma_wait3A_50 = arith.constant 0 : i32
      %dma_wait3A_51 = tpu.memref_slice %arg3[%add3A, %dma_wait3A_49, %dma_wait3A_50] : memref<32x8x128xi32, #tpu.memory_space<hbm>> -> memref<1x8x128xi32, #tpu.memory_space<hbm>>
      %dma_wait3A_52 = tpu.memref_squeeze %dma_wait3A_51 : memref<1x8x128xi32, #tpu.memory_space<hbm>> -> memref<8x128xi32, #tpu.memory_space<hbm>>
      %dma_wait3A_53 = arith.constant 0 : i32
      %dma_wait3A_54 = arith.constant 0 : i32
      %dma_wait3A_55 = tpu.memref_slice %arg3[%add3A, %dma_wait3A_53, %dma_wait3A_54] : memref<32x8x128xi32, #tpu.memory_space<hbm>> -> memref<1x8x128xi32, #tpu.memory_space<hbm>>
      %dma_wait3A_56 = tpu.memref_squeeze %dma_wait3A_55 : memref<1x8x128xi32, #tpu.memory_space<hbm>> -> memref<8x128xi32, #tpu.memory_space<hbm>>
      tpu.wait_dma2 semaphore(%run_scoped3A : memref<!tpu.dma_semaphore, #tpu.memory_space<semaphore_mem>>) src(%dma_wait3A_56 : memref<8x128xi32, #tpu.memory_space<hbm>>) dst(%arg5 : memref<8x128xi32, #tpu.memory_space<vmem>>)
      tpu.yield
    }) : () -> ()
    %dma_start3A = arith.constant 0 : i32
    %dma_start3A_3 = arith.constant 0 : i32
    %dma_start3A_4 = arith.constant 0 : i32
    %dma_start3A_5 = tpu.memref_slice %arg6[%dma_start3A_3, %dma_start3A_4] : memref<192x256xf32, #tpu.memory_space<vmem>> -> memref<96x256xf32, #tpu.memory_space<vmem>>
    %dma_start3A_6 = arith.constant 0 : i32
    %dma_start3A_7 = tpu.memref_slice %arg5[%dma_start3A, %dma_start3A_6] : memref<8x128xi32, #tpu.memory_space<vmem>> -> memref<1x96xi32, #tpu.memory_space<vmem>>
    %dma_start3A_8 = tpu.memref_squeeze %dma_start3A_7 : memref<1x96xi32, #tpu.memory_space<vmem>> -> memref<96xi32, #tpu.memory_space<vmem>>
    %dma_start3A_9 = arith.constant 0 : i32
    %dma_start3A_10 = arith.constant 0 : i32
    %dma_start3A_11 = tpu.memref_slice %arg2[%dma_start3A_9, %dma_start3A_10] : memref<2048x256xf32, #tpu.memory_space<hbm>> -> memref<2048x256xf32, #tpu.memory_space<hbm>>
    tpu.enqueue_indirect_dma source(%dma_start3A_11 : memref<2048x256xf32, #tpu.memory_space<hbm>>) target(%dma_start3A_5 : memref<96x256xf32, #tpu.memory_space<vmem>>) offsets(%dma_start3A_8 : memref<96xi32, #tpu.memory_space<vmem>>) semaphore(%arg7 : memref<!tpu.dma_semaphore, #tpu.memory_space<semaphore_mem>>)
    %dma_start3A_12 = arith.constant 1 : i32
    %dma_start3A_13 = arith.constant 96 : i32
    %dma_start3A_14 = arith.constant 0 : i32
    %dma_start3A_15 = tpu.memref_slice %arg6[%dma_start3A_13, %dma_start3A_14] : memref<192x256xf32, #tpu.memory_space<vmem>> -> memref<96x256xf32, #tpu.memory_space<vmem>>
    %dma_start3A_16 = arith.constant 0 : i32
    %dma_start3A_17 = tpu.memref_slice %arg5[%dma_start3A_12, %dma_start3A_16] : memref<8x128xi32, #tpu.memory_space<vmem>> -> memref<1x96xi32, #tpu.memory_space<vmem>>
    %dma_start3A_18 = tpu.memref_squeeze %dma_start3A_17 : memref<1x96xi32, #tpu.memory_space<vmem>> -> memref<96xi32, #tpu.memory_space<vmem>>
    %dma_start3A_19 = arith.constant 0 : i32
    %dma_start3A_20 = arith.constant 0 : i32
    %dma_start3A_21 = tpu.memref_slice %arg2[%dma_start3A_19, %dma_start3A_20] : memref<2048x256xf32, #tpu.memory_space<hbm>> -> memref<2048x256xf32, #tpu.memory_space<hbm>>
    tpu.enqueue_indirect_dma source(%dma_start3A_21 : memref<2048x256xf32, #tpu.memory_space<hbm>>) target(%dma_start3A_15 : memref<96x256xf32, #tpu.memory_space<vmem>>) offsets(%dma_start3A_18 : memref<96xi32, #tpu.memory_space<vmem>>) semaphore(%arg7 : memref<!tpu.dma_semaphore, #tpu.memory_space<semaphore_mem>>)
    %dma_wait3A = arith.constant 0 : i32
    %dma_wait3A_22 = arith.constant 0 : i32
    %dma_wait3A_23 = arith.constant 0 : i32
    %dma_wait3A_24 = tpu.memref_slice %arg6[%dma_wait3A_22, %dma_wait3A_23] : memref<192x256xf32, #tpu.memory_space<vmem>> -> memref<96x256xf32, #tpu.memory_space<vmem>>
    %dma_wait3A_25 = arith.constant 0 : i32
    %dma_wait3A_26 = tpu.memref_slice %arg5[%dma_wait3A, %dma_wait3A_25] : memref<8x128xi32, #tpu.memory_space<vmem>> -> memref<1x96xi32, #tpu.memory_space<vmem>>
    %dma_wait3A_27 = tpu.memref_squeeze %dma_wait3A_26 : memref<1x96xi32, #tpu.memory_space<vmem>> -> memref<96xi32, #tpu.memory_space<vmem>>
    %dma_wait3A_28 = arith.constant 0 : i32
    %dma_wait3A_29 = arith.constant 0 : i32
    %dma_wait3A_30 = tpu.memref_slice %arg2[%dma_wait3A_28, %dma_wait3A_29] : memref<2048x256xf32, #tpu.memory_space<hbm>> -> memref<2048x256xf32, #tpu.memory_space<hbm>>
    tpu.wait_indirect_dma semaphore(%arg7 : memref<!tpu.dma_semaphore, #tpu.memory_space<semaphore_mem>>) src(%dma_wait3A_30 : memref<2048x256xf32, #tpu.memory_space<hbm>>) dst(%dma_wait3A_24 : memref<96x256xf32, #tpu.memory_space<vmem>>)
    %dma_wait3A_31 = arith.constant 1 : i32
    %dma_wait3A_32 = arith.constant 96 : i32
    %dma_wait3A_33 = arith.constant 0 : i32
    %dma_wait3A_34 = tpu.memref_slice %arg6[%dma_wait3A_32, %dma_wait3A_33] : memref<192x256xf32, #tpu.memory_space<vmem>> -> memref<96x256xf32, #tpu.memory_space<vmem>>
    %dma_wait3A_35 = arith.constant 0 : i32
    %dma_wait3A_36 = tpu.memref_slice %arg5[%dma_wait3A_31, %dma_wait3A_35] : memref<8x128xi32, #tpu.memory_space<vmem>> -> memref<1x96xi32, #tpu.memory_space<vmem>>
    %dma_wait3A_37 = tpu.memref_squeeze %dma_wait3A_36 : memref<1x96xi32, #tpu.memory_space<vmem>> -> memref<96xi32, #tpu.memory_space<vmem>>
    %dma_wait3A_38 = arith.constant 0 : i32
    %dma_wait3A_39 = arith.constant 0 : i32
    %dma_wait3A_40 = tpu.memref_slice %arg2[%dma_wait3A_38, %dma_wait3A_39] : memref<2048x256xf32, #tpu.memory_space<hbm>> -> memref<2048x256xf32, #tpu.memory_space<hbm>>
    tpu.wait_indirect_dma semaphore(%arg7 : memref<!tpu.dma_semaphore, #tpu.memory_space<semaphore_mem>>) src(%dma_wait3A_40 : memref<2048x256xf32, #tpu.memory_space<hbm>>) dst(%dma_wait3A_34 : memref<96x256xf32, #tpu.memory_space<vmem>>)
    "tpu.region"() ({
      %run_scoped3A = tpu.sem_alloc : memref<!tpu.dma_semaphore, #tpu.memory_space<semaphore_mem>>
      %dma_start3A_41 = arith.constant 0 : i32
      %dma_start3A_42 = tpu.memref_slice %arg4[%mul3A_2, %dma_start3A_41] : memref<6144x256xf32, #tpu.memory_space<hbm>> -> memref<192x256xf32, #tpu.memory_space<hbm>>
      %dma_start3A_43 = arith.constant 0 : i32
      %dma_start3A_44 = tpu.memref_slice %arg4[%mul3A_2, %dma_start3A_43] : memref<6144x256xf32, #tpu.memory_space<hbm>> -> memref<192x256xf32, #tpu.memory_space<hbm>>
      tpu.enqueue_dma source(%arg6 : memref<192x256xf32, #tpu.memory_space<vmem>>) target(%dma_start3A_44 : memref<192x256xf32, #tpu.memory_space<hbm>>) target_semaphore(%run_scoped3A : memref<!tpu.dma_semaphore, #tpu.memory_space<semaphore_mem>>)
      %dma_wait3A_45 = arith.constant 0 : i32
      %dma_wait3A_46 = tpu.memref_slice %arg4[%mul3A_2, %dma_wait3A_45] : memref<6144x256xf32, #tpu.memory_space<hbm>> -> memref<192x256xf32, #tpu.memory_space<hbm>>
      %dma_wait3A_47 = arith.constant 0 : i32
      %dma_wait3A_48 = tpu.memref_slice %arg4[%mul3A_2, %dma_wait3A_47] : memref<6144x256xf32, #tpu.memory_space<hbm>> -> memref<192x256xf32, #tpu.memory_space<hbm>>
      tpu.wait_dma2 semaphore(%run_scoped3A : memref<!tpu.dma_semaphore, #tpu.memory_space<semaphore_mem>>) src(%arg6 : memref<192x256xf32, #tpu.memory_space<vmem>>) dst(%dma_wait3A_48 : memref<192x256xf32, #tpu.memory_space<hbm>>)
      tpu.yield
    }) : () -> ()
    return
  }
}

#map = affine_map<(d0, d1) -> (0, 0)>
#map1 = affine_map<(d0, d1) -> (0, 0, 0)>
module attributes {stable_mosaic.version = 14 : i64} {
  func.func @body(%arg0: i32, %arg1: i32, %arg2: memref<2048x256xf32, #tpu.memory_space<hbm>>, %arg3: memref<32x8x128xi32, #tpu.memory_space<hbm>>, %arg4: memref<6144x256xf32, #tpu.memory_space<hbm>>, %arg5: memref<8x128xi32, #tpu.memory_space<vmem>>, %arg6: memref<192x256xf32, #tpu.memory_space<vmem>>, %arg7: memref<!tpu.dma_semaphore, #tpu.memory_space<semaphore_mem>>) attributes {dimension_semantics = [#tpu.dimension_semantics<core_parallel>, #tpu.dimension_semantics<subcore_parallel>], iteration_bounds = array<i64: 2, 16>, scalar_prefetch = 0 : i64, scratch_operands = 3 : i64, tpu.core_type = #tpu.core_type<sc_vector_subcore>, window_params = [{transform_indices = #map}, {transform_indices = #map1}, {transform_indices = #map}]} {
    %mul3A = arith.constant 2 : i32
    %mul3A_0 = arith.muli %arg1, %mul3A : i32
    %add3A = arith.addi %mul3A_0, %arg0 : i32
    %mul3A_1 = arith.constant 192 : i32
    %mul3A_2 = arith.muli %add3A, %mul3A_1 : i32
    "tpu.region"() ({
      %run_scoped3A = tpu.sem_alloc : memref<!tpu.dma_semaphore, #tpu.memory_space<semaphore_mem>>
      %dma_start3A_41 = arith.constant 0 : i32
      %dma_start3A_42 = arith.constant 0 : i32
      %dma_start3A_43 = tpu.memref_slice %arg3[%add3A, %dma_start3A_41, %dma_start3A_42] : memref<32x8x128xi32, #tpu.memory_space<hbm>> -> memref<1x8x128xi32, #tpu.memory_space<hbm>>
      %dma_start3A_44 = tpu.memref_squeeze %dma_start3A_43 : memref<1x8x128xi32, #tpu.memory_space<hbm>> -> memref<8x128xi32, #tpu.memory_space<hbm>>
      %dma_start3A_45 = arith.constant 0 : i32
      %dma_start3A_46 = arith.constant 0 : i32
      %dma_start3A_47 = tpu.memref_slice %arg3[%add3A, %dma_start3A_45, %dma_start3A_46] : memref<32x8x128xi32, #tpu.memory_space<hbm>> -> memref<1x8x128xi32, #tpu.memory_space<hbm>>
      %dma_start3A_48 = tpu.memref_squeeze %dma_start3A_47 : memref<1x8x128xi32, #tpu.memory_space<hbm>> -> memref<8x128xi32, #tpu.memory_space<hbm>>
      tpu.enqueue_dma source(%dma_start3A_48 : memref<8x128xi32, #tpu.memory_space<hbm>>) target(%arg5 : memref<8x128xi32, #tpu.memory_space<vmem>>) target_semaphore(%run_scoped3A : memref<!tpu.dma_semaphore, #tpu.memory_space<semaphore_mem>>)
      %dma_wait3A_49 = arith.constant 0 : i32
      %dma_wait3A_50 = arith.constant 0 : i32
      %dma_wait3A_51 = tpu.memref_slice %arg3[%add3A, %dma_wait3A_49, %dma_wait3A_50] : memref<32x8x128xi32, #tpu.memory_space<hbm>> -> memref<1x8x128xi32, #tpu.memory_space<hbm>>
      %dma_wait3A_52 = tpu.memref_squeeze %dma_wait3A_51 : memref<1x8x128xi32, #tpu.memory_space<hbm>> -> memref<8x128xi32, #tpu.memory_space<hbm>>
      %dma_wait3A_53 = arith.constant 0 : i32
      %dma_wait3A_54 = arith.constant 0 : i32
      %dma_wait3A_55 = tpu.memref_slice %arg3[%add3A, %dma_wait3A_53, %dma_wait3A_54] : memref<32x8x128xi32, #tpu.memory_space<hbm>> -> memref<1x8x128xi32, #tpu.memory_space<hbm>>
      %dma_wait3A_56 = tpu.memref_squeeze %dma_wait3A_55 : memref<1x8x128xi32, #tpu.memory_space<hbm>> -> memref<8x128xi32, #tpu.memory_space<hbm>>
      tpu.wait_dma2 semaphore(%run_scoped3A : memref<!tpu.dma_semaphore, #tpu.memory_space<semaphore_mem>>) src(%dma_wait3A_56 : memref<8x128xi32, #tpu.memory_space<hbm>>) dst(%arg5 : memref<8x128xi32, #tpu.memory_space<vmem>>)
      tpu.yield
    }) : () -> ()
    %dma_start3A = arith.constant 0 : i32
    %dma_start3A_3 = arith.constant 0 : i32
    %dma_start3A_4 = arith.constant 0 : i32
    %dma_start3A_5 = tpu.memref_slice %arg6[%dma_start3A_3, %dma_start3A_4] : memref<192x256xf32, #tpu.memory_space<vmem>> -> memref<96x256xf32, #tpu.memory_space<vmem>>
    %dma_start3A_6 = arith.constant 0 : i32
    %dma_start3A_7 = tpu.memref_slice %arg5[%dma_start3A, %dma_start3A_6] : memref<8x128xi32, #tpu.memory_space<vmem>> -> memref<1x96xi32, #tpu.memory_space<vmem>>
    %dma_start3A_8 = tpu.memref_squeeze %dma_start3A_7 : memref<1x96xi32, #tpu.memory_space<vmem>> -> memref<96xi32, #tpu.memory_space<vmem>>
    %dma_start3A_9 = arith.constant 0 : i32
    %dma_start3A_10 = arith.constant 0 : i32
    %dma_start3A_11 = tpu.memref_slice %arg2[%dma_start3A_9, %dma_start3A_10] : memref<2048x256xf32, #tpu.memory_space<hbm>> -> memref<2048x256xf32, #tpu.memory_space<hbm>>
    tpu.enqueue_indirect_dma source(%dma_start3A_11 : memref<2048x256xf32, #tpu.memory_space<hbm>>) target(%dma_start3A_5 : memref<96x256xf32, #tpu.memory_space<vmem>>) offsets(%dma_start3A_8 : memref<96xi32, #tpu.memory_space<vmem>>) semaphore(%arg7 : memref<!tpu.dma_semaphore, #tpu.memory_space<semaphore_mem>>)
    %dma_start3A_12 = arith.constant 1 : i32
    %dma_start3A_13 = arith.constant 96 : i32
    %dma_start3A_14 = arith.constant 0 : i32
    %dma_start3A_15 = tpu.memref_slice %arg6[%dma_start3A_13, %dma_start3A_14] : memref<192x256xf32, #tpu.memory_space<vmem>> -> memref<96x256xf32, #tpu.memory_space<vmem>>
    %dma_start3A_16 = arith.constant 0 : i32
    %dma_start3A_17 = tpu.memref_slice %arg5[%dma_start3A_12, %dma_start3A_16] : memref<8x128xi32, #tpu.memory_space<vmem>> -> memref<1x96xi32, #tpu.memory_space<vmem>>
    %dma_start3A_18 = tpu.memref_squeeze %dma_start3A_17 : memref<1x96xi32, #tpu.memory_space<vmem>> -> memref<96xi32, #tpu.memory_space<vmem>>
    %dma_start3A_19 = arith.constant 0 : i32
    %dma_start3A_20 = arith.constant 0 : i32
    %dma_start3A_21 = tpu.memref_slice %arg2[%dma_start3A_19, %dma_start3A_20] : memref<2048x256xf32, #tpu.memory_space<hbm>> -> memref<2048x256xf32, #tpu.memory_space<hbm>>
    tpu.enqueue_indirect_dma source(%dma_start3A_21 : memref<2048x256xf32, #tpu.memory_space<hbm>>) target(%dma_start3A_15 : memref<96x256xf32, #tpu.memory_space<vmem>>) offsets(%dma_start3A_18 : memref<96xi32, #tpu.memory_space<vmem>>) semaphore(%arg7 : memref<!tpu.dma_semaphore, #tpu.memory_space<semaphore_mem>>)
    %dma_wait3A = arith.constant 0 : i32
    %dma_wait3A_22 = arith.constant 0 : i32
    %dma_wait3A_23 = arith.constant 0 : i32
    %dma_wait3A_24 = tpu.memref_slice %arg6[%dma_wait3A_22, %dma_wait3A_23] : memref<192x256xf32, #tpu.memory_space<vmem>> -> memref<96x256xf32, #tpu.memory_space<vmem>>
    %dma_wait3A_25 = arith.constant 0 : i32
    %dma_wait3A_26 = tpu.memref_slice %arg5[%dma_wait3A, %dma_wait3A_25] : memref<8x128xi32, #tpu.memory_space<vmem>> -> memref<1x96xi32, #tpu.memory_space<vmem>>
    %dma_wait3A_27 = tpu.memref_squeeze %dma_wait3A_26 : memref<1x96xi32, #tpu.memory_space<vmem>> -> memref<96xi32, #tpu.memory_space<vmem>>
    %dma_wait3A_28 = arith.constant 0 : i32
    %dma_wait3A_29 = arith.constant 0 : i32
    %dma_wait3A_30 = tpu.memref_slice %arg2[%dma_wait3A_28, %dma_wait3A_29] : memref<2048x256xf32, #tpu.memory_space<hbm>> -> memref<2048x256xf32, #tpu.memory_space<hbm>>
    tpu.wait_indirect_dma semaphore(%arg7 : memref<!tpu.dma_semaphore, #tpu.memory_space<semaphore_mem>>) src(%dma_wait3A_30 : memref<2048x256xf32, #tpu.memory_space<hbm>>) dst(%dma_wait3A_24 : memref<96x256xf32, #tpu.memory_space<vmem>>)
    %dma_wait3A_31 = arith.constant 1 : i32
    %dma_wait3A_32 = arith.constant 96 : i32
    %dma_wait3A_33 = arith.constant 0 : i32
    %dma_wait3A_34 = tpu.memref_slice %arg6[%dma_wait3A_32, %dma_wait3A_33] : memref<192x256xf32, #tpu.memory_space<vmem>> -> memref<96x256xf32, #tpu.memory_space<vmem>>
    %dma_wait3A_35 = arith.constant 0 : i32
    %dma_wait3A_36 = tpu.memref_slice %arg5[%dma_wait3A_31, %dma_wait3A_35] : memref<8x128xi32, #tpu.memory_space<vmem>> -> memref<1x96xi32, #tpu.memory_space<vmem>>
    %dma_wait3A_37 = tpu.memref_squeeze %dma_wait3A_36 : memref<1x96xi32, #tpu.memory_space<vmem>> -> memref<96xi32, #tpu.memory_space<vmem>>
    %dma_wait3A_38 = arith.constant 0 : i32
    %dma_wait3A_39 = arith.constant 0 : i32
    %dma_wait3A_40 = tpu.memref_slice %arg2[%dma_wait3A_38, %dma_wait3A_39] : memref<2048x256xf32, #tpu.memory_space<hbm>> -> memref<2048x256xf32, #tpu.memory_space<hbm>>
    tpu.wait_indirect_dma semaphore(%arg7 : memref<!tpu.dma_semaphore, #tpu.memory_space<semaphore_mem>>) src(%dma_wait3A_40 : memref<2048x256xf32, #tpu.memory_space<hbm>>) dst(%dma_wait3A_34 : memref<96x256xf32, #tpu.memory_space<vmem>>)
    "tpu.region"() ({
      %run_scoped3A = tpu.sem_alloc : memref<!tpu.dma_semaphore, #tpu.memory_space<semaphore_mem>>
      %dma_start3A_41 = arith.constant 0 : i32
      %dma_start3A_42 = tpu.memref_slice %arg4[%mul3A_2, %dma_start3A_41] : memref<6144x256xf32, #tpu.memory_space<hbm>> -> memref<192x256xf32, #tpu.memory_space<hbm>>
      %dma_start3A_43 = arith.constant 0 : i32
      %dma_start3A_44 = tpu.memref_slice %arg4[%mul3A_2, %dma_start3A_43] : memref<6144x256xf32, #tpu.memory_space<hbm>> -> memref<192x256xf32, #tpu.memory_space<hbm>>
      tpu.enqueue_dma source(%arg6 : memref<192x256xf32, #tpu.memory_space<vmem>>) target(%dma_start3A_44 : memref<192x256xf32, #tpu.memory_space<hbm>>) target_semaphore(%run_scoped3A : memref<!tpu.dma_semaphore, #tpu.memory_space<semaphore_mem>>)
      %dma_wait3A_45 = arith.constant 0 : i32
      %dma_wait3A_46 = tpu.memref_slice %arg4[%mul3A_2, %dma_wait3A_45] : memref<6144x256xf32, #tpu.memory_space<hbm>> -> memref<192x256xf32, #tpu.memory_space<hbm>>
      %dma_wait3A_47 = arith.constant 0 : i32
      %dma_wait3A_48 = tpu.memref_slice %arg4[%mul3A_2, %dma_wait3A_47] : memref<6144x256xf32, #tpu.memory_space<hbm>> -> memref<192x256xf32, #tpu.memory_space<hbm>>
      tpu.wait_dma2 semaphore(%run_scoped3A : memref<!tpu.dma_semaphore, #tpu.memory_space<semaphore_mem>>) src(%arg6 : memref<192x256xf32, #tpu.memory_space<vmem>>) dst(%dma_wait3A_48 : memref<192x256xf32, #tpu.memory_space<hbm>>)
      tpu.yield
    }) : () -> ()
    return
  }
}

#map = affine_map<(d0, d1) -> (0, 0)>
#map1 = affine_map<(d0, d1) -> (0, 0, 0)>
module attributes {stable_mosaic.version = 14 : i64} {
  func.func @body(%arg0: i32, %arg1: i32, %arg2: memref<2048x256xf32, #tpu.memory_space<hbm>>, %arg3: memref<32x8x128xi32, #tpu.memory_space<hbm>>, %arg4: memref<6144x256xf32, #tpu.memory_space<hbm>>, %arg5: memref<8x128xi32, #tpu.memory_space<vmem>>, %arg6: memref<192x256xf32, #tpu.memory_space<vmem>>, %arg7: memref<!tpu.dma_semaphore, #tpu.memory_space<semaphore_mem>>) attributes {dimension_semantics = [#tpu.dimension_semantics<core_parallel>, #tpu.dimension_semantics<subcore_parallel>], iteration_bounds = array<i64: 2, 16>, scalar_prefetch = 0 : i64, scratch_operands = 3 : i64, tpu.core_type = #tpu.core_type<sc_vector_subcore>, window_params = [{transform_indices = #map}, {transform_indices = #map1}, {transform_indices = #map}]} {
    %mul3A = arith.constant 2 : i32
    %mul3A_0 = arith.muli %arg1, %mul3A : i32
    %add3A = arith.addi %mul3A_0, %arg0 : i32
    %mul3A_1 = arith.constant 192 : i32
    %mul3A_2 = arith.muli %add3A, %mul3A_1 : i32
    "tpu.region"() ({
      %run_scoped3A = tpu.sem_alloc : memref<!tpu.dma_semaphore, #tpu.memory_space<semaphore_mem>>
      %dma_start3A_41 = arith.constant 0 : i32
      %dma_start3A_42 = arith.constant 0 : i32
      %dma_start3A_43 = tpu.memref_slice %arg3[%add3A, %dma_start3A_41, %dma_start3A_42] : memref<32x8x128xi32, #tpu.memory_space<hbm>> -> memref<1x8x128xi32, #tpu.memory_space<hbm>>
      %dma_start3A_44 = tpu.memref_squeeze %dma_start3A_43 : memref<1x8x128xi32, #tpu.memory_space<hbm>> -> memref<8x128xi32, #tpu.memory_space<hbm>>
      %dma_start3A_45 = arith.constant 0 : i32
      %dma_start3A_46 = arith.constant 0 : i32
      %dma_start3A_47 = tpu.memref_slice %arg3[%add3A, %dma_start3A_45, %dma_start3A_46] : memref<32x8x128xi32, #tpu.memory_space<hbm>> -> memref<1x8x128xi32, #tpu.memory_space<hbm>>
      %dma_start3A_48 = tpu.memref_squeeze %dma_start3A_47 : memref<1x8x128xi32, #tpu.memory_space<hbm>> -> memref<8x128xi32, #tpu.memory_space<hbm>>
      tpu.enqueue_dma source(%dma_start3A_48 : memref<8x128xi32, #tpu.memory_space<hbm>>) target(%arg5 : memref<8x128xi32, #tpu.memory_space<vmem>>) target_semaphore(%run_scoped3A : memref<!tpu.dma_semaphore, #tpu.memory_space<semaphore_mem>>)
      %dma_wait3A_49 = arith.constant 0 : i32
      %dma_wait3A_50 = arith.constant 0 : i32
      %dma_wait3A_51 = tpu.memref_slice %arg3[%add3A, %dma_wait3A_49, %dma_wait3A_50] : memref<32x8x128xi32, #tpu.memory_space<hbm>> -> memref<1x8x128xi32, #tpu.memory_space<hbm>>
      %dma_wait3A_52 = tpu.memref_squeeze %dma_wait3A_51 : memref<1x8x128xi32, #tpu.memory_space<hbm>> -> memref<8x128xi32, #tpu.memory_space<hbm>>
      %dma_wait3A_53 = arith.constant 0 : i32
      %dma_wait3A_54 = arith.constant 0 : i32
      %dma_wait3A_55 = tpu.memref_slice %arg3[%add3A, %dma_wait3A_53, %dma_wait3A_54] : memref<32x8x128xi32, #tpu.memory_space<hbm>> -> memref<1x8x128xi32, #tpu.memory_space<hbm>>
      %dma_wait3A_56 = tpu.memref_squeeze %dma_wait3A_55 : memref<1x8x128xi32, #tpu.memory_space<hbm>> -> memref<8x128xi32, #tpu.memory_space<hbm>>
      tpu.wait_dma2 semaphore(%run_scoped3A : memref<!tpu.dma_semaphore, #tpu.memory_space<semaphore_mem>>) src(%dma_wait3A_56 : memref<8x128xi32, #tpu.memory_space<hbm>>) dst(%arg5 : memref<8x128xi32, #tpu.memory_space<vmem>>)
      tpu.yield
    }) : () -> ()
    %dma_start3A = arith.constant 0 : i32
    %dma_start3A_3 = arith.constant 0 : i32
    %dma_start3A_4 = arith.constant 0 : i32
    %dma_start3A_5 = tpu.memref_slice %arg6[%dma_start3A_3, %dma_start3A_4] : memref<192x256xf32, #tpu.memory_space<vmem>> -> memref<96x256xf32, #tpu.memory_space<vmem>>
    %dma_start3A_6 = arith.constant 0 : i32
    %dma_start3A_7 = tpu.memref_slice %arg5[%dma_start3A, %dma_start3A_6] : memref<8x128xi32, #tpu.memory_space<vmem>> -> memref<1x96xi32, #tpu.memory_space<vmem>>
    %dma_start3A_8 = tpu.memref_squeeze %dma_start3A_7 : memref<1x96xi32, #tpu.memory_space<vmem>> -> memref<96xi32, #tpu.memory_space<vmem>>
    %dma_start3A_9 = arith.constant 0 : i32
    %dma_start3A_10 = arith.constant 0 : i32
    %dma_start3A_11 = tpu.memref_slice %arg2[%dma_start3A_9, %dma_start3A_10] : memref<2048x256xf32, #tpu.memory_space<hbm>> -> memref<2048x256xf32, #tpu.memory_space<hbm>>
    tpu.enqueue_indirect_dma source(%dma_start3A_11 : memref<2048x256xf32, #tpu.memory_space<hbm>>) target(%dma_start3A_5 : memref<96x256xf32, #tpu.memory_space<vmem>>) offsets(%dma_start3A_8 : memref<96xi32, #tpu.memory_space<vmem>>) semaphore(%arg7 : memref<!tpu.dma_semaphore, #tpu.memory_space<semaphore_mem>>)
    %dma_start3A_12 = arith.constant 1 : i32
    %dma_start3A_13 = arith.constant 96 : i32
    %dma_start3A_14 = arith.constant 0 : i32
    %dma_start3A_15 = tpu.memref_slice %arg6[%dma_start3A_13, %dma_start3A_14] : memref<192x256xf32, #tpu.memory_space<vmem>> -> memref<96x256xf32, #tpu.memory_space<vmem>>
    %dma_start3A_16 = arith.constant 0 : i32
    %dma_start3A_17 = tpu.memref_slice %arg5[%dma_start3A_12, %dma_start3A_16] : memref<8x128xi32, #tpu.memory_space<vmem>> -> memref<1x96xi32, #tpu.memory_space<vmem>>
    %dma_start3A_18 = tpu.memref_squeeze %dma_start3A_17 : memref<1x96xi32, #tpu.memory_space<vmem>> -> memref<96xi32, #tpu.memory_space<vmem>>
    %dma_start3A_19 = arith.constant 0 : i32
    %dma_start3A_20 = arith.constant 0 : i32
    %dma_start3A_21 = tpu.memref_slice %arg2[%dma_start3A_19, %dma_start3A_20] : memref<2048x256xf32, #tpu.memory_space<hbm>> -> memref<2048x256xf32, #tpu.memory_space<hbm>>
    tpu.enqueue_indirect_dma source(%dma_start3A_21 : memref<2048x256xf32, #tpu.memory_space<hbm>>) target(%dma_start3A_15 : memref<96x256xf32, #tpu.memory_space<vmem>>) offsets(%dma_start3A_18 : memref<96xi32, #tpu.memory_space<vmem>>) semaphore(%arg7 : memref<!tpu.dma_semaphore, #tpu.memory_space<semaphore_mem>>)
    %dma_wait3A = arith.constant 0 : i32
    %dma_wait3A_22 = arith.constant 0 : i32
    %dma_wait3A_23 = arith.constant 0 : i32
    %dma_wait3A_24 = tpu.memref_slice %arg6[%dma_wait3A_22, %dma_wait3A_23] : memref<192x256xf32, #tpu.memory_space<vmem>> -> memref<96x256xf32, #tpu.memory_space<vmem>>
    %dma_wait3A_25 = arith.constant 0 : i32
    %dma_wait3A_26 = tpu.memref_slice %arg5[%dma_wait3A, %dma_wait3A_25] : memref<8x128xi32, #tpu.memory_space<vmem>> -> memref<1x96xi32, #tpu.memory_space<vmem>>
    %dma_wait3A_27 = tpu.memref_squeeze %dma_wait3A_26 : memref<1x96xi32, #tpu.memory_space<vmem>> -> memref<96xi32, #tpu.memory_space<vmem>>
    %dma_wait3A_28 = arith.constant 0 : i32
    %dma_wait3A_29 = arith.constant 0 : i32
    %dma_wait3A_30 = tpu.memref_slice %arg2[%dma_wait3A_28, %dma_wait3A_29] : memref<2048x256xf32, #tpu.memory_space<hbm>> -> memref<2048x256xf32, #tpu.memory_space<hbm>>
    tpu.wait_indirect_dma semaphore(%arg7 : memref<!tpu.dma_semaphore, #tpu.memory_space<semaphore_mem>>) src(%dma_wait3A_30 : memref<2048x256xf32, #tpu.memory_space<hbm>>) dst(%dma_wait3A_24 : memref<96x256xf32, #tpu.memory_space<vmem>>)
    %dma_wait3A_31 = arith.constant 1 : i32
    %dma_wait3A_32 = arith.constant 96 : i32
    %dma_wait3A_33 = arith.constant 0 : i32
    %dma_wait3A_34 = tpu.memref_slice %arg6[%dma_wait3A_32, %dma_wait3A_33] : memref<192x256xf32, #tpu.memory_space<vmem>> -> memref<96x256xf32, #tpu.memory_space<vmem>>
    %dma_wait3A_35 = arith.constant 0 : i32
    %dma_wait3A_36 = tpu.memref_slice %arg5[%dma_wait3A_31, %dma_wait3A_35] : memref<8x128xi32, #tpu.memory_space<vmem>> -> memref<1x96xi32, #tpu.memory_space<vmem>>
    %dma_wait3A_37 = tpu.memref_squeeze %dma_wait3A_36 : memref<1x96xi32, #tpu.memory_space<vmem>> -> memref<96xi32, #tpu.memory_space<vmem>>
    %dma_wait3A_38 = arith.constant 0 : i32
    %dma_wait3A_39 = arith.constant 0 : i32
    %dma_wait3A_40 = tpu.memref_slice %arg2[%dma_wait3A_38, %dma_wait3A_39] : memref<2048x256xf32, #tpu.memory_space<hbm>> -> memref<2048x256xf32, #tpu.memory_space<hbm>>
    tpu.wait_indirect_dma semaphore(%arg7 : memref<!tpu.dma_semaphore, #tpu.memory_space<semaphore_mem>>) src(%dma_wait3A_40 : memref<2048x256xf32, #tpu.memory_space<hbm>>) dst(%dma_wait3A_34 : memref<96x256xf32, #tpu.memory_space<vmem>>)
    "tpu.region"() ({
      %run_scoped3A = tpu.sem_alloc : memref<!tpu.dma_semaphore, #tpu.memory_space<semaphore_mem>>
      %dma_start3A_41 = arith.constant 0 : i32
      %dma_start3A_42 = tpu.memref_slice %arg4[%mul3A_2, %dma_start3A_41] : memref<6144x256xf32, #tpu.memory_space<hbm>> -> memref<192x256xf32, #tpu.memory_space<hbm>>
      %dma_start3A_43 = arith.constant 0 : i32
      %dma_start3A_44 = tpu.memref_slice %arg4[%mul3A_2, %dma_start3A_43] : memref<6144x256xf32, #tpu.memory_space<hbm>> -> memref<192x256xf32, #tpu.memory_space<hbm>>
      tpu.enqueue_dma source(%arg6 : memref<192x256xf32, #tpu.memory_space<vmem>>) target(%dma_start3A_44 : memref<192x256xf32, #tpu.memory_space<hbm>>) target_semaphore(%run_scoped3A : memref<!tpu.dma_semaphore, #tpu.memory_space<semaphore_mem>>)
      %dma_wait3A_45 = arith.constant 0 : i32
      %dma_wait3A_46 = tpu.memref_slice %arg4[%mul3A_2, %dma_wait3A_45] : memref<6144x256xf32, #tpu.memory_space<hbm>> -> memref<192x256xf32, #tpu.memory_space<hbm>>
      %dma_wait3A_47 = arith.constant 0 : i32
      %dma_wait3A_48 = tpu.memref_slice %arg4[%mul3A_2, %dma_wait3A_47] : memref<6144x256xf32, #tpu.memory_space<hbm>> -> memref<192x256xf32, #tpu.memory_space<hbm>>
      tpu.wait_dma2 semaphore(%run_scoped3A : memref<!tpu.dma_semaphore, #tpu.memory_space<semaphore_mem>>) src(%arg6 : memref<192x256xf32, #tpu.memory_space<vmem>>) dst(%dma_wait3A_48 : memref<192x256xf32, #tpu.memory_space<hbm>>)
      tpu.yield
    }) : () -> ()
    return
  }
}

module attributes {stable_mosaic.version = 14 : i64} {
  func.func @_knn_body(%arg0: i32, %arg1: memref<512x3xf32, #tpu.memory_space<vmem>>, %arg2: memref<1x3x2048xf32, #tpu.memory_space<vmem>>, %arg3: memref<512x128xf32, #tpu.memory_space<vmem>>, %arg4: memref<128x128xf32, #tpu.memory_space<vmem>>, %arg5: memref<1x128xf32, #tpu.memory_space<vmem>>, %arg6: memref<128x128xf32, #tpu.memory_space<vmem>>, %arg7: memref<128x128xf32, #tpu.memory_space<vmem>>, %arg8: memref<128x128xf32, #tpu.memory_space<vmem>>, %arg9: memref<512x128xi32, #tpu.memory_space<vmem>>, %arg10: memref<512x128xf32, #tpu.memory_space<vmem>>, %arg11: memref<512x256xf32, #tpu.memory_space<vmem>>) attributes {dimension_semantics = [#tpu.dimension_semantics<arbitrary>], iteration_bounds = array<i64: 4>, scalar_prefetch = 0 : i64, scratch_operands = 0 : i64, tpu.core_type = #tpu.core_type<tc>, window_params = [{transform_indices = @transform_0, window_bounds = array<i64: 512, 3>}, {transform_indices = @transform_1, window_bounds = array<i64: 1, 3, 2048>}, {transform_indices = @transform_2, window_bounds = array<i64: 512, 128>}, {pipeline_mode = #tpu.pipeline_mode<synchronous>, transform_indices = @transform_3, window_bounds = array<i64: 128, 128>}, {pipeline_mode = #tpu.pipeline_mode<synchronous>, transform_indices = @transform_4, window_bounds = array<i64: 1, 128>}, {pipeline_mode = #tpu.pipeline_mode<synchronous>, transform_indices = @transform_5, window_bounds = array<i64: 128, 128>}, {pipeline_mode = #tpu.pipeline_mode<synchronous>, transform_indices = @transform_6, window_bounds = array<i64: 128, 128>}, {pipeline_mode = #tpu.pipeline_mode<synchronous>, transform_indices = @transform_7, window_bounds = array<i64: 128, 128>}, {transform_indices = @transform_8, window_bounds = array<i64: 512, 128>}, {transform_indices = @transform_9, window_bounds = array<i64: 512, 128>}, {transform_indices = @transform_10, window_bounds = array<i64: 512, 256>}]} {
    %get3A = arith.constant 0 : index
    %get3A_0 = arith.constant 0 : index
    %get3A_1 = vector.load %arg1[%get3A, %get3A_0] : memref<512x3xf32, #tpu.memory_space<vmem>>, vector<512x3xf32>
    %get3A_2 = arith.constant 0 : index
    %get3A_3 = arith.constant 0 : index
    %get3A_4 = arith.constant 0 : index
    %get3A_5 = vector.load %arg2[%get3A_2, %get3A_3, %get3A_4] : memref<1x3x2048xf32, #tpu.memory_space<vmem>>, vector<1x3x2048xf32>
    %get3A_6 = vector.shape_cast %get3A_5 : vector<1x3x2048xf32> to vector<3x2048xf32>
    %slice3A = vector.extract_strided_slice %get3A_1 {offsets = [0, 0], sizes = [512, 1], strides = [1, 1]} : vector<512x3xf32> to vector<512x1xf32>
    %slice3A_7 = vector.extract_strided_slice %get3A_6 {offsets = [0, 0], sizes = [1, 2048], strides = [1, 1]} : vector<3x2048xf32> to vector<1x2048xf32>
    %sub3A = vector.broadcast %slice3A : vector<512x1xf32> to vector<512x2048xf32>
    %sub3A_8 = vector.broadcast %slice3A_7 : vector<1x2048xf32> to vector<512x2048xf32>
    %sub3A_9 = arith.subf %sub3A, %sub3A_8 : vector<512x2048xf32>
    %mul3A = arith.mulf %sub3A_9, %sub3A_9 : vector<512x2048xf32>
    %slice3A_10 = vector.extract_strided_slice %get3A_1 {offsets = [0, 1], sizes = [512, 1], strides = [1, 1]} : vector<512x3xf32> to vector<512x1xf32>
    %slice3A_11 = vector.extract_strided_slice %get3A_6 {offsets = [1, 0], sizes = [1, 2048], strides = [1, 1]} : vector<3x2048xf32> to vector<1x2048xf32>
    %sub3A_12 = vector.broadcast %slice3A_10 : vector<512x1xf32> to vector<512x2048xf32>
    %sub3A_13 = vector.broadcast %slice3A_11 : vector<1x2048xf32> to vector<512x2048xf32>
    %sub3A_14 = arith.subf %sub3A_12, %sub3A_13 : vector<512x2048xf32>
    %mul3A_15 = arith.mulf %sub3A_14, %sub3A_14 : vector<512x2048xf32>
    %add3A = arith.addf %mul3A, %mul3A_15 : vector<512x2048xf32>
    %slice3A_16 = vector.extract_strided_slice %get3A_1 {offsets = [0, 2], sizes = [512, 1], strides = [1, 1]} : vector<512x3xf32> to vector<512x1xf32>
    %slice3A_17 = vector.extract_strided_slice %get3A_6 {offsets = [2, 0], sizes = [1, 2048], strides = [1, 1]} : vector<3x2048xf32> to vector<1x2048xf32>
    %sub3A_18 = vector.broadcast %slice3A_16 : vector<512x1xf32> to vector<512x2048xf32>
    %sub3A_19 = vector.broadcast %slice3A_17 : vector<1x2048xf32> to vector<512x2048xf32>
    %sub3A_20 = arith.subf %sub3A_18, %sub3A_19 : vector<512x2048xf32>
    %mul3A_21 = arith.mulf %sub3A_20, %sub3A_20 : vector<512x2048xf32>
    %add3A_22 = arith.addf %add3A, %mul3A_21 : vector<512x2048xf32>
    %iota3A = tpu.iota {dimensions = array<i32: 1>} : vector<512x2048xi32>
    %iota3A_23 = tpu.iota {dimensions = array<i32: 1>} : vector<512x128xi32>
    %broadcast_in_dim3A = arith.constant 0 : i32
    %broadcast_in_dim3A_24 = vector.broadcast %broadcast_in_dim3A : i32 to vector<512x128xi32>
    %argmin3A = tpu.reduce_index %add3A_22 {axis = 1 : i32, kind = #tpu.reduction_kind<arg_min>} : vector<512x2048xf32> -> vector<512xi32>
    %reshape3A = vector.shape_cast %argmin3A : vector<512xi32> to vector<512x1xi32>
    %eq3A = vector.broadcast %reshape3A : vector<512x1xi32> to vector<512x2048xi32>
    %eq3A_25 = arith.cmpi eq, %iota3A, %eq3A : vector<512x2048xi32>
    %jit3A = arith.constant 0x7F800000 : f32
    %broadcast_in_dim3A_26 = vector.broadcast %jit3A : f32 to vector<512x2048xf32>
    %select_n3A = arith.select %eq3A_25, %broadcast_in_dim3A_26, %add3A_22 : vector<512x2048xi1>, vector<512x2048xf32>
    %eq3A_27 = arith.constant 0 : i32
    %eq3A_28 = vector.broadcast %eq3A_27 : i32 to vector<512x128xi32>
    %eq3A_29 = arith.cmpi eq, %iota3A_23, %eq3A_28 : vector<512x128xi32>
    %jit3A_30 = arith.constant 0 : i32
    %broadcast_in_dim3A_31 = vector.shape_cast %reshape3A : vector<512x1xi32> to vector<512x1xi32>
    %broadcast_in_dim3A_32 = vector.broadcast %broadcast_in_dim3A_31 : vector<512x1xi32> to vector<512x128xi32>
    %broadcast_in_dim3A_33 = vector.broadcast %jit3A_30 : i32 to vector<512x128xi32>
    %select_n3A_34 = arith.select %eq3A_29, %broadcast_in_dim3A_32, %broadcast_in_dim3A_33 : vector<512x128xi1>, vector<512x128xi32>
    %add3A_35 = arith.addi %broadcast_in_dim3A_24, %select_n3A_34 : vector<512x128xi32>
    %argmin3A_36 = tpu.reduce_index %select_n3A {axis = 1 : i32, kind = #tpu.reduction_kind<arg_min>} : vector<512x2048xf32> -> vector<512xi32>
    %reshape3A_37 = vector.shape_cast %argmin3A_36 : vector<512xi32> to vector<512x1xi32>
    %eq3A_38 = vector.broadcast %reshape3A_37 : vector<512x1xi32> to vector<512x2048xi32>
    %eq3A_39 = arith.cmpi eq, %iota3A, %eq3A_38 : vector<512x2048xi32>
    %jit3A_40 = arith.constant 0x7F800000 : f32
    %broadcast_in_dim3A_41 = vector.broadcast %jit3A_40 : f32 to vector<512x2048xf32>
    %select_n3A_42 = arith.select %eq3A_39, %broadcast_in_dim3A_41, %select_n3A : vector<512x2048xi1>, vector<512x2048xf32>
    %eq3A_43 = arith.constant 1 : i32
    %eq3A_44 = vector.broadcast %eq3A_43 : i32 to vector<512x128xi32>
    %eq3A_45 = arith.cmpi eq, %iota3A_23, %eq3A_44 : vector<512x128xi32>
    %jit3A_46 = arith.constant 0 : i32
    %broadcast_in_dim3A_47 = vector.shape_cast %reshape3A_37 : vector<512x1xi32> to vector<512x1xi32>
    %broadcast_in_dim3A_48 = vector.broadcast %broadcast_in_dim3A_47 : vector<512x1xi32> to vector<512x128xi32>
    %broadcast_in_dim3A_49 = vector.broadcast %jit3A_46 : i32 to vector<512x128xi32>
    %select_n3A_50 = arith.select %eq3A_45, %broadcast_in_dim3A_48, %broadcast_in_dim3A_49 : vector<512x128xi1>, vector<512x128xi32>
    %add3A_51 = arith.addi %add3A_35, %select_n3A_50 : vector<512x128xi32>
    %argmin3A_52 = tpu.reduce_index %select_n3A_42 {axis = 1 : i32, kind = #tpu.reduction_kind<arg_min>} : vector<512x2048xf32> -> vector<512xi32>
    %reshape3A_53 = vector.shape_cast %argmin3A_52 : vector<512xi32> to vector<512x1xi32>
    %eq3A_54 = arith.constant 2 : i32
    %eq3A_55 = vector.broadcast %eq3A_54 : i32 to vector<512x128xi32>
    %eq3A_56 = arith.cmpi eq, %iota3A_23, %eq3A_55 : vector<512x128xi32>
    %jit3A_57 = arith.constant 0 : i32
    %broadcast_in_dim3A_58 = vector.shape_cast %reshape3A_53 : vector<512x1xi32> to vector<512x1xi32>
    %broadcast_in_dim3A_59 = vector.broadcast %broadcast_in_dim3A_58 : vector<512x1xi32> to vector<512x128xi32>
    %broadcast_in_dim3A_60 = vector.broadcast %jit3A_57 : i32 to vector<512x128xi32>
    %select_n3A_61 = arith.select %eq3A_56, %broadcast_in_dim3A_59, %broadcast_in_dim3A_60 : vector<512x128xi1>, vector<512x128xi32>
    %add3A_62 = arith.addi %add3A_51, %select_n3A_61 : vector<512x128xi32>
    %swap3A = arith.constant 0 : index
    %swap3A_63 = arith.constant 0 : index
    %swap3A_64 = vector.load %arg9[%swap3A, %swap3A_63] : memref<512x128xi32, #tpu.memory_space<vmem>>, vector<512x128xi32>
    tpu.vector_store %arg9[%swap3A, %swap3A_63], %add3A_62 {strides = array<i32>} : memref<512x128xi32, #tpu.memory_space<vmem>>, vector<512x128xi32>,
    %get3A_65 = arith.constant 0 : index
    %get3A_66 = arith.constant 0 : index
    %get3A_67 = vector.load %arg3[%get3A_65, %get3A_66] : memref<512x128xf32, #tpu.memory_space<vmem>>, vector<512x128xf32>
    %get3A_68 = arith.constant 0 : index
    %get3A_69 = arith.constant 0 : index
    %get3A_70 = vector.load %arg4[%get3A_68, %get3A_69] : memref<128x128xf32, #tpu.memory_space<vmem>>, vector<128x128xf32>
    %dot_general3A = arith.constant dense<0.000000e+00> : vector<512x128xf32>
    %dot_general3A_71 = tpu.matmul %get3A_67, %get3A_70, %dot_general3A {dimension_numbers = #tpu.dot_dimension_numbers<[1], [0], [0], [1], [0, 0, 1, 1], [], []>, transpose_lhs_hint = false} : vector<512x128xf32>, vector<128x128xf32>, vector<512x128xf32> -> vector<512x128xf32>
    %get3A_72 = arith.constant 0 : index
    %get3A_73 = arith.constant 0 : index
    %get3A_74 = vector.load %arg5[%get3A_72, %get3A_73] : memref<1x128xf32, #tpu.memory_space<vmem>>, vector<1x128xf32>
    %add3A_75 = vector.broadcast %get3A_74 : vector<1x128xf32> to vector<512x128xf32>
    %add3A_76 = arith.addf %dot_general3A_71, %add3A_75 : vector<512x128xf32>
    %get3A_77 = arith.constant 0 : index
    %get3A_78 = arith.constant 0 : index
    %get3A_79 = vector.load %arg6[%get3A_77, %get3A_78] : memref<128x128xf32, #tpu.memory_space<vmem>>, vector<128x128xf32>
    %dot_general3A_80 = arith.constant dense<0.000000e+00> : vector<512x128xf32>
    %dot_general3A_81 = tpu.matmul %add3A_76, %get3A_79, %dot_general3A_80 {dimension_numbers = #tpu.dot_dimension_numbers<[1], [0], [0], [1], [0, 0, 1, 1], [], []>, transpose_lhs_hint = false} : vector<512x128xf32>, vector<128x128xf32>, vector<512x128xf32> -> vector<512x128xf32>
    %swap3A_82 = arith.constant 0 : index
    %swap3A_83 = arith.constant 0 : index
    %swap3A_84 = vector.load %arg10[%swap3A_82, %swap3A_83] : memref<512x128xf32, #tpu.memory_space<vmem>>, vector<512x128xf32>
    tpu.vector_store %arg10[%swap3A_82, %swap3A_83], %dot_general3A_81 {strides = array<i32>} : memref<512x128xf32, #tpu.memory_space<vmem>>, vector<512x128xf32>,
    %get3A_85 = arith.constant 0 : index
    %get3A_86 = arith.constant 0 : index
    %get3A_87 = vector.load %arg7[%get3A_85, %get3A_86] : memref<128x128xf32, #tpu.memory_space<vmem>>, vector<128x128xf32>
    %dot_general3A_88 = arith.constant dense<0.000000e+00> : vector<512x128xf32>
    %dot_general3A_89 = tpu.matmul %add3A_76, %get3A_87, %dot_general3A_88 {dimension_numbers = #tpu.dot_dimension_numbers<[1], [0], [0], [1], [0, 0, 1, 1], [], []>, transpose_lhs_hint = false} : vector<512x128xf32>, vector<128x128xf32>, vector<512x128xf32> -> vector<512x128xf32>
    %get3A_90 = arith.constant 0 : index
    %get3A_91 = arith.constant 0 : index
    %get3A_92 = vector.load %arg8[%get3A_90, %get3A_91] : memref<128x128xf32, #tpu.memory_space<vmem>>, vector<128x128xf32>
    %dot_general3A_93 = arith.constant dense<0.000000e+00> : vector<512x128xf32>
    %dot_general3A_94 = tpu.matmul %add3A_76, %get3A_92, %dot_general3A_93 {dimension_numbers = #tpu.dot_dimension_numbers<[1], [0], [0], [1], [0, 0, 1, 1], [], []>, transpose_lhs_hint = false} : vector<512x128xf32>, vector<128x128xf32>, vector<512x128xf32> -> vector<512x128xf32>
    %concatenate3A = tpu.concatenate %dot_general3A_89, %dot_general3A_94 in 1 : vector<512x128xf32>, vector<512x128xf32> -> vector<512x256xf32>
    %swap3A_95 = arith.constant 0 : index
    %swap3A_96 = arith.constant 0 : index
    %swap3A_97 = vector.load %arg11[%swap3A_95, %swap3A_96] : memref<512x256xf32, #tpu.memory_space<vmem>>, vector<512x256xf32>
    tpu.vector_store %arg11[%swap3A_95, %swap3A_96], %concatenate3A {strides = array<i32>} : memref<512x256xf32, #tpu.memory_space<vmem>>, vector<512x256xf32>,
    return
  }
  func.func @transform_0(%arg0: i32) -> (i32, i32) {
    %add3A = arith.constant 0 : i32
    %add3A_0 = arith.addi %add3A, %arg0 : i32
    %c0_i32 = arith.constant 0 : i32
    %c0_i32_1 = arith.constant 0 : i32
    return %add3A_0, %c0_i32 : i32, i32
  }
  func.func @transform_1(%arg0: i32) -> (i32, i32, i32) {
    %c0_i32 = arith.constant 0 : i32
    %c0_i32_0 = arith.constant 0 : i32
    %c0_i32_1 = arith.constant 0 : i32
    %c0_i32_2 = arith.constant 0 : i32
    return %c0_i32, %c0_i32_0, %c0_i32_1 : i32, i32, i32
  }
  func.func @transform_2(%arg0: i32) -> (i32, i32) {
    %add3A = arith.constant 0 : i32
    %add3A_0 = arith.addi %add3A, %arg0 : i32
    %c0_i32 = arith.constant 0 : i32
    %c0_i32_1 = arith.constant 0 : i32
    return %add3A_0, %c0_i32 : i32, i32
  }
  func.func @transform_3(%arg0: i32) -> (i32, i32) {
    %c0_i32 = arith.constant 0 : i32
    %c0_i32_0 = arith.constant 0 : i32
    %c0_i32_1 = arith.constant 0 : i32
    return %c0_i32, %c0_i32_0 : i32, i32
  }
  func.func @transform_4(%arg0: i32) -> (i32, i32) {
    %c0_i32 = arith.constant 0 : i32
    %c0_i32_0 = arith.constant 0 : i32
    %c0_i32_1 = arith.constant 0 : i32
    return %c0_i32, %c0_i32_0 : i32, i32
  }
  func.func @transform_5(%arg0: i32) -> (i32, i32) {
    %c0_i32 = arith.constant 0 : i32
    %c0_i32_0 = arith.constant 0 : i32
    %c0_i32_1 = arith.constant 0 : i32
    return %c0_i32, %c0_i32_0 : i32, i32
  }
  func.func @transform_6(%arg0: i32) -> (i32, i32) {
    %c0_i32 = arith.constant 0 : i32
    %c0_i32_0 = arith.constant 0 : i32
    %c0_i32_1 = arith.constant 0 : i32
    return %c0_i32, %c0_i32_0 : i32, i32
  }
  func.func @transform_7(%arg0: i32) -> (i32, i32) {
    %c0_i32 = arith.constant 0 : i32
    %c0_i32_0 = arith.constant 0 : i32
    %c0_i32_1 = arith.constant 0 : i32
    return %c0_i32, %c0_i32_0 : i32, i32
  }
  func.func @transform_8(%arg0: i32) -> (i32, i32) {
    %c0_i32 = arith.constant 0 : i32
    %c0_i32_0 = arith.constant 0 : i32
    return %arg0, %c0_i32 : i32, i32
  }
  func.func @transform_9(%arg0: i32) -> (i32, i32) {
    %c0_i32 = arith.constant 0 : i32
    %c0_i32_0 = arith.constant 0 : i32
    return %arg0, %c0_i32 : i32, i32
  }
  func.func @transform_10(%arg0: i32) -> (i32, i32) {
    %c0_i32 = arith.constant 0 : i32
    %c0_i32_0 = arith.constant 0 : i32
    return %arg0, %c0_i32 : i32, i32
  }
}

module attributes {stable_mosaic.version = 14 : i64} {
  func.func @_knn_body(%arg0: i32, %arg1: memref<512x3xf32, #tpu.memory_space<vmem>>, %arg2: memref<1x3x2048xf32, #tpu.memory_space<vmem>>, %arg3: memref<512x128xf32, #tpu.memory_space<vmem>>, %arg4: memref<128x128xf32, #tpu.memory_space<vmem>>, %arg5: memref<1x128xf32, #tpu.memory_space<vmem>>, %arg6: memref<128x128xf32, #tpu.memory_space<vmem>>, %arg7: memref<128x128xf32, #tpu.memory_space<vmem>>, %arg8: memref<128x128xf32, #tpu.memory_space<vmem>>, %arg9: memref<512x128xi32, #tpu.memory_space<vmem>>, %arg10: memref<512x128xf32, #tpu.memory_space<vmem>>, %arg11: memref<512x256xf32, #tpu.memory_space<vmem>>) attributes {dimension_semantics = [#tpu.dimension_semantics<arbitrary>], iteration_bounds = array<i64: 4>, scalar_prefetch = 0 : i64, scratch_operands = 0 : i64, tpu.core_type = #tpu.core_type<tc>, window_params = [{transform_indices = @transform_0, window_bounds = array<i64: 512, 3>}, {transform_indices = @transform_1, window_bounds = array<i64: 1, 3, 2048>}, {transform_indices = @transform_2, window_bounds = array<i64: 512, 128>}, {pipeline_mode = #tpu.pipeline_mode<synchronous>, transform_indices = @transform_3, window_bounds = array<i64: 128, 128>}, {pipeline_mode = #tpu.pipeline_mode<synchronous>, transform_indices = @transform_4, window_bounds = array<i64: 1, 128>}, {pipeline_mode = #tpu.pipeline_mode<synchronous>, transform_indices = @transform_5, window_bounds = array<i64: 128, 128>}, {pipeline_mode = #tpu.pipeline_mode<synchronous>, transform_indices = @transform_6, window_bounds = array<i64: 128, 128>}, {pipeline_mode = #tpu.pipeline_mode<synchronous>, transform_indices = @transform_7, window_bounds = array<i64: 128, 128>}, {transform_indices = @transform_8, window_bounds = array<i64: 512, 128>}, {transform_indices = @transform_9, window_bounds = array<i64: 512, 128>}, {transform_indices = @transform_10, window_bounds = array<i64: 512, 256>}]} {
    %get3A = arith.constant 0 : index
    %get3A_0 = arith.constant 0 : index
    %get3A_1 = vector.load %arg1[%get3A, %get3A_0] : memref<512x3xf32, #tpu.memory_space<vmem>>, vector<512x3xf32>
    %get3A_2 = arith.constant 0 : index
    %get3A_3 = arith.constant 0 : index
    %get3A_4 = arith.constant 0 : index
    %get3A_5 = vector.load %arg2[%get3A_2, %get3A_3, %get3A_4] : memref<1x3x2048xf32, #tpu.memory_space<vmem>>, vector<1x3x2048xf32>
    %get3A_6 = vector.shape_cast %get3A_5 : vector<1x3x2048xf32> to vector<3x2048xf32>
    %slice3A = vector.extract_strided_slice %get3A_1 {offsets = [0, 0], sizes = [512, 1], strides = [1, 1]} : vector<512x3xf32> to vector<512x1xf32>
    %slice3A_7 = vector.extract_strided_slice %get3A_6 {offsets = [0, 0], sizes = [1, 2048], strides = [1, 1]} : vector<3x2048xf32> to vector<1x2048xf32>
    %sub3A = vector.broadcast %slice3A : vector<512x1xf32> to vector<512x2048xf32>
    %sub3A_8 = vector.broadcast %slice3A_7 : vector<1x2048xf32> to vector<512x2048xf32>
    %sub3A_9 = arith.subf %sub3A, %sub3A_8 : vector<512x2048xf32>
    %mul3A = arith.mulf %sub3A_9, %sub3A_9 : vector<512x2048xf32>
    %slice3A_10 = vector.extract_strided_slice %get3A_1 {offsets = [0, 1], sizes = [512, 1], strides = [1, 1]} : vector<512x3xf32> to vector<512x1xf32>
    %slice3A_11 = vector.extract_strided_slice %get3A_6 {offsets = [1, 0], sizes = [1, 2048], strides = [1, 1]} : vector<3x2048xf32> to vector<1x2048xf32>
    %sub3A_12 = vector.broadcast %slice3A_10 : vector<512x1xf32> to vector<512x2048xf32>
    %sub3A_13 = vector.broadcast %slice3A_11 : vector<1x2048xf32> to vector<512x2048xf32>
    %sub3A_14 = arith.subf %sub3A_12, %sub3A_13 : vector<512x2048xf32>
    %mul3A_15 = arith.mulf %sub3A_14, %sub3A_14 : vector<512x2048xf32>
    %add3A = arith.addf %mul3A, %mul3A_15 : vector<512x2048xf32>
    %slice3A_16 = vector.extract_strided_slice %get3A_1 {offsets = [0, 2], sizes = [512, 1], strides = [1, 1]} : vector<512x3xf32> to vector<512x1xf32>
    %slice3A_17 = vector.extract_strided_slice %get3A_6 {offsets = [2, 0], sizes = [1, 2048], strides = [1, 1]} : vector<3x2048xf32> to vector<1x2048xf32>
    %sub3A_18 = vector.broadcast %slice3A_16 : vector<512x1xf32> to vector<512x2048xf32>
    %sub3A_19 = vector.broadcast %slice3A_17 : vector<1x2048xf32> to vector<512x2048xf32>
    %sub3A_20 = arith.subf %sub3A_18, %sub3A_19 : vector<512x2048xf32>
    %mul3A_21 = arith.mulf %sub3A_20, %sub3A_20 : vector<512x2048xf32>
    %add3A_22 = arith.addf %add3A, %mul3A_21 : vector<512x2048xf32>
    %iota3A = tpu.iota {dimensions = array<i32: 1>} : vector<512x2048xi32>
    %iota3A_23 = tpu.iota {dimensions = array<i32: 1>} : vector<512x128xi32>
    %broadcast_in_dim3A = arith.constant 0 : i32
    %broadcast_in_dim3A_24 = vector.broadcast %broadcast_in_dim3A : i32 to vector<512x128xi32>
    %argmin3A = tpu.reduce_index %add3A_22 {axis = 1 : i32, kind = #tpu.reduction_kind<arg_min>} : vector<512x2048xf32> -> vector<512xi32>
    %reshape3A = vector.shape_cast %argmin3A : vector<512xi32> to vector<512x1xi32>
    %eq3A = vector.broadcast %reshape3A : vector<512x1xi32> to vector<512x2048xi32>
    %eq3A_25 = arith.cmpi eq, %iota3A, %eq3A : vector<512x2048xi32>
    %jit3A = arith.constant 0x7F800000 : f32
    %broadcast_in_dim3A_26 = vector.broadcast %jit3A : f32 to vector<512x2048xf32>
    %select_n3A = arith.select %eq3A_25, %broadcast_in_dim3A_26, %add3A_22 : vector<512x2048xi1>, vector<512x2048xf32>
    %eq3A_27 = arith.constant 0 : i32
    %eq3A_28 = vector.broadcast %eq3A_27 : i32 to vector<512x128xi32>
    %eq3A_29 = arith.cmpi eq, %iota3A_23, %eq3A_28 : vector<512x128xi32>
    %jit3A_30 = arith.constant 0 : i32
    %broadcast_in_dim3A_31 = vector.shape_cast %reshape3A : vector<512x1xi32> to vector<512x1xi32>
    %broadcast_in_dim3A_32 = vector.broadcast %broadcast_in_dim3A_31 : vector<512x1xi32> to vector<512x128xi32>
    %broadcast_in_dim3A_33 = vector.broadcast %jit3A_30 : i32 to vector<512x128xi32>
    %select_n3A_34 = arith.select %eq3A_29, %broadcast_in_dim3A_32, %broadcast_in_dim3A_33 : vector<512x128xi1>, vector<512x128xi32>
    %add3A_35 = arith.addi %broadcast_in_dim3A_24, %select_n3A_34 : vector<512x128xi32>
    %argmin3A_36 = tpu.reduce_index %select_n3A {axis = 1 : i32, kind = #tpu.reduction_kind<arg_min>} : vector<512x2048xf32> -> vector<512xi32>
    %reshape3A_37 = vector.shape_cast %argmin3A_36 : vector<512xi32> to vector<512x1xi32>
    %eq3A_38 = vector.broadcast %reshape3A_37 : vector<512x1xi32> to vector<512x2048xi32>
    %eq3A_39 = arith.cmpi eq, %iota3A, %eq3A_38 : vector<512x2048xi32>
    %jit3A_40 = arith.constant 0x7F800000 : f32
    %broadcast_in_dim3A_41 = vector.broadcast %jit3A_40 : f32 to vector<512x2048xf32>
    %select_n3A_42 = arith.select %eq3A_39, %broadcast_in_dim3A_41, %select_n3A : vector<512x2048xi1>, vector<512x2048xf32>
    %eq3A_43 = arith.constant 1 : i32
    %eq3A_44 = vector.broadcast %eq3A_43 : i32 to vector<512x128xi32>
    %eq3A_45 = arith.cmpi eq, %iota3A_23, %eq3A_44 : vector<512x128xi32>
    %jit3A_46 = arith.constant 0 : i32
    %broadcast_in_dim3A_47 = vector.shape_cast %reshape3A_37 : vector<512x1xi32> to vector<512x1xi32>
    %broadcast_in_dim3A_48 = vector.broadcast %broadcast_in_dim3A_47 : vector<512x1xi32> to vector<512x128xi32>
    %broadcast_in_dim3A_49 = vector.broadcast %jit3A_46 : i32 to vector<512x128xi32>
    %select_n3A_50 = arith.select %eq3A_45, %broadcast_in_dim3A_48, %broadcast_in_dim3A_49 : vector<512x128xi1>, vector<512x128xi32>
    %add3A_51 = arith.addi %add3A_35, %select_n3A_50 : vector<512x128xi32>
    %argmin3A_52 = tpu.reduce_index %select_n3A_42 {axis = 1 : i32, kind = #tpu.reduction_kind<arg_min>} : vector<512x2048xf32> -> vector<512xi32>
    %reshape3A_53 = vector.shape_cast %argmin3A_52 : vector<512xi32> to vector<512x1xi32>
    %eq3A_54 = arith.constant 2 : i32
    %eq3A_55 = vector.broadcast %eq3A_54 : i32 to vector<512x128xi32>
    %eq3A_56 = arith.cmpi eq, %iota3A_23, %eq3A_55 : vector<512x128xi32>
    %jit3A_57 = arith.constant 0 : i32
    %broadcast_in_dim3A_58 = vector.shape_cast %reshape3A_53 : vector<512x1xi32> to vector<512x1xi32>
    %broadcast_in_dim3A_59 = vector.broadcast %broadcast_in_dim3A_58 : vector<512x1xi32> to vector<512x128xi32>
    %broadcast_in_dim3A_60 = vector.broadcast %jit3A_57 : i32 to vector<512x128xi32>
    %select_n3A_61 = arith.select %eq3A_56, %broadcast_in_dim3A_59, %broadcast_in_dim3A_60 : vector<512x128xi1>, vector<512x128xi32>
    %add3A_62 = arith.addi %add3A_51, %select_n3A_61 : vector<512x128xi32>
    %swap3A = arith.constant 0 : index
    %swap3A_63 = arith.constant 0 : index
    %swap3A_64 = vector.load %arg9[%swap3A, %swap3A_63] : memref<512x128xi32, #tpu.memory_space<vmem>>, vector<512x128xi32>
    tpu.vector_store %arg9[%swap3A, %swap3A_63], %add3A_62 {strides = array<i32>} : memref<512x128xi32, #tpu.memory_space<vmem>>, vector<512x128xi32>,
    %get3A_65 = arith.constant 0 : index
    %get3A_66 = arith.constant 0 : index
    %get3A_67 = vector.load %arg3[%get3A_65, %get3A_66] : memref<512x128xf32, #tpu.memory_space<vmem>>, vector<512x128xf32>
    %get3A_68 = arith.constant 0 : index
    %get3A_69 = arith.constant 0 : index
    %get3A_70 = vector.load %arg4[%get3A_68, %get3A_69] : memref<128x128xf32, #tpu.memory_space<vmem>>, vector<128x128xf32>
    %dot_general3A = arith.constant dense<0.000000e+00> : vector<512x128xf32>
    %dot_general3A_71 = tpu.matmul %get3A_67, %get3A_70, %dot_general3A {dimension_numbers = #tpu.dot_dimension_numbers<[1], [0], [0], [1], [0, 0, 1, 1], [], []>, transpose_lhs_hint = false} : vector<512x128xf32>, vector<128x128xf32>, vector<512x128xf32> -> vector<512x128xf32>
    %get3A_72 = arith.constant 0 : index
    %get3A_73 = arith.constant 0 : index
    %get3A_74 = vector.load %arg5[%get3A_72, %get3A_73] : memref<1x128xf32, #tpu.memory_space<vmem>>, vector<1x128xf32>
    %add3A_75 = vector.broadcast %get3A_74 : vector<1x128xf32> to vector<512x128xf32>
    %add3A_76 = arith.addf %dot_general3A_71, %add3A_75 : vector<512x128xf32>
    %get3A_77 = arith.constant 0 : index
    %get3A_78 = arith.constant 0 : index
    %get3A_79 = vector.load %arg6[%get3A_77, %get3A_78] : memref<128x128xf32, #tpu.memory_space<vmem>>, vector<128x128xf32>
    %dot_general3A_80 = arith.constant dense<0.000000e+00> : vector<512x128xf32>
    %dot_general3A_81 = tpu.matmul %add3A_76, %get3A_79, %dot_general3A_80 {dimension_numbers = #tpu.dot_dimension_numbers<[1], [0], [0], [1], [0, 0, 1, 1], [], []>, transpose_lhs_hint = false} : vector<512x128xf32>, vector<128x128xf32>, vector<512x128xf32> -> vector<512x128xf32>
    %swap3A_82 = arith.constant 0 : index
    %swap3A_83 = arith.constant 0 : index
    %swap3A_84 = vector.load %arg10[%swap3A_82, %swap3A_83] : memref<512x128xf32, #tpu.memory_space<vmem>>, vector<512x128xf32>
    tpu.vector_store %arg10[%swap3A_82, %swap3A_83], %dot_general3A_81 {strides = array<i32>} : memref<512x128xf32, #tpu.memory_space<vmem>>, vector<512x128xf32>,
    %get3A_85 = arith.constant 0 : index
    %get3A_86 = arith.constant 0 : index
    %get3A_87 = vector.load %arg7[%get3A_85, %get3A_86] : memref<128x128xf32, #tpu.memory_space<vmem>>, vector<128x128xf32>
    %dot_general3A_88 = arith.constant dense<0.000000e+00> : vector<512x128xf32>
    %dot_general3A_89 = tpu.matmul %add3A_76, %get3A_87, %dot_general3A_88 {dimension_numbers = #tpu.dot_dimension_numbers<[1], [0], [0], [1], [0, 0, 1, 1], [], []>, transpose_lhs_hint = false} : vector<512x128xf32>, vector<128x128xf32>, vector<512x128xf32> -> vector<512x128xf32>
    %get3A_90 = arith.constant 0 : index
    %get3A_91 = arith.constant 0 : index
    %get3A_92 = vector.load %arg8[%get3A_90, %get3A_91] : memref<128x128xf32, #tpu.memory_space<vmem>>, vector<128x128xf32>
    %dot_general3A_93 = arith.constant dense<0.000000e+00> : vector<512x128xf32>
    %dot_general3A_94 = tpu.matmul %add3A_76, %get3A_92, %dot_general3A_93 {dimension_numbers = #tpu.dot_dimension_numbers<[1], [0], [0], [1], [0, 0, 1, 1], [], []>, transpose_lhs_hint = false} : vector<512x128xf32>, vector<128x128xf32>, vector<512x128xf32> -> vector<512x128xf32>
    %concatenate3A = tpu.concatenate %dot_general3A_89, %dot_general3A_94 in 1 : vector<512x128xf32>, vector<512x128xf32> -> vector<512x256xf32>
    %swap3A_95 = arith.constant 0 : index
    %swap3A_96 = arith.constant 0 : index
    %swap3A_97 = vector.load %arg11[%swap3A_95, %swap3A_96] : memref<512x256xf32, #tpu.memory_space<vmem>>, vector<512x256xf32>
    tpu.vector_store %arg11[%swap3A_95, %swap3A_96], %concatenate3A {strides = array<i32>} : memref<512x256xf32, #tpu.memory_space<vmem>>, vector<512x256xf32>,
    return
  }
  func.func @transform_0(%arg0: i32) -> (i32, i32) {
    %add3A = arith.constant 4 : i32
    %add3A_0 = arith.addi %add3A, %arg0 : i32
    %c0_i32 = arith.constant 0 : i32
    %c0_i32_1 = arith.constant 0 : i32
    return %add3A_0, %c0_i32 : i32, i32
  }
  func.func @transform_1(%arg0: i32) -> (i32, i32, i32) {
    %c1_i32 = arith.constant 1 : i32
    %c0_i32 = arith.constant 0 : i32
    %c0_i32_0 = arith.constant 0 : i32
    %c0_i32_1 = arith.constant 0 : i32
    return %c1_i32, %c0_i32, %c0_i32_0 : i32, i32, i32
  }
  func.func @transform_2(%arg0: i32) -> (i32, i32) {
    %add3A = arith.constant 4 : i32
    %add3A_0 = arith.addi %add3A, %arg0 : i32
    %c0_i32 = arith.constant 0 : i32
    %c0_i32_1 = arith.constant 0 : i32
    return %add3A_0, %c0_i32 : i32, i32
  }
  func.func @transform_3(%arg0: i32) -> (i32, i32) {
    %c0_i32 = arith.constant 0 : i32
    %c0_i32_0 = arith.constant 0 : i32
    %c0_i32_1 = arith.constant 0 : i32
    return %c0_i32, %c0_i32_0 : i32, i32
  }
  func.func @transform_4(%arg0: i32) -> (i32, i32) {
    %c0_i32 = arith.constant 0 : i32
    %c0_i32_0 = arith.constant 0 : i32
    %c0_i32_1 = arith.constant 0 : i32
    return %c0_i32, %c0_i32_0 : i32, i32
  }
  func.func @transform_5(%arg0: i32) -> (i32, i32) {
    %c0_i32 = arith.constant 0 : i32
    %c0_i32_0 = arith.constant 0 : i32
    %c0_i32_1 = arith.constant 0 : i32
    return %c0_i32, %c0_i32_0 : i32, i32
  }
  func.func @transform_6(%arg0: i32) -> (i32, i32) {
    %c0_i32 = arith.constant 0 : i32
    %c0_i32_0 = arith.constant 0 : i32
    %c0_i32_1 = arith.constant 0 : i32
    return %c0_i32, %c0_i32_0 : i32, i32
  }
  func.func @transform_7(%arg0: i32) -> (i32, i32) {
    %c0_i32 = arith.constant 0 : i32
    %c0_i32_0 = arith.constant 0 : i32
    %c0_i32_1 = arith.constant 0 : i32
    return %c0_i32, %c0_i32_0 : i32, i32
  }
  func.func @transform_8(%arg0: i32) -> (i32, i32) {
    %c0_i32 = arith.constant 0 : i32
    %c0_i32_0 = arith.constant 0 : i32
    return %arg0, %c0_i32 : i32, i32
  }
  func.func @transform_9(%arg0: i32) -> (i32, i32) {
    %c0_i32 = arith.constant 0 : i32
    %c0_i32_0 = arith.constant 0 : i32
    return %arg0, %c0_i32 : i32, i32
  }
  func.func @transform_10(%arg0: i32) -> (i32, i32) {
    %c0_i32 = arith.constant 0 : i32
    %c0_i32_0 = arith.constant 0 : i32
    return %arg0, %c0_i32 : i32, i32
  }
}

module attributes {stable_mosaic.version = 14 : i64} {
  func.func @_layer_body(%arg0: i32, %arg1: memref<512x128xf32, #tpu.memory_space<vmem>>, %arg2: memref<3x512x256xf32, #tpu.memory_space<vmem>>, %arg3: memref<3x512x128xf32, #tpu.memory_space<vmem>>, %arg4: memref<512x8xf32, #tpu.memory_space<vmem>>, %arg5: memref<8x64xf32, #tpu.memory_space<vmem>>, %arg6: memref<1x64xf32, #tpu.memory_space<vmem>>, %arg7: memref<64x128xf32, #tpu.memory_space<vmem>>, %arg8: memref<1x128xf32, #tpu.memory_space<vmem>>, %arg9: memref<128x512xf32, #tpu.memory_space<vmem>>, %arg10: memref<1x512xf32, #tpu.memory_space<vmem>>, %arg11: memref<512x128xf32, #tpu.memory_space<vmem>>, %arg12: memref<1x128xf32, #tpu.memory_space<vmem>>, %arg13: memref<128x128xf32, #tpu.memory_space<vmem>>, %arg14: memref<128x128xf32, #tpu.memory_space<vmem>>, %arg15: memref<128x128xf32, #tpu.memory_space<vmem>>, %arg16: memref<512x128xf32, #tpu.memory_space<vmem>>, %arg17: memref<512x256xf32, #tpu.memory_space<vmem>>, %arg18: memref<3x512x8xf32, #tpu.memory_space<vmem>>) attributes {dimension_semantics = [#tpu.dimension_semantics<arbitrary>], iteration_bounds = array<i64: 4>, scalar_prefetch = 0 : i64, scratch_operands = 0 : i64, tpu.core_type = #tpu.core_type<tc>, window_params = [{transform_indices = @transform_0, window_bounds = array<i64: 512, 128>}, {transform_indices = @transform_1, window_bounds = array<i64: 3, 512, 256>}, {transform_indices = @transform_2, window_bounds = array<i64: 3, 512, 128>}, {transform_indices = @transform_3, window_bounds = array<i64: 512, 8>}, {pipeline_mode = #tpu.pipeline_mode<synchronous>, transform_indices = @transform_4, window_bounds = array<i64: 8, 64>}, {pipeline_mode = #tpu.pipeline_mode<synchronous>, transform_indices = @transform_5, window_bounds = array<i64: 1, 64>}, {pipeline_mode = #tpu.pipeline_mode<synchronous>, transform_indices = @transform_6, window_bounds = array<i64: 64, 128>}, {pipeline_mode = #tpu.pipeline_mode<synchronous>, transform_indices = @transform_7, window_bounds = array<i64: 1, 128>}, {pipeline_mode = #tpu.pipeline_mode<synchronous>, transform_indices = @transform_8, window_bounds = array<i64: 128, 512>}, {pipeline_mode = #tpu.pipeline_mode<synchronous>, transform_indices = @transform_9, window_bounds = array<i64: 1, 512>}, {pipeline_mode = #tpu.pipeline_mode<synchronous>, transform_indices = @transform_10, window_bounds = array<i64: 512, 128>}, {pipeline_mode = #tpu.pipeline_mode<synchronous>, transform_indices = @transform_11, window_bounds = array<i64: 1, 128>}, {pipeline_mode = #tpu.pipeline_mode<synchronous>, transform_indices = @transform_12, window_bounds = array<i64: 128, 128>}, {pipeline_mode = #tpu.pipeline_mode<synchronous>, transform_indices = @transform_13, window_bounds = array<i64: 128, 128>}, {pipeline_mode = #tpu.pipeline_mode<synchronous>, transform_indices = @transform_14, window_bounds = array<i64: 128, 128>}, {transform_indices = @transform_15, window_bounds = array<i64: 512, 128>}, {transform_indices = @transform_16, window_bounds = array<i64: 512, 256>}, {transform_indices = @transform_17, window_bounds = array<i64: 3, 512, 8>}]} {
    %get3A = arith.constant 0 : index
    %get3A_0 = arith.constant 0 : index
    %get3A_1 = vector.load %arg1[%get3A, %get3A_0] : memref<512x128xf32, #tpu.memory_space<vmem>>, vector<512x128xf32>
    %get3A_2 = arith.constant 0 : index
    %get3A_3 = arith.constant 0 : index
    %get3A_4 = vector.load %arg5[%get3A_2, %get3A_3] : memref<8x64xf32, #tpu.memory_space<vmem>>, vector<8x64xf32>
    %get3A_5 = arith.constant 0 : index
    %get3A_6 = arith.constant 0 : index
    %get3A_7 = vector.load %arg6[%get3A_5, %get3A_6] : memref<1x64xf32, #tpu.memory_space<vmem>>, vector<1x64xf32>
    %get3A_8 = arith.constant 0 : index
    %get3A_9 = arith.constant 0 : index
    %get3A_10 = vector.load %arg7[%get3A_8, %get3A_9] : memref<64x128xf32, #tpu.memory_space<vmem>>, vector<64x128xf32>
    %get3A_11 = arith.constant 0 : index
    %get3A_12 = arith.constant 0 : index
    %get3A_13 = vector.load %arg8[%get3A_11, %get3A_12] : memref<1x128xf32, #tpu.memory_space<vmem>>, vector<1x128xf32>
    %get3A_14 = arith.constant 0 : index
    %get3A_15 = arith.constant 0 : index
    %get3A_16 = vector.load %arg9[%get3A_14, %get3A_15] : memref<128x512xf32, #tpu.memory_space<vmem>>, vector<128x512xf32>
    %get3A_17 = arith.constant 0 : index
    %get3A_18 = arith.constant 0 : index
    %get3A_19 = vector.load %arg10[%get3A_17, %get3A_18] : memref<1x512xf32, #tpu.memory_space<vmem>>, vector<1x512xf32>
    %get3A_20 = arith.constant 0 : index
    %get3A_21 = arith.constant 0 : index
    %get3A_22 = vector.load %arg11[%get3A_20, %get3A_21] : memref<512x128xf32, #tpu.memory_space<vmem>>, vector<512x128xf32>
    %get3A_23 = arith.constant 0 : index
    %get3A_24 = arith.constant 0 : index
    %get3A_25 = vector.load %arg12[%get3A_23, %get3A_24] : memref<1x128xf32, #tpu.memory_space<vmem>>, vector<1x128xf32>
    %get3A_26 = arith.constant 0 : index
    %get3A_27 = arith.constant 0 : index
    %get3A_28 = vector.load %arg4[%get3A_26, %get3A_27] : memref<512x8xf32, #tpu.memory_space<vmem>>, vector<512x8xf32>
    %get3A_29 = arith.constant 0 : index
    %get3A_30 = arith.constant 0 : index
    %get3A_31 = arith.constant 0 : index
    %get3A_32 = vector.load %arg3[%get3A_29, %get3A_30, %get3A_31] : memref<3x512x128xf32, #tpu.memory_space<vmem>>, vector<1x512x128xf32>
    %get3A_33 = vector.shape_cast %get3A_32 : vector<1x512x128xf32> to vector<512x128xf32>
    %slice3A = vector.extract_strided_slice %get3A_33 {offsets = [0, 0], sizes = [512, 8], strides = [1, 1]} : vector<512x128xf32> to vector<512x8xf32>
    %sub3A = arith.subf %get3A_28, %slice3A : vector<512x8xf32>
    %dot_general3A = arith.constant dense<0.000000e+00> : vector<512x64xf32>
    %dot_general3A_34 = tpu.matmul %sub3A, %get3A_4, %dot_general3A {dimension_numbers = #tpu.dot_dimension_numbers<[1], [0], [0], [1], [0, 0, 1, 1], [], []>, transpose_lhs_hint = false} : vector<512x8xf32>, vector<8x64xf32>, vector<512x64xf32> -> vector<512x64xf32>
    %add3A = vector.broadcast %get3A_7 : vector<1x64xf32> to vector<512x64xf32>
    %add3A_35 = arith.addf %dot_general3A_34, %add3A : vector<512x64xf32>
    %max3A = arith.constant 0.000000e+00 : f32
    %max3A_36 = vector.broadcast %max3A : f32 to vector<512x64xf32>
    %max3A_37 = arith.maximumf %add3A_35, %max3A_36 : vector<512x64xf32>
    %dot_general3A_38 = arith.constant dense<0.000000e+00> : vector<512x128xf32>
    %dot_general3A_39 = tpu.matmul %max3A_37, %get3A_10, %dot_general3A_38 {dimension_numbers = #tpu.dot_dimension_numbers<[1], [0], [0], [1], [0, 0, 1, 1], [], []>, transpose_lhs_hint = false} : vector<512x64xf32>, vector<64x128xf32>, vector<512x128xf32> -> vector<512x128xf32>
    %add3A_40 = vector.broadcast %get3A_13 : vector<1x128xf32> to vector<512x128xf32>
    %add3A_41 = arith.addf %dot_general3A_39, %add3A_40 : vector<512x128xf32>
    %get3A_42 = arith.constant 0 : index
    %get3A_43 = arith.constant 0 : index
    %get3A_44 = arith.constant 0 : index
    %get3A_45 = vector.load %arg2[%get3A_42, %get3A_43, %get3A_44] : memref<3x512x256xf32, #tpu.memory_space<vmem>>, vector<1x512x256xf32>
    %get3A_46 = vector.shape_cast %get3A_45 : vector<1x512x256xf32> to vector<512x256xf32>
    %slice3A_47 = vector.extract_strided_slice %get3A_46 {offsets = [0, 0], sizes = [512, 128], strides = [1, 1]} : vector<512x256xf32> to vector<512x128xf32>
    %sub3A_48 = arith.subf %get3A_1, %slice3A_47 : vector<512x128xf32>
    %add3A_49 = arith.addf %sub3A_48, %add3A_41 : vector<512x128xf32>
    %dot_general3A_50 = arith.constant dense<0.000000e+00> : vector<512x512xf32>
    %dot_general3A_51 = tpu.matmul %add3A_49, %get3A_16, %dot_general3A_50 {dimension_numbers = #tpu.dot_dimension_numbers<[1], [0], [0], [1], [0, 0, 1, 1], [], []>, transpose_lhs_hint = false} : vector<512x128xf32>, vector<128x512xf32>, vector<512x512xf32> -> vector<512x512xf32>
    %add3A_52 = vector.broadcast %get3A_19 : vector<1x512xf32> to vector<512x512xf32>
    %add3A_53 = arith.addf %dot_general3A_51, %add3A_52 : vector<512x512xf32>
    %max3A_54 = arith.constant 0.000000e+00 : f32
    %max3A_55 = vector.broadcast %max3A_54 : f32 to vector<512x512xf32>
    %max3A_56 = arith.maximumf %add3A_53, %max3A_55 : vector<512x512xf32>
    %dot_general3A_57 = arith.constant dense<0.000000e+00> : vector<512x128xf32>
    %dot_general3A_58 = tpu.matmul %max3A_56, %get3A_22, %dot_general3A_57 {dimension_numbers = #tpu.dot_dimension_numbers<[1], [0], [0], [1], [0, 0, 1, 1], [], []>, transpose_lhs_hint = false} : vector<512x512xf32>, vector<512x128xf32>, vector<512x128xf32> -> vector<512x128xf32>
    %add3A_59 = vector.broadcast %get3A_25 : vector<1x128xf32> to vector<512x128xf32>
    %add3A_60 = arith.addf %dot_general3A_58, %add3A_59 : vector<512x128xf32>
    %slice3A_61 = vector.extract_strided_slice %get3A_46 {offsets = [0, 128], sizes = [512, 128], strides = [1, 1]} : vector<512x256xf32> to vector<512x128xf32>
    %add3A_62 = arith.addf %slice3A_61, %add3A_41 : vector<512x128xf32>
    %get3A_63 = arith.constant 0 : index
    %get3A_64 = arith.constant 0 : index
    %get3A_65 = vector.load %arg4[%get3A_63, %get3A_64] : memref<512x8xf32, #tpu.memory_space<vmem>>, vector<512x8xf32>
    %get3A_66 = arith.constant 1 : index
    %get3A_67 = arith.constant 0 : index
    %get3A_68 = arith.constant 0 : index
    %get3A_69 = vector.load %arg3[%get3A_66, %get3A_67, %get3A_68] : memref<3x512x128xf32, #tpu.memory_space<vmem>>, vector<1x512x128xf32>
    %get3A_70 = vector.shape_cast %get3A_69 : vector<1x512x128xf32> to vector<512x128xf32>
    %slice3A_71 = vector.extract_strided_slice %get3A_70 {offsets = [0, 0], sizes = [512, 8], strides = [1, 1]} : vector<512x128xf32> to vector<512x8xf32>
    %sub3A_72 = arith.subf %get3A_65, %slice3A_71 : vector<512x8xf32>
    %dot_general3A_73 = arith.constant dense<0.000000e+00> : vector<512x64xf32>
    %dot_general3A_74 = tpu.matmul %sub3A_72, %get3A_4, %dot_general3A_73 {dimension_numbers = #tpu.dot_dimension_numbers<[1], [0], [0], [1], [0, 0, 1, 1], [], []>, transpose_lhs_hint = false} : vector<512x8xf32>, vector<8x64xf32>, vector<512x64xf32> -> vector<512x64xf32>
    %add3A_75 = vector.broadcast %get3A_7 : vector<1x64xf32> to vector<512x64xf32>
    %add3A_76 = arith.addf %dot_general3A_74, %add3A_75 : vector<512x64xf32>
    %max3A_77 = arith.constant 0.000000e+00 : f32
    %max3A_78 = vector.broadcast %max3A_77 : f32 to vector<512x64xf32>
    %max3A_79 = arith.maximumf %add3A_76, %max3A_78 : vector<512x64xf32>
    %dot_general3A_80 = arith.constant dense<0.000000e+00> : vector<512x128xf32>
    %dot_general3A_81 = tpu.matmul %max3A_79, %get3A_10, %dot_general3A_80 {dimension_numbers = #tpu.dot_dimension_numbers<[1], [0], [0], [1], [0, 0, 1, 1], [], []>, transpose_lhs_hint = false} : vector<512x64xf32>, vector<64x128xf32>, vector<512x128xf32> -> vector<512x128xf32>
    %add3A_82 = vector.broadcast %get3A_13 : vector<1x128xf32> to vector<512x128xf32>
    %add3A_83 = arith.addf %dot_general3A_81, %add3A_82 : vector<512x128xf32>
    %get3A_84 = arith.constant 1 : index
    %get3A_85 = arith.constant 0 : index
    %get3A_86 = arith.constant 0 : index
    %get3A_87 = vector.load %arg2[%get3A_84, %get3A_85, %get3A_86] : memref<3x512x256xf32, #tpu.memory_space<vmem>>, vector<1x512x256xf32>
    %get3A_88 = vector.shape_cast %get3A_87 : vector<1x512x256xf32> to vector<512x256xf32>
    %slice3A_89 = vector.extract_strided_slice %get3A_88 {offsets = [0, 0], sizes = [512, 128], strides = [1, 1]} : vector<512x256xf32> to vector<512x128xf32>
    %sub3A_90 = arith.subf %get3A_1, %slice3A_89 : vector<512x128xf32>
    %add3A_91 = arith.addf %sub3A_90, %add3A_83 : vector<512x128xf32>
    %dot_general3A_92 = arith.constant dense<0.000000e+00> : vector<512x512xf32>
    %dot_general3A_93 = tpu.matmul %add3A_91, %get3A_16, %dot_general3A_92 {dimension_numbers = #tpu.dot_dimension_numbers<[1], [0], [0], [1], [0, 0, 1, 1], [], []>, transpose_lhs_hint = false} : vector<512x128xf32>, vector<128x512xf32>, vector<512x512xf32> -> vector<512x512xf32>
    %add3A_94 = vector.broadcast %get3A_19 : vector<1x512xf32> to vector<512x512xf32>
    %add3A_95 = arith.addf %dot_general3A_93, %add3A_94 : vector<512x512xf32>
    %max3A_96 = arith.constant 0.000000e+00 : f32
    %max3A_97 = vector.broadcast %max3A_96 : f32 to vector<512x512xf32>
    %max3A_98 = arith.maximumf %add3A_95, %max3A_97 : vector<512x512xf32>
    %dot_general3A_99 = arith.constant dense<0.000000e+00> : vector<512x128xf32>
    %dot_general3A_100 = tpu.matmul %max3A_98, %get3A_22, %dot_general3A_99 {dimension_numbers = #tpu.dot_dimension_numbers<[1], [0], [0], [1], [0, 0, 1, 1], [], []>, transpose_lhs_hint = false} : vector<512x512xf32>, vector<512x128xf32>, vector<512x128xf32> -> vector<512x128xf32>
    %add3A_101 = vector.broadcast %get3A_25 : vector<1x128xf32> to vector<512x128xf32>
    %add3A_102 = arith.addf %dot_general3A_100, %add3A_101 : vector<512x128xf32>
    %slice3A_103 = vector.extract_strided_slice %get3A_88 {offsets = [0, 128], sizes = [512, 128], strides = [1, 1]} : vector<512x256xf32> to vector<512x128xf32>
    %add3A_104 = arith.addf %slice3A_103, %add3A_83 : vector<512x128xf32>
    %get3A_105 = arith.constant 0 : index
    %get3A_106 = arith.constant 0 : index
    %get3A_107 = vector.load %arg4[%get3A_105, %get3A_106] : memref<512x8xf32, #tpu.memory_space<vmem>>, vector<512x8xf32>
    %get3A_108 = arith.constant 2 : index
    %get3A_109 = arith.constant 0 : index
    %get3A_110 = arith.constant 0 : index
    %get3A_111 = vector.load %arg3[%get3A_108, %get3A_109, %get3A_110] : memref<3x512x128xf32, #tpu.memory_space<vmem>>, vector<1x512x128xf32>
    %get3A_112 = vector.shape_cast %get3A_111 : vector<1x512x128xf32> to vector<512x128xf32>
    %slice3A_113 = vector.extract_strided_slice %get3A_112 {offsets = [0, 0], sizes = [512, 8], strides = [1, 1]} : vector<512x128xf32> to vector<512x8xf32>
    %sub3A_114 = arith.subf %get3A_107, %slice3A_113 : vector<512x8xf32>
    %dot_general3A_115 = arith.constant dense<0.000000e+00> : vector<512x64xf32>
    %dot_general3A_116 = tpu.matmul %sub3A_114, %get3A_4, %dot_general3A_115 {dimension_numbers = #tpu.dot_dimension_numbers<[1], [0], [0], [1], [0, 0, 1, 1], [], []>, transpose_lhs_hint = false} : vector<512x8xf32>, vector<8x64xf32>, vector<512x64xf32> -> vector<512x64xf32>
    %add3A_117 = vector.broadcast %get3A_7 : vector<1x64xf32> to vector<512x64xf32>
    %add3A_118 = arith.addf %dot_general3A_116, %add3A_117 : vector<512x64xf32>
    %max3A_119 = arith.constant 0.000000e+00 : f32
    %max3A_120 = vector.broadcast %max3A_119 : f32 to vector<512x64xf32>
    %max3A_121 = arith.maximumf %add3A_118, %max3A_120 : vector<512x64xf32>
    %dot_general3A_122 = arith.constant dense<0.000000e+00> : vector<512x128xf32>
    %dot_general3A_123 = tpu.matmul %max3A_121, %get3A_10, %dot_general3A_122 {dimension_numbers = #tpu.dot_dimension_numbers<[1], [0], [0], [1], [0, 0, 1, 1], [], []>, transpose_lhs_hint = false} : vector<512x64xf32>, vector<64x128xf32>, vector<512x128xf32> -> vector<512x128xf32>
    %add3A_124 = vector.broadcast %get3A_13 : vector<1x128xf32> to vector<512x128xf32>
    %add3A_125 = arith.addf %dot_general3A_123, %add3A_124 : vector<512x128xf32>
    %get3A_126 = arith.constant 2 : index
    %get3A_127 = arith.constant 0 : index
    %get3A_128 = arith.constant 0 : index
    %get3A_129 = vector.load %arg2[%get3A_126, %get3A_127, %get3A_128] : memref<3x512x256xf32, #tpu.memory_space<vmem>>, vector<1x512x256xf32>
    %get3A_130 = vector.shape_cast %get3A_129 : vector<1x512x256xf32> to vector<512x256xf32>
    %slice3A_131 = vector.extract_strided_slice %get3A_130 {offsets = [0, 0], sizes = [512, 128], strides = [1, 1]} : vector<512x256xf32> to vector<512x128xf32>
    %sub3A_132 = arith.subf %get3A_1, %slice3A_131 : vector<512x128xf32>
    %add3A_133 = arith.addf %sub3A_132, %add3A_125 : vector<512x128xf32>
    %dot_general3A_134 = arith.constant dense<0.000000e+00> : vector<512x512xf32>
    %dot_general3A_135 = tpu.matmul %add3A_133, %get3A_16, %dot_general3A_134 {dimension_numbers = #tpu.dot_dimension_numbers<[1], [0], [0], [1], [0, 0, 1, 1], [], []>, transpose_lhs_hint = false} : vector<512x128xf32>, vector<128x512xf32>, vector<512x512xf32> -> vector<512x512xf32>
    %add3A_136 = vector.broadcast %get3A_19 : vector<1x512xf32> to vector<512x512xf32>
    %add3A_137 = arith.addf %dot_general3A_135, %add3A_136 : vector<512x512xf32>
    %max3A_138 = arith.constant 0.000000e+00 : f32
    %max3A_139 = vector.broadcast %max3A_138 : f32 to vector<512x512xf32>
    %max3A_140 = arith.maximumf %add3A_137, %max3A_139 : vector<512x512xf32>
    %dot_general3A_141 = arith.constant dense<0.000000e+00> : vector<512x128xf32>
    %dot_general3A_142 = tpu.matmul %max3A_140, %get3A_22, %dot_general3A_141 {dimension_numbers = #tpu.dot_dimension_numbers<[1], [0], [0], [1], [0, 0, 1, 1], [], []>, transpose_lhs_hint = false} : vector<512x512xf32>, vector<512x128xf32>, vector<512x128xf32> -> vector<512x128xf32>
    %add3A_143 = vector.broadcast %get3A_25 : vector<1x128xf32> to vector<512x128xf32>
    %add3A_144 = arith.addf %dot_general3A_142, %add3A_143 : vector<512x128xf32>
    %slice3A_145 = vector.extract_strided_slice %get3A_130 {offsets = [0, 128], sizes = [512, 128], strides = [1, 1]} : vector<512x256xf32> to vector<512x128xf32>
    %add3A_146 = arith.addf %slice3A_145, %add3A_125 : vector<512x128xf32>
    %max3A_147 = arith.maximumf %add3A_60, %add3A_102 : vector<512x128xf32>
    %max3A_148 = arith.maximumf %max3A_147, %add3A_144 : vector<512x128xf32>
    %sub3A_149 = arith.subf %add3A_60, %max3A_148 : vector<512x128xf32>
    %exp3A = math.exp %sub3A_149 : vector<512x128xf32>
    %sub3A_150 = arith.subf %add3A_102, %max3A_148 : vector<512x128xf32>
    %exp3A_151 = math.exp %sub3A_150 : vector<512x128xf32>
    %sub3A_152 = arith.subf %add3A_144, %max3A_148 : vector<512x128xf32>
    %exp3A_153 = math.exp %sub3A_152 : vector<512x128xf32>
    %add3A_154 = arith.addf %exp3A, %exp3A_151 : vector<512x128xf32>
    %add3A_155 = arith.addf %add3A_154, %exp3A_153 : vector<512x128xf32>
    %mul3A = arith.mulf %exp3A, %add3A_62 : vector<512x128xf32>
    %mul3A_156 = arith.mulf %exp3A_151, %add3A_104 : vector<512x128xf32>
    %add3A_157 = arith.addf %mul3A, %mul3A_156 : vector<512x128xf32>
    %mul3A_158 = arith.mulf %exp3A_153, %add3A_146 : vector<512x128xf32>
    %add3A_159 = arith.addf %add3A_157, %mul3A_158 : vector<512x128xf32>
    %div3A = arith.divf %add3A_159, %add3A_155 : vector<512x128xf32>
    %get3A_160 = arith.constant 0 : index
    %get3A_161 = arith.constant 0 : index
    %get3A_162 = vector.load %arg13[%get3A_160, %get3A_161] : memref<128x128xf32, #tpu.memory_space<vmem>>, vector<128x128xf32>
    %dot_general3A_163 = arith.constant dense<0.000000e+00> : vector<512x128xf32>
    %dot_general3A_164 = tpu.matmul %div3A, %get3A_162, %dot_general3A_163 {dimension_numbers = #tpu.dot_dimension_numbers<[1], [0], [0], [1], [0, 0, 1, 1], [], []>, transpose_lhs_hint = false} : vector<512x128xf32>, vector<128x128xf32>, vector<512x128xf32> -> vector<512x128xf32>
    %swap3A = arith.constant 0 : index
    %swap3A_165 = arith.constant 0 : index
    %swap3A_166 = vector.load %arg16[%swap3A, %swap3A_165] : memref<512x128xf32, #tpu.memory_space<vmem>>, vector<512x128xf32>
    tpu.vector_store %arg16[%swap3A, %swap3A_165], %dot_general3A_164 {strides = array<i32>} : memref<512x128xf32, #tpu.memory_space<vmem>>, vector<512x128xf32>,
    %get3A_167 = arith.constant 0 : index
    %get3A_168 = arith.constant 0 : index
    %get3A_169 = vector.load %arg14[%get3A_167, %get3A_168] : memref<128x128xf32, #tpu.memory_space<vmem>>, vector<128x128xf32>
    %dot_general3A_170 = arith.constant dense<0.000000e+00> : vector<512x128xf32>
    %dot_general3A_171 = tpu.matmul %div3A, %get3A_169, %dot_general3A_170 {dimension_numbers = #tpu.dot_dimension_numbers<[1], [0], [0], [1], [0, 0, 1, 1], [], []>, transpose_lhs_hint = false} : vector<512x128xf32>, vector<128x128xf32>, vector<512x128xf32> -> vector<512x128xf32>
    %get3A_172 = arith.constant 0 : index
    %get3A_173 = arith.constant 0 : index
    %get3A_174 = vector.load %arg15[%get3A_172, %get3A_173] : memref<128x128xf32, #tpu.memory_space<vmem>>, vector<128x128xf32>
    %dot_general3A_175 = arith.constant dense<0.000000e+00> : vector<512x128xf32>
    %dot_general3A_176 = tpu.matmul %div3A, %get3A_174, %dot_general3A_175 {dimension_numbers = #tpu.dot_dimension_numbers<[1], [0], [0], [1], [0, 0, 1, 1], [], []>, transpose_lhs_hint = false} : vector<512x128xf32>, vector<128x128xf32>, vector<512x128xf32> -> vector<512x128xf32>
    %concatenate3A = tpu.concatenate %dot_general3A_171, %dot_general3A_176 in 1 : vector<512x128xf32>, vector<512x128xf32> -> vector<512x256xf32>
    %swap3A_177 = arith.constant 0 : index
    %swap3A_178 = arith.constant 0 : index
    %swap3A_179 = vector.load %arg17[%swap3A_177, %swap3A_178] : memref<512x256xf32, #tpu.memory_space<vmem>>, vector<512x256xf32>
    tpu.vector_store %arg17[%swap3A_177, %swap3A_178], %concatenate3A {strides = array<i32>} : memref<512x256xf32, #tpu.memory_space<vmem>>, vector<512x256xf32>,
    %stack3A = vector.shape_cast %sub3A : vector<512x8xf32> to vector<1x512x8xf32>
    %stack3A_180 = vector.shape_cast %sub3A_72 : vector<512x8xf32> to vector<1x512x8xf32>
    %stack3A_181 = vector.shape_cast %sub3A_114 : vector<512x8xf32> to vector<1x512x8xf32>
    %stack3A_182 = tpu.concatenate %stack3A, %stack3A_180, %stack3A_181 in 0 : vector<1x512x8xf32>, vector<1x512x8xf32>, vector<1x512x8xf32> -> vector<3x512x8xf32>
    %swap3A_183 = arith.constant 0 : index
    %swap3A_184 = arith.constant 0 : index
    %swap3A_185 = arith.constant 0 : index
    %swap3A_186 = vector.load %arg18[%swap3A_183, %swap3A_184, %swap3A_185] : memref<3x512x8xf32, #tpu.memory_space<vmem>>, vector<3x512x8xf32>
    tpu.vector_store %arg18[%swap3A_183, %swap3A_184, %swap3A_185], %stack3A_182 {strides = array<i32>} : memref<3x512x8xf32, #tpu.memory_space<vmem>>, vector<3x512x8xf32>,
    return
  }
  func.func @transform_0(%arg0: i32) -> (i32, i32) {
    %c0_i32 = arith.constant 0 : i32
    %c0_i32_0 = arith.constant 0 : i32
    return %arg0, %c0_i32 : i32, i32
  }
  func.func @transform_1(%arg0: i32) -> (i32, i32, i32) {
    %c0_i32 = arith.constant 0 : i32
    %c0_i32_0 = arith.constant 0 : i32
    %c0_i32_1 = arith.constant 0 : i32
    return %c0_i32, %arg0, %c0_i32_0 : i32, i32, i32
  }
  func.func @transform_2(%arg0: i32) -> (i32, i32, i32) {
    %c0_i32 = arith.constant 0 : i32
    %c0_i32_0 = arith.constant 0 : i32
    %c0_i32_1 = arith.constant 0 : i32
    return %c0_i32, %arg0, %c0_i32_0 : i32, i32, i32
  }
  func.func @transform_3(%arg0: i32) -> (i32, i32) {
    %c0_i32 = arith.constant 0 : i32
    %c0_i32_0 = arith.constant 0 : i32
    return %arg0, %c0_i32 : i32, i32
  }
  func.func @transform_4(%arg0: i32) -> (i32, i32) {
    %c0_i32 = arith.constant 0 : i32
    %c0_i32_0 = arith.constant 0 : i32
    %c0_i32_1 = arith.constant 0 : i32
    return %c0_i32, %c0_i32_0 : i32, i32
  }
  func.func @transform_5(%arg0: i32) -> (i32, i32) {
    %c0_i32 = arith.constant 0 : i32
    %c0_i32_0 = arith.constant 0 : i32
    %c0_i32_1 = arith.constant 0 : i32
    return %c0_i32, %c0_i32_0 : i32, i32
  }
  func.func @transform_6(%arg0: i32) -> (i32, i32) {
    %c0_i32 = arith.constant 0 : i32
    %c0_i32_0 = arith.constant 0 : i32
    %c0_i32_1 = arith.constant 0 : i32
    return %c0_i32, %c0_i32_0 : i32, i32
  }
  func.func @transform_7(%arg0: i32) -> (i32, i32) {
    %c0_i32 = arith.constant 0 : i32
    %c0_i32_0 = arith.constant 0 : i32
    %c0_i32_1 = arith.constant 0 : i32
    return %c0_i32, %c0_i32_0 : i32, i32
  }
  func.func @transform_8(%arg0: i32) -> (i32, i32) {
    %c0_i32 = arith.constant 0 : i32
    %c0_i32_0 = arith.constant 0 : i32
    %c0_i32_1 = arith.constant 0 : i32
    return %c0_i32, %c0_i32_0 : i32, i32
  }
  func.func @transform_9(%arg0: i32) -> (i32, i32) {
    %c0_i32 = arith.constant 0 : i32
    %c0_i32_0 = arith.constant 0 : i32
    %c0_i32_1 = arith.constant 0 : i32
    return %c0_i32, %c0_i32_0 : i32, i32
  }
  func.func @transform_10(%arg0: i32) -> (i32, i32) {
    %c0_i32 = arith.constant 0 : i32
    %c0_i32_0 = arith.constant 0 : i32
    %c0_i32_1 = arith.constant 0 : i32
    return %c0_i32, %c0_i32_0 : i32, i32
  }
  func.func @transform_11(%arg0: i32) -> (i32, i32) {
    %c0_i32 = arith.constant 0 : i32
    %c0_i32_0 = arith.constant 0 : i32
    %c0_i32_1 = arith.constant 0 : i32
    return %c0_i32, %c0_i32_0 : i32, i32
  }
  func.func @transform_12(%arg0: i32) -> (i32, i32) {
    %c0_i32 = arith.constant 0 : i32
    %c0_i32_0 = arith.constant 0 : i32
    %c0_i32_1 = arith.constant 0 : i32
    return %c0_i32, %c0_i32_0 : i32, i32
  }
  func.func @transform_13(%arg0: i32) -> (i32, i32) {
    %c0_i32 = arith.constant 0 : i32
    %c0_i32_0 = arith.constant 0 : i32
    %c0_i32_1 = arith.constant 0 : i32
    return %c0_i32, %c0_i32_0 : i32, i32
  }
  func.func @transform_14(%arg0: i32) -> (i32, i32) {
    %c0_i32 = arith.constant 0 : i32
    %c0_i32_0 = arith.constant 0 : i32
    %c0_i32_1 = arith.constant 0 : i32
    return %c0_i32, %c0_i32_0 : i32, i32
  }
  func.func @transform_15(%arg0: i32) -> (i32, i32) {
    %c0_i32 = arith.constant 0 : i32
    %c0_i32_0 = arith.constant 0 : i32
    return %arg0, %c0_i32 : i32, i32
  }
  func.func @transform_16(%arg0: i32) -> (i32, i32) {
    %c0_i32 = arith.constant 0 : i32
    %c0_i32_0 = arith.constant 0 : i32
    return %arg0, %c0_i32 : i32, i32
  }
  func.func @transform_17(%arg0: i32) -> (i32, i32, i32) {
    %c0_i32 = arith.constant 0 : i32
    %c0_i32_0 = arith.constant 0 : i32
    %c0_i32_1 = arith.constant 0 : i32
    return %c0_i32, %arg0, %c0_i32_0 : i32, i32, i32
  }
}

module attributes {stable_mosaic.version = 14 : i64} {
  func.func @_layer_body(%arg0: i32, %arg1: memref<512x128xf32, #tpu.memory_space<vmem>>, %arg2: memref<3x512x256xf32, #tpu.memory_space<vmem>>, %arg3: memref<3x512x8xf32, #tpu.memory_space<vmem>>, %arg4: memref<8x64xf32, #tpu.memory_space<vmem>>, %arg5: memref<1x64xf32, #tpu.memory_space<vmem>>, %arg6: memref<64x128xf32, #tpu.memory_space<vmem>>, %arg7: memref<1x128xf32, #tpu.memory_space<vmem>>, %arg8: memref<128x512xf32, #tpu.memory_space<vmem>>, %arg9: memref<1x512xf32, #tpu.memory_space<vmem>>, %arg10: memref<512x128xf32, #tpu.memory_space<vmem>>, %arg11: memref<1x128xf32, #tpu.memory_space<vmem>>, %arg12: memref<128x128xf32, #tpu.memory_space<vmem>>, %arg13: memref<128x128xf32, #tpu.memory_space<vmem>>, %arg14: memref<128x128xf32, #tpu.memory_space<vmem>>, %arg15: memref<512x128xf32, #tpu.memory_space<vmem>>, %arg16: memref<512x256xf32, #tpu.memory_space<vmem>>) attributes {dimension_semantics = [#tpu.dimension_semantics<arbitrary>], iteration_bounds = array<i64: 4>, scalar_prefetch = 0 : i64, scratch_operands = 0 : i64, tpu.core_type = #tpu.core_type<tc>, window_params = [{transform_indices = @transform_0, window_bounds = array<i64: 512, 128>}, {transform_indices = @transform_1, window_bounds = array<i64: 3, 512, 256>}, {transform_indices = @transform_2, window_bounds = array<i64: 3, 512, 8>}, {pipeline_mode = #tpu.pipeline_mode<synchronous>, transform_indices = @transform_3, window_bounds = array<i64: 8, 64>}, {pipeline_mode = #tpu.pipeline_mode<synchronous>, transform_indices = @transform_4, window_bounds = array<i64: 1, 64>}, {pipeline_mode = #tpu.pipeline_mode<synchronous>, transform_indices = @transform_5, window_bounds = array<i64: 64, 128>}, {pipeline_mode = #tpu.pipeline_mode<synchronous>, transform_indices = @transform_6, window_bounds = array<i64: 1, 128>}, {pipeline_mode = #tpu.pipeline_mode<synchronous>, transform_indices = @transform_7, window_bounds = array<i64: 128, 512>}, {pipeline_mode = #tpu.pipeline_mode<synchronous>, transform_indices = @transform_8, window_bounds = array<i64: 1, 512>}, {pipeline_mode = #tpu.pipeline_mode<synchronous>, transform_indices = @transform_9, window_bounds = array<i64: 512, 128>}, {pipeline_mode = #tpu.pipeline_mode<synchronous>, transform_indices = @transform_10, window_bounds = array<i64: 1, 128>}, {pipeline_mode = #tpu.pipeline_mode<synchronous>, transform_indices = @transform_11, window_bounds = array<i64: 128, 128>}, {pipeline_mode = #tpu.pipeline_mode<synchronous>, transform_indices = @transform_12, window_bounds = array<i64: 128, 128>}, {pipeline_mode = #tpu.pipeline_mode<synchronous>, transform_indices = @transform_13, window_bounds = array<i64: 128, 128>}, {transform_indices = @transform_14, window_bounds = array<i64: 512, 128>}, {transform_indices = @transform_15, window_bounds = array<i64: 512, 256>}]} {
    %get3A = arith.constant 0 : index
    %get3A_0 = arith.constant 0 : index
    %get3A_1 = vector.load %arg1[%get3A, %get3A_0] : memref<512x128xf32, #tpu.memory_space<vmem>>, vector<512x128xf32>
    %get3A_2 = arith.constant 0 : index
    %get3A_3 = arith.constant 0 : index
    %get3A_4 = vector.load %arg4[%get3A_2, %get3A_3] : memref<8x64xf32, #tpu.memory_space<vmem>>, vector<8x64xf32>
    %get3A_5 = arith.constant 0 : index
    %get3A_6 = arith.constant 0 : index
    %get3A_7 = vector.load %arg5[%get3A_5, %get3A_6] : memref<1x64xf32, #tpu.memory_space<vmem>>, vector<1x64xf32>
    %get3A_8 = arith.constant 0 : index
    %get3A_9 = arith.constant 0 : index
    %get3A_10 = vector.load %arg6[%get3A_8, %get3A_9] : memref<64x128xf32, #tpu.memory_space<vmem>>, vector<64x128xf32>
    %get3A_11 = arith.constant 0 : index
    %get3A_12 = arith.constant 0 : index
    %get3A_13 = vector.load %arg7[%get3A_11, %get3A_12] : memref<1x128xf32, #tpu.memory_space<vmem>>, vector<1x128xf32>
    %get3A_14 = arith.constant 0 : index
    %get3A_15 = arith.constant 0 : index
    %get3A_16 = vector.load %arg8[%get3A_14, %get3A_15] : memref<128x512xf32, #tpu.memory_space<vmem>>, vector<128x512xf32>
    %get3A_17 = arith.constant 0 : index
    %get3A_18 = arith.constant 0 : index
    %get3A_19 = vector.load %arg9[%get3A_17, %get3A_18] : memref<1x512xf32, #tpu.memory_space<vmem>>, vector<1x512xf32>
    %get3A_20 = arith.constant 0 : index
    %get3A_21 = arith.constant 0 : index
    %get3A_22 = vector.load %arg10[%get3A_20, %get3A_21] : memref<512x128xf32, #tpu.memory_space<vmem>>, vector<512x128xf32>
    %get3A_23 = arith.constant 0 : index
    %get3A_24 = arith.constant 0 : index
    %get3A_25 = vector.load %arg11[%get3A_23, %get3A_24] : memref<1x128xf32, #tpu.memory_space<vmem>>, vector<1x128xf32>
    %get3A_26 = arith.constant 0 : index
    %get3A_27 = arith.constant 0 : index
    %get3A_28 = arith.constant 0 : index
    %get3A_29 = vector.load %arg3[%get3A_26, %get3A_27, %get3A_28] : memref<3x512x8xf32, #tpu.memory_space<vmem>>, vector<1x512x8xf32>
    %get3A_30 = vector.shape_cast %get3A_29 : vector<1x512x8xf32> to vector<512x8xf32>
    %dot_general3A = arith.constant dense<0.000000e+00> : vector<512x64xf32>
    %dot_general3A_31 = tpu.matmul %get3A_30, %get3A_4, %dot_general3A {dimension_numbers = #tpu.dot_dimension_numbers<[1], [0], [0], [1], [0, 0, 1, 1], [], []>, transpose_lhs_hint = false} : vector<512x8xf32>, vector<8x64xf32>, vector<512x64xf32> -> vector<512x64xf32>
    %add3A = vector.broadcast %get3A_7 : vector<1x64xf32> to vector<512x64xf32>
    %add3A_32 = arith.addf %dot_general3A_31, %add3A : vector<512x64xf32>
    %max3A = arith.constant 0.000000e+00 : f32
    %max3A_33 = vector.broadcast %max3A : f32 to vector<512x64xf32>
    %max3A_34 = arith.maximumf %add3A_32, %max3A_33 : vector<512x64xf32>
    %dot_general3A_35 = arith.constant dense<0.000000e+00> : vector<512x128xf32>
    %dot_general3A_36 = tpu.matmul %max3A_34, %get3A_10, %dot_general3A_35 {dimension_numbers = #tpu.dot_dimension_numbers<[1], [0], [0], [1], [0, 0, 1, 1], [], []>, transpose_lhs_hint = false} : vector<512x64xf32>, vector<64x128xf32>, vector<512x128xf32> -> vector<512x128xf32>
    %add3A_37 = vector.broadcast %get3A_13 : vector<1x128xf32> to vector<512x128xf32>
    %add3A_38 = arith.addf %dot_general3A_36, %add3A_37 : vector<512x128xf32>
    %get3A_39 = arith.constant 0 : index
    %get3A_40 = arith.constant 0 : index
    %get3A_41 = arith.constant 0 : index
    %get3A_42 = vector.load %arg2[%get3A_39, %get3A_40, %get3A_41] : memref<3x512x256xf32, #tpu.memory_space<vmem>>, vector<1x512x256xf32>
    %get3A_43 = vector.shape_cast %get3A_42 : vector<1x512x256xf32> to vector<512x256xf32>
    %slice3A = vector.extract_strided_slice %get3A_43 {offsets = [0, 0], sizes = [512, 128], strides = [1, 1]} : vector<512x256xf32> to vector<512x128xf32>
    %sub3A = arith.subf %get3A_1, %slice3A : vector<512x128xf32>
    %add3A_44 = arith.addf %sub3A, %add3A_38 : vector<512x128xf32>
    %dot_general3A_45 = arith.constant dense<0.000000e+00> : vector<512x512xf32>
    %dot_general3A_46 = tpu.matmul %add3A_44, %get3A_16, %dot_general3A_45 {dimension_numbers = #tpu.dot_dimension_numbers<[1], [0], [0], [1], [0, 0, 1, 1], [], []>, transpose_lhs_hint = false} : vector<512x128xf32>, vector<128x512xf32>, vector<512x512xf32> -> vector<512x512xf32>
    %add3A_47 = vector.broadcast %get3A_19 : vector<1x512xf32> to vector<512x512xf32>
    %add3A_48 = arith.addf %dot_general3A_46, %add3A_47 : vector<512x512xf32>
    %max3A_49 = arith.constant 0.000000e+00 : f32
    %max3A_50 = vector.broadcast %max3A_49 : f32 to vector<512x512xf32>
    %max3A_51 = arith.maximumf %add3A_48, %max3A_50 : vector<512x512xf32>
    %dot_general3A_52 = arith.constant dense<0.000000e+00> : vector<512x128xf32>
    %dot_general3A_53 = tpu.matmul %max3A_51, %get3A_22, %dot_general3A_52 {dimension_numbers = #tpu.dot_dimension_numbers<[1], [0], [0], [1], [0, 0, 1, 1], [], []>, transpose_lhs_hint = false} : vector<512x512xf32>, vector<512x128xf32>, vector<512x128xf32> -> vector<512x128xf32>
    %add3A_54 = vector.broadcast %get3A_25 : vector<1x128xf32> to vector<512x128xf32>
    %add3A_55 = arith.addf %dot_general3A_53, %add3A_54 : vector<512x128xf32>
    %slice3A_56 = vector.extract_strided_slice %get3A_43 {offsets = [0, 128], sizes = [512, 128], strides = [1, 1]} : vector<512x256xf32> to vector<512x128xf32>
    %add3A_57 = arith.addf %slice3A_56, %add3A_38 : vector<512x128xf32>
    %get3A_58 = arith.constant 1 : index
    %get3A_59 = arith.constant 0 : index
    %get3A_60 = arith.constant 0 : index
    %get3A_61 = vector.load %arg3[%get3A_58, %get3A_59, %get3A_60] : memref<3x512x8xf32, #tpu.memory_space<vmem>>, vector<1x512x8xf32>
    %get3A_62 = vector.shape_cast %get3A_61 : vector<1x512x8xf32> to vector<512x8xf32>
    %dot_general3A_63 = arith.constant dense<0.000000e+00> : vector<512x64xf32>
    %dot_general3A_64 = tpu.matmul %get3A_62, %get3A_4, %dot_general3A_63 {dimension_numbers = #tpu.dot_dimension_numbers<[1], [0], [0], [1], [0, 0, 1, 1], [], []>, transpose_lhs_hint = false} : vector<512x8xf32>, vector<8x64xf32>, vector<512x64xf32> -> vector<512x64xf32>
    %add3A_65 = vector.broadcast %get3A_7 : vector<1x64xf32> to vector<512x64xf32>
    %add3A_66 = arith.addf %dot_general3A_64, %add3A_65 : vector<512x64xf32>
    %max3A_67 = arith.constant 0.000000e+00 : f32
    %max3A_68 = vector.broadcast %max3A_67 : f32 to vector<512x64xf32>
    %max3A_69 = arith.maximumf %add3A_66, %max3A_68 : vector<512x64xf32>
    %dot_general3A_70 = arith.constant dense<0.000000e+00> : vector<512x128xf32>
    %dot_general3A_71 = tpu.matmul %max3A_69, %get3A_10, %dot_general3A_70 {dimension_numbers = #tpu.dot_dimension_numbers<[1], [0], [0], [1], [0, 0, 1, 1], [], []>, transpose_lhs_hint = false} : vector<512x64xf32>, vector<64x128xf32>, vector<512x128xf32> -> vector<512x128xf32>
    %add3A_72 = vector.broadcast %get3A_13 : vector<1x128xf32> to vector<512x128xf32>
    %add3A_73 = arith.addf %dot_general3A_71, %add3A_72 : vector<512x128xf32>
    %get3A_74 = arith.constant 1 : index
    %get3A_75 = arith.constant 0 : index
    %get3A_76 = arith.constant 0 : index
    %get3A_77 = vector.load %arg2[%get3A_74, %get3A_75, %get3A_76] : memref<3x512x256xf32, #tpu.memory_space<vmem>>, vector<1x512x256xf32>
    %get3A_78 = vector.shape_cast %get3A_77 : vector<1x512x256xf32> to vector<512x256xf32>
    %slice3A_79 = vector.extract_strided_slice %get3A_78 {offsets = [0, 0], sizes = [512, 128], strides = [1, 1]} : vector<512x256xf32> to vector<512x128xf32>
    %sub3A_80 = arith.subf %get3A_1, %slice3A_79 : vector<512x128xf32>
    %add3A_81 = arith.addf %sub3A_80, %add3A_73 : vector<512x128xf32>
    %dot_general3A_82 = arith.constant dense<0.000000e+00> : vector<512x512xf32>
    %dot_general3A_83 = tpu.matmul %add3A_81, %get3A_16, %dot_general3A_82 {dimension_numbers = #tpu.dot_dimension_numbers<[1], [0], [0], [1], [0, 0, 1, 1], [], []>, transpose_lhs_hint = false} : vector<512x128xf32>, vector<128x512xf32>, vector<512x512xf32> -> vector<512x512xf32>
    %add3A_84 = vector.broadcast %get3A_19 : vector<1x512xf32> to vector<512x512xf32>
    %add3A_85 = arith.addf %dot_general3A_83, %add3A_84 : vector<512x512xf32>
    %max3A_86 = arith.constant 0.000000e+00 : f32
    %max3A_87 = vector.broadcast %max3A_86 : f32 to vector<512x512xf32>
    %max3A_88 = arith.maximumf %add3A_85, %max3A_87 : vector<512x512xf32>
    %dot_general3A_89 = arith.constant dense<0.000000e+00> : vector<512x128xf32>
    %dot_general3A_90 = tpu.matmul %max3A_88, %get3A_22, %dot_general3A_89 {dimension_numbers = #tpu.dot_dimension_numbers<[1], [0], [0], [1], [0, 0, 1, 1], [], []>, transpose_lhs_hint = false} : vector<512x512xf32>, vector<512x128xf32>, vector<512x128xf32> -> vector<512x128xf32>
    %add3A_91 = vector.broadcast %get3A_25 : vector<1x128xf32> to vector<512x128xf32>
    %add3A_92 = arith.addf %dot_general3A_90, %add3A_91 : vector<512x128xf32>
    %slice3A_93 = vector.extract_strided_slice %get3A_78 {offsets = [0, 128], sizes = [512, 128], strides = [1, 1]} : vector<512x256xf32> to vector<512x128xf32>
    %add3A_94 = arith.addf %slice3A_93, %add3A_73 : vector<512x128xf32>
    %get3A_95 = arith.constant 2 : index
    %get3A_96 = arith.constant 0 : index
    %get3A_97 = arith.constant 0 : index
    %get3A_98 = vector.load %arg3[%get3A_95, %get3A_96, %get3A_97] : memref<3x512x8xf32, #tpu.memory_space<vmem>>, vector<1x512x8xf32>
    %get3A_99 = vector.shape_cast %get3A_98 : vector<1x512x8xf32> to vector<512x8xf32>
    %dot_general3A_100 = arith.constant dense<0.000000e+00> : vector<512x64xf32>
    %dot_general3A_101 = tpu.matmul %get3A_99, %get3A_4, %dot_general3A_100 {dimension_numbers = #tpu.dot_dimension_numbers<[1], [0], [0], [1], [0, 0, 1, 1], [], []>, transpose_lhs_hint = false} : vector<512x8xf32>, vector<8x64xf32>, vector<512x64xf32> -> vector<512x64xf32>
    %add3A_102 = vector.broadcast %get3A_7 : vector<1x64xf32> to vector<512x64xf32>
    %add3A_103 = arith.addf %dot_general3A_101, %add3A_102 : vector<512x64xf32>
    %max3A_104 = arith.constant 0.000000e+00 : f32
    %max3A_105 = vector.broadcast %max3A_104 : f32 to vector<512x64xf32>
    %max3A_106 = arith.maximumf %add3A_103, %max3A_105 : vector<512x64xf32>
    %dot_general3A_107 = arith.constant dense<0.000000e+00> : vector<512x128xf32>
    %dot_general3A_108 = tpu.matmul %max3A_106, %get3A_10, %dot_general3A_107 {dimension_numbers = #tpu.dot_dimension_numbers<[1], [0], [0], [1], [0, 0, 1, 1], [], []>, transpose_lhs_hint = false} : vector<512x64xf32>, vector<64x128xf32>, vector<512x128xf32> -> vector<512x128xf32>
    %add3A_109 = vector.broadcast %get3A_13 : vector<1x128xf32> to vector<512x128xf32>
    %add3A_110 = arith.addf %dot_general3A_108, %add3A_109 : vector<512x128xf32>
    %get3A_111 = arith.constant 2 : index
    %get3A_112 = arith.constant 0 : index
    %get3A_113 = arith.constant 0 : index
    %get3A_114 = vector.load %arg2[%get3A_111, %get3A_112, %get3A_113] : memref<3x512x256xf32, #tpu.memory_space<vmem>>, vector<1x512x256xf32>
    %get3A_115 = vector.shape_cast %get3A_114 : vector<1x512x256xf32> to vector<512x256xf32>
    %slice3A_116 = vector.extract_strided_slice %get3A_115 {offsets = [0, 0], sizes = [512, 128], strides = [1, 1]} : vector<512x256xf32> to vector<512x128xf32>
    %sub3A_117 = arith.subf %get3A_1, %slice3A_116 : vector<512x128xf32>
    %add3A_118 = arith.addf %sub3A_117, %add3A_110 : vector<512x128xf32>
    %dot_general3A_119 = arith.constant dense<0.000000e+00> : vector<512x512xf32>
    %dot_general3A_120 = tpu.matmul %add3A_118, %get3A_16, %dot_general3A_119 {dimension_numbers = #tpu.dot_dimension_numbers<[1], [0], [0], [1], [0, 0, 1, 1], [], []>, transpose_lhs_hint = false} : vector<512x128xf32>, vector<128x512xf32>, vector<512x512xf32> -> vector<512x512xf32>
    %add3A_121 = vector.broadcast %get3A_19 : vector<1x512xf32> to vector<512x512xf32>
    %add3A_122 = arith.addf %dot_general3A_120, %add3A_121 : vector<512x512xf32>
    %max3A_123 = arith.constant 0.000000e+00 : f32
    %max3A_124 = vector.broadcast %max3A_123 : f32 to vector<512x512xf32>
    %max3A_125 = arith.maximumf %add3A_122, %max3A_124 : vector<512x512xf32>
    %dot_general3A_126 = arith.constant dense<0.000000e+00> : vector<512x128xf32>
    %dot_general3A_127 = tpu.matmul %max3A_125, %get3A_22, %dot_general3A_126 {dimension_numbers = #tpu.dot_dimension_numbers<[1], [0], [0], [1], [0, 0, 1, 1], [], []>, transpose_lhs_hint = false} : vector<512x512xf32>, vector<512x128xf32>, vector<512x128xf32> -> vector<512x128xf32>
    %add3A_128 = vector.broadcast %get3A_25 : vector<1x128xf32> to vector<512x128xf32>
    %add3A_129 = arith.addf %dot_general3A_127, %add3A_128 : vector<512x128xf32>
    %slice3A_130 = vector.extract_strided_slice %get3A_115 {offsets = [0, 128], sizes = [512, 128], strides = [1, 1]} : vector<512x256xf32> to vector<512x128xf32>
    %add3A_131 = arith.addf %slice3A_130, %add3A_110 : vector<512x128xf32>
    %max3A_132 = arith.maximumf %add3A_55, %add3A_92 : vector<512x128xf32>
    %max3A_133 = arith.maximumf %max3A_132, %add3A_129 : vector<512x128xf32>
    %sub3A_134 = arith.subf %add3A_55, %max3A_133 : vector<512x128xf32>
    %exp3A = math.exp %sub3A_134 : vector<512x128xf32>
    %sub3A_135 = arith.subf %add3A_92, %max3A_133 : vector<512x128xf32>
    %exp3A_136 = math.exp %sub3A_135 : vector<512x128xf32>
    %sub3A_137 = arith.subf %add3A_129, %max3A_133 : vector<512x128xf32>
    %exp3A_138 = math.exp %sub3A_137 : vector<512x128xf32>
    %add3A_139 = arith.addf %exp3A, %exp3A_136 : vector<512x128xf32>
    %add3A_140 = arith.addf %add3A_139, %exp3A_138 : vector<512x128xf32>
    %mul3A = arith.mulf %exp3A, %add3A_57 : vector<512x128xf32>
    %mul3A_141 = arith.mulf %exp3A_136, %add3A_94 : vector<512x128xf32>
    %add3A_142 = arith.addf %mul3A, %mul3A_141 : vector<512x128xf32>
    %mul3A_143 = arith.mulf %exp3A_138, %add3A_131 : vector<512x128xf32>
    %add3A_144 = arith.addf %add3A_142, %mul3A_143 : vector<512x128xf32>
    %div3A = arith.divf %add3A_144, %add3A_140 : vector<512x128xf32>
    %get3A_145 = arith.constant 0 : index
    %get3A_146 = arith.constant 0 : index
    %get3A_147 = vector.load %arg12[%get3A_145, %get3A_146] : memref<128x128xf32, #tpu.memory_space<vmem>>, vector<128x128xf32>
    %dot_general3A_148 = arith.constant dense<0.000000e+00> : vector<512x128xf32>
    %dot_general3A_149 = tpu.matmul %div3A, %get3A_147, %dot_general3A_148 {dimension_numbers = #tpu.dot_dimension_numbers<[1], [0], [0], [1], [0, 0, 1, 1], [], []>, transpose_lhs_hint = false} : vector<512x128xf32>, vector<128x128xf32>, vector<512x128xf32> -> vector<512x128xf32>
    %swap3A = arith.constant 0 : index
    %swap3A_150 = arith.constant 0 : index
    %swap3A_151 = vector.load %arg15[%swap3A, %swap3A_150] : memref<512x128xf32, #tpu.memory_space<vmem>>, vector<512x128xf32>
    tpu.vector_store %arg15[%swap3A, %swap3A_150], %dot_general3A_149 {strides = array<i32>} : memref<512x128xf32, #tpu.memory_space<vmem>>, vector<512x128xf32>,
    %get3A_152 = arith.constant 0 : index
    %get3A_153 = arith.constant 0 : index
    %get3A_154 = vector.load %arg13[%get3A_152, %get3A_153] : memref<128x128xf32, #tpu.memory_space<vmem>>, vector<128x128xf32>
    %dot_general3A_155 = arith.constant dense<0.000000e+00> : vector<512x128xf32>
    %dot_general3A_156 = tpu.matmul %div3A, %get3A_154, %dot_general3A_155 {dimension_numbers = #tpu.dot_dimension_numbers<[1], [0], [0], [1], [0, 0, 1, 1], [], []>, transpose_lhs_hint = false} : vector<512x128xf32>, vector<128x128xf32>, vector<512x128xf32> -> vector<512x128xf32>
    %get3A_157 = arith.constant 0 : index
    %get3A_158 = arith.constant 0 : index
    %get3A_159 = vector.load %arg14[%get3A_157, %get3A_158] : memref<128x128xf32, #tpu.memory_space<vmem>>, vector<128x128xf32>
    %dot_general3A_160 = arith.constant dense<0.000000e+00> : vector<512x128xf32>
    %dot_general3A_161 = tpu.matmul %div3A, %get3A_159, %dot_general3A_160 {dimension_numbers = #tpu.dot_dimension_numbers<[1], [0], [0], [1], [0, 0, 1, 1], [], []>, transpose_lhs_hint = false} : vector<512x128xf32>, vector<128x128xf32>, vector<512x128xf32> -> vector<512x128xf32>
    %concatenate3A = tpu.concatenate %dot_general3A_156, %dot_general3A_161 in 1 : vector<512x128xf32>, vector<512x128xf32> -> vector<512x256xf32>
    %swap3A_162 = arith.constant 0 : index
    %swap3A_163 = arith.constant 0 : index
    %swap3A_164 = vector.load %arg16[%swap3A_162, %swap3A_163] : memref<512x256xf32, #tpu.memory_space<vmem>>, vector<512x256xf32>
    tpu.vector_store %arg16[%swap3A_162, %swap3A_163], %concatenate3A {strides = array<i32>} : memref<512x256xf32, #tpu.memory_space<vmem>>, vector<512x256xf32>,
    return
  }
  func.func @transform_0(%arg0: i32) -> (i32, i32) {
    %c0_i32 = arith.constant 0 : i32
    %c0_i32_0 = arith.constant 0 : i32
    return %arg0, %c0_i32 : i32, i32
  }
  func.func @transform_1(%arg0: i32) -> (i32, i32, i32) {
    %c0_i32 = arith.constant 0 : i32
    %c0_i32_0 = arith.constant 0 : i32
    %c0_i32_1 = arith.constant 0 : i32
    return %c0_i32, %arg0, %c0_i32_0 : i32, i32, i32
  }
  func.func @transform_2(%arg0: i32) -> (i32, i32, i32) {
    %c0_i32 = arith.constant 0 : i32
    %c0_i32_0 = arith.constant 0 : i32
    %c0_i32_1 = arith.constant 0 : i32
    return %c0_i32, %arg0, %c0_i32_0 : i32, i32, i32
  }
  func.func @transform_3(%arg0: i32) -> (i32, i32) {
    %c0_i32 = arith.constant 0 : i32
    %c0_i32_0 = arith.constant 0 : i32
    %c0_i32_1 = arith.constant 0 : i32
    return %c0_i32, %c0_i32_0 : i32, i32
  }
  func.func @transform_4(%arg0: i32) -> (i32, i32) {
    %c0_i32 = arith.constant 0 : i32
    %c0_i32_0 = arith.constant 0 : i32
    %c0_i32_1 = arith.constant 0 : i32
    return %c0_i32, %c0_i32_0 : i32, i32
  }
  func.func @transform_5(%arg0: i32) -> (i32, i32) {
    %c0_i32 = arith.constant 0 : i32
    %c0_i32_0 = arith.constant 0 : i32
    %c0_i32_1 = arith.constant 0 : i32
    return %c0_i32, %c0_i32_0 : i32, i32
  }
  func.func @transform_6(%arg0: i32) -> (i32, i32) {
    %c0_i32 = arith.constant 0 : i32
    %c0_i32_0 = arith.constant 0 : i32
    %c0_i32_1 = arith.constant 0 : i32
    return %c0_i32, %c0_i32_0 : i32, i32
  }
  func.func @transform_7(%arg0: i32) -> (i32, i32) {
    %c0_i32 = arith.constant 0 : i32
    %c0_i32_0 = arith.constant 0 : i32
    %c0_i32_1 = arith.constant 0 : i32
    return %c0_i32, %c0_i32_0 : i32, i32
  }
  func.func @transform_8(%arg0: i32) -> (i32, i32) {
    %c0_i32 = arith.constant 0 : i32
    %c0_i32_0 = arith.constant 0 : i32
    %c0_i32_1 = arith.constant 0 : i32
    return %c0_i32, %c0_i32_0 : i32, i32
  }
  func.func @transform_9(%arg0: i32) -> (i32, i32) {
    %c0_i32 = arith.constant 0 : i32
    %c0_i32_0 = arith.constant 0 : i32
    %c0_i32_1 = arith.constant 0 : i32
    return %c0_i32, %c0_i32_0 : i32, i32
  }
  func.func @transform_10(%arg0: i32) -> (i32, i32) {
    %c0_i32 = arith.constant 0 : i32
    %c0_i32_0 = arith.constant 0 : i32
    %c0_i32_1 = arith.constant 0 : i32
    return %c0_i32, %c0_i32_0 : i32, i32
  }
  func.func @transform_11(%arg0: i32) -> (i32, i32) {
    %c0_i32 = arith.constant 0 : i32
    %c0_i32_0 = arith.constant 0 : i32
    %c0_i32_1 = arith.constant 0 : i32
    return %c0_i32, %c0_i32_0 : i32, i32
  }
  func.func @transform_12(%arg0: i32) -> (i32, i32) {
    %c0_i32 = arith.constant 0 : i32
    %c0_i32_0 = arith.constant 0 : i32
    %c0_i32_1 = arith.constant 0 : i32
    return %c0_i32, %c0_i32_0 : i32, i32
  }
  func.func @transform_13(%arg0: i32) -> (i32, i32) {
    %c0_i32 = arith.constant 0 : i32
    %c0_i32_0 = arith.constant 0 : i32
    %c0_i32_1 = arith.constant 0 : i32
    return %c0_i32, %c0_i32_0 : i32, i32
  }
  func.func @transform_14(%arg0: i32) -> (i32, i32) {
    %c0_i32 = arith.constant 0 : i32
    %c0_i32_0 = arith.constant 0 : i32
    return %arg0, %c0_i32 : i32, i32
  }
  func.func @transform_15(%arg0: i32) -> (i32, i32) {
    %c0_i32 = arith.constant 0 : i32
    %c0_i32_0 = arith.constant 0 : i32
    return %arg0, %c0_i32 : i32, i32
  }
}

module attributes {stable_mosaic.version = 14 : i64} {
  func.func @_layer_body(%arg0: i32, %arg1: memref<512x128xf32, #tpu.memory_space<vmem>>, %arg2: memref<3x512x256xf32, #tpu.memory_space<vmem>>, %arg3: memref<3x512x8xf32, #tpu.memory_space<vmem>>, %arg4: memref<8x64xf32, #tpu.memory_space<vmem>>, %arg5: memref<1x64xf32, #tpu.memory_space<vmem>>, %arg6: memref<64x128xf32, #tpu.memory_space<vmem>>, %arg7: memref<1x128xf32, #tpu.memory_space<vmem>>, %arg8: memref<128x512xf32, #tpu.memory_space<vmem>>, %arg9: memref<1x512xf32, #tpu.memory_space<vmem>>, %arg10: memref<512x128xf32, #tpu.memory_space<vmem>>, %arg11: memref<1x128xf32, #tpu.memory_space<vmem>>, %arg12: memref<128x128xf32, #tpu.memory_space<vmem>>, %arg13: memref<1x128xf32, #tpu.memory_space<vmem>>, %arg14: memref<1x1x128xf32, #tpu.memory_space<vmem>>, %arg15: memref<1x1x128xf32, #tpu.memory_space<vmem>>) attributes {dimension_semantics = [#tpu.dimension_semantics<arbitrary>], iteration_bounds = array<i64: 4>, scalar_prefetch = 0 : i64, scratch_operands = 0 : i64, tpu.core_type = #tpu.core_type<tc>, window_params = [{transform_indices = @transform_0, window_bounds = array<i64: 512, 128>}, {transform_indices = @transform_1, window_bounds = array<i64: 3, 512, 256>}, {transform_indices = @transform_2, window_bounds = array<i64: 3, 512, 8>}, {pipeline_mode = #tpu.pipeline_mode<synchronous>, transform_indices = @transform_3, window_bounds = array<i64: 8, 64>}, {pipeline_mode = #tpu.pipeline_mode<synchronous>, transform_indices = @transform_4, window_bounds = array<i64: 1, 64>}, {pipeline_mode = #tpu.pipeline_mode<synchronous>, transform_indices = @transform_5, window_bounds = array<i64: 64, 128>}, {pipeline_mode = #tpu.pipeline_mode<synchronous>, transform_indices = @transform_6, window_bounds = array<i64: 1, 128>}, {pipeline_mode = #tpu.pipeline_mode<synchronous>, transform_indices = @transform_7, window_bounds = array<i64: 128, 512>}, {pipeline_mode = #tpu.pipeline_mode<synchronous>, transform_indices = @transform_8, window_bounds = array<i64: 1, 512>}, {pipeline_mode = #tpu.pipeline_mode<synchronous>, transform_indices = @transform_9, window_bounds = array<i64: 512, 128>}, {pipeline_mode = #tpu.pipeline_mode<synchronous>, transform_indices = @transform_10, window_bounds = array<i64: 1, 128>}, {pipeline_mode = #tpu.pipeline_mode<synchronous>, transform_indices = @transform_11, window_bounds = array<i64: 128, 128>}, {pipeline_mode = #tpu.pipeline_mode<synchronous>, transform_indices = @transform_12, window_bounds = array<i64: 1, 128>}, {pipeline_mode = #tpu.pipeline_mode<synchronous>, transform_indices = @transform_13, window_bounds = array<i64: 1, 1, 128>}, {pipeline_mode = #tpu.pipeline_mode<synchronous>, transform_indices = @transform_14, window_bounds = array<i64: 1, 1, 128>}]} {
    %get3A = arith.constant 0 : index
    %get3A_0 = arith.constant 0 : index
    %get3A_1 = vector.load %arg1[%get3A, %get3A_0] : memref<512x128xf32, #tpu.memory_space<vmem>>, vector<512x128xf32>
    %get3A_2 = arith.constant 0 : index
    %get3A_3 = arith.constant 0 : index
    %get3A_4 = vector.load %arg4[%get3A_2, %get3A_3] : memref<8x64xf32, #tpu.memory_space<vmem>>, vector<8x64xf32>
    %get3A_5 = arith.constant 0 : index
    %get3A_6 = arith.constant 0 : index
    %get3A_7 = vector.load %arg5[%get3A_5, %get3A_6] : memref<1x64xf32, #tpu.memory_space<vmem>>, vector<1x64xf32>
    %get3A_8 = arith.constant 0 : index
    %get3A_9 = arith.constant 0 : index
    %get3A_10 = vector.load %arg6[%get3A_8, %get3A_9] : memref<64x128xf32, #tpu.memory_space<vmem>>, vector<64x128xf32>
    %get3A_11 = arith.constant 0 : index
    %get3A_12 = arith.constant 0 : index
    %get3A_13 = vector.load %arg7[%get3A_11, %get3A_12] : memref<1x128xf32, #tpu.memory_space<vmem>>, vector<1x128xf32>
    %get3A_14 = arith.constant 0 : index
    %get3A_15 = arith.constant 0 : index
    %get3A_16 = vector.load %arg8[%get3A_14, %get3A_15] : memref<128x512xf32, #tpu.memory_space<vmem>>, vector<128x512xf32>
    %get3A_17 = arith.constant 0 : index
    %get3A_18 = arith.constant 0 : index
    %get3A_19 = vector.load %arg9[%get3A_17, %get3A_18] : memref<1x512xf32, #tpu.memory_space<vmem>>, vector<1x512xf32>
    %get3A_20 = arith.constant 0 : index
    %get3A_21 = arith.constant 0 : index
    %get3A_22 = vector.load %arg10[%get3A_20, %get3A_21] : memref<512x128xf32, #tpu.memory_space<vmem>>, vector<512x128xf32>
    %get3A_23 = arith.constant 0 : index
    %get3A_24 = arith.constant 0 : index
    %get3A_25 = vector.load %arg11[%get3A_23, %get3A_24] : memref<1x128xf32, #tpu.memory_space<vmem>>, vector<1x128xf32>
    %get3A_26 = arith.constant 0 : index
    %get3A_27 = arith.constant 0 : index
    %get3A_28 = arith.constant 0 : index
    %get3A_29 = vector.load %arg3[%get3A_26, %get3A_27, %get3A_28] : memref<3x512x8xf32, #tpu.memory_space<vmem>>, vector<1x512x8xf32>
    %get3A_30 = vector.shape_cast %get3A_29 : vector<1x512x8xf32> to vector<512x8xf32>
    %dot_general3A = arith.constant dense<0.000000e+00> : vector<512x64xf32>
    %dot_general3A_31 = tpu.matmul %get3A_30, %get3A_4, %dot_general3A {dimension_numbers = #tpu.dot_dimension_numbers<[1], [0], [0], [1], [0, 0, 1, 1], [], []>, transpose_lhs_hint = false} : vector<512x8xf32>, vector<8x64xf32>, vector<512x64xf32> -> vector<512x64xf32>
    %add3A = vector.broadcast %get3A_7 : vector<1x64xf32> to vector<512x64xf32>
    %add3A_32 = arith.addf %dot_general3A_31, %add3A : vector<512x64xf32>
    %max3A = arith.constant 0.000000e+00 : f32
    %max3A_33 = vector.broadcast %max3A : f32 to vector<512x64xf32>
    %max3A_34 = arith.maximumf %add3A_32, %max3A_33 : vector<512x64xf32>
    %dot_general3A_35 = arith.constant dense<0.000000e+00> : vector<512x128xf32>
    %dot_general3A_36 = tpu.matmul %max3A_34, %get3A_10, %dot_general3A_35 {dimension_numbers = #tpu.dot_dimension_numbers<[1], [0], [0], [1], [0, 0, 1, 1], [], []>, transpose_lhs_hint = false} : vector<512x64xf32>, vector<64x128xf32>, vector<512x128xf32> -> vector<512x128xf32>
    %add3A_37 = vector.broadcast %get3A_13 : vector<1x128xf32> to vector<512x128xf32>
    %add3A_38 = arith.addf %dot_general3A_36, %add3A_37 : vector<512x128xf32>
    %get3A_39 = arith.constant 0 : index
    %get3A_40 = arith.constant 0 : index
    %get3A_41 = arith.constant 0 : index
    %get3A_42 = vector.load %arg2[%get3A_39, %get3A_40, %get3A_41] : memref<3x512x256xf32, #tpu.memory_space<vmem>>, vector<1x512x256xf32>
    %get3A_43 = vector.shape_cast %get3A_42 : vector<1x512x256xf32> to vector<512x256xf32>
    %slice3A = vector.extract_strided_slice %get3A_43 {offsets = [0, 0], sizes = [512, 128], strides = [1, 1]} : vector<512x256xf32> to vector<512x128xf32>
    %sub3A = arith.subf %get3A_1, %slice3A : vector<512x128xf32>
    %add3A_44 = arith.addf %sub3A, %add3A_38 : vector<512x128xf32>
    %dot_general3A_45 = arith.constant dense<0.000000e+00> : vector<512x512xf32>
    %dot_general3A_46 = tpu.matmul %add3A_44, %get3A_16, %dot_general3A_45 {dimension_numbers = #tpu.dot_dimension_numbers<[1], [0], [0], [1], [0, 0, 1, 1], [], []>, transpose_lhs_hint = false} : vector<512x128xf32>, vector<128x512xf32>, vector<512x512xf32> -> vector<512x512xf32>
    %add3A_47 = vector.broadcast %get3A_19 : vector<1x512xf32> to vector<512x512xf32>
    %add3A_48 = arith.addf %dot_general3A_46, %add3A_47 : vector<512x512xf32>
    %max3A_49 = arith.constant 0.000000e+00 : f32
    %max3A_50 = vector.broadcast %max3A_49 : f32 to vector<512x512xf32>
    %max3A_51 = arith.maximumf %add3A_48, %max3A_50 : vector<512x512xf32>
    %dot_general3A_52 = arith.constant dense<0.000000e+00> : vector<512x128xf32>
    %dot_general3A_53 = tpu.matmul %max3A_51, %get3A_22, %dot_general3A_52 {dimension_numbers = #tpu.dot_dimension_numbers<[1], [0], [0], [1], [0, 0, 1, 1], [], []>, transpose_lhs_hint = false} : vector<512x512xf32>, vector<512x128xf32>, vector<512x128xf32> -> vector<512x128xf32>
    %add3A_54 = vector.broadcast %get3A_25 : vector<1x128xf32> to vector<512x128xf32>
    %add3A_55 = arith.addf %dot_general3A_53, %add3A_54 : vector<512x128xf32>
    %slice3A_56 = vector.extract_strided_slice %get3A_43 {offsets = [0, 128], sizes = [512, 128], strides = [1, 1]} : vector<512x256xf32> to vector<512x128xf32>
    %add3A_57 = arith.addf %slice3A_56, %add3A_38 : vector<512x128xf32>
    %get3A_58 = arith.constant 1 : index
    %get3A_59 = arith.constant 0 : index
    %get3A_60 = arith.constant 0 : index
    %get3A_61 = vector.load %arg3[%get3A_58, %get3A_59, %get3A_60] : memref<3x512x8xf32, #tpu.memory_space<vmem>>, vector<1x512x8xf32>
    %get3A_62 = vector.shape_cast %get3A_61 : vector<1x512x8xf32> to vector<512x8xf32>
    %dot_general3A_63 = arith.constant dense<0.000000e+00> : vector<512x64xf32>
    %dot_general3A_64 = tpu.matmul %get3A_62, %get3A_4, %dot_general3A_63 {dimension_numbers = #tpu.dot_dimension_numbers<[1], [0], [0], [1], [0, 0, 1, 1], [], []>, transpose_lhs_hint = false} : vector<512x8xf32>, vector<8x64xf32>, vector<512x64xf32> -> vector<512x64xf32>
    %add3A_65 = vector.broadcast %get3A_7 : vector<1x64xf32> to vector<512x64xf32>
    %add3A_66 = arith.addf %dot_general3A_64, %add3A_65 : vector<512x64xf32>
    %max3A_67 = arith.constant 0.000000e+00 : f32
    %max3A_68 = vector.broadcast %max3A_67 : f32 to vector<512x64xf32>
    %max3A_69 = arith.maximumf %add3A_66, %max3A_68 : vector<512x64xf32>
    %dot_general3A_70 = arith.constant dense<0.000000e+00> : vector<512x128xf32>
    %dot_general3A_71 = tpu.matmul %max3A_69, %get3A_10, %dot_general3A_70 {dimension_numbers = #tpu.dot_dimension_numbers<[1], [0], [0], [1], [0, 0, 1, 1], [], []>, transpose_lhs_hint = false} : vector<512x64xf32>, vector<64x128xf32>, vector<512x128xf32> -> vector<512x128xf32>
    %add3A_72 = vector.broadcast %get3A_13 : vector<1x128xf32> to vector<512x128xf32>
    %add3A_73 = arith.addf %dot_general3A_71, %add3A_72 : vector<512x128xf32>
    %get3A_74 = arith.constant 1 : index
    %get3A_75 = arith.constant 0 : index
    %get3A_76 = arith.constant 0 : index
    %get3A_77 = vector.load %arg2[%get3A_74, %get3A_75, %get3A_76] : memref<3x512x256xf32, #tpu.memory_space<vmem>>, vector<1x512x256xf32>
    %get3A_78 = vector.shape_cast %get3A_77 : vector<1x512x256xf32> to vector<512x256xf32>
    %slice3A_79 = vector.extract_strided_slice %get3A_78 {offsets = [0, 0], sizes = [512, 128], strides = [1, 1]} : vector<512x256xf32> to vector<512x128xf32>
    %sub3A_80 = arith.subf %get3A_1, %slice3A_79 : vector<512x128xf32>
    %add3A_81 = arith.addf %sub3A_80, %add3A_73 : vector<512x128xf32>
    %dot_general3A_82 = arith.constant dense<0.000000e+00> : vector<512x512xf32>
    %dot_general3A_83 = tpu.matmul %add3A_81, %get3A_16, %dot_general3A_82 {dimension_numbers = #tpu.dot_dimension_numbers<[1], [0], [0], [1], [0, 0, 1, 1], [], []>, transpose_lhs_hint = false} : vector<512x128xf32>, vector<128x512xf32>, vector<512x512xf32> -> vector<512x512xf32>
    %add3A_84 = vector.broadcast %get3A_19 : vector<1x512xf32> to vector<512x512xf32>
    %add3A_85 = arith.addf %dot_general3A_83, %add3A_84 : vector<512x512xf32>
    %max3A_86 = arith.constant 0.000000e+00 : f32
    %max3A_87 = vector.broadcast %max3A_86 : f32 to vector<512x512xf32>
    %max3A_88 = arith.maximumf %add3A_85, %max3A_87 : vector<512x512xf32>
    %dot_general3A_89 = arith.constant dense<0.000000e+00> : vector<512x128xf32>
    %dot_general3A_90 = tpu.matmul %max3A_88, %get3A_22, %dot_general3A_89 {dimension_numbers = #tpu.dot_dimension_numbers<[1], [0], [0], [1], [0, 0, 1, 1], [], []>, transpose_lhs_hint = false} : vector<512x512xf32>, vector<512x128xf32>, vector<512x128xf32> -> vector<512x128xf32>
    %add3A_91 = vector.broadcast %get3A_25 : vector<1x128xf32> to vector<512x128xf32>
    %add3A_92 = arith.addf %dot_general3A_90, %add3A_91 : vector<512x128xf32>
    %slice3A_93 = vector.extract_strided_slice %get3A_78 {offsets = [0, 128], sizes = [512, 128], strides = [1, 1]} : vector<512x256xf32> to vector<512x128xf32>
    %add3A_94 = arith.addf %slice3A_93, %add3A_73 : vector<512x128xf32>
    %get3A_95 = arith.constant 2 : index
    %get3A_96 = arith.constant 0 : index
    %get3A_97 = arith.constant 0 : index
    %get3A_98 = vector.load %arg3[%get3A_95, %get3A_96, %get3A_97] : memref<3x512x8xf32, #tpu.memory_space<vmem>>, vector<1x512x8xf32>
    %get3A_99 = vector.shape_cast %get3A_98 : vector<1x512x8xf32> to vector<512x8xf32>
    %dot_general3A_100 = arith.constant dense<0.000000e+00> : vector<512x64xf32>
    %dot_general3A_101 = tpu.matmul %get3A_99, %get3A_4, %dot_general3A_100 {dimension_numbers = #tpu.dot_dimension_numbers<[1], [0], [0], [1], [0, 0, 1, 1], [], []>, transpose_lhs_hint = false} : vector<512x8xf32>, vector<8x64xf32>, vector<512x64xf32> -> vector<512x64xf32>
    %add3A_102 = vector.broadcast %get3A_7 : vector<1x64xf32> to vector<512x64xf32>
    %add3A_103 = arith.addf %dot_general3A_101, %add3A_102 : vector<512x64xf32>
    %max3A_104 = arith.constant 0.000000e+00 : f32
    %max3A_105 = vector.broadcast %max3A_104 : f32 to vector<512x64xf32>
    %max3A_106 = arith.maximumf %add3A_103, %max3A_105 : vector<512x64xf32>
    %dot_general3A_107 = arith.constant dense<0.000000e+00> : vector<512x128xf32>
    %dot_general3A_108 = tpu.matmul %max3A_106, %get3A_10, %dot_general3A_107 {dimension_numbers = #tpu.dot_dimension_numbers<[1], [0], [0], [1], [0, 0, 1, 1], [], []>, transpose_lhs_hint = false} : vector<512x64xf32>, vector<64x128xf32>, vector<512x128xf32> -> vector<512x128xf32>
    %add3A_109 = vector.broadcast %get3A_13 : vector<1x128xf32> to vector<512x128xf32>
    %add3A_110 = arith.addf %dot_general3A_108, %add3A_109 : vector<512x128xf32>
    %get3A_111 = arith.constant 2 : index
    %get3A_112 = arith.constant 0 : index
    %get3A_113 = arith.constant 0 : index
    %get3A_114 = vector.load %arg2[%get3A_111, %get3A_112, %get3A_113] : memref<3x512x256xf32, #tpu.memory_space<vmem>>, vector<1x512x256xf32>
    %get3A_115 = vector.shape_cast %get3A_114 : vector<1x512x256xf32> to vector<512x256xf32>
    %slice3A_116 = vector.extract_strided_slice %get3A_115 {offsets = [0, 0], sizes = [512, 128], strides = [1, 1]} : vector<512x256xf32> to vector<512x128xf32>
    %sub3A_117 = arith.subf %get3A_1, %slice3A_116 : vector<512x128xf32>
    %add3A_118 = arith.addf %sub3A_117, %add3A_110 : vector<512x128xf32>
    %dot_general3A_119 = arith.constant dense<0.000000e+00> : vector<512x512xf32>
    %dot_general3A_120 = tpu.matmul %add3A_118, %get3A_16, %dot_general3A_119 {dimension_numbers = #tpu.dot_dimension_numbers<[1], [0], [0], [1], [0, 0, 1, 1], [], []>, transpose_lhs_hint = false} : vector<512x128xf32>, vector<128x512xf32>, vector<512x512xf32> -> vector<512x512xf32>
    %add3A_121 = vector.broadcast %get3A_19 : vector<1x512xf32> to vector<512x512xf32>
    %add3A_122 = arith.addf %dot_general3A_120, %add3A_121 : vector<512x512xf32>
    %max3A_123 = arith.constant 0.000000e+00 : f32
    %max3A_124 = vector.broadcast %max3A_123 : f32 to vector<512x512xf32>
    %max3A_125 = arith.maximumf %add3A_122, %max3A_124 : vector<512x512xf32>
    %dot_general3A_126 = arith.constant dense<0.000000e+00> : vector<512x128xf32>
    %dot_general3A_127 = tpu.matmul %max3A_125, %get3A_22, %dot_general3A_126 {dimension_numbers = #tpu.dot_dimension_numbers<[1], [0], [0], [1], [0, 0, 1, 1], [], []>, transpose_lhs_hint = false} : vector<512x512xf32>, vector<512x128xf32>, vector<512x128xf32> -> vector<512x128xf32>
    %add3A_128 = vector.broadcast %get3A_25 : vector<1x128xf32> to vector<512x128xf32>
    %add3A_129 = arith.addf %dot_general3A_127, %add3A_128 : vector<512x128xf32>
    %slice3A_130 = vector.extract_strided_slice %get3A_115 {offsets = [0, 128], sizes = [512, 128], strides = [1, 1]} : vector<512x256xf32> to vector<512x128xf32>
    %add3A_131 = arith.addf %slice3A_130, %add3A_110 : vector<512x128xf32>
    %max3A_132 = arith.maximumf %add3A_55, %add3A_92 : vector<512x128xf32>
    %max3A_133 = arith.maximumf %max3A_132, %add3A_129 : vector<512x128xf32>
    %sub3A_134 = arith.subf %add3A_55, %max3A_133 : vector<512x128xf32>
    %exp3A = math.exp %sub3A_134 : vector<512x128xf32>
    %sub3A_135 = arith.subf %add3A_92, %max3A_133 : vector<512x128xf32>
    %exp3A_136 = math.exp %sub3A_135 : vector<512x128xf32>
    %sub3A_137 = arith.subf %add3A_129, %max3A_133 : vector<512x128xf32>
    %exp3A_138 = math.exp %sub3A_137 : vector<512x128xf32>
    %add3A_139 = arith.addf %exp3A, %exp3A_136 : vector<512x128xf32>
    %add3A_140 = arith.addf %add3A_139, %exp3A_138 : vector<512x128xf32>
    %mul3A = arith.mulf %exp3A, %add3A_57 : vector<512x128xf32>
    %mul3A_141 = arith.mulf %exp3A_136, %add3A_94 : vector<512x128xf32>
    %add3A_142 = arith.addf %mul3A, %mul3A_141 : vector<512x128xf32>
    %mul3A_143 = arith.mulf %exp3A_138, %add3A_131 : vector<512x128xf32>
    %add3A_144 = arith.addf %add3A_142, %mul3A_143 : vector<512x128xf32>
    %div3A = arith.divf %add3A_144, %add3A_140 : vector<512x128xf32>
    %reduce_sum3A = arith.constant dense<0.000000e+00> : vector<128xf32>
    %reduce_sum3A_145 = vector.multi_reduction <add>, %div3A, %reduce_sum3A [0] : vector<512x128xf32> to vector<128xf32>
    %broadcast_in_dim3A = vector.shape_cast %reduce_sum3A_145 : vector<128xf32> to vector<1x128xf32>
    %eq3A = arith.constant 0 : i32
    %eq3A_146 = arith.cmpi eq, %arg0, %eq3A : i32
    %convert_element_type3A = arith.extui %eq3A_146 : i1 to i32
    %cond3A = arith.constant 0 : i32
    %cond3A_147 = arith.cmpi ne, %convert_element_type3A, %cond3A : i32
    scf.if %cond3A_147 {
      %broadcast_in_dim3A_162 = arith.constant 0.000000e+00 : f32
      %broadcast_in_dim3A_163 = vector.broadcast %broadcast_in_dim3A_162 : f32 to vector<1x1x128xf32>
      %swap3A_164 = arith.constant 0 : index
      %swap3A_165 = arith.constant 0 : index
      %swap3A_166 = arith.constant 0 : index
      %swap3A_167 = vector.load %arg14[%swap3A_164, %swap3A_165, %swap3A_166] : memref<1x1x128xf32, #tpu.memory_space<vmem>>, vector<1x1x128xf32>
      tpu.vector_store %arg14[%swap3A_164, %swap3A_165, %swap3A_166], %broadcast_in_dim3A_163 {strides = array<i32>} : memref<1x1x128xf32, #tpu.memory_space<vmem>>, vector<1x1x128xf32>,
    } else {
    }
    %get3A_148 = arith.constant 0 : index
    %get3A_149 = arith.constant 0 : index
    %get3A_150 = arith.constant 0 : index
    %get3A_151 = vector.load %arg14[%get3A_148, %get3A_149, %get3A_150] : memref<1x1x128xf32, #tpu.memory_space<vmem>>, vector<1x1x128xf32>
    %broadcast_in_dim3A_152 = vector.shape_cast %broadcast_in_dim3A : vector<1x128xf32> to vector<1x1x128xf32>
    %add3A_153 = arith.addf %get3A_151, %broadcast_in_dim3A_152 : vector<1x1x128xf32>
    %swap3A = arith.constant 0 : index
    %swap3A_154 = arith.constant 0 : index
    %swap3A_155 = arith.constant 0 : index
    %swap3A_156 = vector.load %arg14[%swap3A, %swap3A_154, %swap3A_155] : memref<1x1x128xf32, #tpu.memory_space<vmem>>, vector<1x1x128xf32>
    tpu.vector_store %arg14[%swap3A, %swap3A_154, %swap3A_155], %add3A_153 {strides = array<i32>} : memref<1x1x128xf32, #tpu.memory_space<vmem>>, vector<1x1x128xf32>,
    %eq3A_157 = arith.constant 3 : i32
    %eq3A_158 = arith.cmpi eq, %arg0, %eq3A_157 : i32
    %convert_element_type3A_159 = arith.extui %eq3A_158 : i1 to i32
    %cond3A_160 = arith.constant 0 : i32
    %cond3A_161 = arith.cmpi ne, %convert_element_type3A_159, %cond3A_160 : i32
    scf.if %cond3A_161 {
      %get3A_162 = arith.constant 0 : index
      %get3A_163 = arith.constant 0 : index
      %get3A_164 = arith.constant 0 : index
      %get3A_165 = vector.load %arg14[%get3A_162, %get3A_163, %get3A_164] : memref<1x1x128xf32, #tpu.memory_space<vmem>>, vector<1x1x128xf32>
      %reshape3A = vector.shape_cast %get3A_165 : vector<1x1x128xf32> to vector<1x128xf32>
      %mul3A_166 = arith.constant 4.8828125E-4 : f32
      %mul3A_167 = vector.broadcast %mul3A_166 : f32 to vector<1x128xf32>
      %mul3A_168 = arith.mulf %reshape3A, %mul3A_167 : vector<1x128xf32>
      %get3A_169 = arith.constant 0 : index
      %get3A_170 = arith.constant 0 : index
      %get3A_171 = vector.load %arg12[%get3A_169, %get3A_170] : memref<128x128xf32, #tpu.memory_space<vmem>>, vector<128x128xf32>
      %dot_general3A_172 = arith.constant dense<0.000000e+00> : vector<1x128xf32>
      %dot_general3A_173 = tpu.matmul %mul3A_168, %get3A_171, %dot_general3A_172 {dimension_numbers = #tpu.dot_dimension_numbers<[1], [0], [0], [1], [0, 0, 1, 1], [], []>, transpose_lhs_hint = false} : vector<1x128xf32>, vector<128x128xf32>, vector<1x128xf32> -> vector<1x128xf32>
      %get3A_174 = arith.constant 0 : index
      %get3A_175 = arith.constant 0 : index
      %get3A_176 = vector.load %arg13[%get3A_174, %get3A_175] : memref<1x128xf32, #tpu.memory_space<vmem>>, vector<1x128xf32>
      %add3A_177 = arith.addf %dot_general3A_173, %get3A_176 : vector<1x128xf32>
      %reshape3A_178 = vector.shape_cast %add3A_177 : vector<1x128xf32> to vector<1x1x128xf32>
      %swap3A_179 = arith.constant 0 : index
      %swap3A_180 = arith.constant 0 : index
      %swap3A_181 = arith.constant 0 : index
      %swap3A_182 = vector.load %arg15[%swap3A_179, %swap3A_180, %swap3A_181] : memref<1x1x128xf32, #tpu.memory_space<vmem>>, vector<1x1x128xf32>
      tpu.vector_store %arg15[%swap3A_179, %swap3A_180, %swap3A_181], %reshape3A_178 {strides = array<i32>} : memref<1x1x128xf32, #tpu.memory_space<vmem>>, vector<1x1x128xf32>,
    } else {
    }
    return
  }
  func.func @transform_0(%arg0: i32) -> (i32, i32) {
    %c0_i32 = arith.constant 0 : i32
    %c0_i32_0 = arith.constant 0 : i32
    return %arg0, %c0_i32 : i32, i32
  }
  func.func @transform_1(%arg0: i32) -> (i32, i32, i32) {
    %c0_i32 = arith.constant 0 : i32
    %c0_i32_0 = arith.constant 0 : i32
    %c0_i32_1 = arith.constant 0 : i32
    return %c0_i32, %arg0, %c0_i32_0 : i32, i32, i32
  }
  func.func @transform_2(%arg0: i32) -> (i32, i32, i32) {
    %c0_i32 = arith.constant 0 : i32
    %c0_i32_0 = arith.constant 0 : i32
    %c0_i32_1 = arith.constant 0 : i32
    return %c0_i32, %arg0, %c0_i32_0 : i32, i32, i32
  }
  func.func @transform_3(%arg0: i32) -> (i32, i32) {
    %c0_i32 = arith.constant 0 : i32
    %c0_i32_0 = arith.constant 0 : i32
    %c0_i32_1 = arith.constant 0 : i32
    return %c0_i32, %c0_i32_0 : i32, i32
  }
  func.func @transform_4(%arg0: i32) -> (i32, i32) {
    %c0_i32 = arith.constant 0 : i32
    %c0_i32_0 = arith.constant 0 : i32
    %c0_i32_1 = arith.constant 0 : i32
    return %c0_i32, %c0_i32_0 : i32, i32
  }
  func.func @transform_5(%arg0: i32) -> (i32, i32) {
    %c0_i32 = arith.constant 0 : i32
    %c0_i32_0 = arith.constant 0 : i32
    %c0_i32_1 = arith.constant 0 : i32
    return %c0_i32, %c0_i32_0 : i32, i32
  }
  func.func @transform_6(%arg0: i32) -> (i32, i32) {
    %c0_i32 = arith.constant 0 : i32
    %c0_i32_0 = arith.constant 0 : i32
    %c0_i32_1 = arith.constant 0 : i32
    return %c0_i32, %c0_i32_0 : i32, i32
  }
  func.func @transform_7(%arg0: i32) -> (i32, i32) {
    %c0_i32 = arith.constant 0 : i32
    %c0_i32_0 = arith.constant 0 : i32
    %c0_i32_1 = arith.constant 0 : i32
    return %c0_i32, %c0_i32_0 : i32, i32
  }
  func.func @transform_8(%arg0: i32) -> (i32, i32) {
    %c0_i32 = arith.constant 0 : i32
    %c0_i32_0 = arith.constant 0 : i32
    %c0_i32_1 = arith.constant 0 : i32
    return %c0_i32, %c0_i32_0 : i32, i32
  }
  func.func @transform_9(%arg0: i32) -> (i32, i32) {
    %c0_i32 = arith.constant 0 : i32
    %c0_i32_0 = arith.constant 0 : i32
    %c0_i32_1 = arith.constant 0 : i32
    return %c0_i32, %c0_i32_0 : i32, i32
  }
  func.func @transform_10(%arg0: i32) -> (i32, i32) {
    %c0_i32 = arith.constant 0 : i32
    %c0_i32_0 = arith.constant 0 : i32
    %c0_i32_1 = arith.constant 0 : i32
    return %c0_i32, %c0_i32_0 : i32, i32
  }
  func.func @transform_11(%arg0: i32) -> (i32, i32) {
    %c0_i32 = arith.constant 0 : i32
    %c0_i32_0 = arith.constant 0 : i32
    %c0_i32_1 = arith.constant 0 : i32
    return %c0_i32, %c0_i32_0 : i32, i32
  }
  func.func @transform_12(%arg0: i32) -> (i32, i32) {
    %c0_i32 = arith.constant 0 : i32
    %c0_i32_0 = arith.constant 0 : i32
    %c0_i32_1 = arith.constant 0 : i32
    return %c0_i32, %c0_i32_0 : i32, i32
  }
  func.func @transform_13(%arg0: i32) -> (i32, i32, i32) {
    %c0_i32 = arith.constant 0 : i32
    %c0_i32_0 = arith.constant 0 : i32
    %c0_i32_1 = arith.constant 0 : i32
    %c0_i32_2 = arith.constant 0 : i32
    return %c0_i32, %c0_i32_0, %c0_i32_1 : i32, i32, i32
  }
  func.func @transform_14(%arg0: i32) -> (i32, i32, i32) {
    %c0_i32 = arith.constant 0 : i32
    %c0_i32_0 = arith.constant 0 : i32
    %c0_i32_1 = arith.constant 0 : i32
    %c0_i32_2 = arith.constant 0 : i32
    return %c0_i32, %c0_i32_0, %c0_i32_1 : i32, i32, i32
  }
}

</mosaic_0001>

<sc_bundles>
// kernel: kernel.18.cloned.1.call-start
scs
__scs_entry_jumppad:
0x0: {  	(pc) =	sbr.rel $0x88, $3  }
0x1: {  	(tag) =	ssettag $0x0;
	lr =	simm.s32 $0x1  }
0x2: {  	[smem:$0x3F92] =	sst lr;
	_ =	strace $0xD0000000  }
0x3: {  	_ = 	snop  }
0x4: {  	_ = 	snop  }
0x5: {  	_ = 	snop  }
0x6: {  	_ = 	snop  }
0x7: {  	_ = 	snop  }
__scs_overlays_trampoline_lowered:
0x8: {  	[smem:$0x3FA1] =	sst s0  }
0x9: {  	[smem:$0x3FA2] =	sst s1  }
0xa: {  	[smem:$0x3FA3] =	sst s2  }
0xb: {  	[smem:$0x3FA4] =	sst s3  }
0xc: {  	[smem:$0x3FA5] =	sst s4  }
0xd: {  	[smem:$0x3FA6] =	sst s5  }
0xe: {  	[smem:$0x3FA7] =	sst s6  }
0xf: {  	[smem:$0x3FA8] =	sst s7  }
0x10: {  	[smem:$0x3FA9] =	sst s8  }
0x11: {  	[smem:$0x3FAA] =	sst s9;
	s0 =	simm.s32 @!p0 $0x0  }
0x12: {  	s1 =	sld [smem:$0x3F90];
	s0 =	simm.s32 @p0 $0x1  }
0x13: {  	[smem:$0x3FAB] =	sst s0;
	s0 =	simm.s32 @!p1 $0x0  }
0x14: {  	s2 =	sld [smem:$0x3F8F];
	s0 =	simm.s32 @p1 $0x1  }
0x15: {  	[smem:$0x3FAC] =	sst s0;
	s0 =	simm.s32 @!p2 $0x0  }
0x16: {  	s3 =	sld [smem:$0x3FDB];
	s0 =	simm.s32 @p2 $0x1  }
0x17: {  	s4 =	simm.s32 $0x1BF5;
	[smem:$0x3FAE] =	sst s0  }
0x18: {  	s0 =	sld [smem:$0x3F91];
	_ =	swait.ge [sflag:s4], $0x0  }
0x19: {  	s7 =	sld [smem:$0x3F92]  }
0x1a: {  	s8 =	sadd.s32 $0xFFFFE003, lr  }
0x1b: {  	s9 =	sadd.s32 $0xFFFFFEF7, lr;
	s5 =	simm.s32 $0xFFFFFFFF;
	p2 =	slt.u32 s8, $0xFFFFF086  }
0x1c: {  	p1 =	slt.u32 s9, $0xF7A;
	s5 =	simm.s32 @!p2 $0x0  }
0x1d: {  	s5 =	simm.s32 @p1 $0x1;
	p0 =	seq.s32 s7, s2  }
0x1e: {  	s7 =	smul.u32 @!p0 $0xF7A, s2;
	p2 =	seq.s32 @!p0 s5, $0x0  }
0x1f: {  	s9 =	smul.u32 $0xF7A, s1;
	s8 =	simm.s32 @!p0 $0x1BF5;
	p2 =	por !p2, p0  }
0x20: {  	[sflag:s8] =	ssyncset.s32 @!p0 $0xFFFFF086;
	s6 =	sadd.s32 @!p0 s3, s7;
	s7 =	simm.s32 @!p0 $0x108  }
0x21: {  	s3 =	sadd.s32 s3, s9;
	s6 =	sadd.s32 @!p0 $0x88, s6;
	s7 =	simm.s32 @p2 $0x1082  }
0x22: {  	[simem:s7], [sflag:s8] =	dma.local @!p0 [hbm:s6], $0xF7A  }
0x23: {  	s9 =	sor.u32 $0xD0000000, s2;
	s6 =	simm.s32 $0x108;
	_ =	swait.ge @!p0 [sflag:s8], $0x0  }
0x24: {  	s3 =	sadd.s32 $0x88, s3;
	s6 =	simm.s32 @!p1 $0x1082;
	[sflag:s4] =	ssyncset.s32 $0xFFFFF086  }
0x25: {  	[simem:s6], [sflag:s4] =	dma.local [hbm:s3], $0xF7A  }
0x26: {  	[smem:$0x3F92] =	sst s1;
	(tag) =	ssettag s2;
	_ =	strace s9  }
0x27: {  	s1 =	sld [smem:$0x3FA2]  }
0x28: {  	s2 =	sld [smem:$0x3FA3]  }
0x29: {  	s4 =	sld [smem:$0x3FA5]  }
0x2a: {  	p0 =	seq.s32 s5, $0x0;
	s5 =	sld [smem:$0x3FA6]  }
0x2b: {  	s6 =	sld [smem:$0x3FA7]  }
0x2c: {  	s7 =	sld [smem:$0x3FA8]  }
0x2d: {  	s3 =	simm.s32 $0x108;
	s8 =	sld [smem:$0x3FA9]  }
0x2e: {  	s3 =	simm.s32 @!p0 $0x1082;
	s9 =	sld [smem:$0x3FAA]  }
0x2f: {  	lr =	sadd.s32 s0, s3;
	s0 =	sld [smem:$0x3FA1]  }
0x30: {  	s3 =	sld [smem:$0x3FA4]  }
0x31: {  	[smem:$0x3FAD] =	sst s10  }
0x32: {  	s10 =	sld [smem:$0x3FAB];
	_ =	sdelay $0x3  }
0x33: {  	p0 =	seq.s32 s10, $0x1;
	s10 =	sld [smem:$0x3FAD];
	_ =	sdelay $0x3  }
0x34: {  	[smem:$0x3FAD] =	sst s10  }
0x35: {  	s10 =	sld [smem:$0x3FAC];
	_ =	sdelay $0x3  }
0x36: {  	p1 =	seq.s32 s10, $0x1;
	s10 =	sld [smem:$0x3FAD];
	_ =	sdelay $0x3  }
0x37: {  	[smem:$0x3FAD] =	sst s10  }
0x38: {  	s10 =	sld [smem:$0x3FAE]  }
0x39: {  	_ = 	snop;
	(pc) =	sbr.ind lr, $3  }
0x3a: {  	_ = 	snop  }
0x3b: {  	_ = 	snop  }
0x3c: {  	p2 =	seq.s32 s10, $0x1;
	s10 =	sld [smem:$0x3FAD]  }
0x3d: {  	_ =	shalt  }
0x3e: {  	_ =	shalt  }
0x3f: {  	_ =	shalt  }
0x40: {  	_ =	shalt  }
0x41: {  	_ =	shalt  }
0x42: {  	_ =	shalt  }
0x43: {  	_ =	shalt  }
0x44: {  	_ =	shalt  }
0x45: {  	_ =	shalt  }
0x46: {  	_ =	shalt  }
0x47: {  	_ =	shalt  }
0x48: {  	_ =	shalt  }
0x49: {  	_ =	shalt  }
0x4a: {  	_ =	shalt  }
0x4b: {  	_ =	shalt  }
0x4c: {  	_ =	shalt  }
0x4d: {  	_ =	shalt  }
0x4e: {  	_ =	shalt  }
0x4f: {  	_ =	shalt  }
0x50: {  	_ =	shalt  }
0x51: {  	_ =	shalt  }
0x52: {  	_ =	shalt  }
0x53: {  	_ =	shalt  }
0x54: {  	_ =	shalt  }
0x55: {  	_ =	shalt  }
0x56: {  	_ =	shalt  }
0x57: {  	_ =	shalt  }
0x58: {  	_ =	shalt  }
0x59: {  	_ =	shalt  }
0x5a: {  	_ =	shalt  }
0x5b: {  	_ =	shalt  }
0x5c: {  	_ =	shalt  }
0x5d: {  	_ =	shalt  }
0x5e: {  	_ =	shalt  }
0x5f: {  	_ =	shalt  }
0x60: {  	_ =	shalt  }
0x61: {  	_ =	shalt  }
0x62: {  	_ =	shalt  }
0x63: {  	_ =	shalt  }
0x64: {  	_ =	shalt  }
0x65: {  	_ =	shalt  }
0x66: {  	_ =	shalt  }
0x67: {  	_ =	shalt  }
0x68: {  	_ =	shalt  }
0x69: {  	_ =	shalt  }
0x6a: {  	_ =	shalt  }
0x6b: {  	_ =	shalt  }
0x6c: {  	_ =	shalt  }
0x6d: {  	_ =	shalt  }
0x6e: {  	_ =	shalt  }
0x6f: {  	_ =	shalt  }
0x70: {  	_ =	shalt  }
0x71: {  	_ =	shalt  }
0x72: {  	_ =	shalt  }
0x73: {  	_ =	shalt  }
0x74: {  	_ =	shalt  }
0x75: {  	_ =	shalt  }
0x76: {  	_ =	shalt  }
0x77: {  	_ =	shalt  }
0x78: {  	_ =	shalt  }
0x79: {  	_ =	shalt  }
0x7a: {  	_ =	shalt  }
0x7b: {  	_ =	shalt  }
0x7c: {  	_ =	shalt  }
0x7d: {  	_ =	shalt  }
0x7e: {  	_ =	shalt  }
0x7f: {  	_ =	shalt  }
0x80: {  	_ =	shalt  }
0x81: {  	_ =	shalt  }
0x82: {  	_ =	shalt  }
0x83: {  	_ =	shalt  }
0x84: {  	_ =	shalt  }
0x85: {  	_ =	shalt  }
0x86: {  	_ =	shalt  }
0x87: {  	_ =	shalt  }
.Lfunc_end0:
.L_simem_size_0:
called_computation_lowered:
.L_overlay_start_0:
0x88: {  	s2 =	sld [smem:$0x3FD9]  }
0x89: {  	s3 =	sld [smem:$0x3FFE];
	_ =	sdelay $0x1  }
0x8a: {  	s1 =	srdreg.scid  }
0x8b: {  	s0 =	sand.u32 $0x1, s1  }
0x8c: {  	s17 =	sshll.u32 s0, $0xA;
	s2 =	sadd.s32 s3, s2  }
0x8d: {  	s2 =	sadd.s32 s2, s17  }
0x8e: {  	[smem:$0x3FB9] =	sst s2  }
0x8f: {  	_ = 	snop  }
0x90: {  	(tm) =	ssettm $0x1  }
0x91: {  	s18 =	sld [smem:$0x3FFB];
	_ =	sdelay $0x3  }
0x92: {  	_ =	strace s18  }
0x93: {  	s2 =	sld [smem:$0x3FFC];
	_ =	sdelay $0x3  }
0x94: {  	_ =	strace s2  }
0x95: {  	s2 =	sld [smem:$0x3FFD];
	_ =	sdelay $0x3  }
0x96: {  	_ =	strace s2  }
0x97: {  	_ =	strace $0x8FFFFFFF  }
0x98: {  	s19 =	sld [smem:$0x3FDB];
	_ =	sdelay $0x1  }
0x99: {  	s20 =	simm.s32 $_scs_section_size  }
0x9a: {  	s4 =	simm.s32 $_size__tile_overlayer_lowered;
	s5 =	simm.s32 $_tile_overlayer_lowered  }
0x9b: {  	s6 =	simm.s32 $0x1BFF;
	s21 =	sshll.u32 s5, $0x1;
	s3 =	sadd.s32 s20, s19  }
0x9c: {  	s22 =	simm.s32 $0x0;
	s4 =	sshll.u32 s4, $0x1;
	s5 =	sadd.s32 s21, s3  }
0x9d: {  	[timem:s22], [sflag:s6] =	dma.local [hbm:s5], s4  }
0x9e: {  	_ =	swait.ge [sflag:s6], s4  }
0x9f: {  	s4 =	ssub.s32 $0x0, s4;
	[sflag:s6] =	ssyncset.done $0x0  }
0xa0: {  	[sflag:s6] =	ssyncadd.s32 s4;
	_ =	sdelay $0x1  }
0xa1: {  	s23 =	simm.s32 $0x1B8B  }
0xa2: {  	_ =	swait.ge [sflag:s23], $0x1  }
0xa3: {  	[sflag:s23] =	ssyncset.done $0x0  }
0xa4: {  	[sflag:s23] =	ssyncadd.s32 $0xFFFFFFFF  }
0xa5: {  	s4 =	sld [smem:$0x0]  }
0xa6: {  	s5 =	sand.u32 $0xFFFFFFFE, s1  }
0xa7: {  	p0 =	sne.s32 s1, s5  }
0xa8: {  	s5 =	sshll.u32 @p0 s5, $0xE  }
0xa9: {  	s5 =	sadd.s32 @p0 $0x11B8D, s5;
	s6 =	sshll.u32 @p0 s4, $0x11  }
0xaa: {  	s5 =	sor.u32 @p0 s6, s5  }
0xab: {  	[sflag:s5] =	ssyncadd.remote.s32 @p0 $0x1;
	_ =	sdelay $0x1  }
0xac: {  	s5 =	simm.s32 @p0 $0x1B8D  }
0xad: {  	_ =	swait.eq @p0 [sflag:s5], $0x1  }
0xae: {  	[sflag:s5] =	ssyncadd.s32 @p0 $0xFFFFFFFF  }
0xaf: {  	s6 =	sshll.u32 @!p0 s1, $0xE  }
0xb0: {  	s6 =	sor.u32 @!p0 $0x4000, s6;
	s5 =	simm.s32 @!p0 $0x1B8D  }
0xb1: {  	s4 =	sshll.u32 @!p0 s4, $0x11;
	s6 =	sadd.s32 @!p0 $0x11B8D, s6;
	_ =	swait.eq @!p0 [sflag:s5], $0x1  }
0xb2: {  	s4 =	sor.u32 @!p0 s4, s6;
	[sflag:s5] =	ssyncadd.s32 @!p0 $0xFFFFFFFF  }
0xb3: {  	s25 =	simm.s32 $0x1B8E;
	s24 =	sld [smem:$0x3FFE];
	[sflag:s4] =	ssyncadd.remote.s32 @!p0 $0x1  }
0xb4: {  	s26 =	simm.s32 $execute0_lowered;
	[smem:$0x3FD2] =	sst s25  }
0xb5: {  	s5 =	sshll.u32 s26, $0x1;
	_ =	strace $0x80000049;
	[dreg:$0x1] =	wrdreg $0xFFFFFFFF  }
0xb6: {  	s28 =	simm.s32 $_size_execute0_lowered;
	s3 =	sadd.s32 s3, s5;
	[dreg:$0x0] =	wrdreg $0x0  }
0xb7: {  	s5 =	sshll.u32 s28, $0x1;
	[dreg:$0x2] =	wrdreg s3  }
0xb8: {  	[dreg:$0x3] =	wrdreg s5  }
0xb9: {  	[dreg:$0x4] =	wrdreg $0xC0  }
0xba: {  	_ =	task [dreg:s22], $0x5FFFF  }
0xbb: {  	[dreg:$0x1] =	wrdreg $0xFFFFFFFF  }
0xbc: {  	[dreg:$0x0] =	wrdreg $0x60  }
0xbd: {  	[dreg:$0x2] =	wrdreg s24  }
0xbe: {  	[dreg:$0x3] =	wrdreg $0xB  }
0xbf: {  	_ =	task.clear_ibuf [dreg:s22], $0x4FFFF;
	_ =	strace $0x90000049  }
0xc0: {  	s29 =	simm.s32 $0xB;
	_ =	strace $0x8000004B  }
0xc1: {  	_ =	swait.ge [sflag:s29], $0x1  }
0xc2: {  	[sflag:s29] =	ssyncadd.s32 $0xFFFFFFFF  }
0xc3: {  	_ =	strace $0x9000004B  }
0xc4: {  	_ =	sfence  }
0xc5: {  	s30 =	sld [smem:$0x0];
	_ =	sdelay $0x2  }
0xc6: {  	s31 =	sshll.u32 s1, $0xD;
	s1 =	sshrl.u32 s1, $0x2  }
0xc7: {  	s4 =	sand.u32 $0x4000, s31;
	s1 =	sadd.s32 s1, s30  }
0xc8: {  	s0 =	sor.u32 s4, s0;
	s1 =	sshll.u32 s1, $0x11  }
0xc9: {  	s0 =	sor.u32 s1, s0  }
0xca: {  	s0 =	sadd.s32 $0x8F2B, s0  }
0xcb: {  	[sflag:s0] =	ssyncadd.remote.s32 $0x1  }
0xcc: {  	_ =	sfence.sel $0xFFFF  }
0xcd: {  	[dreg:$0x0] =	wrdreg $0xFFFFFFFF;
	(pc) =	sbr.abs _section_cstart, $3  }
0xce: {  	[dreg:$0x1] =	wrdreg $0xFFFFFFFF  }
0xcf: {  	_ =	task.clear_ibuf [dreg:s22], $0x2FFFF;
	_ =	strace $0x9FFFFFFF  }
0xd0: {  	(tm) =	ssettm $0x7FFFFFFF  }
0xd1: {  	_ =	shalt  }
tec
execute0_lowered:
.L_overlay_start_1:
0x0: {  	(tag) =	ssettag $0x1  }
0x1: {  	s1 =	srdreg.scid;
	s0 =	stileid.u32  }
0x2: {  	s11 =	sand.u32 $0x1, s1;
	s29 =	sshll.u32 s0, $0x1  }
0x3: {  	s12 =	rddreg [dreg:$0x0];
	s13 =	sor.u32 s11, s29  }
0x4: {  	s2 =	simm.s32 $0x0;
	s1 =	rddreg [dreg:$0x1];
	s3 =	sshll.u32 s13, $0x7  }
0x5: {  	[smem:$0x7FF] =	sst s2;
	s3 =	sadd.s32 s3, s12  }
0x6: {  	_ =	strace $0x8000004A;
	s4 =	sadd.s32 $0x17400, s3;
	s3 =	simm.s32 $0x2  }
0x7: {  	[tilespmem:s2], [sflag:$0x2] =	stream.linear.gather [hbm4b:s4+s2], $0x400, $0x38;
	[tilespmem:$0x6400] =	vst v63  }
0x8: {  	_ =	swait.ge [sflag:s3], $0x400  }
0x9: {  	s6 =	simm.s32 $0x60;
	s7 =	simm.s32 $0x400;
	[sflag:s3] =	ssyncset.done $0x0  }
0xa: {  	s8 =	simm.s32 $0x80;
	s5 =	sadd.s32 $0x48400, s12;
	[sflag:s3] =	ssyncadd.s32 $0xFFFFFC00  }
0xb: {  	[tilespmem:s7], [sflag:$0x1] =	stream.indirect.gather [hbm4b:s5+s6], $0x80, s2, s6, $0xb8;
	[tilespmem:$0x6400] =	vst v63  }
0xc: {  	s9 =	simm.s32 $0x3400;
	s10 =	simm.s32 $0x1;
	s11 =	ssub.s32 $0x2, s11  }
0xd: {  	[tilespmem:s9], [sflag:$0x1] =	stream.indirect.gather [hbm4b:s5+s6], $0x80, s8, s6, $0xb8;
	[tilespmem:$0x6400] =	vst v63  }
0xe: {  	s14 =	sshrl.u32 s11, $0x1;
	_ =	swait.ge [sflag:s10], $0x3000  }
0xf: {  	s30 =	ssub.s32 s11, s14;
	[sflag:s10] =	ssyncset.done $0x0  }
0x10: {  	s13 =	smul.u32 $0xC00, s13;
	s31 =	smax.u32 s30, $0x1;
	[sflag:s10] =	ssyncadd.s32 $0xFFFFD000  }
0x11: {  	p0 =	sne.s32 s31, $0x1;
	_ =	swait.ge [sflag:s10], $0x3000  }
.Ltmp0:
0x12: {  	s12 =	sadd.s32 s13, s12;
	[sflag:s10] =	ssyncset.done $0x0;
	(pc) =	sbr.rel @!p0 .LBB2_2-.Ltmp0, $4  }
0x13: {  	s11 =	sadd.s32 $0x50400, s12;
	[sflag:s10] =	ssyncadd.s32 $0xFFFFD000  }
0x14: {  	[hbm4b:s11+s2] =	stream.linear.scatter [tilespmem:s7], [sflag:$0x2], $0x6000, $0x38;
	[tilespmem:$0x6400] =	vst v63  }
0x15: {  	_ =	swait.ge [sflag:s3], $0x6000  }
0x16: {  	s12 =	sadd.s32 $0xFFFFFFFF, s31;
	[sflag:s3] =	ssyncset.done $0x0  }
.LBB2_1:
0x17: {  	p0 =	sne.s32 s12, $0x1;
	s12 =	sadd.s32 $0xFFFFFFFF, s12;
	[sflag:s3] =	ssyncadd.s32 $0xFFFFA000  }
0x18: {  	[tilespmem:s2], [sflag:$0x2] =	stream.linear.gather [hbm4b:s4+s2], $0x400, $0x38;
	[tilespmem:$0x6400] =	vst v63  }
0x19: {  	_ =	swait.ge [sflag:s3], $0x400  }
0x1a: {  	[sflag:s3] =	ssyncset.done $0x0  }
0x1b: {  	[sflag:s3] =	ssyncadd.s32 $0xFFFFFC00  }
0x1c: {  	[tilespmem:s7], [sflag:$0x1] =	stream.indirect.gather [hbm4b:s5+s6], $0x80, s2, s6, $0xb8;
	[tilespmem:$0x6400] =	vst v63  }
0x1d: {  	_ = 	snop  }
0x1e: {  	[tilespmem:s9], [sflag:$0x1] =	stream.indirect.gather [hbm4b:s5+s6], $0x80, s8, s6, $0xb8;
	[tilespmem:$0x6400] =	vst v63  }
0x1f: {  	_ =	swait.ge [sflag:s10], $0x3000  }
0x20: {  	[sflag:s10] =	ssyncset.done $0x0  }
0x21: {  	[sflag:s10] =	ssyncadd.s32 $0xFFFFD000  }
0x22: {  	_ =	swait.ge [sflag:s10], $0x3000  }
.Ltmp1:
0x23: {  	[sflag:s10] =	ssyncset.done $0x0;
	(pc) =	sbr.rel @p0 .LBB2_1-.Ltmp1, $4  }
0x24: {  	[sflag:s10] =	ssyncadd.s32 $0xFFFFD000  }
0x25: {  	[hbm4b:s11+s2] =	stream.linear.scatter [tilespmem:s7], [sflag:$0x2], $0x6000, $0x38;
	[tilespmem:$0x6400] =	vst v63  }
0x26: {  	_ =	swait.ge [sflag:s3], $0x6000  }
0x27: {  	[sflag:s3] =	ssyncset.done $0x0  }
.LBB2_2:
0x28: {  	[sflag:s3] =	ssyncadd.s32 $0xFFFFA000  }
0x29: {  	_ =	sfence.sel $0x180000  }
0x2a: {  	[bflag:$0x0] =	sbarrier.arrive $0xFFFF  }
0x2b: {  	p0 =	sne.s32 s0, $0x0;
	_ =	strace $0x9000004A  }
0x2c: {  	s0 =	sadd.s32 @!p0 $0x100000, s1;
	[bflag:$0x2] =	sbarrier.arrive $0xFFFF  }
0x2d: {  	[sflag:s0] =	ssyncadd.tile.s32 @!p0 $0x1;
	_ =	shalt  }
.Lfunc_end2:
_tile_overlayer_lowered:
.L_overlay_start_2:
0x2e: {  	(tag) =	ssettag $0x2  }
0x2f: {  	s0 =	rddreg [dreg:$0x0];
	s2 =	stileid.u32  }
0x30: {  	s1 =	rddreg [dreg:$0x1];
	p0 =	sne.s32 s2, $0x0  }
0x31: {  	s3 =	rddreg [dreg:$0x2];
	[bflag:$0x3] =	sbarrier.arrive $0xFFFF;
	s2 =	simm.s32 @!p0 $0x1C02  }
0x32: {  	[timem:s3], [sflag:s2] =	dma.local @!p0 [hbm:s0], s1  }
0x33: {  	s0 =	simm.s32 @!p0 $0x2  }
0x34: {  	_ =	swait.ge @!p0 [sflag:s0], s1  }
0x35: {  	s1 =	ssub.s32 @!p0 $0x0, s1;
	[sflag:s0] =	ssyncset.done @!p0 $0x0  }
0x36: {  	[sflag:s0] =	ssyncadd.s32 @!p0 s1  }
0x37: {  	[bflag:$0x3] =	sbarrier.arrive $0xFFFF  }
0x38: {  	_ =	shalt  }

// kernel: kernel.21.cloned.1.call-start
scs
__scs_entry_jumppad:
0x0: {  	(pc) =	sbr.rel $0x88, $3  }
0x1: {  	(tag) =	ssettag $0x0;
	lr =	simm.s32 $0x1  }
0x2: {  	[smem:$0x3F92] =	sst lr;
	_ =	strace $0xD0000000  }
0x3: {  	_ = 	snop  }
0x4: {  	_ = 	snop  }
0x5: {  	_ = 	snop  }
0x6: {  	_ = 	snop  }
0x7: {  	_ = 	snop  }
__scs_overlays_trampoline_lowered:
0x8: {  	[smem:$0x3FA1] =	sst s0  }
0x9: {  	[smem:$0x3FA2] =	sst s1  }
0xa: {  	[smem:$0x3FA3] =	sst s2  }
0xb: {  	[smem:$0x3FA4] =	sst s3  }
0xc: {  	[smem:$0x3FA5] =	sst s4  }
0xd: {  	[smem:$0x3FA6] =	sst s5  }
0xe: {  	[smem:$0x3FA7] =	sst s6  }
0xf: {  	[smem:$0x3FA8] =	sst s7  }
0x10: {  	[smem:$0x3FA9] =	sst s8  }
0x11: {  	[smem:$0x3FAA] =	sst s9;
	s0 =	simm.s32 @!p0 $0x0  }
0x12: {  	s1 =	sld [smem:$0x3F90];
	s0 =	simm.s32 @p0 $0x1  }
0x13: {  	[smem:$0x3FAB] =	sst s0;
	s0 =	simm.s32 @!p1 $0x0  }
0x14: {  	s2 =	sld [smem:$0x3F8F];
	s0 =	simm.s32 @p1 $0x1  }
0x15: {  	[smem:$0x3FAC] =	sst s0;
	s0 =	simm.s32 @!p2 $0x0  }
0x16: {  	s3 =	sld [smem:$0x3FDB];
	s0 =	simm.s32 @p2 $0x1  }
0x17: {  	s4 =	simm.s32 $0x1BF5;
	[smem:$0x3FAE] =	sst s0  }
0x18: {  	s0 =	sld [smem:$0x3F91];
	_ =	swait.ge [sflag:s4], $0x0  }
0x19: {  	s7 =	sld [smem:$0x3F92]  }
0x1a: {  	s8 =	sadd.s32 $0xFFFFE003, lr  }
0x1b: {  	s9 =	sadd.s32 $0xFFFFFEF7, lr;
	s5 =	simm.s32 $0xFFFFFFFF;
	p2 =	slt.u32 s8, $0xFFFFF086  }
0x1c: {  	p1 =	slt.u32 s9, $0xF7A;
	s5 =	simm.s32 @!p2 $0x0  }
0x1d: {  	s5 =	simm.s32 @p1 $0x1;
	p0 =	seq.s32 s7, s2  }
0x1e: {  	s7 =	smul.u32 @!p0 $0xF7A, s2;
	p2 =	seq.s32 @!p0 s5, $0x0  }
0x1f: {  	s9 =	smul.u32 $0xF7A, s1;
	s8 =	simm.s32 @!p0 $0x1BF5;
	p2 =	por !p2, p0  }
0x20: {  	[sflag:s8] =	ssyncset.s32 @!p0 $0xFFFFF086;
	s6 =	sadd.s32 @!p0 s3, s7;
	s7 =	simm.s32 @!p0 $0x108  }
0x21: {  	s3 =	sadd.s32 s3, s9;
	s6 =	sadd.s32 @!p0 $0x88, s6;
	s7 =	simm.s32 @p2 $0x1082  }
0x22: {  	[simem:s7], [sflag:s8] =	dma.local @!p0 [hbm:s6], $0xF7A  }
0x23: {  	s9 =	sor.u32 $0xD0000000, s2;
	s6 =	simm.s32 $0x108;
	_ =	swait.ge @!p0 [sflag:s8], $0x0  }
0x24: {  	s3 =	sadd.s32 $0x88, s3;
	s6 =	simm.s32 @!p1 $0x1082;
	[sflag:s4] =	ssyncset.s32 $0xFFFFF086  }
0x25: {  	[simem:s6], [sflag:s4] =	dma.local [hbm:s3], $0xF7A  }
0x26: {  	[smem:$0x3F92] =	sst s1;
	(tag) =	ssettag s2;
	_ =	strace s9  }
0x27: {  	s1 =	sld [smem:$0x3FA2]  }
0x28: {  	s2 =	sld [smem:$0x3FA3]  }
0x29: {  	s4 =	sld [smem:$0x3FA5]  }
0x2a: {  	p0 =	seq.s32 s5, $0x0;
	s5 =	sld [smem:$0x3FA6]  }
0x2b: {  	s6 =	sld [smem:$0x3FA7]  }
0x2c: {  	s7 =	sld [smem:$0x3FA8]  }
0x2d: {  	s3 =	simm.s32 $0x108;
	s8 =	sld [smem:$0x3FA9]  }
0x2e: {  	s3 =	simm.s32 @!p0 $0x1082;
	s9 =	sld [smem:$0x3FAA]  }
0x2f: {  	lr =	sadd.s32 s0, s3;
	s0 =	sld [smem:$0x3FA1]  }
0x30: {  	s3 =	sld [smem:$0x3FA4]  }
0x31: {  	[smem:$0x3FAD] =	sst s10  }
0x32: {  	s10 =	sld [smem:$0x3FAB];
	_ =	sdelay $0x3  }
0x33: {  	p0 =	seq.s32 s10, $0x1;
	s10 =	sld [smem:$0x3FAD];
	_ =	sdelay $0x3  }
0x34: {  	[smem:$0x3FAD] =	sst s10  }
0x35: {  	s10 =	sld [smem:$0x3FAC];
	_ =	sdelay $0x3  }
0x36: {  	p1 =	seq.s32 s10, $0x1;
	s10 =	sld [smem:$0x3FAD];
	_ =	sdelay $0x3  }
0x37: {  	[smem:$0x3FAD] =	sst s10  }
0x38: {  	s10 =	sld [smem:$0x3FAE]  }
0x39: {  	_ = 	snop;
	(pc) =	sbr.ind lr, $3  }
0x3a: {  	_ = 	snop  }
0x3b: {  	_ = 	snop  }
0x3c: {  	p2 =	seq.s32 s10, $0x1;
	s10 =	sld [smem:$0x3FAD]  }
0x3d: {  	_ =	shalt  }
0x3e: {  	_ =	shalt  }
0x3f: {  	_ =	shalt  }
0x40: {  	_ =	shalt  }
0x41: {  	_ =	shalt  }
0x42: {  	_ =	shalt  }
0x43: {  	_ =	shalt  }
0x44: {  	_ =	shalt  }
0x45: {  	_ =	shalt  }
0x46: {  	_ =	shalt  }
0x47: {  	_ =	shalt  }
0x48: {  	_ =	shalt  }
0x49: {  	_ =	shalt  }
0x4a: {  	_ =	shalt  }
0x4b: {  	_ =	shalt  }
0x4c: {  	_ =	shalt  }
0x4d: {  	_ =	shalt  }
0x4e: {  	_ =	shalt  }
0x4f: {  	_ =	shalt  }
0x50: {  	_ =	shalt  }
0x51: {  	_ =	shalt  }
0x52: {  	_ =	shalt  }
0x53: {  	_ =	shalt  }
0x54: {  	_ =	shalt  }
0x55: {  	_ =	shalt  }
0x56: {  	_ =	shalt  }
0x57: {  	_ =	shalt  }
0x58: {  	_ =	shalt  }
0x59: {  	_ =	shalt  }
0x5a: {  	_ =	shalt  }
0x5b: {  	_ =	shalt  }
0x5c: {  	_ =	shalt  }
0x5d: {  	_ =	shalt  }
0x5e: {  	_ =	shalt  }
0x5f: {  	_ =	shalt  }
0x60: {  	_ =	shalt  }
0x61: {  	_ =	shalt  }
0x62: {  	_ =	shalt  }
0x63: {  	_ =	shalt  }
0x64: {  	_ =	shalt  }
0x65: {  	_ =	shalt  }
0x66: {  	_ =	shalt  }
0x67: {  	_ =	shalt  }
0x68: {  	_ =	shalt  }
0x69: {  	_ =	shalt  }
0x6a: {  	_ =	shalt  }
0x6b: {  	_ =	shalt  }
0x6c: {  	_ =	shalt  }
0x6d: {  	_ =	shalt  }
0x6e: {  	_ =	shalt  }
0x6f: {  	_ =	shalt  }
0x70: {  	_ =	shalt  }
0x71: {  	_ =	shalt  }
0x72: {  	_ =	shalt  }
0x73: {  	_ =	shalt  }
0x74: {  	_ =	shalt  }
0x75: {  	_ =	shalt  }
0x76: {  	_ =	shalt  }
0x77: {  	_ =	shalt  }
0x78: {  	_ =	shalt  }
0x79: {  	_ =	shalt  }
0x7a: {  	_ =	shalt  }
0x7b: {  	_ =	shalt  }
0x7c: {  	_ =	shalt  }
0x7d: {  	_ =	shalt  }
0x7e: {  	_ =	shalt  }
0x7f: {  	_ =	shalt  }
0x80: {  	_ =	shalt  }
0x81: {  	_ =	shalt  }
0x82: {  	_ =	shalt  }
0x83: {  	_ =	shalt  }
0x84: {  	_ =	shalt  }
0x85: {  	_ =	shalt  }
0x86: {  	_ =	shalt  }
0x87: {  	_ =	shalt  }
.Lfunc_end0:
.L_simem_size_0:
called_computation.1_lowered:
.L_overlay_start_0:
0x88: {  	s2 =	sld [smem:$0x3FD9]  }
0x89: {  	s3 =	sld [smem:$0x3FFE];
	_ =	sdelay $0x1  }
0x8a: {  	s1 =	srdreg.scid  }
0x8b: {  	s0 =	sand.u32 $0x1, s1  }
0x8c: {  	s17 =	sshll.u32 s0, $0xA;
	s2 =	sadd.s32 s3, s2  }
0x8d: {  	s2 =	sadd.s32 s2, s17  }
0x8e: {  	[smem:$0x3FB9] =	sst s2  }
0x8f: {  	_ = 	snop  }
0x90: {  	(tm) =	ssettm $0x1  }
0x91: {  	s18 =	sld [smem:$0x3FFB];
	_ =	sdelay $0x3  }
0x92: {  	_ =	strace s18  }
0x93: {  	s2 =	sld [smem:$0x3FFC];
	_ =	sdelay $0x3  }
0x94: {  	_ =	strace s2  }
0x95: {  	s2 =	sld [smem:$0x3FFD];
	_ =	sdelay $0x3  }
0x96: {  	_ =	strace s2  }
0x97: {  	_ =	strace $0x8FFFFFFF  }
0x98: {  	s19 =	sld [smem:$0x3FDB];
	_ =	sdelay $0x1  }
0x99: {  	s20 =	simm.s32 $_scs_section_size  }
0x9a: {  	s4 =	simm.s32 $_size__tile_overlayer_lowered;
	s5 =	simm.s32 $_tile_overlayer_lowered  }
0x9b: {  	s6 =	simm.s32 $0x1BFF;
	s21 =	sshll.u32 s5, $0x1;
	s3 =	sadd.s32 s20, s19  }
0x9c: {  	s22 =	simm.s32 $0x0;
	s4 =	sshll.u32 s4, $0x1;
	s5 =	sadd.s32 s21, s3  }
0x9d: {  	[timem:s22], [sflag:s6] =	dma.local [hbm:s5], s4  }
0x9e: {  	_ =	swait.ge [sflag:s6], s4  }
0x9f: {  	s4 =	ssub.s32 $0x0, s4;
	[sflag:s6] =	ssyncset.done $0x0  }
0xa0: {  	[sflag:s6] =	ssyncadd.s32 s4;
	_ =	sdelay $0x1  }
0xa1: {  	s23 =	simm.s32 $0x1B8B  }
0xa2: {  	_ =	swait.ge [sflag:s23], $0x1  }
0xa3: {  	[sflag:s23] =	ssyncset.done $0x0  }
0xa4: {  	[sflag:s23] =	ssyncadd.s32 $0xFFFFFFFF  }
0xa5: {  	s4 =	sld [smem:$0x0]  }
0xa6: {  	s5 =	sand.u32 $0xFFFFFFFE, s1  }
0xa7: {  	p0 =	sne.s32 s1, s5  }
0xa8: {  	s5 =	sshll.u32 @p0 s5, $0xE  }
0xa9: {  	s5 =	sadd.s32 @p0 $0x11B8D, s5;
	s6 =	sshll.u32 @p0 s4, $0x11  }
0xaa: {  	s5 =	sor.u32 @p0 s6, s5  }
0xab: {  	[sflag:s5] =	ssyncadd.remote.s32 @p0 $0x1;
	_ =	sdelay $0x1  }
0xac: {  	s5 =	simm.s32 @p0 $0x1B8D  }
0xad: {  	_ =	swait.eq @p0 [sflag:s5], $0x1  }
0xae: {  	[sflag:s5] =	ssyncadd.s32 @p0 $0xFFFFFFFF  }
0xaf: {  	s6 =	sshll.u32 @!p0 s1, $0xE  }
0xb0: {  	s6 =	sor.u32 @!p0 $0x4000, s6;
	s5 =	simm.s32 @!p0 $0x1B8D  }
0xb1: {  	s4 =	sshll.u32 @!p0 s4, $0x11;
	s6 =	sadd.s32 @!p0 $0x11B8D, s6;
	_ =	swait.eq @!p0 [sflag:s5], $0x1  }
0xb2: {  	s4 =	sor.u32 @!p0 s4, s6;
	[sflag:s5] =	ssyncadd.s32 @!p0 $0xFFFFFFFF  }
0xb3: {  	s25 =	simm.s32 $0x1B8E;
	s24 =	sld [smem:$0x3FFE];
	[sflag:s4] =	ssyncadd.remote.s32 @!p0 $0x1  }
0xb4: {  	s26 =	simm.s32 $execute0_lowered;
	[smem:$0x3FD2] =	sst s25  }
0xb5: {  	s5 =	sshll.u32 s26, $0x1;
	_ =	strace $0x8000004F;
	[dreg:$0x1] =	wrdreg $0xFFFFFFFF  }
0xb6: {  	s28 =	simm.s32 $_size_execute0_lowered;
	s3 =	sadd.s32 s3, s5;
	[dreg:$0x0] =	wrdreg $0x0  }
0xb7: {  	s5 =	sshll.u32 s28, $0x1;
	[dreg:$0x2] =	wrdreg s3  }
0xb8: {  	[dreg:$0x3] =	wrdreg s5  }
0xb9: {  	[dreg:$0x4] =	wrdreg $0xC0  }
0xba: {  	_ =	task [dreg:s22], $0x5FFFF  }
0xbb: {  	[dreg:$0x1] =	wrdreg $0xFFFFFFFF  }
0xbc: {  	[dreg:$0x0] =	wrdreg $0x60  }
0xbd: {  	[dreg:$0x2] =	wrdreg s24  }
0xbe: {  	[dreg:$0x3] =	wrdreg $0x9  }
0xbf: {  	_ =	task.clear_ibuf [dreg:s22], $0x4FFFF;
	_ =	strace $0x9000004F  }
0xc0: {  	s29 =	simm.s32 $0x9;
	_ =	strace $0x80000051  }
0xc1: {  	_ =	swait.ge [sflag:s29], $0x1  }
0xc2: {  	[sflag:s29] =	ssyncadd.s32 $0xFFFFFFFF  }
0xc3: {  	_ =	strace $0x90000051  }
0xc4: {  	_ =	sfence  }
0xc5: {  	s30 =	sld [smem:$0x0];
	_ =	sdelay $0x2  }
0xc6: {  	s31 =	sshll.u32 s1, $0xD;
	s1 =	sshrl.u32 s1, $0x2  }
0xc7: {  	s4 =	sand.u32 $0x4000, s31;
	s1 =	sadd.s32 s1, s30  }
0xc8: {  	s0 =	sor.u32 s4, s0;
	s1 =	sshll.u32 s1, $0x11  }
0xc9: {  	s0 =	sor.u32 s1, s0  }
0xca: {  	s0 =	sadd.s32 $0x8F2B, s0  }
0xcb: {  	[sflag:s0] =	ssyncadd.remote.s32 $0x1  }
0xcc: {  	_ =	sfence.sel $0xFFFF  }
0xcd: {  	[dreg:$0x0] =	wrdreg $0xFFFFFFFF;
	(pc) =	sbr.abs _section_cstart, $3  }
0xce: {  	[dreg:$0x1] =	wrdreg $0xFFFFFFFF  }
0xcf: {  	_ =	task.clear_ibuf [dreg:s22], $0x2FFFF;
	_ =	strace $0x9FFFFFFF  }
0xd0: {  	(tm) =	ssettm $0x7FFFFFFF  }
0xd1: {  	_ =	shalt  }
tec
execute0_lowered:
.L_overlay_start_1:
0x0: {  	(tag) =	ssettag $0x1  }
0x1: {  	s1 =	srdreg.scid;
	s0 =	stileid.u32  }
0x2: {  	s11 =	sand.u32 $0x1, s1;
	s29 =	sshll.u32 s0, $0x1  }
0x3: {  	s12 =	rddreg [dreg:$0x0];
	s13 =	sor.u32 s11, s29  }
0x4: {  	s2 =	simm.s32 $0x0;
	s1 =	rddreg [dreg:$0x1];
	s3 =	sshll.u32 s13, $0x7  }
0x5: {  	[smem:$0x7FF] =	sst s2;
	s3 =	sadd.s32 s3, s12  }
0x6: {  	_ =	strace $0x80000050;
	s4 =	sadd.s32 $0x78400, s3;
	s3 =	simm.s32 $0x2  }
0x7: {  	[tilespmem:s2], [sflag:$0x2] =	stream.linear.gather [hbm4b:s4+s2], $0x400, $0x38;
	[tilespmem:$0x6400] =	vst v63  }
0x8: {  	_ =	swait.ge [sflag:s3], $0x400  }
0x9: {  	s6 =	simm.s32 $0x60;
	s7 =	simm.s32 $0x400;
	[sflag:s3] =	ssyncset.done $0x0  }
0xa: {  	s8 =	simm.s32 $0x80;
	s5 =	sadd.s32 $0xA9400, s12;
	[sflag:s3] =	ssyncadd.s32 $0xFFFFFC00  }
0xb: {  	[tilespmem:s7], [sflag:$0x1] =	stream.indirect.gather [hbm4b:s5+s6], $0x80, s2, s6, $0xb8;
	[tilespmem:$0x6400] =	vst v63  }
0xc: {  	s9 =	simm.s32 $0x3400;
	s10 =	simm.s32 $0x1;
	s11 =	ssub.s32 $0x2, s11  }
0xd: {  	[tilespmem:s9], [sflag:$0x1] =	stream.indirect.gather [hbm4b:s5+s6], $0x80, s8, s6, $0xb8;
	[tilespmem:$0x6400] =	vst v63  }
0xe: {  	s14 =	sshrl.u32 s11, $0x1;
	_ =	swait.ge [sflag:s10], $0x3000  }
0xf: {  	s30 =	ssub.s32 s11, s14;
	[sflag:s10] =	ssyncset.done $0x0  }
0x10: {  	s13 =	smul.u32 $0xC00, s13;
	s31 =	smax.u32 s30, $0x1;
	[sflag:s10] =	ssyncadd.s32 $0xFFFFD000  }
0x11: {  	p0 =	sne.s32 s31, $0x1;
	_ =	swait.ge [sflag:s10], $0x3000  }
.Ltmp0:
0x12: {  	s12 =	sadd.s32 s13, s12;
	[sflag:s10] =	ssyncset.done $0x0;
	(pc) =	sbr.rel @!p0 .LBB2_2-.Ltmp0, $4  }
0x13: {  	s11 =	sadd.s32 $0xB1400, s12;
	[sflag:s10] =	ssyncadd.s32 $0xFFFFD000  }
0x14: {  	[hbm4b:s11+s2] =	stream.linear.scatter [tilespmem:s7], [sflag:$0x2], $0x6000, $0x38;
	[tilespmem:$0x6400] =	vst v63  }
0x15: {  	_ =	swait.ge [sflag:s3], $0x6000  }
0x16: {  	s12 =	sadd.s32 $0xFFFFFFFF, s31;
	[sflag:s3] =	ssyncset.done $0x0  }
.LBB2_1:
0x17: {  	p0 =	sne.s32 s12, $0x1;
	s12 =	sadd.s32 $0xFFFFFFFF, s12;
	[sflag:s3] =	ssyncadd.s32 $0xFFFFA000  }
0x18: {  	[tilespmem:s2], [sflag:$0x2] =	stream.linear.gather [hbm4b:s4+s2], $0x400, $0x38;
	[tilespmem:$0x6400] =	vst v63  }
0x19: {  	_ =	swait.ge [sflag:s3], $0x400  }
0x1a: {  	[sflag:s3] =	ssyncset.done $0x0  }
0x1b: {  	[sflag:s3] =	ssyncadd.s32 $0xFFFFFC00  }
0x1c: {  	[tilespmem:s7], [sflag:$0x1] =	stream.indirect.gather [hbm4b:s5+s6], $0x80, s2, s6, $0xb8;
	[tilespmem:$0x6400] =	vst v63  }
0x1d: {  	_ = 	snop  }
0x1e: {  	[tilespmem:s9], [sflag:$0x1] =	stream.indirect.gather [hbm4b:s5+s6], $0x80, s8, s6, $0xb8;
	[tilespmem:$0x6400] =	vst v63  }
0x1f: {  	_ =	swait.ge [sflag:s10], $0x3000  }
0x20: {  	[sflag:s10] =	ssyncset.done $0x0  }
0x21: {  	[sflag:s10] =	ssyncadd.s32 $0xFFFFD000  }
0x22: {  	_ =	swait.ge [sflag:s10], $0x3000  }
.Ltmp1:
0x23: {  	[sflag:s10] =	ssyncset.done $0x0;
	(pc) =	sbr.rel @p0 .LBB2_1-.Ltmp1, $4  }
0x24: {  	[sflag:s10] =	ssyncadd.s32 $0xFFFFD000  }
0x25: {  	[hbm4b:s11+s2] =	stream.linear.scatter [tilespmem:s7], [sflag:$0x2], $0x6000, $0x38;
	[tilespmem:$0x6400] =	vst v63  }
0x26: {  	_ =	swait.ge [sflag:s3], $0x6000  }
0x27: {  	[sflag:s3] =	ssyncset.done $0x0  }
.LBB2_2:
0x28: {  	[sflag:s3] =	ssyncadd.s32 $0xFFFFA000  }
0x29: {  	_ =	sfence.sel $0x180000  }
0x2a: {  	[bflag:$0x0] =	sbarrier.arrive $0xFFFF  }
0x2b: {  	p0 =	sne.s32 s0, $0x0;
	_ =	strace $0x90000050  }
0x2c: {  	s0 =	sadd.s32 @!p0 $0x100000, s1;
	[bflag:$0x2] =	sbarrier.arrive $0xFFFF  }
0x2d: {  	[sflag:s0] =	ssyncadd.tile.s32 @!p0 $0x1;
	_ =	shalt  }
.Lfunc_end2:
_tile_overlayer_lowered:
.L_overlay_start_2:
0x2e: {  	(tag) =	ssettag $0x2  }
0x2f: {  	s0 =	rddreg [dreg:$0x0];
	s2 =	stileid.u32  }
0x30: {  	s1 =	rddreg [dreg:$0x1];
	p0 =	sne.s32 s2, $0x0  }
0x31: {  	s3 =	rddreg [dreg:$0x2];
	[bflag:$0x3] =	sbarrier.arrive $0xFFFF;
	s2 =	simm.s32 @!p0 $0x1C02  }
0x32: {  	[timem:s3], [sflag:s2] =	dma.local @!p0 [hbm:s0], s1  }
0x33: {  	s0 =	simm.s32 @!p0 $0x2  }
0x34: {  	_ =	swait.ge @!p0 [sflag:s0], s1  }
0x35: {  	s1 =	ssub.s32 @!p0 $0x0, s1;
	[sflag:s0] =	ssyncset.done @!p0 $0x0  }
0x36: {  	[sflag:s0] =	ssyncadd.s32 @!p0 s1  }
0x37: {  	[bflag:$0x3] =	sbarrier.arrive $0xFFFF  }
0x38: {  	_ =	shalt  }

// kernel: kernel.24.cloned.1.call-start
scs
__scs_entry_jumppad:
0x0: {  	(pc) =	sbr.rel $0x88, $3  }
0x1: {  	(tag) =	ssettag $0x0;
	lr =	simm.s32 $0x1  }
0x2: {  	[smem:$0x3F92] =	sst lr;
	_ =	strace $0xD0000000  }
0x3: {  	_ = 	snop  }
0x4: {  	_ = 	snop  }
0x5: {  	_ = 	snop  }
0x6: {  	_ = 	snop  }
0x7: {  	_ = 	snop  }
__scs_overlays_trampoline_lowered:
0x8: {  	[smem:$0x3FA1] =	sst s0  }
0x9: {  	[smem:$0x3FA2] =	sst s1  }
0xa: {  	[smem:$0x3FA3] =	sst s2  }
0xb: {  	[smem:$0x3FA4] =	sst s3  }
0xc: {  	[smem:$0x3FA5] =	sst s4  }
0xd: {  	[smem:$0x3FA6] =	sst s5  }
0xe: {  	[smem:$0x3FA7] =	sst s6  }
0xf: {  	[smem:$0x3FA8] =	sst s7  }
0x10: {  	[smem:$0x3FA9] =	sst s8  }
0x11: {  	[smem:$0x3FAA] =	sst s9;
	s0 =	simm.s32 @!p0 $0x0  }
0x12: {  	s1 =	sld [smem:$0x3F90];
	s0 =	simm.s32 @p0 $0x1  }
0x13: {  	[smem:$0x3FAB] =	sst s0;
	s0 =	simm.s32 @!p1 $0x0  }
0x14: {  	s2 =	sld [smem:$0x3F8F];
	s0 =	simm.s32 @p1 $0x1  }
0x15: {  	[smem:$0x3FAC] =	sst s0;
	s0 =	simm.s32 @!p2 $0x0  }
0x16: {  	s3 =	sld [smem:$0x3FDB];
	s0 =	simm.s32 @p2 $0x1  }
0x17: {  	s4 =	simm.s32 $0x1BF5;
	[smem:$0x3FAE] =	sst s0  }
0x18: {  	s0 =	sld [smem:$0x3F91];
	_ =	swait.ge [sflag:s4], $0x0  }
0x19: {  	s7 =	sld [smem:$0x3F92]  }
0x1a: {  	s8 =	sadd.s32 $0xFFFFE003, lr  }
0x1b: {  	s9 =	sadd.s32 $0xFFFFFEF7, lr;
	s5 =	simm.s32 $0xFFFFFFFF;
	p2 =	slt.u32 s8, $0xFFFFF086  }
0x1c: {  	p1 =	slt.u32 s9, $0xF7A;
	s5 =	simm.s32 @!p2 $0x0  }
0x1d: {  	s5 =	simm.s32 @p1 $0x1;
	p0 =	seq.s32 s7, s2  }
0x1e: {  	s7 =	smul.u32 @!p0 $0xF7A, s2;
	p2 =	seq.s32 @!p0 s5, $0x0  }
0x1f: {  	s9 =	smul.u32 $0xF7A, s1;
	s8 =	simm.s32 @!p0 $0x1BF5;
	p2 =	por !p2, p0  }
0x20: {  	[sflag:s8] =	ssyncset.s32 @!p0 $0xFFFFF086;
	s6 =	sadd.s32 @!p0 s3, s7;
	s7 =	simm.s32 @!p0 $0x108  }
0x21: {  	s3 =	sadd.s32 s3, s9;
	s6 =	sadd.s32 @!p0 $0x88, s6;
	s7 =	simm.s32 @p2 $0x1082  }
0x22: {  	[simem:s7], [sflag:s8] =	dma.local @!p0 [hbm:s6], $0xF7A  }
0x23: {  	s9 =	sor.u32 $0xD0000000, s2;
	s6 =	simm.s32 $0x108;
	_ =	swait.ge @!p0 [sflag:s8], $0x0  }
0x24: {  	s3 =	sadd.s32 $0x88, s3;
	s6 =	simm.s32 @!p1 $0x1082;
	[sflag:s4] =	ssyncset.s32 $0xFFFFF086  }
0x25: {  	[simem:s6], [sflag:s4] =	dma.local [hbm:s3], $0xF7A  }
0x26: {  	[smem:$0x3F92] =	sst s1;
	(tag) =	ssettag s2;
	_ =	strace s9  }
0x27: {  	s1 =	sld [smem:$0x3FA2]  }
0x28: {  	s2 =	sld [smem:$0x3FA3]  }
0x29: {  	s4 =	sld [smem:$0x3FA5]  }
0x2a: {  	p0 =	seq.s32 s5, $0x0;
	s5 =	sld [smem:$0x3FA6]  }
0x2b: {  	s6 =	sld [smem:$0x3FA7]  }
0x2c: {  	s7 =	sld [smem:$0x3FA8]  }
0x2d: {  	s3 =	simm.s32 $0x108;
	s8 =	sld [smem:$0x3FA9]  }
0x2e: {  	s3 =	simm.s32 @!p0 $0x1082;
	s9 =	sld [smem:$0x3FAA]  }
0x2f: {  	lr =	sadd.s32 s0, s3;
	s0 =	sld [smem:$0x3FA1]  }
0x30: {  	s3 =	sld [smem:$0x3FA4]  }
0x31: {  	[smem:$0x3FAD] =	sst s10  }
0x32: {  	s10 =	sld [smem:$0x3FAB];
	_ =	sdelay $0x3  }
0x33: {  	p0 =	seq.s32 s10, $0x1;
	s10 =	sld [smem:$0x3FAD];
	_ =	sdelay $0x3  }
0x34: {  	[smem:$0x3FAD] =	sst s10  }
0x35: {  	s10 =	sld [smem:$0x3FAC];
	_ =	sdelay $0x3  }
0x36: {  	p1 =	seq.s32 s10, $0x1;
	s10 =	sld [smem:$0x3FAD];
	_ =	sdelay $0x3  }
0x37: {  	[smem:$0x3FAD] =	sst s10  }
0x38: {  	s10 =	sld [smem:$0x3FAE]  }
0x39: {  	_ = 	snop;
	(pc) =	sbr.ind lr, $3  }
0x3a: {  	_ = 	snop  }
0x3b: {  	_ = 	snop  }
0x3c: {  	p2 =	seq.s32 s10, $0x1;
	s10 =	sld [smem:$0x3FAD]  }
0x3d: {  	_ =	shalt  }
0x3e: {  	_ =	shalt  }
0x3f: {  	_ =	shalt  }
0x40: {  	_ =	shalt  }
0x41: {  	_ =	shalt  }
0x42: {  	_ =	shalt  }
0x43: {  	_ =	shalt  }
0x44: {  	_ =	shalt  }
0x45: {  	_ =	shalt  }
0x46: {  	_ =	shalt  }
0x47: {  	_ =	shalt  }
0x48: {  	_ =	shalt  }
0x49: {  	_ =	shalt  }
0x4a: {  	_ =	shalt  }
0x4b: {  	_ =	shalt  }
0x4c: {  	_ =	shalt  }
0x4d: {  	_ =	shalt  }
0x4e: {  	_ =	shalt  }
0x4f: {  	_ =	shalt  }
0x50: {  	_ =	shalt  }
0x51: {  	_ =	shalt  }
0x52: {  	_ =	shalt  }
0x53: {  	_ =	shalt  }
0x54: {  	_ =	shalt  }
0x55: {  	_ =	shalt  }
0x56: {  	_ =	shalt  }
0x57: {  	_ =	shalt  }
0x58: {  	_ =	shalt  }
0x59: {  	_ =	shalt  }
0x5a: {  	_ =	shalt  }
0x5b: {  	_ =	shalt  }
0x5c: {  	_ =	shalt  }
0x5d: {  	_ =	shalt  }
0x5e: {  	_ =	shalt  }
0x5f: {  	_ =	shalt  }
0x60: {  	_ =	shalt  }
0x61: {  	_ =	shalt  }
0x62: {  	_ =	shalt  }
0x63: {  	_ =	shalt  }
0x64: {  	_ =	shalt  }
0x65: {  	_ =	shalt  }
0x66: {  	_ =	shalt  }
0x67: {  	_ =	shalt  }
0x68: {  	_ =	shalt  }
0x69: {  	_ =	shalt  }
0x6a: {  	_ =	shalt  }
0x6b: {  	_ =	shalt  }
0x6c: {  	_ =	shalt  }
0x6d: {  	_ =	shalt  }
0x6e: {  	_ =	shalt  }
0x6f: {  	_ =	shalt  }
0x70: {  	_ =	shalt  }
0x71: {  	_ =	shalt  }
0x72: {  	_ =	shalt  }
0x73: {  	_ =	shalt  }
0x74: {  	_ =	shalt  }
0x75: {  	_ =	shalt  }
0x76: {  	_ =	shalt  }
0x77: {  	_ =	shalt  }
0x78: {  	_ =	shalt  }
0x79: {  	_ =	shalt  }
0x7a: {  	_ =	shalt  }
0x7b: {  	_ =	shalt  }
0x7c: {  	_ =	shalt  }
0x7d: {  	_ =	shalt  }
0x7e: {  	_ =	shalt  }
0x7f: {  	_ =	shalt  }
0x80: {  	_ =	shalt  }
0x81: {  	_ =	shalt  }
0x82: {  	_ =	shalt  }
0x83: {  	_ =	shalt  }
0x84: {  	_ =	shalt  }
0x85: {  	_ =	shalt  }
0x86: {  	_ =	shalt  }
0x87: {  	_ =	shalt  }
.Lfunc_end0:
.L_simem_size_0:
called_computation.2_lowered:
.L_overlay_start_0:
0x88: {  	s2 =	sld [smem:$0x3FD9]  }
0x89: {  	s3 =	sld [smem:$0x3FFE];
	_ =	sdelay $0x1  }
0x8a: {  	s1 =	srdreg.scid  }
0x8b: {  	s0 =	sand.u32 $0x1, s1  }
0x8c: {  	s16 =	sshll.u32 s0, $0xA;
	s2 =	sadd.s32 s3, s2  }
0x8d: {  	s2 =	sadd.s32 s2, s16  }
0x8e: {  	[smem:$0x3FB9] =	sst s2  }
0x8f: {  	_ = 	snop  }
0x90: {  	(tm) =	ssettm $0x1  }
0x91: {  	s17 =	sld [smem:$0x3FFB];
	_ =	sdelay $0x3  }
0x92: {  	_ =	strace s17  }
0x93: {  	s2 =	sld [smem:$0x3FFC];
	_ =	sdelay $0x3  }
0x94: {  	_ =	strace s2  }
0x95: {  	s2 =	sld [smem:$0x3FFD];
	_ =	sdelay $0x3  }
0x96: {  	_ =	strace s2  }
0x97: {  	_ =	strace $0x8FFFFFFF  }
0x98: {  	s18 =	sld [smem:$0x3FDB];
	_ =	sdelay $0x1  }
0x99: {  	s19 =	simm.s32 $_scs_section_size  }
0x9a: {  	s4 =	simm.s32 $_size__tile_overlayer_lowered;
	s5 =	simm.s32 $_tile_overlayer_lowered  }
0x9b: {  	s22 =	simm.s32 $0x1BFF;
	s21 =	sshll.u32 s5, $0x1;
	s2 =	sadd.s32 s19, s18  }
0x9c: {  	s6 =	simm.s32 $0x0;
	s20 =	sshll.u32 s4, $0x1;
	s4 =	sadd.s32 s21, s2  }
0x9d: {  	[timem:s6], [sflag:s22] =	dma.local [hbm:s4], s20  }
0x9e: {  	_ =	swait.ge [sflag:s22], s20  }
0x9f: {  	s3 =	ssub.s32 $0x0, s20;
	[sflag:s22] =	ssyncset.done $0x0  }
0xa0: {  	[sflag:s22] =	ssyncadd.s32 s3;
	_ =	sdelay $0x1  }
0xa1: {  	s23 =	simm.s32 $0x1B8B  }
0xa2: {  	_ =	swait.ge [sflag:s23], $0x1  }
0xa3: {  	[sflag:s23] =	ssyncset.done $0x0  }
0xa4: {  	s25 =	simm.s32 $0x1B8E;
	s24 =	sld [smem:$0x3FFE];
	[sflag:s23] =	ssyncadd.s32 $0xFFFFFFFF  }
0xa5: {  	s26 =	simm.s32 $execute0_lowered;
	[smem:$0x3FD2] =	sst s25  }
0xa6: {  	s4 =	sshll.u32 s26, $0x1;
	_ =	strace $0x80000046;
	[dreg:$0x1] =	wrdreg $0xFFFFFFFF  }
0xa7: {  	s28 =	simm.s32 $_size_execute0_lowered;
	s2 =	sadd.s32 s2, s4;
	[dreg:$0x0] =	wrdreg $0x0  }
0xa8: {  	s4 =	sshll.u32 s28, $0x1;
	[dreg:$0x2] =	wrdreg s2  }
0xa9: {  	[dreg:$0x3] =	wrdreg s4  }
0xaa: {  	[dreg:$0x4] =	wrdreg $0xC0  }
0xab: {  	_ =	task [dreg:s6], $0x5FFFF  }
0xac: {  	[dreg:$0x1] =	wrdreg $0xFFFFFFFF  }
0xad: {  	[dreg:$0x0] =	wrdreg $0x60  }
0xae: {  	[dreg:$0x2] =	wrdreg s24  }
0xaf: {  	[dreg:$0x3] =	wrdreg $0xC  }
0xb0: {  	_ =	task.clear_ibuf [dreg:s6], $0x4FFFF;
	_ =	strace $0x90000046  }
0xb1: {  	s29 =	simm.s32 $0xC;
	_ =	strace $0x80000048  }
0xb2: {  	_ =	swait.ge [sflag:s29], $0x1  }
0xb3: {  	[sflag:s29] =	ssyncadd.s32 $0xFFFFFFFF  }
0xb4: {  	_ =	strace $0x90000048  }
0xb5: {  	_ =	sfence  }
0xb6: {  	s30 =	sld [smem:$0x0];
	_ =	sdelay $0x2  }
0xb7: {  	s31 =	sshll.u32 s1, $0xD;
	s1 =	sshrl.u32 s1, $0x2  }
0xb8: {  	s3 =	sand.u32 $0x4000, s31;
	s1 =	sadd.s32 s1, s30  }
0xb9: {  	s0 =	sor.u32 s3, s0;
	s1 =	sshll.u32 s1, $0x11  }
0xba: {  	s0 =	sor.u32 s1, s0  }
0xbb: {  	s0 =	sadd.s32 $0x8F2B, s0  }
0xbc: {  	[sflag:s0] =	ssyncadd.remote.s32 $0x1  }
0xbd: {  	_ =	sfence.sel $0xFFFF  }
0xbe: {  	[dreg:$0x0] =	wrdreg $0xFFFFFFFF;
	(pc) =	sbr.abs _section_cstart, $3  }
0xbf: {  	[dreg:$0x1] =	wrdreg $0xFFFFFFFF  }
0xc0: {  	_ =	task.clear_ibuf [dreg:s6], $0x2FFFF;
	_ =	strace $0x9FFFFFFF  }
0xc1: {  	(tm) =	ssettm $0x7FFFFFFF  }
tec
execute0_lowered:
.L_overlay_start_1:
0x0: {  	(tag) =	ssettag $0x1  }
0x1: {  	s0 =	rddreg [dreg:$0x0];
	s3 =	srdreg.scid  }
0x2: {  	s1 =	stileid.u32;
	s2 =	simm.s32 $0x0;
	s7 =	simm.s32 $0x400  }
0x3: {  	s8 =	simm.s32 $0xC00;
	s9 =	simm.s32 $0x1400;
	s10 =	simm.s32 $0x1C00  }
0x4: {  	s11 =	simm.s32 $0x2400;
	s12 =	simm.s32 $0x2C00;
	s13 =	simm.s32 $0x3400  }
0x5: {  	s14 =	simm.s32 $0x3C00;
	s15 =	simm.s32 $0x4400;
	s16 =	simm.s32 $0x4C00  }
0x6: {  	s17 =	simm.s32 $0x5400;
	s18 =	simm.s32 $0x5C00;
	s19 =	simm.s32 $0x6400  }
0x7: {  	s20 =	simm.s32 $0x6C00;
	s21 =	simm.s32 $0x7400;
	s22 =	simm.s32 $0x7C00  }
0x8: {  	s23 =	simm.s32 $0x8400;
	s24 =	simm.s32 $0x8C00;
	s28 =	simm.s32 $0xA400  }
0x9: {  	s29 =	simm.s32 $0xAC00;
	s30 =	simm.s32 $0xB400;
	s31 =	simm.s32 $0xBC00  }
0xa: {  	s4 =	sand.u32 $0x1, s3;
	s25 =	sshll.u32 s1, $0x1;
	[smem:$0x7FF] =	sst s2  }
0xb: {  	s3 =	sor.u32 s4, s25;
	_ =	strace $0x80000047;
	s4 =	ssub.s32 $0x2, s4  }
0xc: {  	s25 =	simm.s32 $0x9400;
	s5 =	sshll.u32 s3, $0x7;
	s6 =	smul.u32 $0x1800, s3  }
0xd: {  	s3 =	sadd.s32 $0x7400, s0;
	s26 =	sshrl.u32 s4, $0x1;
	s5 =	sadd.s32 s5, s0  }
0xe: {  	v2 =	vlaneseq.u32;
	s0 =	sadd.s32 s6, s0;
	s5 =	sadd.s32 $0x17400, s5;
	s6 =	ssub.s32 s4, s26  }
0xf: {  	vm0 =	vmmov $0xffff;
	v1 =	vshrl.u32 v2, $0x3;
	s26 =	simm.s32 $0x9C00;
	[dreg:$0x2] =	wrdreg s5;
	s4 =	sadd.s32 $0x18400, s0  }
0x10: {  	v0 =	vand.u32 $0x7, v2;
	v2 =	vor.u32 $0x8, v2;
	v1 =	vmul.u32 $0x8, v1;
	s5 =	smax.u32 s6, $0x1;
	s6 =	simm.s32 $0x2;
	s0 =	simm.s32 $0x1  }
.LBB2_1:
0x11: {  	s1 =	rddreg [dreg:$0x2]  }
0x12: {  	[tilespmem:s2], [sflag:$0x2] =	stream.linear.gather [hbm4b:s1+s2], $0x400, $0x38;
	[tilespmem:$0xC400] =	vst v63  }
0x13: {  	_ =	swait.ge [sflag:s6], $0x400  }
0x14: {  	[sflag:s6] =	ssyncset.done $0x0  }
0x15: {  	[sflag:s6] =	ssyncadd.s32 $0xFFFFFC00  }
0x16: {  	v3 =	vld [tilespmem:$0x0];
	_ =	sdelay $0x4  }
0x17: {  	v4 =	vshll.u32 v3, $0x1  }
0x18: {  	v3 =	vand.u32 $0x7, v3;
	v4 =	vand.u32 $0xFFFFFFF0, v4  }
0x19: {  	v3 =	vor.u32 v3, v4  }
0x1a: {  	v4 =	vperm.xlane v3, v0;
	_ =	sdelay $0x1  }
0x1b: {  	v3 =	vperm.xlane v3, v2;
	v4 =	vadd.s32 v1, v4;
	_ =	sdelay $0x1  }
0x1c: {  	v3 =	vadd.s32 v1, v3;
	_ =	sdelay $0x2  }
0x1d: {  	[tilespmem:s7], [sflag:$0x1] =	stream.indirect_vreg.gather [hbm4b:s3+s2], $0x80, v4, vm0, $0xb8;
	[tilespmem:$0xC400] =	vst v63  }
0x1e: {  	_ = 	snop  }
0x1f: {  	[tilespmem:s8], [sflag:$0x1] =	stream.indirect_vreg.gather [hbm4b:s3+s2], $0x80, v3, vm0, $0xb8;
	[tilespmem:$0xC400] =	vst v63  }
0x20: {  	v3 =	vld [tilespmem:$0x10];
	_ =	sdelay $0x4  }
0x21: {  	v53 =	vshll.u32 v3, $0x1  }
0x22: {  	v3 =	vand.u32 $0x7, v3;
	v4 =	vand.u32 $0xFFFFFFF0, v53  }
0x23: {  	v3 =	vor.u32 v3, v4  }
0x24: {  	v4 =	vperm.xlane v3, v0;
	_ =	sdelay $0x1  }
0x25: {  	v3 =	vperm.xlane v3, v2;
	v4 =	vadd.s32 v1, v4;
	_ =	sdelay $0x1  }
0x26: {  	v3 =	vadd.s32 v1, v3;
	_ =	sdelay $0x2  }
0x27: {  	[tilespmem:s9], [sflag:$0x1] =	stream.indirect_vreg.gather [hbm4b:s3+s2], $0x80, v4, vm0, $0xb8;
	[tilespmem:$0xC400] =	vst v63  }
0x28: {  	_ = 	snop  }
0x29: {  	[tilespmem:s10], [sflag:$0x1] =	stream.indirect_vreg.gather [hbm4b:s3+s2], $0x80, v3, vm0, $0xb8;
	[tilespmem:$0xC400] =	vst v63  }
0x2a: {  	v3 =	vld [tilespmem:$0x20];
	_ =	sdelay $0x4  }
0x2b: {  	v54 =	vshll.u32 v3, $0x1  }
0x2c: {  	v3 =	vand.u32 $0x7, v3;
	v4 =	vand.u32 $0xFFFFFFF0, v54  }
0x2d: {  	v3 =	vor.u32 v3, v4  }
0x2e: {  	v4 =	vperm.xlane v3, v0;
	_ =	sdelay $0x1  }
0x2f: {  	v3 =	vperm.xlane v3, v2;
	v4 =	vadd.s32 v1, v4;
	_ =	sdelay $0x1  }
0x30: {  	v3 =	vadd.s32 v1, v3;
	_ =	sdelay $0x2  }
0x31: {  	[tilespmem:s11], [sflag:$0x1] =	stream.indirect_vreg.gather [hbm4b:s3+s2], $0x80, v4, vm0, $0xb8;
	[tilespmem:$0xC400] =	vst v63  }
0x32: {  	_ = 	snop  }
0x33: {  	[tilespmem:s12], [sflag:$0x1] =	stream.indirect_vreg.gather [hbm4b:s3+s2], $0x80, v3, vm0, $0xb8;
	[tilespmem:$0xC400] =	vst v63  }
0x34: {  	v3 =	vld [tilespmem:$0x30];
	_ =	sdelay $0x4  }
0x35: {  	v55 =	vshll.u32 v3, $0x1  }
0x36: {  	v3 =	vand.u32 $0x7, v3;
	v4 =	vand.u32 $0xFFFFFFF0, v55  }
0x37: {  	v3 =	vor.u32 v3, v4  }
0x38: {  	v4 =	vperm.xlane v3, v0;
	_ =	sdelay $0x1  }
0x39: {  	v3 =	vperm.xlane v3, v2;
	v4 =	vadd.s32 v1, v4;
	_ =	sdelay $0x1  }
0x3a: {  	v3 =	vadd.s32 v1, v3;
	_ =	sdelay $0x2  }
0x3b: {  	[tilespmem:s13], [sflag:$0x1] =	stream.indirect_vreg.gather [hbm4b:s3+s2], $0x80, v4, vm0, $0xb8;
	[tilespmem:$0xC400] =	vst v63  }
0x3c: {  	_ = 	snop  }
0x3d: {  	[tilespmem:s14], [sflag:$0x1] =	stream.indirect_vreg.gather [hbm4b:s3+s2], $0x80, v3, vm0, $0xb8;
	[tilespmem:$0xC400] =	vst v63  }
0x3e: {  	v3 =	vld [tilespmem:$0x40];
	_ =	sdelay $0x4  }
0x3f: {  	v56 =	vshll.u32 v3, $0x1  }
0x40: {  	v3 =	vand.u32 $0x7, v3;
	v4 =	vand.u32 $0xFFFFFFF0, v56  }
0x41: {  	v3 =	vor.u32 v3, v4  }
0x42: {  	v4 =	vperm.xlane v3, v0;
	_ =	sdelay $0x1  }
0x43: {  	v3 =	vperm.xlane v3, v2;
	v4 =	vadd.s32 v1, v4;
	_ =	sdelay $0x1  }
0x44: {  	v3 =	vadd.s32 v1, v3;
	_ =	sdelay $0x2  }
0x45: {  	[tilespmem:s15], [sflag:$0x1] =	stream.indirect_vreg.gather [hbm4b:s3+s2], $0x80, v4, vm0, $0xb8;
	[tilespmem:$0xC400] =	vst v63  }
0x46: {  	_ = 	snop  }
0x47: {  	[tilespmem:s16], [sflag:$0x1] =	stream.indirect_vreg.gather [hbm4b:s3+s2], $0x80, v3, vm0, $0xb8;
	[tilespmem:$0xC400] =	vst v63  }
0x48: {  	v3 =	vld [tilespmem:$0x50];
	_ =	sdelay $0x4  }
0x49: {  	v57 =	vshll.u32 v3, $0x1  }
0x4a: {  	v3 =	vand.u32 $0x7, v3;
	v4 =	vand.u32 $0xFFFFFFF0, v57  }
0x4b: {  	v3 =	vor.u32 v3, v4  }
0x4c: {  	v4 =	vperm.xlane v3, v0;
	_ =	sdelay $0x1  }
0x4d: {  	v3 =	vperm.xlane v3, v2;
	v4 =	vadd.s32 v1, v4;
	_ =	sdelay $0x1  }
0x4e: {  	v3 =	vadd.s32 v1, v3;
	_ =	sdelay $0x2  }
0x4f: {  	[tilespmem:s17], [sflag:$0x1] =	stream.indirect_vreg.gather [hbm4b:s3+s2], $0x80, v4, vm0, $0xb8;
	[tilespmem:$0xC400] =	vst v63  }
0x50: {  	_ = 	snop  }
0x51: {  	[tilespmem:s18], [sflag:$0x1] =	stream.indirect_vreg.gather [hbm4b:s3+s2], $0x80, v3, vm0, $0xb8;
	[tilespmem:$0xC400] =	vst v63  }
0x52: {  	v3 =	vld [tilespmem:$0x80];
	_ =	sdelay $0x4  }
0x53: {  	v58 =	vshll.u32 v3, $0x1  }
0x54: {  	v3 =	vand.u32 $0x7, v3;
	v4 =	vand.u32 $0xFFFFFFF0, v58  }
0x55: {  	v3 =	vor.u32 v3, v4  }
0x56: {  	v4 =	vperm.xlane v3, v0;
	_ =	sdelay $0x1  }
0x57: {  	v3 =	vperm.xlane v3, v2;
	v4 =	vadd.s32 v1, v4;
	_ =	sdelay $0x1  }
0x58: {  	v3 =	vadd.s32 v1, v3;
	_ =	sdelay $0x2  }
0x59: {  	[tilespmem:s19], [sflag:$0x1] =	stream.indirect_vreg.gather [hbm4b:s3+s2], $0x80, v4, vm0, $0xb8;
	[tilespmem:$0xC400] =	vst v63  }
0x5a: {  	_ = 	snop  }
0x5b: {  	[tilespmem:s20], [sflag:$0x1] =	stream.indirect_vreg.gather [hbm4b:s3+s2], $0x80, v3, vm0, $0xb8;
	[tilespmem:$0xC400] =	vst v63  }
0x5c: {  	v3 =	vld [tilespmem:$0x90];
	_ =	sdelay $0x4  }
0x5d: {  	v59 =	vshll.u32 v3, $0x1  }
0x5e: {  	v3 =	vand.u32 $0x7, v3;
	v4 =	vand.u32 $0xFFFFFFF0, v59  }
0x5f: {  	v3 =	vor.u32 v3, v4  }
0x60: {  	v4 =	vperm.xlane v3, v0;
	_ =	sdelay $0x1  }
0x61: {  	v3 =	vperm.xlane v3, v2;
	v4 =	vadd.s32 v1, v4;
	_ =	sdelay $0x1  }
0x62: {  	v3 =	vadd.s32 v1, v3;
	_ =	sdelay $0x2  }
0x63: {  	[tilespmem:s21], [sflag:$0x1] =	stream.indirect_vreg.gather [hbm4b:s3+s2], $0x80, v4, vm0, $0xb8;
	[tilespmem:$0xC400] =	vst v63  }
0x64: {  	_ = 	snop  }
0x65: {  	[tilespmem:s22], [sflag:$0x1] =	stream.indirect_vreg.gather [hbm4b:s3+s2], $0x80, v3, vm0, $0xb8;
	[tilespmem:$0xC400] =	vst v63  }
0x66: {  	v3 =	vld [tilespmem:$0xA0];
	_ =	sdelay $0x4  }
0x67: {  	v60 =	vshll.u32 v3, $0x1  }
0x68: {  	v3 =	vand.u32 $0x7, v3;
	v4 =	vand.u32 $0xFFFFFFF0, v60  }
0x69: {  	v3 =	vor.u32 v3, v4  }
0x6a: {  	v4 =	vperm.xlane v3, v0;
	_ =	sdelay $0x1  }
0x6b: {  	v3 =	vperm.xlane v3, v2;
	v4 =	vadd.s32 v1, v4;
	_ =	sdelay $0x1  }
0x6c: {  	v3 =	vadd.s32 v1, v3;
	_ =	sdelay $0x2  }
0x6d: {  	[tilespmem:s23], [sflag:$0x1] =	stream.indirect_vreg.gather [hbm4b:s3+s2], $0x80, v4, vm0, $0xb8;
	[tilespmem:$0xC400] =	vst v63  }
0x6e: {  	_ = 	snop  }
0x6f: {  	[tilespmem:s24], [sflag:$0x1] =	stream.indirect_vreg.gather [hbm4b:s3+s2], $0x80, v3, vm0, $0xb8;
	[tilespmem:$0xC400] =	vst v63  }
0x70: {  	v3 =	vld [tilespmem:$0xB0];
	_ =	sdelay $0x4  }
0x71: {  	v61 =	vshll.u32 v3, $0x1  }
0x72: {  	v3 =	vand.u32 $0x7, v3;
	v4 =	vand.u32 $0xFFFFFFF0, v61  }
0x73: {  	v3 =	vor.u32 v3, v4  }
0x74: {  	v4 =	vperm.xlane v3, v0;
	_ =	sdelay $0x1  }
0x75: {  	v3 =	vperm.xlane v3, v2;
	v4 =	vadd.s32 v1, v4;
	_ =	sdelay $0x1  }
0x76: {  	v3 =	vadd.s32 v1, v3;
	_ =	sdelay $0x2  }
0x77: {  	[tilespmem:s25], [sflag:$0x1] =	stream.indirect_vreg.gather [hbm4b:s3+s2], $0x80, v4, vm0, $0xb8;
	[tilespmem:$0xC400] =	vst v63  }
0x78: {  	_ = 	snop  }
0x79: {  	[tilespmem:s26], [sflag:$0x1] =	stream.indirect_vreg.gather [hbm4b:s3+s2], $0x80, v3, vm0, $0xb8;
	[tilespmem:$0xC400] =	vst v63  }
0x7a: {  	v3 =	vld [tilespmem:$0xC0];
	_ =	sdelay $0x4  }
0x7b: {  	v62 =	vshll.u32 v3, $0x1  }
0x7c: {  	v3 =	vand.u32 $0x7, v3;
	v4 =	vand.u32 $0xFFFFFFF0, v62  }
0x7d: {  	v3 =	vor.u32 v3, v4  }
0x7e: {  	v4 =	vperm.xlane v3, v0;
	_ =	sdelay $0x1  }
0x7f: {  	v3 =	vperm.xlane v3, v2;
	v4 =	vadd.s32 v1, v4;
	_ =	sdelay $0x1  }
0x80: {  	v3 =	vadd.s32 v1, v3;
	_ =	sdelay $0x2  }
0x81: {  	[tilespmem:s28], [sflag:$0x1] =	stream.indirect_vreg.gather [hbm4b:s3+s2], $0x80, v4, vm0, $0xb8;
	[tilespmem:$0xC400] =	vst v63  }
0x82: {  	_ = 	snop  }
0x83: {  	[tilespmem:s29], [sflag:$0x1] =	stream.indirect_vreg.gather [hbm4b:s3+s2], $0x80, v3, vm0, $0xb8;
	[tilespmem:$0xC400] =	vst v63  }
0x84: {  	v3 =	vld [tilespmem:$0xD0];
	_ =	sdelay $0x4  }
0x85: {  	v63 =	vshll.u32 v3, $0x1  }
0x86: {  	v3 =	vand.u32 $0x7, v3;
	v4 =	vand.u32 $0xFFFFFFF0, v63  }
0x87: {  	v3 =	vor.u32 v3, v4  }
0x88: {  	v4 =	vperm.xlane v3, v0;
	_ =	sdelay $0x1  }
0x89: {  	v3 =	vperm.xlane v3, v2;
	v4 =	vadd.s32 v1, v4;
	_ =	sdelay $0x1  }
0x8a: {  	v3 =	vadd.s32 v1, v3;
	_ =	sdelay $0x2  }
0x8b: {  	[tilespmem:s30], [sflag:$0x1] =	stream.indirect_vreg.gather [hbm4b:s3+s2], $0x80, v4, vm0, $0xb8;
	[tilespmem:$0xC400] =	vst v63  }
0x8c: {  	_ = 	snop  }
0x8d: {  	[tilespmem:s31], [sflag:$0x1] =	stream.indirect_vreg.gather [hbm4b:s3+s2], $0x80, v3, vm0, $0xb8;
	[tilespmem:$0xC400] =	vst v63  }
0x8e: {  	_ =	swait.ge [sflag:s0], $0x6000  }
0x8f: {  	[sflag:s0] =	ssyncset.done $0x0  }
0x90: {  	[sflag:s0] =	ssyncadd.s32 $0xFFFFA000  }
0x91: {  	_ =	swait.ge [sflag:s0], $0x6000  }
0x92: {  	p0 =	sne.s32 s5, $0x1;
	[sflag:s0] =	ssyncset.done $0x0  }
.Ltmp0:
0x93: {  	[sflag:s0] =	ssyncadd.s32 $0xFFFFA000;
	(pc) =	sbr.rel @p0 .LBB2_1-.Ltmp0, $4  }
0x94: {  	[hbm4b:s4+s2] =	stream.linear.scatter [tilespmem:s7], [sflag:$0x2], $0xC000, $0x38;
	[tilespmem:$0xC400] =	vst v63  }
0x95: {  	_ =	swait.ge [sflag:s6], $0xC000  }
0x96: {  	[sflag:s6] =	ssyncset.done $0x0  }
0x97: {  	s5 =	sadd.s32 $0xFFFFFFFF, s5;
	[sflag:s6] =	ssyncadd.s32 $0xFFFF4000  }
0x98: {  	_ =	sfence.sel $0x180000  }
0x99: {  	[bflag:$0x0] =	sbarrier.arrive $0xFFFF  }
0x9a: {  	_ =	strace $0x90000047  }
0x9b: {  	s0 =	stileid.u32;
	[bflag:$0x2] =	sbarrier.arrive $0xFFFF  }
0x9c: {  	p0 =	sne.s32 s0, $0x0;
	s0 =	rddreg [dreg:$0x1]  }
0x9d: {  	s0 =	sadd.s32 @!p0 $0x100000, s0  }
0x9e: {  	[sflag:s0] =	ssyncadd.tile.s32 @!p0 $0x1;
	_ =	shalt  }
.Lfunc_end2:
_tile_overlayer_lowered:
.L_overlay_start_2:
0x9f: {  	(tag) =	ssettag $0x2  }
0xa0: {  	s0 =	rddreg [dreg:$0x0];
	s2 =	stileid.u32  }
0xa1: {  	s1 =	rddreg [dreg:$0x1];
	p0 =	sne.s32 s2, $0x0  }
0xa2: {  	s3 =	rddreg [dreg:$0x2];
	[bflag:$0x3] =	sbarrier.arrive $0xFFFF;
	s2 =	simm.s32 @!p0 $0x1C02  }
0xa3: {  	[timem:s3], [sflag:s2] =	dma.local @!p0 [hbm:s0], s1  }
0xa4: {  	s0 =	simm.s32 @!p0 $0x2  }
0xa5: {  	_ =	swait.ge @!p0 [sflag:s0], s1  }
0xa6: {  	s1 =	ssub.s32 @!p0 $0x0, s1;
	[sflag:s0] =	ssyncset.done @!p0 $0x0  }
0xa7: {  	[sflag:s0] =	ssyncadd.s32 @!p0 s1  }
0xa8: {  	[bflag:$0x3] =	sbarrier.arrive $0xFFFF  }
0xa9: {  	_ =	shalt  }

// kernel: kernel.27.cloned.1.call-start
scs
__scs_entry_jumppad:
0x0: {  	(pc) =	sbr.rel $0x88, $3  }
0x1: {  	(tag) =	ssettag $0x0;
	lr =	simm.s32 $0x1  }
0x2: {  	[smem:$0x3F92] =	sst lr;
	_ =	strace $0xD0000000  }
0x3: {  	_ = 	snop  }
0x4: {  	_ = 	snop  }
0x5: {  	_ = 	snop  }
0x6: {  	_ = 	snop  }
0x7: {  	_ = 	snop  }
__scs_overlays_trampoline_lowered:
0x8: {  	[smem:$0x3FA1] =	sst s0  }
0x9: {  	[smem:$0x3FA2] =	sst s1  }
0xa: {  	[smem:$0x3FA3] =	sst s2  }
0xb: {  	[smem:$0x3FA4] =	sst s3  }
0xc: {  	[smem:$0x3FA5] =	sst s4  }
0xd: {  	[smem:$0x3FA6] =	sst s5  }
0xe: {  	[smem:$0x3FA7] =	sst s6  }
0xf: {  	[smem:$0x3FA8] =	sst s7  }
0x10: {  	[smem:$0x3FA9] =	sst s8  }
0x11: {  	[smem:$0x3FAA] =	sst s9;
	s0 =	simm.s32 @!p0 $0x0  }
0x12: {  	s1 =	sld [smem:$0x3F90];
	s0 =	simm.s32 @p0 $0x1  }
0x13: {  	[smem:$0x3FAB] =	sst s0;
	s0 =	simm.s32 @!p1 $0x0  }
0x14: {  	s2 =	sld [smem:$0x3F8F];
	s0 =	simm.s32 @p1 $0x1  }
0x15: {  	[smem:$0x3FAC] =	sst s0;
	s0 =	simm.s32 @!p2 $0x0  }
0x16: {  	s3 =	sld [smem:$0x3FDB];
	s0 =	simm.s32 @p2 $0x1  }
0x17: {  	s4 =	simm.s32 $0x1BF5;
	[smem:$0x3FAE] =	sst s0  }
0x18: {  	s0 =	sld [smem:$0x3F91];
	_ =	swait.ge [sflag:s4], $0x0  }
0x19: {  	s7 =	sld [smem:$0x3F92]  }
0x1a: {  	s8 =	sadd.s32 $0xFFFFE003, lr  }
0x1b: {  	s9 =	sadd.s32 $0xFFFFFEF7, lr;
	s5 =	simm.s32 $0xFFFFFFFF;
	p2 =	slt.u32 s8, $0xFFFFF086  }
0x1c: {  	p1 =	slt.u32 s9, $0xF7A;
	s5 =	simm.s32 @!p2 $0x0  }
0x1d: {  	s5 =	simm.s32 @p1 $0x1;
	p0 =	seq.s32 s7, s2  }
0x1e: {  	s7 =	smul.u32 @!p0 $0xF7A, s2;
	p2 =	seq.s32 @!p0 s5, $0x0  }
0x1f: {  	s9 =	smul.u32 $0xF7A, s1;
	s8 =	simm.s32 @!p0 $0x1BF5;
	p2 =	por !p2, p0  }
0x20: {  	[sflag:s8] =	ssyncset.s32 @!p0 $0xFFFFF086;
	s6 =	sadd.s32 @!p0 s3, s7;
	s7 =	simm.s32 @!p0 $0x108  }
0x21: {  	s3 =	sadd.s32 s3, s9;
	s6 =	sadd.s32 @!p0 $0x88, s6;
	s7 =	simm.s32 @p2 $0x1082  }
0x22: {  	[simem:s7], [sflag:s8] =	dma.local @!p0 [hbm:s6], $0xF7A  }
0x23: {  	s9 =	sor.u32 $0xD0000000, s2;
	s6 =	simm.s32 $0x108;
	_ =	swait.ge @!p0 [sflag:s8], $0x0  }
0x24: {  	s3 =	sadd.s32 $0x88, s3;
	s6 =	simm.s32 @!p1 $0x1082;
	[sflag:s4] =	ssyncset.s32 $0xFFFFF086  }
0x25: {  	[simem:s6], [sflag:s4] =	dma.local [hbm:s3], $0xF7A  }
0x26: {  	[smem:$0x3F92] =	sst s1;
	(tag) =	ssettag s2;
	_ =	strace s9  }
0x27: {  	s1 =	sld [smem:$0x3FA2]  }
0x28: {  	s2 =	sld [smem:$0x3FA3]  }
0x29: {  	s4 =	sld [smem:$0x3FA5]  }
0x2a: {  	p0 =	seq.s32 s5, $0x0;
	s5 =	sld [smem:$0x3FA6]  }
0x2b: {  	s6 =	sld [smem:$0x3FA7]  }
0x2c: {  	s7 =	sld [smem:$0x3FA8]  }
0x2d: {  	s3 =	simm.s32 $0x108;
	s8 =	sld [smem:$0x3FA9]  }
0x2e: {  	s3 =	simm.s32 @!p0 $0x1082;
	s9 =	sld [smem:$0x3FAA]  }
0x2f: {  	lr =	sadd.s32 s0, s3;
	s0 =	sld [smem:$0x3FA1]  }
0x30: {  	s3 =	sld [smem:$0x3FA4]  }
0x31: {  	[smem:$0x3FAD] =	sst s10  }
0x32: {  	s10 =	sld [smem:$0x3FAB];
	_ =	sdelay $0x3  }
0x33: {  	p0 =	seq.s32 s10, $0x1;
	s10 =	sld [smem:$0x3FAD];
	_ =	sdelay $0x3  }
0x34: {  	[smem:$0x3FAD] =	sst s10  }
0x35: {  	s10 =	sld [smem:$0x3FAC];
	_ =	sdelay $0x3  }
0x36: {  	p1 =	seq.s32 s10, $0x1;
	s10 =	sld [smem:$0x3FAD];
	_ =	sdelay $0x3  }
0x37: {  	[smem:$0x3FAD] =	sst s10  }
0x38: {  	s10 =	sld [smem:$0x3FAE]  }
0x39: {  	_ = 	snop;
	(pc) =	sbr.ind lr, $3  }
0x3a: {  	_ = 	snop  }
0x3b: {  	_ = 	snop  }
0x3c: {  	p2 =	seq.s32 s10, $0x1;
	s10 =	sld [smem:$0x3FAD]  }
0x3d: {  	_ =	shalt  }
0x3e: {  	_ =	shalt  }
0x3f: {  	_ =	shalt  }
0x40: {  	_ =	shalt  }
0x41: {  	_ =	shalt  }
0x42: {  	_ =	shalt  }
0x43: {  	_ =	shalt  }
0x44: {  	_ =	shalt  }
0x45: {  	_ =	shalt  }
0x46: {  	_ =	shalt  }
0x47: {  	_ =	shalt  }
0x48: {  	_ =	shalt  }
0x49: {  	_ =	shalt  }
0x4a: {  	_ =	shalt  }
0x4b: {  	_ =	shalt  }
0x4c: {  	_ =	shalt  }
0x4d: {  	_ =	shalt  }
0x4e: {  	_ =	shalt  }
0x4f: {  	_ =	shalt  }
0x50: {  	_ =	shalt  }
0x51: {  	_ =	shalt  }
0x52: {  	_ =	shalt  }
0x53: {  	_ =	shalt  }
0x54: {  	_ =	shalt  }
0x55: {  	_ =	shalt  }
0x56: {  	_ =	shalt  }
0x57: {  	_ =	shalt  }
0x58: {  	_ =	shalt  }
0x59: {  	_ =	shalt  }
0x5a: {  	_ =	shalt  }
0x5b: {  	_ =	shalt  }
0x5c: {  	_ =	shalt  }
0x5d: {  	_ =	shalt  }
0x5e: {  	_ =	shalt  }
0x5f: {  	_ =	shalt  }
0x60: {  	_ =	shalt  }
0x61: {  	_ =	shalt  }
0x62: {  	_ =	shalt  }
0x63: {  	_ =	shalt  }
0x64: {  	_ =	shalt  }
0x65: {  	_ =	shalt  }
0x66: {  	_ =	shalt  }
0x67: {  	_ =	shalt  }
0x68: {  	_ =	shalt  }
0x69: {  	_ =	shalt  }
0x6a: {  	_ =	shalt  }
0x6b: {  	_ =	shalt  }
0x6c: {  	_ =	shalt  }
0x6d: {  	_ =	shalt  }
0x6e: {  	_ =	shalt  }
0x6f: {  	_ =	shalt  }
0x70: {  	_ =	shalt  }
0x71: {  	_ =	shalt  }
0x72: {  	_ =	shalt  }
0x73: {  	_ =	shalt  }
0x74: {  	_ =	shalt  }
0x75: {  	_ =	shalt  }
0x76: {  	_ =	shalt  }
0x77: {  	_ =	shalt  }
0x78: {  	_ =	shalt  }
0x79: {  	_ =	shalt  }
0x7a: {  	_ =	shalt  }
0x7b: {  	_ =	shalt  }
0x7c: {  	_ =	shalt  }
0x7d: {  	_ =	shalt  }
0x7e: {  	_ =	shalt  }
0x7f: {  	_ =	shalt  }
0x80: {  	_ =	shalt  }
0x81: {  	_ =	shalt  }
0x82: {  	_ =	shalt  }
0x83: {  	_ =	shalt  }
0x84: {  	_ =	shalt  }
0x85: {  	_ =	shalt  }
0x86: {  	_ =	shalt  }
0x87: {  	_ =	shalt  }
.Lfunc_end0:
.L_simem_size_0:
called_computation.3_lowered:
.L_overlay_start_0:
0x88: {  	s2 =	sld [smem:$0x3FD9]  }
0x89: {  	s3 =	sld [smem:$0x3FFE];
	_ =	sdelay $0x1  }
0x8a: {  	s1 =	srdreg.scid  }
0x8b: {  	s0 =	sand.u32 $0x1, s1  }
0x8c: {  	s17 =	sshll.u32 s0, $0xA;
	s2 =	sadd.s32 s3, s2  }
0x8d: {  	s2 =	sadd.s32 s2, s17  }
0x8e: {  	[smem:$0x3FB9] =	sst s2  }
0x8f: {  	_ = 	snop  }
0x90: {  	(tm) =	ssettm $0x1  }
0x91: {  	s18 =	sld [smem:$0x3FFB];
	_ =	sdelay $0x3  }
0x92: {  	_ =	strace s18  }
0x93: {  	s2 =	sld [smem:$0x3FFC];
	_ =	sdelay $0x3  }
0x94: {  	_ =	strace s2  }
0x95: {  	s2 =	sld [smem:$0x3FFD];
	_ =	sdelay $0x3  }
0x96: {  	_ =	strace s2  }
0x97: {  	_ =	strace $0x8FFFFFFF  }
0x98: {  	s19 =	sld [smem:$0x3FDB];
	_ =	sdelay $0x1  }
0x99: {  	s20 =	simm.s32 $_scs_section_size  }
0x9a: {  	s4 =	simm.s32 $_size__tile_overlayer_lowered;
	s5 =	simm.s32 $_tile_overlayer_lowered  }
0x9b: {  	s6 =	simm.s32 $0x1BFF;
	s21 =	sshll.u32 s5, $0x1;
	s3 =	sadd.s32 s20, s19  }
0x9c: {  	s22 =	simm.s32 $0x0;
	s4 =	sshll.u32 s4, $0x1;
	s5 =	sadd.s32 s21, s3  }
0x9d: {  	[timem:s22], [sflag:s6] =	dma.local [hbm:s5], s4  }
0x9e: {  	_ =	swait.ge [sflag:s6], s4  }
0x9f: {  	s4 =	ssub.s32 $0x0, s4;
	[sflag:s6] =	ssyncset.done $0x0  }
0xa0: {  	[sflag:s6] =	ssyncadd.s32 s4;
	_ =	sdelay $0x1  }
0xa1: {  	s23 =	simm.s32 $0x1B8B  }
0xa2: {  	_ =	swait.ge [sflag:s23], $0x1  }
0xa3: {  	[sflag:s23] =	ssyncset.done $0x0  }
0xa4: {  	[sflag:s23] =	ssyncadd.s32 $0xFFFFFFFF  }
0xa5: {  	s4 =	sld [smem:$0x0]  }
0xa6: {  	s5 =	sand.u32 $0xFFFFFFFE, s1  }
0xa7: {  	p0 =	sne.s32 s1, s5  }
0xa8: {  	s5 =	sshll.u32 @p0 s5, $0xE  }
0xa9: {  	s5 =	sadd.s32 @p0 $0x11B8D, s5;
	s6 =	sshll.u32 @p0 s4, $0x11  }
0xaa: {  	s5 =	sor.u32 @p0 s6, s5  }
0xab: {  	[sflag:s5] =	ssyncadd.remote.s32 @p0 $0x1;
	_ =	sdelay $0x1  }
0xac: {  	s5 =	simm.s32 @p0 $0x1B8D  }
0xad: {  	_ =	swait.eq @p0 [sflag:s5], $0x1  }
0xae: {  	[sflag:s5] =	ssyncadd.s32 @p0 $0xFFFFFFFF  }
0xaf: {  	s6 =	sshll.u32 @!p0 s1, $0xE  }
0xb0: {  	s6 =	sor.u32 @!p0 $0x4000, s6;
	s5 =	simm.s32 @!p0 $0x1B8D  }
0xb1: {  	s4 =	sshll.u32 @!p0 s4, $0x11;
	s6 =	sadd.s32 @!p0 $0x11B8D, s6;
	_ =	swait.eq @!p0 [sflag:s5], $0x1  }
0xb2: {  	s4 =	sor.u32 @!p0 s4, s6;
	[sflag:s5] =	ssyncadd.s32 @!p0 $0xFFFFFFFF  }
0xb3: {  	s25 =	simm.s32 $0x1B8E;
	s24 =	sld [smem:$0x3FFE];
	[sflag:s4] =	ssyncadd.remote.s32 @!p0 $0x1  }
0xb4: {  	s26 =	simm.s32 $execute0_lowered;
	[smem:$0x3FD2] =	sst s25  }
0xb5: {  	s5 =	sshll.u32 s26, $0x1;
	_ =	strace $0x8000004C;
	[dreg:$0x1] =	wrdreg $0xFFFFFFFF  }
0xb6: {  	s28 =	simm.s32 $_size_execute0_lowered;
	s3 =	sadd.s32 s3, s5;
	[dreg:$0x0] =	wrdreg $0x0  }
0xb7: {  	s5 =	sshll.u32 s28, $0x1;
	[dreg:$0x2] =	wrdreg s3  }
0xb8: {  	[dreg:$0x3] =	wrdreg s5  }
0xb9: {  	[dreg:$0x4] =	wrdreg $0xC0  }
0xba: {  	_ =	task [dreg:s22], $0x5FFFF  }
0xbb: {  	[dreg:$0x1] =	wrdreg $0xFFFFFFFF  }
0xbc: {  	[dreg:$0x0] =	wrdreg $0x60  }
0xbd: {  	[dreg:$0x2] =	wrdreg s24  }
0xbe: {  	[dreg:$0x3] =	wrdreg $0xA  }
0xbf: {  	_ =	task.clear_ibuf [dreg:s22], $0x4FFFF;
	_ =	strace $0x9000004C  }
0xc0: {  	s29 =	simm.s32 $0xA;
	_ =	strace $0x8000004E  }
0xc1: {  	_ =	swait.ge [sflag:s29], $0x1  }
0xc2: {  	[sflag:s29] =	ssyncadd.s32 $0xFFFFFFFF  }
0xc3: {  	_ =	strace $0x9000004E  }
0xc4: {  	_ =	sfence  }
0xc5: {  	s30 =	sld [smem:$0x0];
	_ =	sdelay $0x2  }
0xc6: {  	s31 =	sshll.u32 s1, $0xD;
	s1 =	sshrl.u32 s1, $0x2  }
0xc7: {  	s4 =	sand.u32 $0x4000, s31;
	s1 =	sadd.s32 s1, s30  }
0xc8: {  	s0 =	sor.u32 s4, s0;
	s1 =	sshll.u32 s1, $0x11  }
0xc9: {  	s0 =	sor.u32 s1, s0  }
0xca: {  	s0 =	sadd.s32 $0x8F2B, s0  }
0xcb: {  	[sflag:s0] =	ssyncadd.remote.s32 $0x1  }
0xcc: {  	_ =	sfence.sel $0xFFFF  }
0xcd: {  	[dreg:$0x0] =	wrdreg $0xFFFFFFFF;
	(pc) =	sbr.abs _section_cstart, $3  }
0xce: {  	[dreg:$0x1] =	wrdreg $0xFFFFFFFF  }
0xcf: {  	_ =	task.clear_ibuf [dreg:s22], $0x2FFFF;
	_ =	strace $0x9FFFFFFF  }
0xd0: {  	(tm) =	ssettm $0x7FFFFFFF  }
0xd1: {  	_ =	shalt  }
tec
execute0_lowered:
.L_overlay_start_1:
0x0: {  	(tag) =	ssettag $0x1  }
0x1: {  	s0 =	rddreg [dreg:$0x0];
	s3 =	srdreg.scid  }
0x2: {  	s1 =	stileid.u32;
	s2 =	simm.s32 $0x0;
	s7 =	simm.s32 $0x400  }
0x3: {  	s8 =	simm.s32 $0xC00;
	s9 =	simm.s32 $0x1400;
	s10 =	simm.s32 $0x1C00  }
0x4: {  	s11 =	simm.s32 $0x2400;
	s12 =	simm.s32 $0x2C00;
	s13 =	simm.s32 $0x3400  }
0x5: {  	s14 =	simm.s32 $0x3C00;
	s15 =	simm.s32 $0x4400;
	s16 =	simm.s32 $0x4C00  }
0x6: {  	s17 =	simm.s32 $0x5400;
	s18 =	simm.s32 $0x5C00;
	s19 =	simm.s32 $0x6400  }
0x7: {  	s20 =	simm.s32 $0x6C00;
	s21 =	simm.s32 $0x7400;
	s22 =	simm.s32 $0x7C00  }
0x8: {  	s23 =	simm.s32 $0x8400;
	s24 =	simm.s32 $0x8C00;
	s28 =	simm.s32 $0xA400  }
0x9: {  	s29 =	simm.s32 $0xAC00;
	s30 =	simm.s32 $0xB400;
	s31 =	simm.s32 $0xBC00  }
0xa: {  	s4 =	sand.u32 $0x1, s3;
	s25 =	sshll.u32 s1, $0x1;
	[smem:$0x7FF] =	sst s2  }
0xb: {  	s3 =	sor.u32 s4, s25;
	_ =	strace $0x8000004D;
	s4 =	ssub.s32 $0x2, s4  }
0xc: {  	s25 =	simm.s32 $0x9400;
	s5 =	sshll.u32 s3, $0x7;
	s6 =	smul.u32 $0x1800, s3  }
0xd: {  	s3 =	sadd.s32 $0x68400, s0;
	s26 =	sshrl.u32 s4, $0x1;
	s5 =	sadd.s32 s5, s0  }
0xe: {  	v2 =	vlaneseq.u32;
	s0 =	sadd.s32 s6, s0;
	s5 =	sadd.s32 $0x78400, s5;
	s6 =	ssub.s32 s4, s26  }
0xf: {  	vm0 =	vmmov $0xffff;
	v1 =	vshrl.u32 v2, $0x3;
	s26 =	simm.s32 $0x9C00;
	[dreg:$0x2] =	wrdreg s5;
	s4 =	sadd.s32 $0x79400, s0  }
0x10: {  	v0 =	vand.u32 $0x7, v2;
	v2 =	vor.u32 $0x8, v2;
	v1 =	vmul.u32 $0x8, v1;
	s5 =	smax.u32 s6, $0x1;
	s6 =	simm.s32 $0x2;
	s0 =	simm.s32 $0x1  }
.LBB2_1:
0x11: {  	s1 =	rddreg [dreg:$0x2]  }
0x12: {  	[tilespmem:s2], [sflag:$0x2] =	stream.linear.gather [hbm4b:s1+s2], $0x400, $0x38;
	[tilespmem:$0xC400] =	vst v63  }
0x13: {  	_ =	swait.ge [sflag:s6], $0x400  }
0x14: {  	[sflag:s6] =	ssyncset.done $0x0  }
0x15: {  	[sflag:s6] =	ssyncadd.s32 $0xFFFFFC00  }
0x16: {  	v3 =	vld [tilespmem:$0x0];
	_ =	sdelay $0x4  }
0x17: {  	v4 =	vshll.u32 v3, $0x1  }
0x18: {  	v3 =	vand.u32 $0x7, v3;
	v4 =	vand.u32 $0xFFFFFFF0, v4  }
0x19: {  	v3 =	vor.u32 v3, v4  }
0x1a: {  	v4 =	vperm.xlane v3, v0;
	_ =	sdelay $0x1  }
0x1b: {  	v3 =	vperm.xlane v3, v2;
	v4 =	vadd.s32 v1, v4;
	_ =	sdelay $0x1  }
0x1c: {  	v3 =	vadd.s32 v1, v3;
	_ =	sdelay $0x2  }
0x1d: {  	[tilespmem:s7], [sflag:$0x1] =	stream.indirect_vreg.gather [hbm4b:s3+s2], $0x80, v4, vm0, $0xb8;
	[tilespmem:$0xC400] =	vst v63  }
0x1e: {  	_ = 	snop  }
0x1f: {  	[tilespmem:s8], [sflag:$0x1] =	stream.indirect_vreg.gather [hbm4b:s3+s2], $0x80, v3, vm0, $0xb8;
	[tilespmem:$0xC400] =	vst v63  }
0x20: {  	v3 =	vld [tilespmem:$0x10];
	_ =	sdelay $0x4  }
0x21: {  	v53 =	vshll.u32 v3, $0x1  }
0x22: {  	v3 =	vand.u32 $0x7, v3;
	v4 =	vand.u32 $0xFFFFFFF0, v53  }
0x23: {  	v3 =	vor.u32 v3, v4  }
0x24: {  	v4 =	vperm.xlane v3, v0;
	_ =	sdelay $0x1  }
0x25: {  	v3 =	vperm.xlane v3, v2;
	v4 =	vadd.s32 v1, v4;
	_ =	sdelay $0x1  }
0x26: {  	v3 =	vadd.s32 v1, v3;
	_ =	sdelay $0x2  }
0x27: {  	[tilespmem:s9], [sflag:$0x1] =	stream.indirect_vreg.gather [hbm4b:s3+s2], $0x80, v4, vm0, $0xb8;
	[tilespmem:$0xC400] =	vst v63  }
0x28: {  	_ = 	snop  }
0x29: {  	[tilespmem:s10], [sflag:$0x1] =	stream.indirect_vreg.gather [hbm4b:s3+s2], $0x80, v3, vm0, $0xb8;
	[tilespmem:$0xC400] =	vst v63  }
0x2a: {  	v3 =	vld [tilespmem:$0x20];
	_ =	sdelay $0x4  }
0x2b: {  	v54 =	vshll.u32 v3, $0x1  }
0x2c: {  	v3 =	vand.u32 $0x7, v3;
	v4 =	vand.u32 $0xFFFFFFF0, v54  }
0x2d: {  	v3 =	vor.u32 v3, v4  }
0x2e: {  	v4 =	vperm.xlane v3, v0;
	_ =	sdelay $0x1  }
0x2f: {  	v3 =	vperm.xlane v3, v2;
	v4 =	vadd.s32 v1, v4;
	_ =	sdelay $0x1  }
0x30: {  	v3 =	vadd.s32 v1, v3;
	_ =	sdelay $0x2  }
0x31: {  	[tilespmem:s11], [sflag:$0x1] =	stream.indirect_vreg.gather [hbm4b:s3+s2], $0x80, v4, vm0, $0xb8;
	[tilespmem:$0xC400] =	vst v63  }
0x32: {  	_ = 	snop  }
0x33: {  	[tilespmem:s12], [sflag:$0x1] =	stream.indirect_vreg.gather [hbm4b:s3+s2], $0x80, v3, vm0, $0xb8;
	[tilespmem:$0xC400] =	vst v63  }
0x34: {  	v3 =	vld [tilespmem:$0x30];
	_ =	sdelay $0x4  }
0x35: {  	v55 =	vshll.u32 v3, $0x1  }
0x36: {  	v3 =	vand.u32 $0x7, v3;
	v4 =	vand.u32 $0xFFFFFFF0, v55  }
0x37: {  	v3 =	vor.u32 v3, v4  }
0x38: {  	v4 =	vperm.xlane v3, v0;
	_ =	sdelay $0x1  }
0x39: {  	v3 =	vperm.xlane v3, v2;
	v4 =	vadd.s32 v1, v4;
	_ =	sdelay $0x1  }
0x3a: {  	v3 =	vadd.s32 v1, v3;
	_ =	sdelay $0x2  }
0x3b: {  	[tilespmem:s13], [sflag:$0x1] =	stream.indirect_vreg.gather [hbm4b:s3+s2], $0x80, v4, vm0, $0xb8;
	[tilespmem:$0xC400] =	vst v63  }
0x3c: {  	_ = 	snop  }
0x3d: {  	[tilespmem:s14], [sflag:$0x1] =	stream.indirect_vreg.gather [hbm4b:s3+s2], $0x80, v3, vm0, $0xb8;
	[tilespmem:$0xC400] =	vst v63  }
0x3e: {  	v3 =	vld [tilespmem:$0x40];
	_ =	sdelay $0x4  }
0x3f: {  	v56 =	vshll.u32 v3, $0x1  }
0x40: {  	v3 =	vand.u32 $0x7, v3;
	v4 =	vand.u32 $0xFFFFFFF0, v56  }
0x41: {  	v3 =	vor.u32 v3, v4  }
0x42: {  	v4 =	vperm.xlane v3, v0;
	_ =	sdelay $0x1  }
0x43: {  	v3 =	vperm.xlane v3, v2;
	v4 =	vadd.s32 v1, v4;
	_ =	sdelay $0x1  }
0x44: {  	v3 =	vadd.s32 v1, v3;
	_ =	sdelay $0x2  }
0x45: {  	[tilespmem:s15], [sflag:$0x1] =	stream.indirect_vreg.gather [hbm4b:s3+s2], $0x80, v4, vm0, $0xb8;
	[tilespmem:$0xC400] =	vst v63  }
0x46: {  	_ = 	snop  }
0x47: {  	[tilespmem:s16], [sflag:$0x1] =	stream.indirect_vreg.gather [hbm4b:s3+s2], $0x80, v3, vm0, $0xb8;
	[tilespmem:$0xC400] =	vst v63  }
0x48: {  	v3 =	vld [tilespmem:$0x50];
	_ =	sdelay $0x4  }
0x49: {  	v57 =	vshll.u32 v3, $0x1  }
0x4a: {  	v3 =	vand.u32 $0x7, v3;
	v4 =	vand.u32 $0xFFFFFFF0, v57  }
0x4b: {  	v3 =	vor.u32 v3, v4  }
0x4c: {  	v4 =	vperm.xlane v3, v0;
	_ =	sdelay $0x1  }
0x4d: {  	v3 =	vperm.xlane v3, v2;
	v4 =	vadd.s32 v1, v4;
	_ =	sdelay $0x1  }
0x4e: {  	v3 =	vadd.s32 v1, v3;
	_ =	sdelay $0x2  }
0x4f: {  	[tilespmem:s17], [sflag:$0x1] =	stream.indirect_vreg.gather [hbm4b:s3+s2], $0x80, v4, vm0, $0xb8;
	[tilespmem:$0xC400] =	vst v63  }
0x50: {  	_ = 	snop  }
0x51: {  	[tilespmem:s18], [sflag:$0x1] =	stream.indirect_vreg.gather [hbm4b:s3+s2], $0x80, v3, vm0, $0xb8;
	[tilespmem:$0xC400] =	vst v63  }
0x52: {  	v3 =	vld [tilespmem:$0x80];
	_ =	sdelay $0x4  }
0x53: {  	v58 =	vshll.u32 v3, $0x1  }
0x54: {  	v3 =	vand.u32 $0x7, v3;
	v4 =	vand.u32 $0xFFFFFFF0, v58  }
0x55: {  	v3 =	vor.u32 v3, v4  }
0x56: {  	v4 =	vperm.xlane v3, v0;
	_ =	sdelay $0x1  }
0x57: {  	v3 =	vperm.xlane v3, v2;
	v4 =	vadd.s32 v1, v4;
	_ =	sdelay $0x1  }
0x58: {  	v3 =	vadd.s32 v1, v3;
	_ =	sdelay $0x2  }
0x59: {  	[tilespmem:s19], [sflag:$0x1] =	stream.indirect_vreg.gather [hbm4b:s3+s2], $0x80, v4, vm0, $0xb8;
	[tilespmem:$0xC400] =	vst v63  }
0x5a: {  	_ = 	snop  }
0x5b: {  	[tilespmem:s20], [sflag:$0x1] =	stream.indirect_vreg.gather [hbm4b:s3+s2], $0x80, v3, vm0, $0xb8;
	[tilespmem:$0xC400] =	vst v63  }
0x5c: {  	v3 =	vld [tilespmem:$0x90];
	_ =	sdelay $0x4  }
0x5d: {  	v59 =	vshll.u32 v3, $0x1  }
0x5e: {  	v3 =	vand.u32 $0x7, v3;
	v4 =	vand.u32 $0xFFFFFFF0, v59  }
0x5f: {  	v3 =	vor.u32 v3, v4  }
0x60: {  	v4 =	vperm.xlane v3, v0;
	_ =	sdelay $0x1  }
0x61: {  	v3 =	vperm.xlane v3, v2;
	v4 =	vadd.s32 v1, v4;
	_ =	sdelay $0x1  }
0x62: {  	v3 =	vadd.s32 v1, v3;
	_ =	sdelay $0x2  }
0x63: {  	[tilespmem:s21], [sflag:$0x1] =	stream.indirect_vreg.gather [hbm4b:s3+s2], $0x80, v4, vm0, $0xb8;
	[tilespmem:$0xC400] =	vst v63  }
0x64: {  	_ = 	snop  }
0x65: {  	[tilespmem:s22], [sflag:$0x1] =	stream.indirect_vreg.gather [hbm4b:s3+s2], $0x80, v3, vm0, $0xb8;
	[tilespmem:$0xC400] =	vst v63  }
0x66: {  	v3 =	vld [tilespmem:$0xA0];
	_ =	sdelay $0x4  }
0x67: {  	v60 =	vshll.u32 v3, $0x1  }
0x68: {  	v3 =	vand.u32 $0x7, v3;
	v4 =	vand.u32 $0xFFFFFFF0, v60  }
0x69: {  	v3 =	vor.u32 v3, v4  }
0x6a: {  	v4 =	vperm.xlane v3, v0;
	_ =	sdelay $0x1  }
0x6b: {  	v3 =	vperm.xlane v3, v2;
	v4 =	vadd.s32 v1, v4;
	_ =	sdelay $0x1  }
0x6c: {  	v3 =	vadd.s32 v1, v3;
	_ =	sdelay $0x2  }
0x6d: {  	[tilespmem:s23], [sflag:$0x1] =	stream.indirect_vreg.gather [hbm4b:s3+s2], $0x80, v4, vm0, $0xb8;
	[tilespmem:$0xC400] =	vst v63  }
0x6e: {  	_ = 	snop  }
0x6f: {  	[tilespmem:s24], [sflag:$0x1] =	stream.indirect_vreg.gather [hbm4b:s3+s2], $0x80, v3, vm0, $0xb8;
	[tilespmem:$0xC400] =	vst v63  }
0x70: {  	v3 =	vld [tilespmem:$0xB0];
	_ =	sdelay $0x4  }
0x71: {  	v61 =	vshll.u32 v3, $0x1  }
0x72: {  	v3 =	vand.u32 $0x7, v3;
	v4 =	vand.u32 $0xFFFFFFF0, v61  }
0x73: {  	v3 =	vor.u32 v3, v4  }
0x74: {  	v4 =	vperm.xlane v3, v0;
	_ =	sdelay $0x1  }
0x75: {  	v3 =	vperm.xlane v3, v2;
	v4 =	vadd.s32 v1, v4;
	_ =	sdelay $0x1  }
0x76: {  	v3 =	vadd.s32 v1, v3;
	_ =	sdelay $0x2  }
0x77: {  	[tilespmem:s25], [sflag:$0x1] =	stream.indirect_vreg.gather [hbm4b:s3+s2], $0x80, v4, vm0, $0xb8;
	[tilespmem:$0xC400] =	vst v63  }
0x78: {  	_ = 	snop  }
0x79: {  	[tilespmem:s26], [sflag:$0x1] =	stream.indirect_vreg.gather [hbm4b:s3+s2], $0x80, v3, vm0, $0xb8;
	[tilespmem:$0xC400] =	vst v63  }
0x7a: {  	v3 =	vld [tilespmem:$0xC0];
	_ =	sdelay $0x4  }
0x7b: {  	v62 =	vshll.u32 v3, $0x1  }
0x7c: {  	v3 =	vand.u32 $0x7, v3;
	v4 =	vand.u32 $0xFFFFFFF0, v62  }
0x7d: {  	v3 =	vor.u32 v3, v4  }
0x7e: {  	v4 =	vperm.xlane v3, v0;
	_ =	sdelay $0x1  }
0x7f: {  	v3 =	vperm.xlane v3, v2;
	v4 =	vadd.s32 v1, v4;
	_ =	sdelay $0x1  }
0x80: {  	v3 =	vadd.s32 v1, v3;
	_ =	sdelay $0x2  }
0x81: {  	[tilespmem:s28], [sflag:$0x1] =	stream.indirect_vreg.gather [hbm4b:s3+s2], $0x80, v4, vm0, $0xb8;
	[tilespmem:$0xC400] =	vst v63  }
0x82: {  	_ = 	snop  }
0x83: {  	[tilespmem:s29], [sflag:$0x1] =	stream.indirect_vreg.gather [hbm4b:s3+s2], $0x80, v3, vm0, $0xb8;
	[tilespmem:$0xC400] =	vst v63  }
0x84: {  	v3 =	vld [tilespmem:$0xD0];
	_ =	sdelay $0x4  }
0x85: {  	v63 =	vshll.u32 v3, $0x1  }
0x86: {  	v3 =	vand.u32 $0x7, v3;
	v4 =	vand.u32 $0xFFFFFFF0, v63  }
0x87: {  	v3 =	vor.u32 v3, v4  }
0x88: {  	v4 =	vperm.xlane v3, v0;
	_ =	sdelay $0x1  }
0x89: {  	v3 =	vperm.xlane v3, v2;
	v4 =	vadd.s32 v1, v4;
	_ =	sdelay $0x1  }
0x8a: {  	v3 =	vadd.s32 v1, v3;
	_ =	sdelay $0x2  }
0x8b: {  	[tilespmem:s30], [sflag:$0x1] =	stream.indirect_vreg.gather [hbm4b:s3+s2], $0x80, v4, vm0, $0xb8;
	[tilespmem:$0xC400] =	vst v63  }
0x8c: {  	_ = 	snop  }
0x8d: {  	[tilespmem:s31], [sflag:$0x1] =	stream.indirect_vreg.gather [hbm4b:s3+s2], $0x80, v3, vm0, $0xb8;
	[tilespmem:$0xC400] =	vst v63  }
0x8e: {  	_ =	swait.ge [sflag:s0], $0x6000  }
0x8f: {  	[sflag:s0] =	ssyncset.done $0x0  }
0x90: {  	[sflag:s0] =	ssyncadd.s32 $0xFFFFA000  }
0x91: {  	_ =	swait.ge [sflag:s0], $0x6000  }
0x92: {  	p0 =	sne.s32 s5, $0x1;
	[sflag:s0] =	ssyncset.done $0x0  }
.Ltmp0:
0x93: {  	[sflag:s0] =	ssyncadd.s32 $0xFFFFA000;
	(pc) =	sbr.rel @p0 .LBB2_1-.Ltmp0, $4  }
0x94: {  	[hbm4b:s4+s2] =	stream.linear.scatter [tilespmem:s7], [sflag:$0x2], $0xC000, $0x38;
	[tilespmem:$0xC400] =	vst v63  }
0x95: {  	_ =	swait.ge [sflag:s6], $0xC000  }
0x96: {  	[sflag:s6] =	ssyncset.done $0x0  }
0x97: {  	s5 =	sadd.s32 $0xFFFFFFFF, s5;
	[sflag:s6] =	ssyncadd.s32 $0xFFFF4000  }
0x98: {  	_ =	sfence.sel $0x180000  }
0x99: {  	[bflag:$0x0] =	sbarrier.arrive $0xFFFF  }
0x9a: {  	_ =	strace $0x9000004D  }
0x9b: {  	s0 =	stileid.u32;
	[bflag:$0x2] =	sbarrier.arrive $0xFFFF  }
0x9c: {  	p0 =	sne.s32 s0, $0x0;
	s0 =	rddreg [dreg:$0x1]  }
0x9d: {  	s0 =	sadd.s32 @!p0 $0x100000, s0  }
0x9e: {  	[sflag:s0] =	ssyncadd.tile.s32 @!p0 $0x1;
	_ =	shalt  }
.Lfunc_end2:
_tile_overlayer_lowered:
.L_overlay_start_2:
0x9f: {  	(tag) =	ssettag $0x2  }
0xa0: {  	s0 =	rddreg [dreg:$0x0];
	s2 =	stileid.u32  }
0xa1: {  	s1 =	rddreg [dreg:$0x1];
	p0 =	sne.s32 s2, $0x0  }
0xa2: {  	s3 =	rddreg [dreg:$0x2];
	[bflag:$0x3] =	sbarrier.arrive $0xFFFF;
	s2 =	simm.s32 @!p0 $0x1C02  }
0xa3: {  	[timem:s3], [sflag:s2] =	dma.local @!p0 [hbm:s0], s1  }
0xa4: {  	s0 =	simm.s32 @!p0 $0x2  }
0xa5: {  	_ =	swait.ge @!p0 [sflag:s0], s1  }
0xa6: {  	s1 =	ssub.s32 @!p0 $0x0, s1;
	[sflag:s0] =	ssyncset.done @!p0 $0x0  }
0xa7: {  	[sflag:s0] =	ssyncadd.s32 @!p0 s1  }
0xa8: {  	[bflag:$0x3] =	sbarrier.arrive $0xFFFF  }
0xa9: {  	_ =	shalt  }

// kernel: kernel.30.cloned.1.call-start
scs
__scs_entry_jumppad:
0x0: {  	(pc) =	sbr.rel $0x88, $3  }
0x1: {  	(tag) =	ssettag $0x0;
	lr =	simm.s32 $0x1  }
0x2: {  	[smem:$0x3F92] =	sst lr;
	_ =	strace $0xD0000000  }
0x3: {  	_ = 	snop  }
0x4: {  	_ = 	snop  }
0x5: {  	_ = 	snop  }
0x6: {  	_ = 	snop  }
0x7: {  	_ = 	snop  }
__scs_overlays_trampoline_lowered:
0x8: {  	[smem:$0x3FA1] =	sst s0  }
0x9: {  	[smem:$0x3FA2] =	sst s1  }
0xa: {  	[smem:$0x3FA3] =	sst s2  }
0xb: {  	[smem:$0x3FA4] =	sst s3  }
0xc: {  	[smem:$0x3FA5] =	sst s4  }
0xd: {  	[smem:$0x3FA6] =	sst s5  }
0xe: {  	[smem:$0x3FA7] =	sst s6  }
0xf: {  	[smem:$0x3FA8] =	sst s7  }
0x10: {  	[smem:$0x3FA9] =	sst s8  }
0x11: {  	[smem:$0x3FAA] =	sst s9;
	s0 =	simm.s32 @!p0 $0x0  }
0x12: {  	s1 =	sld [smem:$0x3F90];
	s0 =	simm.s32 @p0 $0x1  }
0x13: {  	[smem:$0x3FAB] =	sst s0;
	s0 =	simm.s32 @!p1 $0x0  }
0x14: {  	s2 =	sld [smem:$0x3F8F];
	s0 =	simm.s32 @p1 $0x1  }
0x15: {  	[smem:$0x3FAC] =	sst s0;
	s0 =	simm.s32 @!p2 $0x0  }
0x16: {  	s3 =	sld [smem:$0x3FDB];
	s0 =	simm.s32 @p2 $0x1  }
0x17: {  	s4 =	simm.s32 $0x1BF5;
	[smem:$0x3FAE] =	sst s0  }
0x18: {  	s0 =	sld [smem:$0x3F91];
	_ =	swait.ge [sflag:s4], $0x0  }
0x19: {  	s7 =	sld [smem:$0x3F92]  }
0x1a: {  	s8 =	sadd.s32 $0xFFFFE003, lr  }
0x1b: {  	s9 =	sadd.s32 $0xFFFFFEF7, lr;
	s5 =	simm.s32 $0xFFFFFFFF;
	p2 =	slt.u32 s8, $0xFFFFF086  }
0x1c: {  	p1 =	slt.u32 s9, $0xF7A;
	s5 =	simm.s32 @!p2 $0x0  }
0x1d: {  	s5 =	simm.s32 @p1 $0x1;
	p0 =	seq.s32 s7, s2  }
0x1e: {  	s7 =	smul.u32 @!p0 $0xF7A, s2;
	p2 =	seq.s32 @!p0 s5, $0x0  }
0x1f: {  	s9 =	smul.u32 $0xF7A, s1;
	s8 =	simm.s32 @!p0 $0x1BF5;
	p2 =	por !p2, p0  }
0x20: {  	[sflag:s8] =	ssyncset.s32 @!p0 $0xFFFFF086;
	s6 =	sadd.s32 @!p0 s3, s7;
	s7 =	simm.s32 @!p0 $0x108  }
0x21: {  	s3 =	sadd.s32 s3, s9;
	s6 =	sadd.s32 @!p0 $0x88, s6;
	s7 =	simm.s32 @p2 $0x1082  }
0x22: {  	[simem:s7], [sflag:s8] =	dma.local @!p0 [hbm:s6], $0xF7A  }
0x23: {  	s9 =	sor.u32 $0xD0000000, s2;
	s6 =	simm.s32 $0x108;
	_ =	swait.ge @!p0 [sflag:s8], $0x0  }
0x24: {  	s3 =	sadd.s32 $0x88, s3;
	s6 =	simm.s32 @!p1 $0x1082;
	[sflag:s4] =	ssyncset.s32 $0xFFFFF086  }
0x25: {  	[simem:s6], [sflag:s4] =	dma.local [hbm:s3], $0xF7A  }
0x26: {  	[smem:$0x3F92] =	sst s1;
	(tag) =	ssettag s2;
	_ =	strace s9  }
0x27: {  	s1 =	sld [smem:$0x3FA2]  }
0x28: {  	s2 =	sld [smem:$0x3FA3]  }
0x29: {  	s4 =	sld [smem:$0x3FA5]  }
0x2a: {  	p0 =	seq.s32 s5, $0x0;
	s5 =	sld [smem:$0x3FA6]  }
0x2b: {  	s6 =	sld [smem:$0x3FA7]  }
0x2c: {  	s7 =	sld [smem:$0x3FA8]  }
0x2d: {  	s3 =	simm.s32 $0x108;
	s8 =	sld [smem:$0x3FA9]  }
0x2e: {  	s3 =	simm.s32 @!p0 $0x1082;
	s9 =	sld [smem:$0x3FAA]  }
0x2f: {  	lr =	sadd.s32 s0, s3;
	s0 =	sld [smem:$0x3FA1]  }
0x30: {  	s3 =	sld [smem:$0x3FA4]  }
0x31: {  	[smem:$0x3FAD] =	sst s10  }
0x32: {  	s10 =	sld [smem:$0x3FAB];
	_ =	sdelay $0x3  }
0x33: {  	p0 =	seq.s32 s10, $0x1;
	s10 =	sld [smem:$0x3FAD];
	_ =	sdelay $0x3  }
0x34: {  	[smem:$0x3FAD] =	sst s10  }
0x35: {  	s10 =	sld [smem:$0x3FAC];
	_ =	sdelay $0x3  }
0x36: {  	p1 =	seq.s32 s10, $0x1;
	s10 =	sld [smem:$0x3FAD];
	_ =	sdelay $0x3  }
0x37: {  	[smem:$0x3FAD] =	sst s10  }
0x38: {  	s10 =	sld [smem:$0x3FAE]  }
0x39: {  	_ = 	snop;
	(pc) =	sbr.ind lr, $3  }
0x3a: {  	_ = 	snop  }
0x3b: {  	_ = 	snop  }
0x3c: {  	p2 =	seq.s32 s10, $0x1;
	s10 =	sld [smem:$0x3FAD]  }
0x3d: {  	_ =	shalt  }
0x3e: {  	_ =	shalt  }
0x3f: {  	_ =	shalt  }
0x40: {  	_ =	shalt  }
0x41: {  	_ =	shalt  }
0x42: {  	_ =	shalt  }
0x43: {  	_ =	shalt  }
0x44: {  	_ =	shalt  }
0x45: {  	_ =	shalt  }
0x46: {  	_ =	shalt  }
0x47: {  	_ =	shalt  }
0x48: {  	_ =	shalt  }
0x49: {  	_ =	shalt  }
0x4a: {  	_ =	shalt  }
0x4b: {  	_ =	shalt  }
0x4c: {  	_ =	shalt  }
0x4d: {  	_ =	shalt  }
0x4e: {  	_ =	shalt  }
0x4f: {  	_ =	shalt  }
0x50: {  	_ =	shalt  }
0x51: {  	_ =	shalt  }
0x52: {  	_ =	shalt  }
0x53: {  	_ =	shalt  }
0x54: {  	_ =	shalt  }
0x55: {  	_ =	shalt  }
0x56: {  	_ =	shalt  }
0x57: {  	_ =	shalt  }
0x58: {  	_ =	shalt  }
0x59: {  	_ =	shalt  }
0x5a: {  	_ =	shalt  }
0x5b: {  	_ =	shalt  }
0x5c: {  	_ =	shalt  }
0x5d: {  	_ =	shalt  }
0x5e: {  	_ =	shalt  }
0x5f: {  	_ =	shalt  }
0x60: {  	_ =	shalt  }
0x61: {  	_ =	shalt  }
0x62: {  	_ =	shalt  }
0x63: {  	_ =	shalt  }
0x64: {  	_ =	shalt  }
0x65: {  	_ =	shalt  }
0x66: {  	_ =	shalt  }
0x67: {  	_ =	shalt  }
0x68: {  	_ =	shalt  }
0x69: {  	_ =	shalt  }
0x6a: {  	_ =	shalt  }
0x6b: {  	_ =	shalt  }
0x6c: {  	_ =	shalt  }
0x6d: {  	_ =	shalt  }
0x6e: {  	_ =	shalt  }
0x6f: {  	_ =	shalt  }
0x70: {  	_ =	shalt  }
0x71: {  	_ =	shalt  }
0x72: {  	_ =	shalt  }
0x73: {  	_ =	shalt  }
0x74: {  	_ =	shalt  }
0x75: {  	_ =	shalt  }
0x76: {  	_ =	shalt  }
0x77: {  	_ =	shalt  }
0x78: {  	_ =	shalt  }
0x79: {  	_ =	shalt  }
0x7a: {  	_ =	shalt  }
0x7b: {  	_ =	shalt  }
0x7c: {  	_ =	shalt  }
0x7d: {  	_ =	shalt  }
0x7e: {  	_ =	shalt  }
0x7f: {  	_ =	shalt  }
0x80: {  	_ =	shalt  }
0x81: {  	_ =	shalt  }
0x82: {  	_ =	shalt  }
0x83: {  	_ =	shalt  }
0x84: {  	_ =	shalt  }
0x85: {  	_ =	shalt  }
0x86: {  	_ =	shalt  }
0x87: {  	_ =	shalt  }
.Lfunc_end0:
.L_simem_size_0:
called_computation.4_lowered:
.L_overlay_start_0:
0x88: {  	s2 =	sld [smem:$0x3FD9]  }
0x89: {  	s3 =	sld [smem:$0x3FFE];
	_ =	sdelay $0x1  }
0x8a: {  	s1 =	srdreg.scid  }
0x8b: {  	s0 =	sand.u32 $0x1, s1  }
0x8c: {  	s17 =	sshll.u32 s0, $0xA;
	s2 =	sadd.s32 s3, s2  }
0x8d: {  	s2 =	sadd.s32 s2, s17  }
0x8e: {  	[smem:$0x3FB9] =	sst s2  }
0x8f: {  	_ = 	snop  }
0x90: {  	(tm) =	ssettm $0x1  }
0x91: {  	s18 =	sld [smem:$0x3FFB];
	_ =	sdelay $0x3  }
0x92: {  	_ =	strace s18  }
0x93: {  	s2 =	sld [smem:$0x3FFC];
	_ =	sdelay $0x3  }
0x94: {  	_ =	strace s2  }
0x95: {  	s2 =	sld [smem:$0x3FFD];
	_ =	sdelay $0x3  }
0x96: {  	_ =	strace s2  }
0x97: {  	_ =	strace $0x8FFFFFFF  }
0x98: {  	s19 =	sld [smem:$0x3FDB];
	_ =	sdelay $0x1  }
0x99: {  	s20 =	simm.s32 $_scs_section_size  }
0x9a: {  	s4 =	simm.s32 $_size__tile_overlayer_lowered;
	s5 =	simm.s32 $_tile_overlayer_lowered  }
0x9b: {  	s6 =	simm.s32 $0x1BFF;
	s21 =	sshll.u32 s5, $0x1;
	s3 =	sadd.s32 s20, s19  }
0x9c: {  	s22 =	simm.s32 $0x0;
	s4 =	sshll.u32 s4, $0x1;
	s5 =	sadd.s32 s21, s3  }
0x9d: {  	[timem:s22], [sflag:s6] =	dma.local [hbm:s5], s4  }
0x9e: {  	_ =	swait.ge [sflag:s6], s4  }
0x9f: {  	s4 =	ssub.s32 $0x0, s4;
	[sflag:s6] =	ssyncset.done $0x0  }
0xa0: {  	[sflag:s6] =	ssyncadd.s32 s4;
	_ =	sdelay $0x1  }
0xa1: {  	s23 =	simm.s32 $0x1B8B  }
0xa2: {  	_ =	swait.ge [sflag:s23], $0x1  }
0xa3: {  	[sflag:s23] =	ssyncset.done $0x0  }
0xa4: {  	[sflag:s23] =	ssyncadd.s32 $0xFFFFFFFF  }
0xa5: {  	s4 =	sld [smem:$0x0]  }
0xa6: {  	s5 =	sand.u32 $0xFFFFFFFE, s1  }
0xa7: {  	p0 =	sne.s32 s1, s5  }
0xa8: {  	s5 =	sshll.u32 @p0 s5, $0xE  }
0xa9: {  	s5 =	sadd.s32 @p0 $0x11B8D, s5;
	s6 =	sshll.u32 @p0 s4, $0x11  }
0xaa: {  	s5 =	sor.u32 @p0 s6, s5  }
0xab: {  	[sflag:s5] =	ssyncadd.remote.s32 @p0 $0x1;
	_ =	sdelay $0x1  }
0xac: {  	s5 =	simm.s32 @p0 $0x1B8D  }
0xad: {  	_ =	swait.eq @p0 [sflag:s5], $0x1  }
0xae: {  	[sflag:s5] =	ssyncadd.s32 @p0 $0xFFFFFFFF  }
0xaf: {  	s6 =	sshll.u32 @!p0 s1, $0xE  }
0xb0: {  	s6 =	sor.u32 @!p0 $0x4000, s6;
	s5 =	simm.s32 @!p0 $0x1B8D  }
0xb1: {  	s4 =	sshll.u32 @!p0 s4, $0x11;
	s6 =	sadd.s32 @!p0 $0x11B8D, s6;
	_ =	swait.eq @!p0 [sflag:s5], $0x1  }
0xb2: {  	s4 =	sor.u32 @!p0 s4, s6;
	[sflag:s5] =	ssyncadd.s32 @!p0 $0xFFFFFFFF  }
0xb3: {  	s25 =	simm.s32 $0x1B8E;
	s24 =	sld [smem:$0x3FFE];
	[sflag:s4] =	ssyncadd.remote.s32 @!p0 $0x1  }
0xb4: {  	s26 =	simm.s32 $execute0_lowered;
	[smem:$0x3FD2] =	sst s25  }
0xb5: {  	s5 =	sshll.u32 s26, $0x1;
	_ =	strace $0x80000052;
	[dreg:$0x1] =	wrdreg $0xFFFFFFFF  }
0xb6: {  	s28 =	simm.s32 $_size_execute0_lowered;
	s3 =	sadd.s32 s3, s5;
	[dreg:$0x0] =	wrdreg $0x0  }
0xb7: {  	s5 =	sshll.u32 s28, $0x1;
	[dreg:$0x2] =	wrdreg s3  }
0xb8: {  	[dreg:$0x3] =	wrdreg s5  }
0xb9: {  	[dreg:$0x4] =	wrdreg $0xC0  }
0xba: {  	_ =	task [dreg:s22], $0x5FFFF  }
0xbb: {  	[dreg:$0x1] =	wrdreg $0xFFFFFFFF  }
0xbc: {  	[dreg:$0x0] =	wrdreg $0x60  }
0xbd: {  	[dreg:$0x2] =	wrdreg s24  }
0xbe: {  	[dreg:$0x3] =	wrdreg $0xB  }
0xbf: {  	_ =	task.clear_ibuf [dreg:s22], $0x4FFFF;
	_ =	strace $0x90000052  }
0xc0: {  	s29 =	simm.s32 $0xB;
	_ =	strace $0x80000054  }
0xc1: {  	_ =	swait.ge [sflag:s29], $0x1  }
0xc2: {  	[sflag:s29] =	ssyncadd.s32 $0xFFFFFFFF  }
0xc3: {  	_ =	strace $0x90000054  }
0xc4: {  	_ =	sfence  }
0xc5: {  	s30 =	sld [smem:$0x0];
	_ =	sdelay $0x2  }
0xc6: {  	s31 =	sshll.u32 s1, $0xD;
	s1 =	sshrl.u32 s1, $0x2  }
0xc7: {  	s4 =	sand.u32 $0x4000, s31;
	s1 =	sadd.s32 s1, s30  }
0xc8: {  	s0 =	sor.u32 s4, s0;
	s1 =	sshll.u32 s1, $0x11  }
0xc9: {  	s0 =	sor.u32 s1, s0  }
0xca: {  	s0 =	sadd.s32 $0x8F2B, s0  }
0xcb: {  	[sflag:s0] =	ssyncadd.remote.s32 $0x1  }
0xcc: {  	_ =	sfence.sel $0xFFFF  }
0xcd: {  	[dreg:$0x0] =	wrdreg $0xFFFFFFFF;
	(pc) =	sbr.abs _section_cstart, $3  }
0xce: {  	[dreg:$0x1] =	wrdreg $0xFFFFFFFF  }
0xcf: {  	_ =	task.clear_ibuf [dreg:s22], $0x2FFFF;
	_ =	strace $0x9FFFFFFF  }
0xd0: {  	(tm) =	ssettm $0x7FFFFFFF  }
0xd1: {  	_ =	shalt  }
tec
execute0_lowered:
.L_overlay_start_1:
0x0: {  	(tag) =	ssettag $0x1  }
0x1: {  	s0 =	rddreg [dreg:$0x0];
	s3 =	srdreg.scid  }
0x2: {  	s1 =	stileid.u32;
	s2 =	simm.s32 $0x0;
	s7 =	simm.s32 $0x400  }
0x3: {  	s8 =	simm.s32 $0xC00;
	s9 =	simm.s32 $0x1400;
	s10 =	simm.s32 $0x1C00  }
0x4: {  	s11 =	simm.s32 $0x2400;
	s12 =	simm.s32 $0x2C00;
	s13 =	simm.s32 $0x3400  }
0x5: {  	s14 =	simm.s32 $0x3C00;
	s15 =	simm.s32 $0x4400;
	s16 =	simm.s32 $0x4C00  }
0x6: {  	s17 =	simm.s32 $0x5400;
	s18 =	simm.s32 $0x5C00;
	s19 =	simm.s32 $0x6400  }
0x7: {  	s20 =	simm.s32 $0x6C00;
	s21 =	simm.s32 $0x7400;
	s22 =	simm.s32 $0x7C00  }
0x8: {  	s23 =	simm.s32 $0x8400;
	s24 =	simm.s32 $0x8C00;
	s28 =	simm.s32 $0xA400  }
0x9: {  	s29 =	simm.s32 $0xAC00;
	s30 =	simm.s32 $0xB400;
	s31 =	simm.s32 $0xBC00  }
0xa: {  	s4 =	sand.u32 $0x1, s3;
	s25 =	sshll.u32 s1, $0x1;
	[smem:$0x7FF] =	sst s2  }
0xb: {  	s3 =	sor.u32 s4, s25;
	_ =	strace $0x80000053;
	s4 =	ssub.s32 $0x2, s4  }
0xc: {  	s25 =	simm.s32 $0x9400;
	s5 =	sshll.u32 s3, $0x7;
	s6 =	smul.u32 $0x1800, s3  }
0xd: {  	s3 =	sadd.s32 $0x7400, s0;
	s26 =	sshrl.u32 s4, $0x1;
	s5 =	sadd.s32 s5, s0  }
0xe: {  	v2 =	vlaneseq.u32;
	s0 =	sadd.s32 s6, s0;
	s5 =	sadd.s32 $0x17400, s5;
	s6 =	ssub.s32 s4, s26  }
0xf: {  	vm0 =	vmmov $0xffff;
	v1 =	vshrl.u32 v2, $0x3;
	s26 =	simm.s32 $0x9C00;
	[dreg:$0x2] =	wrdreg s5;
	s4 =	sadd.s32 $0x18400, s0  }
0x10: {  	v0 =	vand.u32 $0x7, v2;
	v2 =	vor.u32 $0x8, v2;
	v1 =	vmul.u32 $0x8, v1;
	s5 =	smax.u32 s6, $0x1;
	s6 =	simm.s32 $0x2;
	s0 =	simm.s32 $0x1  }
.LBB2_1:
0x11: {  	s1 =	rddreg [dreg:$0x2]  }
0x12: {  	[tilespmem:s2], [sflag:$0x2] =	stream.linear.gather [hbm4b:s1+s2], $0x400, $0x38;
	[tilespmem:$0xC400] =	vst v63  }
0x13: {  	_ =	swait.ge [sflag:s6], $0x400  }
0x14: {  	[sflag:s6] =	ssyncset.done $0x0  }
0x15: {  	[sflag:s6] =	ssyncadd.s32 $0xFFFFFC00  }
0x16: {  	v3 =	vld [tilespmem:$0x0];
	_ =	sdelay $0x4  }
0x17: {  	v4 =	vshll.u32 v3, $0x1  }
0x18: {  	v3 =	vand.u32 $0x7, v3;
	v4 =	vand.u32 $0xFFFFFFF0, v4  }
0x19: {  	v3 =	vor.u32 v3, v4  }
0x1a: {  	v4 =	vperm.xlane v3, v0;
	_ =	sdelay $0x1  }
0x1b: {  	v3 =	vperm.xlane v3, v2;
	v4 =	vadd.s32 v1, v4;
	_ =	sdelay $0x1  }
0x1c: {  	v3 =	vadd.s32 v1, v3;
	_ =	sdelay $0x2  }
0x1d: {  	[tilespmem:s7], [sflag:$0x1] =	stream.indirect_vreg.gather [hbm4b:s3+s2], $0x80, v4, vm0, $0xb8;
	[tilespmem:$0xC400] =	vst v63  }
0x1e: {  	_ = 	snop  }
0x1f: {  	[tilespmem:s8], [sflag:$0x1] =	stream.indirect_vreg.gather [hbm4b:s3+s2], $0x80, v3, vm0, $0xb8;
	[tilespmem:$0xC400] =	vst v63  }
0x20: {  	v3 =	vld [tilespmem:$0x10];
	_ =	sdelay $0x4  }
0x21: {  	v53 =	vshll.u32 v3, $0x1  }
0x22: {  	v3 =	vand.u32 $0x7, v3;
	v4 =	vand.u32 $0xFFFFFFF0, v53  }
0x23: {  	v3 =	vor.u32 v3, v4  }
0x24: {  	v4 =	vperm.xlane v3, v0;
	_ =	sdelay $0x1  }
0x25: {  	v3 =	vperm.xlane v3, v2;
	v4 =	vadd.s32 v1, v4;
	_ =	sdelay $0x1  }
0x26: {  	v3 =	vadd.s32 v1, v3;
	_ =	sdelay $0x2  }
0x27: {  	[tilespmem:s9], [sflag:$0x1] =	stream.indirect_vreg.gather [hbm4b:s3+s2], $0x80, v4, vm0, $0xb8;
	[tilespmem:$0xC400] =	vst v63  }
0x28: {  	_ = 	snop  }
0x29: {  	[tilespmem:s10], [sflag:$0x1] =	stream.indirect_vreg.gather [hbm4b:s3+s2], $0x80, v3, vm0, $0xb8;
	[tilespmem:$0xC400] =	vst v63  }
0x2a: {  	v3 =	vld [tilespmem:$0x20];
	_ =	sdelay $0x4  }
0x2b: {  	v54 =	vshll.u32 v3, $0x1  }
0x2c: {  	v3 =	vand.u32 $0x7, v3;
	v4 =	vand.u32 $0xFFFFFFF0, v54  }
0x2d: {  	v3 =	vor.u32 v3, v4  }
0x2e: {  	v4 =	vperm.xlane v3, v0;
	_ =	sdelay $0x1  }
0x2f: {  	v3 =	vperm.xlane v3, v2;
	v4 =	vadd.s32 v1, v4;
	_ =	sdelay $0x1  }
0x30: {  	v3 =	vadd.s32 v1, v3;
	_ =	sdelay $0x2  }
0x31: {  	[tilespmem:s11], [sflag:$0x1] =	stream.indirect_vreg.gather [hbm4b:s3+s2], $0x80, v4, vm0, $0xb8;
	[tilespmem:$0xC400] =	vst v63  }
0x32: {  	_ = 	snop  }
0x33: {  	[tilespmem:s12], [sflag:$0x1] =	stream.indirect_vreg.gather [hbm4b:s3+s2], $0x80, v3, vm0, $0xb8;
	[tilespmem:$0xC400] =	vst v63  }
0x34: {  	v3 =	vld [tilespmem:$0x30];
	_ =	sdelay $0x4  }
0x35: {  	v55 =	vshll.u32 v3, $0x1  }
0x36: {  	v3 =	vand.u32 $0x7, v3;
	v4 =	vand.u32 $0xFFFFFFF0, v55  }
0x37: {  	v3 =	vor.u32 v3, v4  }
0x38: {  	v4 =	vperm.xlane v3, v0;
	_ =	sdelay $0x1  }
0x39: {  	v3 =	vperm.xlane v3, v2;
	v4 =	vadd.s32 v1, v4;
	_ =	sdelay $0x1  }
0x3a: {  	v3 =	vadd.s32 v1, v3;
	_ =	sdelay $0x2  }
0x3b: {  	[tilespmem:s13], [sflag:$0x1] =	stream.indirect_vreg.gather [hbm4b:s3+s2], $0x80, v4, vm0, $0xb8;
	[tilespmem:$0xC400] =	vst v63  }
0x3c: {  	_ = 	snop  }
0x3d: {  	[tilespmem:s14], [sflag:$0x1] =	stream.indirect_vreg.gather [hbm4b:s3+s2], $0x80, v3, vm0, $0xb8;
	[tilespmem:$0xC400] =	vst v63  }
0x3e: {  	v3 =	vld [tilespmem:$0x40];
	_ =	sdelay $0x4  }
0x3f: {  	v56 =	vshll.u32 v3, $0x1  }
0x40: {  	v3 =	vand.u32 $0x7, v3;
	v4 =	vand.u32 $0xFFFFFFF0, v56  }
0x41: {  	v3 =	vor.u32 v3, v4  }
0x42: {  	v4 =	vperm.xlane v3, v0;
	_ =	sdelay $0x1  }
0x43: {  	v3 =	vperm.xlane v3, v2;
	v4 =	vadd.s32 v1, v4;
	_ =	sdelay $0x1  }
0x44: {  	v3 =	vadd.s32 v1, v3;
	_ =	sdelay $0x2  }
0x45: {  	[tilespmem:s15], [sflag:$0x1] =	stream.indirect_vreg.gather [hbm4b:s3+s2], $0x80, v4, vm0, $0xb8;
	[tilespmem:$0xC400] =	vst v63  }
0x46: {  	_ = 	snop  }
0x47: {  	[tilespmem:s16], [sflag:$0x1] =	stream.indirect_vreg.gather [hbm4b:s3+s2], $0x80, v3, vm0, $0xb8;
	[tilespmem:$0xC400] =	vst v63  }
0x48: {  	v3 =	vld [tilespmem:$0x50];
	_ =	sdelay $0x4  }
0x49: {  	v57 =	vshll.u32 v3, $0x1  }
0x4a: {  	v3 =	vand.u32 $0x7, v3;
	v4 =	vand.u32 $0xFFFFFFF0, v57  }
0x4b: {  	v3 =	vor.u32 v3, v4  }
0x4c: {  	v4 =	vperm.xlane v3, v0;
	_ =	sdelay $0x1  }
0x4d: {  	v3 =	vperm.xlane v3, v2;
	v4 =	vadd.s32 v1, v4;
	_ =	sdelay $0x1  }
0x4e: {  	v3 =	vadd.s32 v1, v3;
	_ =	sdelay $0x2  }
0x4f: {  	[tilespmem:s17], [sflag:$0x1] =	stream.indirect_vreg.gather [hbm4b:s3+s2], $0x80, v4, vm0, $0xb8;
	[tilespmem:$0xC400] =	vst v63  }
0x50: {  	_ = 	snop  }
0x51: {  	[tilespmem:s18], [sflag:$0x1] =	stream.indirect_vreg.gather [hbm4b:s3+s2], $0x80, v3, vm0, $0xb8;
	[tilespmem:$0xC400] =	vst v63  }
0x52: {  	v3 =	vld [tilespmem:$0x80];
	_ =	sdelay $0x4  }
0x53: {  	v58 =	vshll.u32 v3, $0x1  }
0x54: {  	v3 =	vand.u32 $0x7, v3;
	v4 =	vand.u32 $0xFFFFFFF0, v58  }
0x55: {  	v3 =	vor.u32 v3, v4  }
0x56: {  	v4 =	vperm.xlane v3, v0;
	_ =	sdelay $0x1  }
0x57: {  	v3 =	vperm.xlane v3, v2;
	v4 =	vadd.s32 v1, v4;
	_ =	sdelay $0x1  }
0x58: {  	v3 =	vadd.s32 v1, v3;
	_ =	sdelay $0x2  }
0x59: {  	[tilespmem:s19], [sflag:$0x1] =	stream.indirect_vreg.gather [hbm4b:s3+s2], $0x80, v4, vm0, $0xb8;
	[tilespmem:$0xC400] =	vst v63  }
0x5a: {  	_ = 	snop  }
0x5b: {  	[tilespmem:s20], [sflag:$0x1] =	stream.indirect_vreg.gather [hbm4b:s3+s2], $0x80, v3, vm0, $0xb8;
	[tilespmem:$0xC400] =	vst v63  }
0x5c: {  	v3 =	vld [tilespmem:$0x90];
	_ =	sdelay $0x4  }
0x5d: {  	v59 =	vshll.u32 v3, $0x1  }
0x5e: {  	v3 =	vand.u32 $0x7, v3;
	v4 =	vand.u32 $0xFFFFFFF0, v59  }
0x5f: {  	v3 =	vor.u32 v3, v4  }
0x60: {  	v4 =	vperm.xlane v3, v0;
	_ =	sdelay $0x1  }
0x61: {  	v3 =	vperm.xlane v3, v2;
	v4 =	vadd.s32 v1, v4;
	_ =	sdelay $0x1  }
0x62: {  	v3 =	vadd.s32 v1, v3;
	_ =	sdelay $0x2  }
0x63: {  	[tilespmem:s21], [sflag:$0x1] =	stream.indirect_vreg.gather [hbm4b:s3+s2], $0x80, v4, vm0, $0xb8;
	[tilespmem:$0xC400] =	vst v63  }
0x64: {  	_ = 	snop  }
0x65: {  	[tilespmem:s22], [sflag:$0x1] =	stream.indirect_vreg.gather [hbm4b:s3+s2], $0x80, v3, vm0, $0xb8;
	[tilespmem:$0xC400] =	vst v63  }
0x66: {  	v3 =	vld [tilespmem:$0xA0];
	_ =	sdelay $0x4  }
0x67: {  	v60 =	vshll.u32 v3, $0x1  }
0x68: {  	v3 =	vand.u32 $0x7, v3;
	v4 =	vand.u32 $0xFFFFFFF0, v60  }
0x69: {  	v3 =	vor.u32 v3, v4  }
0x6a: {  	v4 =	vperm.xlane v3, v0;
	_ =	sdelay $0x1  }
0x6b: {  	v3 =	vperm.xlane v3, v2;
	v4 =	vadd.s32 v1, v4;
	_ =	sdelay $0x1  }
0x6c: {  	v3 =	vadd.s32 v1, v3;
	_ =	sdelay $0x2  }
0x6d: {  	[tilespmem:s23], [sflag:$0x1] =	stream.indirect_vreg.gather [hbm4b:s3+s2], $0x80, v4, vm0, $0xb8;
	[tilespmem:$0xC400] =	vst v63  }
0x6e: {  	_ = 	snop  }
0x6f: {  	[tilespmem:s24], [sflag:$0x1] =	stream.indirect_vreg.gather [hbm4b:s3+s2], $0x80, v3, vm0, $0xb8;
	[tilespmem:$0xC400] =	vst v63  }
0x70: {  	v3 =	vld [tilespmem:$0xB0];
	_ =	sdelay $0x4  }
0x71: {  	v61 =	vshll.u32 v3, $0x1  }
0x72: {  	v3 =	vand.u32 $0x7, v3;
	v4 =	vand.u32 $0xFFFFFFF0, v61  }
0x73: {  	v3 =	vor.u32 v3, v4  }
0x74: {  	v4 =	vperm.xlane v3, v0;
	_ =	sdelay $0x1  }
0x75: {  	v3 =	vperm.xlane v3, v2;
	v4 =	vadd.s32 v1, v4;
	_ =	sdelay $0x1  }
0x76: {  	v3 =	vadd.s32 v1, v3;
	_ =	sdelay $0x2  }
0x77: {  	[tilespmem:s25], [sflag:$0x1] =	stream.indirect_vreg.gather [hbm4b:s3+s2], $0x80, v4, vm0, $0xb8;
	[tilespmem:$0xC400] =	vst v63  }
0x78: {  	_ = 	snop  }
0x79: {  	[tilespmem:s26], [sflag:$0x1] =	stream.indirect_vreg.gather [hbm4b:s3+s2], $0x80, v3, vm0, $0xb8;
	[tilespmem:$0xC400] =	vst v63  }
0x7a: {  	v3 =	vld [tilespmem:$0xC0];
	_ =	sdelay $0x4  }
0x7b: {  	v62 =	vshll.u32 v3, $0x1  }
0x7c: {  	v3 =	vand.u32 $0x7, v3;
	v4 =	vand.u32 $0xFFFFFFF0, v62  }
0x7d: {  	v3 =	vor.u32 v3, v4  }
0x7e: {  	v4 =	vperm.xlane v3, v0;
	_ =	sdelay $0x1  }
0x7f: {  	v3 =	vperm.xlane v3, v2;
	v4 =	vadd.s32 v1, v4;
	_ =	sdelay $0x1  }
0x80: {  	v3 =	vadd.s32 v1, v3;
	_ =	sdelay $0x2  }
0x81: {  	[tilespmem:s28], [sflag:$0x1] =	stream.indirect_vreg.gather [hbm4b:s3+s2], $0x80, v4, vm0, $0xb8;
	[tilespmem:$0xC400] =	vst v63  }
0x82: {  	_ = 	snop  }
0x83: {  	[tilespmem:s29], [sflag:$0x1] =	stream.indirect_vreg.gather [hbm4b:s3+s2], $0x80, v3, vm0, $0xb8;
	[tilespmem:$0xC400] =	vst v63  }
0x84: {  	v3 =	vld [tilespmem:$0xD0];
	_ =	sdelay $0x4  }
0x85: {  	v63 =	vshll.u32 v3, $0x1  }
0x86: {  	v3 =	vand.u32 $0x7, v3;
	v4 =	vand.u32 $0xFFFFFFF0, v63  }
0x87: {  	v3 =	vor.u32 v3, v4  }
0x88: {  	v4 =	vperm.xlane v3, v0;
	_ =	sdelay $0x1  }
0x89: {  	v3 =	vperm.xlane v3, v2;
	v4 =	vadd.s32 v1, v4;
	_ =	sdelay $0x1  }
0x8a: {  	v3 =	vadd.s32 v1, v3;
	_ =	sdelay $0x2  }
0x8b: {  	[tilespmem:s30], [sflag:$0x1] =	stream.indirect_vreg.gather [hbm4b:s3+s2], $0x80, v4, vm0, $0xb8;
	[tilespmem:$0xC400] =	vst v63  }
0x8c: {  	_ = 	snop  }
0x8d: {  	[tilespmem:s31], [sflag:$0x1] =	stream.indirect_vreg.gather [hbm4b:s3+s2], $0x80, v3, vm0, $0xb8;
	[tilespmem:$0xC400] =	vst v63  }
0x8e: {  	_ =	swait.ge [sflag:s0], $0x6000  }
0x8f: {  	[sflag:s0] =	ssyncset.done $0x0  }
0x90: {  	[sflag:s0] =	ssyncadd.s32 $0xFFFFA000  }
0x91: {  	_ =	swait.ge [sflag:s0], $0x6000  }
0x92: {  	p0 =	sne.s32 s5, $0x1;
	[sflag:s0] =	ssyncset.done $0x0  }
.Ltmp0:
0x93: {  	[sflag:s0] =	ssyncadd.s32 $0xFFFFA000;
	(pc) =	sbr.rel @p0 .LBB2_1-.Ltmp0, $4  }
0x94: {  	[hbm4b:s4+s2] =	stream.linear.scatter [tilespmem:s7], [sflag:$0x2], $0xC000, $0x38;
	[tilespmem:$0xC400] =	vst v63  }
0x95: {  	_ =	swait.ge [sflag:s6], $0xC000  }
0x96: {  	[sflag:s6] =	ssyncset.done $0x0  }
0x97: {  	s5 =	sadd.s32 $0xFFFFFFFF, s5;
	[sflag:s6] =	ssyncadd.s32 $0xFFFF4000  }
0x98: {  	_ =	sfence.sel $0x180000  }
0x99: {  	[bflag:$0x0] =	sbarrier.arrive $0xFFFF  }
0x9a: {  	_ =	strace $0x90000053  }
0x9b: {  	s0 =	stileid.u32;
	[bflag:$0x2] =	sbarrier.arrive $0xFFFF  }
0x9c: {  	p0 =	sne.s32 s0, $0x0;
	s0 =	rddreg [dreg:$0x1]  }
0x9d: {  	s0 =	sadd.s32 @!p0 $0x100000, s0  }
0x9e: {  	[sflag:s0] =	ssyncadd.tile.s32 @!p0 $0x1;
	_ =	shalt  }
.Lfunc_end2:
_tile_overlayer_lowered:
.L_overlay_start_2:
0x9f: {  	(tag) =	ssettag $0x2  }
0xa0: {  	s0 =	rddreg [dreg:$0x0];
	s2 =	stileid.u32  }
0xa1: {  	s1 =	rddreg [dreg:$0x1];
	p0 =	sne.s32 s2, $0x0  }
0xa2: {  	s3 =	rddreg [dreg:$0x2];
	[bflag:$0x3] =	sbarrier.arrive $0xFFFF;
	s2 =	simm.s32 @!p0 $0x1C02  }
0xa3: {  	[timem:s3], [sflag:s2] =	dma.local @!p0 [hbm:s0], s1  }
0xa4: {  	s0 =	simm.s32 @!p0 $0x2  }
0xa5: {  	_ =	swait.ge @!p0 [sflag:s0], s1  }
0xa6: {  	s1 =	ssub.s32 @!p0 $0x0, s1;
	[sflag:s0] =	ssyncset.done @!p0 $0x0  }
0xa7: {  	[sflag:s0] =	ssyncadd.s32 @!p0 s1  }
0xa8: {  	[bflag:$0x3] =	sbarrier.arrive $0xFFFF  }
0xa9: {  	_ =	shalt  }

// kernel: kernel.33.cloned.1.call-start
scs
__scs_entry_jumppad:
0x0: {  	(pc) =	sbr.rel $0x88, $3  }
0x1: {  	(tag) =	ssettag $0x0;
	lr =	simm.s32 $0x1  }
0x2: {  	[smem:$0x3F92] =	sst lr;
	_ =	strace $0xD0000000  }
0x3: {  	_ = 	snop  }
0x4: {  	_ = 	snop  }
0x5: {  	_ = 	snop  }
0x6: {  	_ = 	snop  }
0x7: {  	_ = 	snop  }
__scs_overlays_trampoline_lowered:
0x8: {  	[smem:$0x3FA1] =	sst s0  }
0x9: {  	[smem:$0x3FA2] =	sst s1  }
0xa: {  	[smem:$0x3FA3] =	sst s2  }
0xb: {  	[smem:$0x3FA4] =	sst s3  }
0xc: {  	[smem:$0x3FA5] =	sst s4  }
0xd: {  	[smem:$0x3FA6] =	sst s5  }
0xe: {  	[smem:$0x3FA7] =	sst s6  }
0xf: {  	[smem:$0x3FA8] =	sst s7  }
0x10: {  	[smem:$0x3FA9] =	sst s8  }
0x11: {  	[smem:$0x3FAA] =	sst s9;
	s0 =	simm.s32 @!p0 $0x0  }
0x12: {  	s1 =	sld [smem:$0x3F90];
	s0 =	simm.s32 @p0 $0x1  }
0x13: {  	[smem:$0x3FAB] =	sst s0;
	s0 =	simm.s32 @!p1 $0x0  }
0x14: {  	s2 =	sld [smem:$0x3F8F];
	s0 =	simm.s32 @p1 $0x1  }
0x15: {  	[smem:$0x3FAC] =	sst s0;
	s0 =	simm.s32 @!p2 $0x0  }
0x16: {  	s3 =	sld [smem:$0x3FDB];
	s0 =	simm.s32 @p2 $0x1  }
0x17: {  	s4 =	simm.s32 $0x1BF5;
	[smem:$0x3FAE] =	sst s0  }
0x18: {  	s0 =	sld [smem:$0x3F91];
	_ =	swait.ge [sflag:s4], $0x0  }
0x19: {  	s7 =	sld [smem:$0x3F92]  }
0x1a: {  	s8 =	sadd.s32 $0xFFFFE003, lr  }
0x1b: {  	s9 =	sadd.s32 $0xFFFFFEF7, lr;
	s5 =	simm.s32 $0xFFFFFFFF;
	p2 =	slt.u32 s8, $0xFFFFF086  }
0x1c: {  	p1 =	slt.u32 s9, $0xF7A;
	s5 =	simm.s32 @!p2 $0x0  }
0x1d: {  	s5 =	simm.s32 @p1 $0x1;
	p0 =	seq.s32 s7, s2  }
0x1e: {  	s7 =	smul.u32 @!p0 $0xF7A, s2;
	p2 =	seq.s32 @!p0 s5, $0x0  }
0x1f: {  	s9 =	smul.u32 $0xF7A, s1;
	s8 =	simm.s32 @!p0 $0x1BF5;
	p2 =	por !p2, p0  }
0x20: {  	[sflag:s8] =	ssyncset.s32 @!p0 $0xFFFFF086;
	s6 =	sadd.s32 @!p0 s3, s7;
	s7 =	simm.s32 @!p0 $0x108  }
0x21: {  	s3 =	sadd.s32 s3, s9;
	s6 =	sadd.s32 @!p0 $0x88, s6;
	s7 =	simm.s32 @p2 $0x1082  }
0x22: {  	[simem:s7], [sflag:s8] =	dma.local @!p0 [hbm:s6], $0xF7A  }
0x23: {  	s9 =	sor.u32 $0xD0000000, s2;
	s6 =	simm.s32 $0x108;
	_ =	swait.ge @!p0 [sflag:s8], $0x0  }
0x24: {  	s3 =	sadd.s32 $0x88, s3;
	s6 =	simm.s32 @!p1 $0x1082;
	[sflag:s4] =	ssyncset.s32 $0xFFFFF086  }
0x25: {  	[simem:s6], [sflag:s4] =	dma.local [hbm:s3], $0xF7A  }
0x26: {  	[smem:$0x3F92] =	sst s1;
	(tag) =	ssettag s2;
	_ =	strace s9  }
0x27: {  	s1 =	sld [smem:$0x3FA2]  }
0x28: {  	s2 =	sld [smem:$0x3FA3]  }
0x29: {  	s4 =	sld [smem:$0x3FA5]  }
0x2a: {  	p0 =	seq.s32 s5, $0x0;
	s5 =	sld [smem:$0x3FA6]  }
0x2b: {  	s6 =	sld [smem:$0x3FA7]  }
0x2c: {  	s7 =	sld [smem:$0x3FA8]  }
0x2d: {  	s3 =	simm.s32 $0x108;
	s8 =	sld [smem:$0x3FA9]  }
0x2e: {  	s3 =	simm.s32 @!p0 $0x1082;
	s9 =	sld [smem:$0x3FAA]  }
0x2f: {  	lr =	sadd.s32 s0, s3;
	s0 =	sld [smem:$0x3FA1]  }
0x30: {  	s3 =	sld [smem:$0x3FA4]  }
0x31: {  	[smem:$0x3FAD] =	sst s10  }
0x32: {  	s10 =	sld [smem:$0x3FAB];
	_ =	sdelay $0x3  }
0x33: {  	p0 =	seq.s32 s10, $0x1;
	s10 =	sld [smem:$0x3FAD];
	_ =	sdelay $0x3  }
0x34: {  	[smem:$0x3FAD] =	sst s10  }
0x35: {  	s10 =	sld [smem:$0x3FAC];
	_ =	sdelay $0x3  }
0x36: {  	p1 =	seq.s32 s10, $0x1;
	s10 =	sld [smem:$0x3FAD];
	_ =	sdelay $0x3  }
0x37: {  	[smem:$0x3FAD] =	sst s10  }
0x38: {  	s10 =	sld [smem:$0x3FAE]  }
0x39: {  	_ = 	snop;
	(pc) =	sbr.ind lr, $3  }
0x3a: {  	_ = 	snop  }
0x3b: {  	_ = 	snop  }
0x3c: {  	p2 =	seq.s32 s10, $0x1;
	s10 =	sld [smem:$0x3FAD]  }
0x3d: {  	_ =	shalt  }
0x3e: {  	_ =	shalt  }
0x3f: {  	_ =	shalt  }
0x40: {  	_ =	shalt  }
0x41: {  	_ =	shalt  }
0x42: {  	_ =	shalt  }
0x43: {  	_ =	shalt  }
0x44: {  	_ =	shalt  }
0x45: {  	_ =	shalt  }
0x46: {  	_ =	shalt  }
0x47: {  	_ =	shalt  }
0x48: {  	_ =	shalt  }
0x49: {  	_ =	shalt  }
0x4a: {  	_ =	shalt  }
0x4b: {  	_ =	shalt  }
0x4c: {  	_ =	shalt  }
0x4d: {  	_ =	shalt  }
0x4e: {  	_ =	shalt  }
0x4f: {  	_ =	shalt  }
0x50: {  	_ =	shalt  }
0x51: {  	_ =	shalt  }
0x52: {  	_ =	shalt  }
0x53: {  	_ =	shalt  }
0x54: {  	_ =	shalt  }
0x55: {  	_ =	shalt  }
0x56: {  	_ =	shalt  }
0x57: {  	_ =	shalt  }
0x58: {  	_ =	shalt  }
0x59: {  	_ =	shalt  }
0x5a: {  	_ =	shalt  }
0x5b: {  	_ =	shalt  }
0x5c: {  	_ =	shalt  }
0x5d: {  	_ =	shalt  }
0x5e: {  	_ =	shalt  }
0x5f: {  	_ =	shalt  }
0x60: {  	_ =	shalt  }
0x61: {  	_ =	shalt  }
0x62: {  	_ =	shalt  }
0x63: {  	_ =	shalt  }
0x64: {  	_ =	shalt  }
0x65: {  	_ =	shalt  }
0x66: {  	_ =	shalt  }
0x67: {  	_ =	shalt  }
0x68: {  	_ =	shalt  }
0x69: {  	_ =	shalt  }
0x6a: {  	_ =	shalt  }
0x6b: {  	_ =	shalt  }
0x6c: {  	_ =	shalt  }
0x6d: {  	_ =	shalt  }
0x6e: {  	_ =	shalt  }
0x6f: {  	_ =	shalt  }
0x70: {  	_ =	shalt  }
0x71: {  	_ =	shalt  }
0x72: {  	_ =	shalt  }
0x73: {  	_ =	shalt  }
0x74: {  	_ =	shalt  }
0x75: {  	_ =	shalt  }
0x76: {  	_ =	shalt  }
0x77: {  	_ =	shalt  }
0x78: {  	_ =	shalt  }
0x79: {  	_ =	shalt  }
0x7a: {  	_ =	shalt  }
0x7b: {  	_ =	shalt  }
0x7c: {  	_ =	shalt  }
0x7d: {  	_ =	shalt  }
0x7e: {  	_ =	shalt  }
0x7f: {  	_ =	shalt  }
0x80: {  	_ =	shalt  }
0x81: {  	_ =	shalt  }
0x82: {  	_ =	shalt  }
0x83: {  	_ =	shalt  }
0x84: {  	_ =	shalt  }
0x85: {  	_ =	shalt  }
0x86: {  	_ =	shalt  }
0x87: {  	_ =	shalt  }
.Lfunc_end0:
.L_simem_size_0:
called_computation.5_lowered:
.L_overlay_start_0:
0x88: {  	s2 =	sld [smem:$0x3FD9]  }
0x89: {  	s3 =	sld [smem:$0x3FFE];
	_ =	sdelay $0x1  }
0x8a: {  	s1 =	srdreg.scid  }
0x8b: {  	s0 =	sand.u32 $0x1, s1  }
0x8c: {  	s17 =	sshll.u32 s0, $0xA;
	s2 =	sadd.s32 s3, s2  }
0x8d: {  	s2 =	sadd.s32 s2, s17  }
0x8e: {  	[smem:$0x3FB9] =	sst s2  }
0x8f: {  	_ = 	snop  }
0x90: {  	(tm) =	ssettm $0x1  }
0x91: {  	s18 =	sld [smem:$0x3FFB];
	_ =	sdelay $0x3  }
0x92: {  	_ =	strace s18  }
0x93: {  	s2 =	sld [smem:$0x3FFC];
	_ =	sdelay $0x3  }
0x94: {  	_ =	strace s2  }
0x95: {  	s2 =	sld [smem:$0x3FFD];
	_ =	sdelay $0x3  }
0x96: {  	_ =	strace s2  }
0x97: {  	_ =	strace $0x8FFFFFFF  }
0x98: {  	s19 =	sld [smem:$0x3FDB];
	_ =	sdelay $0x1  }
0x99: {  	s20 =	simm.s32 $_scs_section_size  }
0x9a: {  	s4 =	simm.s32 $_size__tile_overlayer_lowered;
	s5 =	simm.s32 $_tile_overlayer_lowered  }
0x9b: {  	s6 =	simm.s32 $0x1BFF;
	s21 =	sshll.u32 s5, $0x1;
	s3 =	sadd.s32 s20, s19  }
0x9c: {  	s22 =	simm.s32 $0x0;
	s4 =	sshll.u32 s4, $0x1;
	s5 =	sadd.s32 s21, s3  }
0x9d: {  	[timem:s22], [sflag:s6] =	dma.local [hbm:s5], s4  }
0x9e: {  	_ =	swait.ge [sflag:s6], s4  }
0x9f: {  	s4 =	ssub.s32 $0x0, s4;
	[sflag:s6] =	ssyncset.done $0x0  }
0xa0: {  	[sflag:s6] =	ssyncadd.s32 s4;
	_ =	sdelay $0x1  }
0xa1: {  	s23 =	simm.s32 $0x1B8B  }
0xa2: {  	_ =	swait.ge [sflag:s23], $0x1  }
0xa3: {  	[sflag:s23] =	ssyncset.done $0x0  }
0xa4: {  	[sflag:s23] =	ssyncadd.s32 $0xFFFFFFFF  }
0xa5: {  	s4 =	sld [smem:$0x0]  }
0xa6: {  	s5 =	sand.u32 $0xFFFFFFFE, s1  }
0xa7: {  	p0 =	sne.s32 s1, s5  }
0xa8: {  	s5 =	sshll.u32 @p0 s5, $0xE  }
0xa9: {  	s5 =	sadd.s32 @p0 $0x11B8D, s5;
	s6 =	sshll.u32 @p0 s4, $0x11  }
0xaa: {  	s5 =	sor.u32 @p0 s6, s5  }
0xab: {  	[sflag:s5] =	ssyncadd.remote.s32 @p0 $0x1;
	_ =	sdelay $0x1  }
0xac: {  	s5 =	simm.s32 @p0 $0x1B8D  }
0xad: {  	_ =	swait.eq @p0 [sflag:s5], $0x1  }
0xae: {  	[sflag:s5] =	ssyncadd.s32 @p0 $0xFFFFFFFF  }
0xaf: {  	s6 =	sshll.u32 @!p0 s1, $0xE  }
0xb0: {  	s6 =	sor.u32 @!p0 $0x4000, s6;
	s5 =	simm.s32 @!p0 $0x1B8D  }
0xb1: {  	s4 =	sshll.u32 @!p0 s4, $0x11;
	s6 =	sadd.s32 @!p0 $0x11B8D, s6;
	_ =	swait.eq @!p0 [sflag:s5], $0x1  }
0xb2: {  	s4 =	sor.u32 @!p0 s4, s6;
	[sflag:s5] =	ssyncadd.s32 @!p0 $0xFFFFFFFF  }
0xb3: {  	s25 =	simm.s32 $0x1B8E;
	s24 =	sld [smem:$0x3FFE];
	[sflag:s4] =	ssyncadd.remote.s32 @!p0 $0x1  }
0xb4: {  	s26 =	simm.s32 $execute0_lowered;
	[smem:$0x3FD2] =	sst s25  }
0xb5: {  	s5 =	sshll.u32 s26, $0x1;
	_ =	strace $0x80000055;
	[dreg:$0x1] =	wrdreg $0xFFFFFFFF  }
0xb6: {  	s28 =	simm.s32 $_size_execute0_lowered;
	s3 =	sadd.s32 s3, s5;
	[dreg:$0x0] =	wrdreg $0x0  }
0xb7: {  	s5 =	sshll.u32 s28, $0x1;
	[dreg:$0x2] =	wrdreg s3  }
0xb8: {  	[dreg:$0x3] =	wrdreg s5  }
0xb9: {  	[dreg:$0x4] =	wrdreg $0xC0  }
0xba: {  	_ =	task [dreg:s22], $0x5FFFF  }
0xbb: {  	[dreg:$0x1] =	wrdreg $0xFFFFFFFF  }
0xbc: {  	[dreg:$0x0] =	wrdreg $0x60  }
0xbd: {  	[dreg:$0x2] =	wrdreg s24  }
0xbe: {  	[dreg:$0x3] =	wrdreg $0x9  }
0xbf: {  	_ =	task.clear_ibuf [dreg:s22], $0x4FFFF;
	_ =	strace $0x90000055  }
0xc0: {  	s29 =	simm.s32 $0x9;
	_ =	strace $0x80000057  }
0xc1: {  	_ =	swait.ge [sflag:s29], $0x1  }
0xc2: {  	[sflag:s29] =	ssyncadd.s32 $0xFFFFFFFF  }
0xc3: {  	_ =	strace $0x90000057  }
0xc4: {  	_ =	sfence  }
0xc5: {  	s30 =	sld [smem:$0x0];
	_ =	sdelay $0x2  }
0xc6: {  	s31 =	sshll.u32 s1, $0xD;
	s1 =	sshrl.u32 s1, $0x2  }
0xc7: {  	s4 =	sand.u32 $0x4000, s31;
	s1 =	sadd.s32 s1, s30  }
0xc8: {  	s0 =	sor.u32 s4, s0;
	s1 =	sshll.u32 s1, $0x11  }
0xc9: {  	s0 =	sor.u32 s1, s0  }
0xca: {  	s0 =	sadd.s32 $0x8F2B, s0  }
0xcb: {  	[sflag:s0] =	ssyncadd.remote.s32 $0x1  }
0xcc: {  	_ =	sfence.sel $0xFFFF  }
0xcd: {  	[dreg:$0x0] =	wrdreg $0xFFFFFFFF;
	(pc) =	sbr.abs _section_cstart, $3  }
0xce: {  	[dreg:$0x1] =	wrdreg $0xFFFFFFFF  }
0xcf: {  	_ =	task.clear_ibuf [dreg:s22], $0x2FFFF;
	_ =	strace $0x9FFFFFFF  }
0xd0: {  	(tm) =	ssettm $0x7FFFFFFF  }
0xd1: {  	_ =	shalt  }
tec
execute0_lowered:
.L_overlay_start_1:
0x0: {  	(tag) =	ssettag $0x1  }
0x1: {  	s0 =	rddreg [dreg:$0x0];
	s3 =	srdreg.scid  }
0x2: {  	s1 =	stileid.u32;
	s2 =	simm.s32 $0x0;
	s7 =	simm.s32 $0x400  }
0x3: {  	s8 =	simm.s32 $0xC00;
	s9 =	simm.s32 $0x1400;
	s10 =	simm.s32 $0x1C00  }
0x4: {  	s11 =	simm.s32 $0x2400;
	s12 =	simm.s32 $0x2C00;
	s13 =	simm.s32 $0x3400  }
0x5: {  	s14 =	simm.s32 $0x3C00;
	s15 =	simm.s32 $0x4400;
	s16 =	simm.s32 $0x4C00  }
0x6: {  	s17 =	simm.s32 $0x5400;
	s18 =	simm.s32 $0x5C00;
	s19 =	simm.s32 $0x6400  }
0x7: {  	s20 =	simm.s32 $0x6C00;
	s21 =	simm.s32 $0x7400;
	s22 =	simm.s32 $0x7C00  }
0x8: {  	s23 =	simm.s32 $0x8400;
	s24 =	simm.s32 $0x8C00;
	s28 =	simm.s32 $0xA400  }
0x9: {  	s29 =	simm.s32 $0xAC00;
	s30 =	simm.s32 $0xB400;
	s31 =	simm.s32 $0xBC00  }
0xa: {  	s4 =	sand.u32 $0x1, s3;
	s25 =	sshll.u32 s1, $0x1;
	[smem:$0x7FF] =	sst s2  }
0xb: {  	s3 =	sor.u32 s4, s25;
	_ =	strace $0x80000056;
	s4 =	ssub.s32 $0x2, s4  }
0xc: {  	s25 =	simm.s32 $0x9400;
	s5 =	sshll.u32 s3, $0x7;
	s6 =	smul.u32 $0x1800, s3  }
0xd: {  	s3 =	sadd.s32 $0x48400, s0;
	s26 =	sshrl.u32 s4, $0x1;
	s5 =	sadd.s32 s5, s0  }
0xe: {  	v2 =	vlaneseq.u32;
	s0 =	sadd.s32 s6, s0;
	s5 =	sadd.s32 $0x78400, s5;
	s6 =	ssub.s32 s4, s26  }
0xf: {  	vm0 =	vmmov $0xffff;
	v1 =	vshrl.u32 v2, $0x3;
	s26 =	simm.s32 $0x9C00;
	[dreg:$0x2] =	wrdreg s5;
	s4 =	sadd.s32 $0x79400, s0  }
0x10: {  	v0 =	vand.u32 $0x7, v2;
	v2 =	vor.u32 $0x8, v2;
	v1 =	vmul.u32 $0x8, v1;
	s5 =	smax.u32 s6, $0x1;
	s6 =	simm.s32 $0x2;
	s0 =	simm.s32 $0x1  }
.LBB2_1:
0x11: {  	s1 =	rddreg [dreg:$0x2]  }
0x12: {  	[tilespmem:s2], [sflag:$0x2] =	stream.linear.gather [hbm4b:s1+s2], $0x400, $0x38;
	[tilespmem:$0xC400] =	vst v63  }
0x13: {  	_ =	swait.ge [sflag:s6], $0x400  }
0x14: {  	[sflag:s6] =	ssyncset.done $0x0  }
0x15: {  	[sflag:s6] =	ssyncadd.s32 $0xFFFFFC00  }
0x16: {  	v3 =	vld [tilespmem:$0x0];
	_ =	sdelay $0x4  }
0x17: {  	v4 =	vshll.u32 v3, $0x1  }
0x18: {  	v3 =	vand.u32 $0x7, v3;
	v4 =	vand.u32 $0xFFFFFFF0, v4  }
0x19: {  	v3 =	vor.u32 v3, v4  }
0x1a: {  	v4 =	vperm.xlane v3, v0;
	_ =	sdelay $0x1  }
0x1b: {  	v3 =	vperm.xlane v3, v2;
	v4 =	vadd.s32 v1, v4;
	_ =	sdelay $0x1  }
0x1c: {  	v3 =	vadd.s32 v1, v3;
	_ =	sdelay $0x2  }
0x1d: {  	[tilespmem:s7], [sflag:$0x1] =	stream.indirect_vreg.gather [hbm4b:s3+s2], $0x80, v4, vm0, $0xb8;
	[tilespmem:$0xC400] =	vst v63  }
0x1e: {  	_ = 	snop  }
0x1f: {  	[tilespmem:s8], [sflag:$0x1] =	stream.indirect_vreg.gather [hbm4b:s3+s2], $0x80, v3, vm0, $0xb8;
	[tilespmem:$0xC400] =	vst v63  }
0x20: {  	v3 =	vld [tilespmem:$0x10];
	_ =	sdelay $0x4  }
0x21: {  	v53 =	vshll.u32 v3, $0x1  }
0x22: {  	v3 =	vand.u32 $0x7, v3;
	v4 =	vand.u32 $0xFFFFFFF0, v53  }
0x23: {  	v3 =	vor.u32 v3, v4  }
0x24: {  	v4 =	vperm.xlane v3, v0;
	_ =	sdelay $0x1  }
0x25: {  	v3 =	vperm.xlane v3, v2;
	v4 =	vadd.s32 v1, v4;
	_ =	sdelay $0x1  }
0x26: {  	v3 =	vadd.s32 v1, v3;
	_ =	sdelay $0x2  }
0x27: {  	[tilespmem:s9], [sflag:$0x1] =	stream.indirect_vreg.gather [hbm4b:s3+s2], $0x80, v4, vm0, $0xb8;
	[tilespmem:$0xC400] =	vst v63  }
0x28: {  	_ = 	snop  }
0x29: {  	[tilespmem:s10], [sflag:$0x1] =	stream.indirect_vreg.gather [hbm4b:s3+s2], $0x80, v3, vm0, $0xb8;
	[tilespmem:$0xC400] =	vst v63  }
0x2a: {  	v3 =	vld [tilespmem:$0x20];
	_ =	sdelay $0x4  }
0x2b: {  	v54 =	vshll.u32 v3, $0x1  }
0x2c: {  	v3 =	vand.u32 $0x7, v3;
	v4 =	vand.u32 $0xFFFFFFF0, v54  }
0x2d: {  	v3 =	vor.u32 v3, v4  }
0x2e: {  	v4 =	vperm.xlane v3, v0;
	_ =	sdelay $0x1  }
0x2f: {  	v3 =	vperm.xlane v3, v2;
	v4 =	vadd.s32 v1, v4;
	_ =	sdelay $0x1  }
0x30: {  	v3 =	vadd.s32 v1, v3;
	_ =	sdelay $0x2  }
0x31: {  	[tilespmem:s11], [sflag:$0x1] =	stream.indirect_vreg.gather [hbm4b:s3+s2], $0x80, v4, vm0, $0xb8;
	[tilespmem:$0xC400] =	vst v63  }
0x32: {  	_ = 	snop  }
0x33: {  	[tilespmem:s12], [sflag:$0x1] =	stream.indirect_vreg.gather [hbm4b:s3+s2], $0x80, v3, vm0, $0xb8;
	[tilespmem:$0xC400] =	vst v63  }
0x34: {  	v3 =	vld [tilespmem:$0x30];
	_ =	sdelay $0x4  }
0x35: {  	v55 =	vshll.u32 v3, $0x1  }
0x36: {  	v3 =	vand.u32 $0x7, v3;
	v4 =	vand.u32 $0xFFFFFFF0, v55  }
0x37: {  	v3 =	vor.u32 v3, v4  }
0x38: {  	v4 =	vperm.xlane v3, v0;
	_ =	sdelay $0x1  }
0x39: {  	v3 =	vperm.xlane v3, v2;
	v4 =	vadd.s32 v1, v4;
	_ =	sdelay $0x1  }
0x3a: {  	v3 =	vadd.s32 v1, v3;
	_ =	sdelay $0x2  }
0x3b: {  	[tilespmem:s13], [sflag:$0x1] =	stream.indirect_vreg.gather [hbm4b:s3+s2], $0x80, v4, vm0, $0xb8;
	[tilespmem:$0xC400] =	vst v63  }
0x3c: {  	_ = 	snop  }
0x3d: {  	[tilespmem:s14], [sflag:$0x1] =	stream.indirect_vreg.gather [hbm4b:s3+s2], $0x80, v3, vm0, $0xb8;
	[tilespmem:$0xC400] =	vst v63  }
0x3e: {  	v3 =	vld [tilespmem:$0x40];
	_ =	sdelay $0x4  }
0x3f: {  	v56 =	vshll.u32 v3, $0x1  }
0x40: {  	v3 =	vand.u32 $0x7, v3;
	v4 =	vand.u32 $0xFFFFFFF0, v56  }
0x41: {  	v3 =	vor.u32 v3, v4  }
0x42: {  	v4 =	vperm.xlane v3, v0;
	_ =	sdelay $0x1  }
0x43: {  	v3 =	vperm.xlane v3, v2;
	v4 =	vadd.s32 v1, v4;
	_ =	sdelay $0x1  }
0x44: {  	v3 =	vadd.s32 v1, v3;
	_ =	sdelay $0x2  }
0x45: {  	[tilespmem:s15], [sflag:$0x1] =	stream.indirect_vreg.gather [hbm4b:s3+s2], $0x80, v4, vm0, $0xb8;
	[tilespmem:$0xC400] =	vst v63  }
0x46: {  	_ = 	snop  }
0x47: {  	[tilespmem:s16], [sflag:$0x1] =	stream.indirect_vreg.gather [hbm4b:s3+s2], $0x80, v3, vm0, $0xb8;
	[tilespmem:$0xC400] =	vst v63  }
0x48: {  	v3 =	vld [tilespmem:$0x50];
	_ =	sdelay $0x4  }
0x49: {  	v57 =	vshll.u32 v3, $0x1  }
0x4a: {  	v3 =	vand.u32 $0x7, v3;
	v4 =	vand.u32 $0xFFFFFFF0, v57  }
0x4b: {  	v3 =	vor.u32 v3, v4  }
0x4c: {  	v4 =	vperm.xlane v3, v0;
	_ =	sdelay $0x1  }
0x4d: {  	v3 =	vperm.xlane v3, v2;
	v4 =	vadd.s32 v1, v4;
	_ =	sdelay $0x1  }
0x4e: {  	v3 =	vadd.s32 v1, v3;
	_ =	sdelay $0x2  }
0x4f: {  	[tilespmem:s17], [sflag:$0x1] =	stream.indirect_vreg.gather [hbm4b:s3+s2], $0x80, v4, vm0, $0xb8;
	[tilespmem:$0xC400] =	vst v63  }
0x50: {  	_ = 	snop  }
0x51: {  	[tilespmem:s18], [sflag:$0x1] =	stream.indirect_vreg.gather [hbm4b:s3+s2], $0x80, v3, vm0, $0xb8;
	[tilespmem:$0xC400] =	vst v63  }
0x52: {  	v3 =	vld [tilespmem:$0x80];
	_ =	sdelay $0x4  }
0x53: {  	v58 =	vshll.u32 v3, $0x1  }
0x54: {  	v3 =	vand.u32 $0x7, v3;
	v4 =	vand.u32 $0xFFFFFFF0, v58  }
0x55: {  	v3 =	vor.u32 v3, v4  }
0x56: {  	v4 =	vperm.xlane v3, v0;
	_ =	sdelay $0x1  }
0x57: {  	v3 =	vperm.xlane v3, v2;
	v4 =	vadd.s32 v1, v4;
	_ =	sdelay $0x1  }
0x58: {  	v3 =	vadd.s32 v1, v3;
	_ =	sdelay $0x2  }
0x59: {  	[tilespmem:s19], [sflag:$0x1] =	stream.indirect_vreg.gather [hbm4b:s3+s2], $0x80, v4, vm0, $0xb8;
	[tilespmem:$0xC400] =	vst v63  }
0x5a: {  	_ = 	snop  }
0x5b: {  	[tilespmem:s20], [sflag:$0x1] =	stream.indirect_vreg.gather [hbm4b:s3+s2], $0x80, v3, vm0, $0xb8;
	[tilespmem:$0xC400] =	vst v63  }
0x5c: {  	v3 =	vld [tilespmem:$0x90];
	_ =	sdelay $0x4  }
0x5d: {  	v59 =	vshll.u32 v3, $0x1  }
0x5e: {  	v3 =	vand.u32 $0x7, v3;
	v4 =	vand.u32 $0xFFFFFFF0, v59  }
0x5f: {  	v3 =	vor.u32 v3, v4  }
0x60: {  	v4 =	vperm.xlane v3, v0;
	_ =	sdelay $0x1  }
0x61: {  	v3 =	vperm.xlane v3, v2;
	v4 =	vadd.s32 v1, v4;
	_ =	sdelay $0x1  }
0x62: {  	v3 =	vadd.s32 v1, v3;
	_ =	sdelay $0x2  }
0x63: {  	[tilespmem:s21], [sflag:$0x1] =	stream.indirect_vreg.gather [hbm4b:s3+s2], $0x80, v4, vm0, $0xb8;
	[tilespmem:$0xC400] =	vst v63  }
0x64: {  	_ = 	snop  }
0x65: {  	[tilespmem:s22], [sflag:$0x1] =	stream.indirect_vreg.gather [hbm4b:s3+s2], $0x80, v3, vm0, $0xb8;
	[tilespmem:$0xC400] =	vst v63  }
0x66: {  	v3 =	vld [tilespmem:$0xA0];
	_ =	sdelay $0x4  }
0x67: {  	v60 =	vshll.u32 v3, $0x1  }
0x68: {  	v3 =	vand.u32 $0x7, v3;
	v4 =	vand.u32 $0xFFFFFFF0, v60  }
0x69: {  	v3 =	vor.u32 v3, v4  }
0x6a: {  	v4 =	vperm.xlane v3, v0;
	_ =	sdelay $0x1  }
0x6b: {  	v3 =	vperm.xlane v3, v2;
	v4 =	vadd.s32 v1, v4;
	_ =	sdelay $0x1  }
0x6c: {  	v3 =	vadd.s32 v1, v3;
	_ =	sdelay $0x2  }
0x6d: {  	[tilespmem:s23], [sflag:$0x1] =	stream.indirect_vreg.gather [hbm4b:s3+s2], $0x80, v4, vm0, $0xb8;
	[tilespmem:$0xC400] =	vst v63  }
0x6e: {  	_ = 	snop  }
0x6f: {  	[tilespmem:s24], [sflag:$0x1] =	stream.indirect_vreg.gather [hbm4b:s3+s2], $0x80, v3, vm0, $0xb8;
	[tilespmem:$0xC400] =	vst v63  }
0x70: {  	v3 =	vld [tilespmem:$0xB0];
	_ =	sdelay $0x4  }
0x71: {  	v61 =	vshll.u32 v3, $0x1  }
0x72: {  	v3 =	vand.u32 $0x7, v3;
	v4 =	vand.u32 $0xFFFFFFF0, v61  }
0x73: {  	v3 =	vor.u32 v3, v4  }
0x74: {  	v4 =	vperm.xlane v3, v0;
	_ =	sdelay $0x1  }
0x75: {  	v3 =	vperm.xlane v3, v2;
	v4 =	vadd.s32 v1, v4;
	_ =	sdelay $0x1  }
0x76: {  	v3 =	vadd.s32 v1, v3;
	_ =	sdelay $0x2  }
0x77: {  	[tilespmem:s25], [sflag:$0x1] =	stream.indirect_vreg.gather [hbm4b:s3+s2], $0x80, v4, vm0, $0xb8;
	[tilespmem:$0xC400] =	vst v63  }
0x78: {  	_ = 	snop  }
0x79: {  	[tilespmem:s26], [sflag:$0x1] =	stream.indirect_vreg.gather [hbm4b:s3+s2], $0x80, v3, vm0, $0xb8;
	[tilespmem:$0xC400] =	vst v63  }
0x7a: {  	v3 =	vld [tilespmem:$0xC0];
	_ =	sdelay $0x4  }
0x7b: {  	v62 =	vshll.u32 v3, $0x1  }
0x7c: {  	v3 =	vand.u32 $0x7, v3;
	v4 =	vand.u32 $0xFFFFFFF0, v62  }
0x7d: {  	v3 =	vor.u32 v3, v4  }
0x7e: {  	v4 =	vperm.xlane v3, v0;
	_ =	sdelay $0x1  }
0x7f: {  	v3 =	vperm.xlane v3, v2;
	v4 =	vadd.s32 v1, v4;
	_ =	sdelay $0x1  }
0x80: {  	v3 =	vadd.s32 v1, v3;
	_ =	sdelay $0x2  }
0x81: {  	[tilespmem:s28], [sflag:$0x1] =	stream.indirect_vreg.gather [hbm4b:s3+s2], $0x80, v4, vm0, $0xb8;
	[tilespmem:$0xC400] =	vst v63  }
0x82: {  	_ = 	snop  }
0x83: {  	[tilespmem:s29], [sflag:$0x1] =	stream.indirect_vreg.gather [hbm4b:s3+s2], $0x80, v3, vm0, $0xb8;
	[tilespmem:$0xC400] =	vst v63  }
0x84: {  	v3 =	vld [tilespmem:$0xD0];
	_ =	sdelay $0x4  }
0x85: {  	v63 =	vshll.u32 v3, $0x1  }
0x86: {  	v3 =	vand.u32 $0x7, v3;
	v4 =	vand.u32 $0xFFFFFFF0, v63  }
0x87: {  	v3 =	vor.u32 v3, v4  }
0x88: {  	v4 =	vperm.xlane v3, v0;
	_ =	sdelay $0x1  }
0x89: {  	v3 =	vperm.xlane v3, v2;
	v4 =	vadd.s32 v1, v4;
	_ =	sdelay $0x1  }
0x8a: {  	v3 =	vadd.s32 v1, v3;
	_ =	sdelay $0x2  }
0x8b: {  	[tilespmem:s30], [sflag:$0x1] =	stream.indirect_vreg.gather [hbm4b:s3+s2], $0x80, v4, vm0, $0xb8;
	[tilespmem:$0xC400] =	vst v63  }
0x8c: {  	_ = 	snop  }
0x8d: {  	[tilespmem:s31], [sflag:$0x1] =	stream.indirect_vreg.gather [hbm4b:s3+s2], $0x80, v3, vm0, $0xb8;
	[tilespmem:$0xC400] =	vst v63  }
0x8e: {  	_ =	swait.ge [sflag:s0], $0x6000  }
0x8f: {  	[sflag:s0] =	ssyncset.done $0x0  }
0x90: {  	[sflag:s0] =	ssyncadd.s32 $0xFFFFA000  }
0x91: {  	_ =	swait.ge [sflag:s0], $0x6000  }
0x92: {  	p0 =	sne.s32 s5, $0x1;
	[sflag:s0] =	ssyncset.done $0x0  }
.Ltmp0:
0x93: {  	[sflag:s0] =	ssyncadd.s32 $0xFFFFA000;
	(pc) =	sbr.rel @p0 .LBB2_1-.Ltmp0, $4  }
0x94: {  	[hbm4b:s4+s2] =	stream.linear.scatter [tilespmem:s7], [sflag:$0x2], $0xC000, $0x38;
	[tilespmem:$0xC400] =	vst v63  }
0x95: {  	_ =	swait.ge [sflag:s6], $0xC000  }
0x96: {  	[sflag:s6] =	ssyncset.done $0x0  }
0x97: {  	s5 =	sadd.s32 $0xFFFFFFFF, s5;
	[sflag:s6] =	ssyncadd.s32 $0xFFFF4000  }
0x98: {  	_ =	sfence.sel $0x180000  }
0x99: {  	[bflag:$0x0] =	sbarrier.arrive $0xFFFF  }
0x9a: {  	_ =	strace $0x90000056  }
0x9b: {  	s0 =	stileid.u32;
	[bflag:$0x2] =	sbarrier.arrive $0xFFFF  }
0x9c: {  	p0 =	sne.s32 s0, $0x0;
	s0 =	rddreg [dreg:$0x1]  }
0x9d: {  	s0 =	sadd.s32 @!p0 $0x100000, s0  }
0x9e: {  	[sflag:s0] =	ssyncadd.tile.s32 @!p0 $0x1;
	_ =	shalt  }
.Lfunc_end2:
_tile_overlayer_lowered:
.L_overlay_start_2:
0x9f: {  	(tag) =	ssettag $0x2  }
0xa0: {  	s0 =	rddreg [dreg:$0x0];
	s2 =	stileid.u32  }
0xa1: {  	s1 =	rddreg [dreg:$0x1];
	p0 =	sne.s32 s2, $0x0  }
0xa2: {  	s3 =	rddreg [dreg:$0x2];
	[bflag:$0x3] =	sbarrier.arrive $0xFFFF;
	s2 =	simm.s32 @!p0 $0x1C02  }
0xa3: {  	[timem:s3], [sflag:s2] =	dma.local @!p0 [hbm:s0], s1  }
0xa4: {  	s0 =	simm.s32 @!p0 $0x2  }
0xa5: {  	_ =	swait.ge @!p0 [sflag:s0], s1  }
0xa6: {  	s1 =	ssub.s32 @!p0 $0x0, s1;
	[sflag:s0] =	ssyncset.done @!p0 $0x0  }
0xa7: {  	[sflag:s0] =	ssyncadd.s32 @!p0 s1  }
0xa8: {  	[bflag:$0x3] =	sbarrier.arrive $0xFFFF  }
0xa9: {  	_ =	shalt  }

// kernel: kernel.36.cloned.1.call-start
scs
__scs_entry_jumppad:
0x0: {  	(pc) =	sbr.rel $0x88, $3  }
0x1: {  	(tag) =	ssettag $0x0;
	lr =	simm.s32 $0x1  }
0x2: {  	[smem:$0x3F92] =	sst lr;
	_ =	strace $0xD0000000  }
0x3: {  	_ = 	snop  }
0x4: {  	_ = 	snop  }
0x5: {  	_ = 	snop  }
0x6: {  	_ = 	snop  }
0x7: {  	_ = 	snop  }
__scs_overlays_trampoline_lowered:
0x8: {  	[smem:$0x3FA1] =	sst s0  }
0x9: {  	[smem:$0x3FA2] =	sst s1  }
0xa: {  	[smem:$0x3FA3] =	sst s2  }
0xb: {  	[smem:$0x3FA4] =	sst s3  }
0xc: {  	[smem:$0x3FA5] =	sst s4  }
0xd: {  	[smem:$0x3FA6] =	sst s5  }
0xe: {  	[smem:$0x3FA7] =	sst s6  }
0xf: {  	[smem:$0x3FA8] =	sst s7  }
0x10: {  	[smem:$0x3FA9] =	sst s8  }
0x11: {  	[smem:$0x3FAA] =	sst s9;
	s0 =	simm.s32 @!p0 $0x0  }
0x12: {  	s1 =	sld [smem:$0x3F90];
	s0 =	simm.s32 @p0 $0x1  }
0x13: {  	[smem:$0x3FAB] =	sst s0;
	s0 =	simm.s32 @!p1 $0x0  }
0x14: {  	s2 =	sld [smem:$0x3F8F];
	s0 =	simm.s32 @p1 $0x1  }
0x15: {  	[smem:$0x3FAC] =	sst s0;
	s0 =	simm.s32 @!p2 $0x0  }
0x16: {  	s3 =	sld [smem:$0x3FDB];
	s0 =	simm.s32 @p2 $0x1  }
0x17: {  	s4 =	simm.s32 $0x1BF5;
	[smem:$0x3FAE] =	sst s0  }
0x18: {  	s0 =	sld [smem:$0x3F91];
	_ =	swait.ge [sflag:s4], $0x0  }
0x19: {  	s7 =	sld [smem:$0x3F92]  }
0x1a: {  	s8 =	sadd.s32 $0xFFFFE003, lr  }
0x1b: {  	s9 =	sadd.s32 $0xFFFFFEF7, lr;
	s5 =	simm.s32 $0xFFFFFFFF;
	p2 =	slt.u32 s8, $0xFFFFF086  }
0x1c: {  	p1 =	slt.u32 s9, $0xF7A;
	s5 =	simm.s32 @!p2 $0x0  }
0x1d: {  	s5 =	simm.s32 @p1 $0x1;
	p0 =	seq.s32 s7, s2  }
0x1e: {  	s7 =	smul.u32 @!p0 $0xF7A, s2;
	p2 =	seq.s32 @!p0 s5, $0x0  }
0x1f: {  	s9 =	smul.u32 $0xF7A, s1;
	s8 =	simm.s32 @!p0 $0x1BF5;
	p2 =	por !p2, p0  }
0x20: {  	[sflag:s8] =	ssyncset.s32 @!p0 $0xFFFFF086;
	s6 =	sadd.s32 @!p0 s3, s7;
	s7 =	simm.s32 @!p0 $0x108  }
0x21: {  	s3 =	sadd.s32 s3, s9;
	s6 =	sadd.s32 @!p0 $0x88, s6;
	s7 =	simm.s32 @p2 $0x1082  }
0x22: {  	[simem:s7], [sflag:s8] =	dma.local @!p0 [hbm:s6], $0xF7A  }
0x23: {  	s9 =	sor.u32 $0xD0000000, s2;
	s6 =	simm.s32 $0x108;
	_ =	swait.ge @!p0 [sflag:s8], $0x0  }
0x24: {  	s3 =	sadd.s32 $0x88, s3;
	s6 =	simm.s32 @!p1 $0x1082;
	[sflag:s4] =	ssyncset.s32 $0xFFFFF086  }
0x25: {  	[simem:s6], [sflag:s4] =	dma.local [hbm:s3], $0xF7A  }
0x26: {  	[smem:$0x3F92] =	sst s1;
	(tag) =	ssettag s2;
	_ =	strace s9  }
0x27: {  	s1 =	sld [smem:$0x3FA2]  }
0x28: {  	s2 =	sld [smem:$0x3FA3]  }
0x29: {  	s4 =	sld [smem:$0x3FA5]  }
0x2a: {  	p0 =	seq.s32 s5, $0x0;
	s5 =	sld [smem:$0x3FA6]  }
0x2b: {  	s6 =	sld [smem:$0x3FA7]  }
0x2c: {  	s7 =	sld [smem:$0x3FA8]  }
0x2d: {  	s3 =	simm.s32 $0x108;
	s8 =	sld [smem:$0x3FA9]  }
0x2e: {  	s3 =	simm.s32 @!p0 $0x1082;
	s9 =	sld [smem:$0x3FAA]  }
0x2f: {  	lr =	sadd.s32 s0, s3;
	s0 =	sld [smem:$0x3FA1]  }
0x30: {  	s3 =	sld [smem:$0x3FA4]  }
0x31: {  	[smem:$0x3FAD] =	sst s10  }
0x32: {  	s10 =	sld [smem:$0x3FAB];
	_ =	sdelay $0x3  }
0x33: {  	p0 =	seq.s32 s10, $0x1;
	s10 =	sld [smem:$0x3FAD];
	_ =	sdelay $0x3  }
0x34: {  	[smem:$0x3FAD] =	sst s10  }
0x35: {  	s10 =	sld [smem:$0x3FAC];
	_ =	sdelay $0x3  }
0x36: {  	p1 =	seq.s32 s10, $0x1;
	s10 =	sld [smem:$0x3FAD];
	_ =	sdelay $0x3  }
0x37: {  	[smem:$0x3FAD] =	sst s10  }
0x38: {  	s10 =	sld [smem:$0x3FAE]  }
0x39: {  	_ = 	snop;
	(pc) =	sbr.ind lr, $3  }
0x3a: {  	_ = 	snop  }
0x3b: {  	_ = 	snop  }
0x3c: {  	p2 =	seq.s32 s10, $0x1;
	s10 =	sld [smem:$0x3FAD]  }
0x3d: {  	_ =	shalt  }
0x3e: {  	_ =	shalt  }
0x3f: {  	_ =	shalt  }
0x40: {  	_ =	shalt  }
0x41: {  	_ =	shalt  }
0x42: {  	_ =	shalt  }
0x43: {  	_ =	shalt  }
0x44: {  	_ =	shalt  }
0x45: {  	_ =	shalt  }
0x46: {  	_ =	shalt  }
0x47: {  	_ =	shalt  }
0x48: {  	_ =	shalt  }
0x49: {  	_ =	shalt  }
0x4a: {  	_ =	shalt  }
0x4b: {  	_ =	shalt  }
0x4c: {  	_ =	shalt  }
0x4d: {  	_ =	shalt  }
0x4e: {  	_ =	shalt  }
0x4f: {  	_ =	shalt  }
0x50: {  	_ =	shalt  }
0x51: {  	_ =	shalt  }
0x52: {  	_ =	shalt  }
0x53: {  	_ =	shalt  }
0x54: {  	_ =	shalt  }
0x55: {  	_ =	shalt  }
0x56: {  	_ =	shalt  }
0x57: {  	_ =	shalt  }
0x58: {  	_ =	shalt  }
0x59: {  	_ =	shalt  }
0x5a: {  	_ =	shalt  }
0x5b: {  	_ =	shalt  }
0x5c: {  	_ =	shalt  }
0x5d: {  	_ =	shalt  }
0x5e: {  	_ =	shalt  }
0x5f: {  	_ =	shalt  }
0x60: {  	_ =	shalt  }
0x61: {  	_ =	shalt  }
0x62: {  	_ =	shalt  }
0x63: {  	_ =	shalt  }
0x64: {  	_ =	shalt  }
0x65: {  	_ =	shalt  }
0x66: {  	_ =	shalt  }
0x67: {  	_ =	shalt  }
0x68: {  	_ =	shalt  }
0x69: {  	_ =	shalt  }
0x6a: {  	_ =	shalt  }
0x6b: {  	_ =	shalt  }
0x6c: {  	_ =	shalt  }
0x6d: {  	_ =	shalt  }
0x6e: {  	_ =	shalt  }
0x6f: {  	_ =	shalt  }
0x70: {  	_ =	shalt  }
0x71: {  	_ =	shalt  }
0x72: {  	_ =	shalt  }
0x73: {  	_ =	shalt  }
0x74: {  	_ =	shalt  }
0x75: {  	_ =	shalt  }
0x76: {  	_ =	shalt  }
0x77: {  	_ =	shalt  }
0x78: {  	_ =	shalt  }
0x79: {  	_ =	shalt  }
0x7a: {  	_ =	shalt  }
0x7b: {  	_ =	shalt  }
0x7c: {  	_ =	shalt  }
0x7d: {  	_ =	shalt  }
0x7e: {  	_ =	shalt  }
0x7f: {  	_ =	shalt  }
0x80: {  	_ =	shalt  }
0x81: {  	_ =	shalt  }
0x82: {  	_ =	shalt  }
0x83: {  	_ =	shalt  }
0x84: {  	_ =	shalt  }
0x85: {  	_ =	shalt  }
0x86: {  	_ =	shalt  }
0x87: {  	_ =	shalt  }
.Lfunc_end0:
.L_simem_size_0:
called_computation.6_lowered:
.L_overlay_start_0:
0x88: {  	s2 =	sld [smem:$0x3FD9]  }
0x89: {  	s3 =	sld [smem:$0x3FFE];
	_ =	sdelay $0x1  }
0x8a: {  	s1 =	srdreg.scid  }
0x8b: {  	s0 =	sand.u32 $0x1, s1  }
0x8c: {  	s17 =	sshll.u32 s0, $0xA;
	s2 =	sadd.s32 s3, s2  }
0x8d: {  	s2 =	sadd.s32 s2, s17  }
0x8e: {  	[smem:$0x3FB9] =	sst s2  }
0x8f: {  	_ = 	snop  }
0x90: {  	(tm) =	ssettm $0x1  }
0x91: {  	s18 =	sld [smem:$0x3FFB];
	_ =	sdelay $0x3  }
0x92: {  	_ =	strace s18  }
0x93: {  	s2 =	sld [smem:$0x3FFC];
	_ =	sdelay $0x3  }
0x94: {  	_ =	strace s2  }
0x95: {  	s2 =	sld [smem:$0x3FFD];
	_ =	sdelay $0x3  }
0x96: {  	_ =	strace s2  }
0x97: {  	_ =	strace $0x8FFFFFFF  }
0x98: {  	s19 =	sld [smem:$0x3FDB];
	_ =	sdelay $0x1  }
0x99: {  	s20 =	simm.s32 $_scs_section_size  }
0x9a: {  	s4 =	simm.s32 $_size__tile_overlayer_lowered;
	s5 =	simm.s32 $_tile_overlayer_lowered  }
0x9b: {  	s6 =	simm.s32 $0x1BFF;
	s21 =	sshll.u32 s5, $0x1;
	s3 =	sadd.s32 s20, s19  }
0x9c: {  	s22 =	simm.s32 $0x0;
	s4 =	sshll.u32 s4, $0x1;
	s5 =	sadd.s32 s21, s3  }
0x9d: {  	[timem:s22], [sflag:s6] =	dma.local [hbm:s5], s4  }
0x9e: {  	_ =	swait.ge [sflag:s6], s4  }
0x9f: {  	s4 =	ssub.s32 $0x0, s4;
	[sflag:s6] =	ssyncset.done $0x0  }
0xa0: {  	[sflag:s6] =	ssyncadd.s32 s4;
	_ =	sdelay $0x1  }
0xa1: {  	s23 =	simm.s32 $0x1B8B  }
0xa2: {  	_ =	swait.ge [sflag:s23], $0x1  }
0xa3: {  	[sflag:s23] =	ssyncset.done $0x0  }
0xa4: {  	[sflag:s23] =	ssyncadd.s32 $0xFFFFFFFF  }
0xa5: {  	s4 =	sld [smem:$0x0]  }
0xa6: {  	s5 =	sand.u32 $0xFFFFFFFE, s1  }
0xa7: {  	p0 =	sne.s32 s1, s5  }
0xa8: {  	s5 =	sshll.u32 @p0 s5, $0xE  }
0xa9: {  	s5 =	sadd.s32 @p0 $0x11B8D, s5;
	s6 =	sshll.u32 @p0 s4, $0x11  }
0xaa: {  	s5 =	sor.u32 @p0 s6, s5  }
0xab: {  	[sflag:s5] =	ssyncadd.remote.s32 @p0 $0x1;
	_ =	sdelay $0x1  }
0xac: {  	s5 =	simm.s32 @p0 $0x1B8D  }
0xad: {  	_ =	swait.eq @p0 [sflag:s5], $0x1  }
0xae: {  	[sflag:s5] =	ssyncadd.s32 @p0 $0xFFFFFFFF  }
0xaf: {  	s6 =	sshll.u32 @!p0 s1, $0xE  }
0xb0: {  	s6 =	sor.u32 @!p0 $0x4000, s6;
	s5 =	simm.s32 @!p0 $0x1B8D  }
0xb1: {  	s4 =	sshll.u32 @!p0 s4, $0x11;
	s6 =	sadd.s32 @!p0 $0x11B8D, s6;
	_ =	swait.eq @!p0 [sflag:s5], $0x1  }
0xb2: {  	s4 =	sor.u32 @!p0 s4, s6;
	[sflag:s5] =	ssyncadd.s32 @!p0 $0xFFFFFFFF  }
0xb3: {  	s25 =	simm.s32 $0x1B8E;
	s24 =	sld [smem:$0x3FFE];
	[sflag:s4] =	ssyncadd.remote.s32 @!p0 $0x1  }
0xb4: {  	s26 =	simm.s32 $execute0_lowered;
	[smem:$0x3FD2] =	sst s25  }
0xb5: {  	s5 =	sshll.u32 s26, $0x1;
	_ =	strace $0x80000058;
	[dreg:$0x1] =	wrdreg $0xFFFFFFFF  }
0xb6: {  	s28 =	simm.s32 $_size_execute0_lowered;
	s3 =	sadd.s32 s3, s5;
	[dreg:$0x0] =	wrdreg $0x0  }
0xb7: {  	s5 =	sshll.u32 s28, $0x1;
	[dreg:$0x2] =	wrdreg s3  }
0xb8: {  	[dreg:$0x3] =	wrdreg s5  }
0xb9: {  	[dreg:$0x4] =	wrdreg $0xC0  }
0xba: {  	_ =	task [dreg:s22], $0x5FFFF  }
0xbb: {  	[dreg:$0x1] =	wrdreg $0xFFFFFFFF  }
0xbc: {  	[dreg:$0x0] =	wrdreg $0x60  }
0xbd: {  	[dreg:$0x2] =	wrdreg s24  }
0xbe: {  	[dreg:$0x3] =	wrdreg $0xA  }
0xbf: {  	_ =	task.clear_ibuf [dreg:s22], $0x4FFFF;
	_ =	strace $0x90000058  }
0xc0: {  	s29 =	simm.s32 $0xA;
	_ =	strace $0x8000005A  }
0xc1: {  	_ =	swait.ge [sflag:s29], $0x1  }
0xc2: {  	[sflag:s29] =	ssyncadd.s32 $0xFFFFFFFF  }
0xc3: {  	_ =	strace $0x9000005A  }
0xc4: {  	_ =	sfence  }
0xc5: {  	s30 =	sld [smem:$0x0];
	_ =	sdelay $0x2  }
0xc6: {  	s31 =	sshll.u32 s1, $0xD;
	s1 =	sshrl.u32 s1, $0x2  }
0xc7: {  	s4 =	sand.u32 $0x4000, s31;
	s1 =	sadd.s32 s1, s30  }
0xc8: {  	s0 =	sor.u32 s4, s0;
	s1 =	sshll.u32 s1, $0x11  }
0xc9: {  	s0 =	sor.u32 s1, s0  }
0xca: {  	s0 =	sadd.s32 $0x8F2B, s0  }
0xcb: {  	[sflag:s0] =	ssyncadd.remote.s32 $0x1  }
0xcc: {  	_ =	sfence.sel $0xFFFF  }
0xcd: {  	[dreg:$0x0] =	wrdreg $0xFFFFFFFF;
	(pc) =	sbr.abs _section_cstart, $3  }
0xce: {  	[dreg:$0x1] =	wrdreg $0xFFFFFFFF  }
0xcf: {  	_ =	task.clear_ibuf [dreg:s22], $0x2FFFF;
	_ =	strace $0x9FFFFFFF  }
0xd0: {  	(tm) =	ssettm $0x7FFFFFFF  }
0xd1: {  	_ =	shalt  }
tec
execute0_lowered:
.L_overlay_start_1:
0x0: {  	(tag) =	ssettag $0x1  }
0x1: {  	s0 =	rddreg [dreg:$0x0];
	s3 =	srdreg.scid  }
0x2: {  	s1 =	stileid.u32;
	s2 =	simm.s32 $0x0;
	s7 =	simm.s32 $0x400  }
0x3: {  	s8 =	simm.s32 $0xC00;
	s9 =	simm.s32 $0x1400;
	s10 =	simm.s32 $0x1C00  }
0x4: {  	s11 =	simm.s32 $0x2400;
	s12 =	simm.s32 $0x2C00;
	s13 =	simm.s32 $0x3400  }
0x5: {  	s14 =	simm.s32 $0x3C00;
	s15 =	simm.s32 $0x4400;
	s16 =	simm.s32 $0x4C00  }
0x6: {  	s17 =	simm.s32 $0x5400;
	s18 =	simm.s32 $0x5C00;
	s19 =	simm.s32 $0x6400  }
0x7: {  	s20 =	simm.s32 $0x6C00;
	s21 =	simm.s32 $0x7400;
	s22 =	simm.s32 $0x7C00  }
0x8: {  	s23 =	simm.s32 $0x8400;
	s24 =	simm.s32 $0x8C00;
	s28 =	simm.s32 $0xA400  }
0x9: {  	s29 =	simm.s32 $0xAC00;
	s30 =	simm.s32 $0xB400;
	s31 =	simm.s32 $0xBC00  }
0xa: {  	s4 =	sand.u32 $0x1, s3;
	s25 =	sshll.u32 s1, $0x1;
	[smem:$0x7FF] =	sst s2  }
0xb: {  	s3 =	sor.u32 s4, s25;
	_ =	strace $0x80000059;
	s4 =	ssub.s32 $0x2, s4  }
0xc: {  	s25 =	simm.s32 $0x9400;
	s5 =	sshll.u32 s3, $0x7;
	s6 =	smul.u32 $0x1800, s3  }
0xd: {  	s3 =	sadd.s32 $0x7400, s0;
	s26 =	sshrl.u32 s4, $0x1;
	s5 =	sadd.s32 s5, s0  }
0xe: {  	v2 =	vlaneseq.u32;
	s0 =	sadd.s32 s6, s0;
	s5 =	sadd.s32 $0x17400, s5;
	s6 =	ssub.s32 s4, s26  }
0xf: {  	vm0 =	vmmov $0xffff;
	v1 =	vshrl.u32 v2, $0x3;
	s26 =	simm.s32 $0x9C00;
	[dreg:$0x2] =	wrdreg s5;
	s4 =	sadd.s32 $0x18400, s0  }
0x10: {  	v0 =	vand.u32 $0x7, v2;
	v2 =	vor.u32 $0x8, v2;
	v1 =	vmul.u32 $0x8, v1;
	s5 =	smax.u32 s6, $0x1;
	s6 =	simm.s32 $0x2;
	s0 =	simm.s32 $0x1  }
.LBB2_1:
0x11: {  	s1 =	rddreg [dreg:$0x2]  }
0x12: {  	[tilespmem:s2], [sflag:$0x2] =	stream.linear.gather [hbm4b:s1+s2], $0x400, $0x38;
	[tilespmem:$0xC400] =	vst v63  }
0x13: {  	_ =	swait.ge [sflag:s6], $0x400  }
0x14: {  	[sflag:s6] =	ssyncset.done $0x0  }
0x15: {  	[sflag:s6] =	ssyncadd.s32 $0xFFFFFC00  }
0x16: {  	v3 =	vld [tilespmem:$0x0];
	_ =	sdelay $0x4  }
0x17: {  	v4 =	vshll.u32 v3, $0x1  }
0x18: {  	v3 =	vand.u32 $0x7, v3;
	v4 =	vand.u32 $0xFFFFFFF0, v4  }
0x19: {  	v3 =	vor.u32 v3, v4  }
0x1a: {  	v4 =	vperm.xlane v3, v0;
	_ =	sdelay $0x1  }
0x1b: {  	v3 =	vperm.xlane v3, v2;
	v4 =	vadd.s32 v1, v4;
	_ =	sdelay $0x1  }
0x1c: {  	v3 =	vadd.s32 v1, v3;
	_ =	sdelay $0x2  }
0x1d: {  	[tilespmem:s7], [sflag:$0x1] =	stream.indirect_vreg.gather [hbm4b:s3+s2], $0x80, v4, vm0, $0xb8;
	[tilespmem:$0xC400] =	vst v63  }
0x1e: {  	_ = 	snop  }
0x1f: {  	[tilespmem:s8], [sflag:$0x1] =	stream.indirect_vreg.gather [hbm4b:s3+s2], $0x80, v3, vm0, $0xb8;
	[tilespmem:$0xC400] =	vst v63  }
0x20: {  	v3 =	vld [tilespmem:$0x10];
	_ =	sdelay $0x4  }
0x21: {  	v53 =	vshll.u32 v3, $0x1  }
0x22: {  	v3 =	vand.u32 $0x7, v3;
	v4 =	vand.u32 $0xFFFFFFF0, v53  }
0x23: {  	v3 =	vor.u32 v3, v4  }
0x24: {  	v4 =	vperm.xlane v3, v0;
	_ =	sdelay $0x1  }
0x25: {  	v3 =	vperm.xlane v3, v2;
	v4 =	vadd.s32 v1, v4;
	_ =	sdelay $0x1  }
0x26: {  	v3 =	vadd.s32 v1, v3;
	_ =	sdelay $0x2  }
0x27: {  	[tilespmem:s9], [sflag:$0x1] =	stream.indirect_vreg.gather [hbm4b:s3+s2], $0x80, v4, vm0, $0xb8;
	[tilespmem:$0xC400] =	vst v63  }
0x28: {  	_ = 	snop  }
0x29: {  	[tilespmem:s10], [sflag:$0x1] =	stream.indirect_vreg.gather [hbm4b:s3+s2], $0x80, v3, vm0, $0xb8;
	[tilespmem:$0xC400] =	vst v63  }
0x2a: {  	v3 =	vld [tilespmem:$0x20];
	_ =	sdelay $0x4  }
0x2b: {  	v54 =	vshll.u32 v3, $0x1  }
0x2c: {  	v3 =	vand.u32 $0x7, v3;
	v4 =	vand.u32 $0xFFFFFFF0, v54  }
0x2d: {  	v3 =	vor.u32 v3, v4  }
0x2e: {  	v4 =	vperm.xlane v3, v0;
	_ =	sdelay $0x1  }
0x2f: {  	v3 =	vperm.xlane v3, v2;
	v4 =	vadd.s32 v1, v4;
	_ =	sdelay $0x1  }
0x30: {  	v3 =	vadd.s32 v1, v3;
	_ =	sdelay $0x2  }
0x31: {  	[tilespmem:s11], [sflag:$0x1] =	stream.indirect_vreg.gather [hbm4b:s3+s2], $0x80, v4, vm0, $0xb8;
	[tilespmem:$0xC400] =	vst v63  }
0x32: {  	_ = 	snop  }
0x33: {  	[tilespmem:s12], [sflag:$0x1] =	stream.indirect_vreg.gather [hbm4b:s3+s2], $0x80, v3, vm0, $0xb8;
	[tilespmem:$0xC400] =	vst v63  }
0x34: {  	v3 =	vld [tilespmem:$0x30];
	_ =	sdelay $0x4  }
0x35: {  	v55 =	vshll.u32 v3, $0x1  }
0x36: {  	v3 =	vand.u32 $0x7, v3;
	v4 =	vand.u32 $0xFFFFFFF0, v55  }
0x37: {  	v3 =	vor.u32 v3, v4  }
0x38: {  	v4 =	vperm.xlane v3, v0;
	_ =	sdelay $0x1  }
0x39: {  	v3 =	vperm.xlane v3, v2;
	v4 =	vadd.s32 v1, v4;
	_ =	sdelay $0x1  }
0x3a: {  	v3 =	vadd.s32 v1, v3;
	_ =	sdelay $0x2  }
0x3b: {  	[tilespmem:s13], [sflag:$0x1] =	stream.indirect_vreg.gather [hbm4b:s3+s2], $0x80, v4, vm0, $0xb8;
	[tilespmem:$0xC400] =	vst v63  }
0x3c: {  	_ = 	snop  }
0x3d: {  	[tilespmem:s14], [sflag:$0x1] =	stream.indirect_vreg.gather [hbm4b:s3+s2], $0x80, v3, vm0, $0xb8;
	[tilespmem:$0xC400] =	vst v63  }
0x3e: {  	v3 =	vld [tilespmem:$0x40];
	_ =	sdelay $0x4  }
0x3f: {  	v56 =	vshll.u32 v3, $0x1  }
0x40: {  	v3 =	vand.u32 $0x7, v3;
	v4 =	vand.u32 $0xFFFFFFF0, v56  }
0x41: {  	v3 =	vor.u32 v3, v4  }
0x42: {  	v4 =	vperm.xlane v3, v0;
	_ =	sdelay $0x1  }
0x43: {  	v3 =	vperm.xlane v3, v2;
	v4 =	vadd.s32 v1, v4;
	_ =	sdelay $0x1  }
0x44: {  	v3 =	vadd.s32 v1, v3;
	_ =	sdelay $0x2  }
0x45: {  	[tilespmem:s15], [sflag:$0x1] =	stream.indirect_vreg.gather [hbm4b:s3+s2], $0x80, v4, vm0, $0xb8;
	[tilespmem:$0xC400] =	vst v63  }
0x46: {  	_ = 	snop  }
0x47: {  	[tilespmem:s16], [sflag:$0x1] =	stream.indirect_vreg.gather [hbm4b:s3+s2], $0x80, v3, vm0, $0xb8;
	[tilespmem:$0xC400] =	vst v63  }
0x48: {  	v3 =	vld [tilespmem:$0x50];
	_ =	sdelay $0x4  }
0x49: {  	v57 =	vshll.u32 v3, $0x1  }
0x4a: {  	v3 =	vand.u32 $0x7, v3;
	v4 =	vand.u32 $0xFFFFFFF0, v57  }
0x4b: {  	v3 =	vor.u32 v3, v4  }
0x4c: {  	v4 =	vperm.xlane v3, v0;
	_ =	sdelay $0x1  }
0x4d: {  	v3 =	vperm.xlane v3, v2;
	v4 =	vadd.s32 v1, v4;
	_ =	sdelay $0x1  }
0x4e: {  	v3 =	vadd.s32 v1, v3;
	_ =	sdelay $0x2  }
0x4f: {  	[tilespmem:s17], [sflag:$0x1] =	stream.indirect_vreg.gather [hbm4b:s3+s2], $0x80, v4, vm0, $0xb8;
	[tilespmem:$0xC400] =	vst v63  }
0x50: {  	_ = 	snop  }
0x51: {  	[tilespmem:s18], [sflag:$0x1] =	stream.indirect_vreg.gather [hbm4b:s3+s2], $0x80, v3, vm0, $0xb8;
	[tilespmem:$0xC400] =	vst v63  }
0x52: {  	v3 =	vld [tilespmem:$0x80];
	_ =	sdelay $0x4  }
0x53: {  	v58 =	vshll.u32 v3, $0x1  }
0x54: {  	v3 =	vand.u32 $0x7, v3;
	v4 =	vand.u32 $0xFFFFFFF0, v58  }
0x55: {  	v3 =	vor.u32 v3, v4  }
0x56: {  	v4 =	vperm.xlane v3, v0;
	_ =	sdelay $0x1  }
0x57: {  	v3 =	vperm.xlane v3, v2;
	v4 =	vadd.s32 v1, v4;
	_ =	sdelay $0x1  }
0x58: {  	v3 =	vadd.s32 v1, v3;
	_ =	sdelay $0x2  }
0x59: {  	[tilespmem:s19], [sflag:$0x1] =	stream.indirect_vreg.gather [hbm4b:s3+s2], $0x80, v4, vm0, $0xb8;
	[tilespmem:$0xC400] =	vst v63  }
0x5a: {  	_ = 	snop  }
0x5b: {  	[tilespmem:s20], [sflag:$0x1] =	stream.indirect_vreg.gather [hbm4b:s3+s2], $0x80, v3, vm0, $0xb8;
	[tilespmem:$0xC400] =	vst v63  }
0x5c: {  	v3 =	vld [tilespmem:$0x90];
	_ =	sdelay $0x4  }
0x5d: {  	v59 =	vshll.u32 v3, $0x1  }
0x5e: {  	v3 =	vand.u32 $0x7, v3;
	v4 =	vand.u32 $0xFFFFFFF0, v59  }
0x5f: {  	v3 =	vor.u32 v3, v4  }
0x60: {  	v4 =	vperm.xlane v3, v0;
	_ =	sdelay $0x1  }
0x61: {  	v3 =	vperm.xlane v3, v2;
	v4 =	vadd.s32 v1, v4;
	_ =	sdelay $0x1  }
0x62: {  	v3 =	vadd.s32 v1, v3;
	_ =	sdelay $0x2  }
0x63: {  	[tilespmem:s21], [sflag:$0x1] =	stream.indirect_vreg.gather [hbm4b:s3+s2], $0x80, v4, vm0, $0xb8;
	[tilespmem:$0xC400] =	vst v63  }
0x64: {  	_ = 	snop  }
0x65: {  	[tilespmem:s22], [sflag:$0x1] =	stream.indirect_vreg.gather [hbm4b:s3+s2], $0x80, v3, vm0, $0xb8;
	[tilespmem:$0xC400] =	vst v63  }
0x66: {  	v3 =	vld [tilespmem:$0xA0];
	_ =	sdelay $0x4  }
0x67: {  	v60 =	vshll.u32 v3, $0x1  }
0x68: {  	v3 =	vand.u32 $0x7, v3;
	v4 =	vand.u32 $0xFFFFFFF0, v60  }
0x69: {  	v3 =	vor.u32 v3, v4  }
0x6a: {  	v4 =	vperm.xlane v3, v0;
	_ =	sdelay $0x1  }
0x6b: {  	v3 =	vperm.xlane v3, v2;
	v4 =	vadd.s32 v1, v4;
	_ =	sdelay $0x1  }
0x6c: {  	v3 =	vadd.s32 v1, v3;
	_ =	sdelay $0x2  }
0x6d: {  	[tilespmem:s23], [sflag:$0x1] =	stream.indirect_vreg.gather [hbm4b:s3+s2], $0x80, v4, vm0, $0xb8;
	[tilespmem:$0xC400] =	vst v63  }
0x6e: {  	_ = 	snop  }
0x6f: {  	[tilespmem:s24], [sflag:$0x1] =	stream.indirect_vreg.gather [hbm4b:s3+s2], $0x80, v3, vm0, $0xb8;
	[tilespmem:$0xC400] =	vst v63  }
0x70: {  	v3 =	vld [tilespmem:$0xB0];
	_ =	sdelay $0x4  }
0x71: {  	v61 =	vshll.u32 v3, $0x1  }
0x72: {  	v3 =	vand.u32 $0x7, v3;
	v4 =	vand.u32 $0xFFFFFFF0, v61  }
0x73: {  	v3 =	vor.u32 v3, v4  }
0x74: {  	v4 =	vperm.xlane v3, v0;
	_ =	sdelay $0x1  }
0x75: {  	v3 =	vperm.xlane v3, v2;
	v4 =	vadd.s32 v1, v4;
	_ =	sdelay $0x1  }
0x76: {  	v3 =	vadd.s32 v1, v3;
	_ =	sdelay $0x2  }
0x77: {  	[tilespmem:s25], [sflag:$0x1] =	stream.indirect_vreg.gather [hbm4b:s3+s2], $0x80, v4, vm0, $0xb8;
	[tilespmem:$0xC400] =	vst v63  }
0x78: {  	_ = 	snop  }
0x79: {  	[tilespmem:s26], [sflag:$0x1] =	stream.indirect_vreg.gather [hbm4b:s3+s2], $0x80, v3, vm0, $0xb8;
	[tilespmem:$0xC400] =	vst v63  }
0x7a: {  	v3 =	vld [tilespmem:$0xC0];
	_ =	sdelay $0x4  }
0x7b: {  	v62 =	vshll.u32 v3, $0x1  }
0x7c: {  	v3 =	vand.u32 $0x7, v3;
	v4 =	vand.u32 $0xFFFFFFF0, v62  }
0x7d: {  	v3 =	vor.u32 v3, v4  }
0x7e: {  	v4 =	vperm.xlane v3, v0;
	_ =	sdelay $0x1  }
0x7f: {  	v3 =	vperm.xlane v3, v2;
	v4 =	vadd.s32 v1, v4;
	_ =	sdelay $0x1  }
0x80: {  	v3 =	vadd.s32 v1, v3;
	_ =	sdelay $0x2  }
0x81: {  	[tilespmem:s28], [sflag:$0x1] =	stream.indirect_vreg.gather [hbm4b:s3+s2], $0x80, v4, vm0, $0xb8;
	[tilespmem:$0xC400] =	vst v63  }
0x82: {  	_ = 	snop  }
0x83: {  	[tilespmem:s29], [sflag:$0x1] =	stream.indirect_vreg.gather [hbm4b:s3+s2], $0x80, v3, vm0, $0xb8;
	[tilespmem:$0xC400] =	vst v63  }
0x84: {  	v3 =	vld [tilespmem:$0xD0];
	_ =	sdelay $0x4  }
0x85: {  	v63 =	vshll.u32 v3, $0x1  }
0x86: {  	v3 =	vand.u32 $0x7, v3;
	v4 =	vand.u32 $0xFFFFFFF0, v63  }
0x87: {  	v3 =	vor.u32 v3, v4  }
0x88: {  	v4 =	vperm.xlane v3, v0;
	_ =	sdelay $0x1  }
0x89: {  	v3 =	vperm.xlane v3, v2;
	v4 =	vadd.s32 v1, v4;
	_ =	sdelay $0x1  }
0x8a: {  	v3 =	vadd.s32 v1, v3;
	_ =	sdelay $0x2  }
0x8b: {  	[tilespmem:s30], [sflag:$0x1] =	stream.indirect_vreg.gather [hbm4b:s3+s2], $0x80, v4, vm0, $0xb8;
	[tilespmem:$0xC400] =	vst v63  }
0x8c: {  	_ = 	snop  }
0x8d: {  	[tilespmem:s31], [sflag:$0x1] =	stream.indirect_vreg.gather [hbm4b:s3+s2], $0x80, v3, vm0, $0xb8;
	[tilespmem:$0xC400] =	vst v63  }
0x8e: {  	_ =	swait.ge [sflag:s0], $0x6000  }
0x8f: {  	[sflag:s0] =	ssyncset.done $0x0  }
0x90: {  	[sflag:s0] =	ssyncadd.s32 $0xFFFFA000  }
0x91: {  	_ =	swait.ge [sflag:s0], $0x6000  }
0x92: {  	p0 =	sne.s32 s5, $0x1;
	[sflag:s0] =	ssyncset.done $0x0  }
.Ltmp0:
0x93: {  	[sflag:s0] =	ssyncadd.s32 $0xFFFFA000;
	(pc) =	sbr.rel @p0 .LBB2_1-.Ltmp0, $4  }
0x94: {  	[hbm4b:s4+s2] =	stream.linear.scatter [tilespmem:s7], [sflag:$0x2], $0xC000, $0x38;
	[tilespmem:$0xC400] =	vst v63  }
0x95: {  	_ =	swait.ge [sflag:s6], $0xC000  }
0x96: {  	[sflag:s6] =	ssyncset.done $0x0  }
0x97: {  	s5 =	sadd.s32 $0xFFFFFFFF, s5;
	[sflag:s6] =	ssyncadd.s32 $0xFFFF4000  }
0x98: {  	_ =	sfence.sel $0x180000  }
0x99: {  	[bflag:$0x0] =	sbarrier.arrive $0xFFFF  }
0x9a: {  	_ =	strace $0x90000059  }
0x9b: {  	s0 =	stileid.u32;
	[bflag:$0x2] =	sbarrier.arrive $0xFFFF  }
0x9c: {  	p0 =	sne.s32 s0, $0x0;
	s0 =	rddreg [dreg:$0x1]  }
0x9d: {  	s0 =	sadd.s32 @!p0 $0x100000, s0  }
0x9e: {  	[sflag:s0] =	ssyncadd.tile.s32 @!p0 $0x1;
	_ =	shalt  }
.Lfunc_end2:
_tile_overlayer_lowered:
.L_overlay_start_2:
0x9f: {  	(tag) =	ssettag $0x2  }
0xa0: {  	s0 =	rddreg [dreg:$0x0];
	s2 =	stileid.u32  }
0xa1: {  	s1 =	rddreg [dreg:$0x1];
	p0 =	sne.s32 s2, $0x0  }
0xa2: {  	s3 =	rddreg [dreg:$0x2];
	[bflag:$0x3] =	sbarrier.arrive $0xFFFF;
	s2 =	simm.s32 @!p0 $0x1C02  }
0xa3: {  	[timem:s3], [sflag:s2] =	dma.local @!p0 [hbm:s0], s1  }
0xa4: {  	s0 =	simm.s32 @!p0 $0x2  }
0xa5: {  	_ =	swait.ge @!p0 [sflag:s0], s1  }
0xa6: {  	s1 =	ssub.s32 @!p0 $0x0, s1;
	[sflag:s0] =	ssyncset.done @!p0 $0x0  }
0xa7: {  	[sflag:s0] =	ssyncadd.s32 @!p0 s1  }
0xa8: {  	[bflag:$0x3] =	sbarrier.arrive $0xFFFF  }
0xa9: {  	_ =	shalt  }

// kernel: kernel.39.cloned.1.call-start
scs
__scs_entry_jumppad:
0x0: {  	(pc) =	sbr.rel $0x88, $3  }
0x1: {  	(tag) =	ssettag $0x0;
	lr =	simm.s32 $0x1  }
0x2: {  	[smem:$0x3F92] =	sst lr;
	_ =	strace $0xD0000000  }
0x3: {  	_ = 	snop  }
0x4: {  	_ = 	snop  }
0x5: {  	_ = 	snop  }
0x6: {  	_ = 	snop  }
0x7: {  	_ = 	snop  }
__scs_overlays_trampoline_lowered:
0x8: {  	[smem:$0x3FA1] =	sst s0  }
0x9: {  	[smem:$0x3FA2] =	sst s1  }
0xa: {  	[smem:$0x3FA3] =	sst s2  }
0xb: {  	[smem:$0x3FA4] =	sst s3  }
0xc: {  	[smem:$0x3FA5] =	sst s4  }
0xd: {  	[smem:$0x3FA6] =	sst s5  }
0xe: {  	[smem:$0x3FA7] =	sst s6  }
0xf: {  	[smem:$0x3FA8] =	sst s7  }
0x10: {  	[smem:$0x3FA9] =	sst s8  }
0x11: {  	[smem:$0x3FAA] =	sst s9;
	s0 =	simm.s32 @!p0 $0x0  }
0x12: {  	s1 =	sld [smem:$0x3F90];
	s0 =	simm.s32 @p0 $0x1  }
0x13: {  	[smem:$0x3FAB] =	sst s0;
	s0 =	simm.s32 @!p1 $0x0  }
0x14: {  	s2 =	sld [smem:$0x3F8F];
	s0 =	simm.s32 @p1 $0x1  }
0x15: {  	[smem:$0x3FAC] =	sst s0;
	s0 =	simm.s32 @!p2 $0x0  }
0x16: {  	s3 =	sld [smem:$0x3FDB];
	s0 =	simm.s32 @p2 $0x1  }
0x17: {  	s4 =	simm.s32 $0x1BF5;
	[smem:$0x3FAE] =	sst s0  }
0x18: {  	s0 =	sld [smem:$0x3F91];
	_ =	swait.ge [sflag:s4], $0x0  }
0x19: {  	s7 =	sld [smem:$0x3F92]  }
0x1a: {  	s8 =	sadd.s32 $0xFFFFE003, lr  }
0x1b: {  	s9 =	sadd.s32 $0xFFFFFEF7, lr;
	s5 =	simm.s32 $0xFFFFFFFF;
	p2 =	slt.u32 s8, $0xFFFFF086  }
0x1c: {  	p1 =	slt.u32 s9, $0xF7A;
	s5 =	simm.s32 @!p2 $0x0  }
0x1d: {  	s5 =	simm.s32 @p1 $0x1;
	p0 =	seq.s32 s7, s2  }
0x1e: {  	s7 =	smul.u32 @!p0 $0xF7A, s2;
	p2 =	seq.s32 @!p0 s5, $0x0  }
0x1f: {  	s9 =	smul.u32 $0xF7A, s1;
	s8 =	simm.s32 @!p0 $0x1BF5;
	p2 =	por !p2, p0  }
0x20: {  	[sflag:s8] =	ssyncset.s32 @!p0 $0xFFFFF086;
	s6 =	sadd.s32 @!p0 s3, s7;
	s7 =	simm.s32 @!p0 $0x108  }
0x21: {  	s3 =	sadd.s32 s3, s9;
	s6 =	sadd.s32 @!p0 $0x88, s6;
	s7 =	simm.s32 @p2 $0x1082  }
0x22: {  	[simem:s7], [sflag:s8] =	dma.local @!p0 [hbm:s6], $0xF7A  }
0x23: {  	s9 =	sor.u32 $0xD0000000, s2;
	s6 =	simm.s32 $0x108;
	_ =	swait.ge @!p0 [sflag:s8], $0x0  }
0x24: {  	s3 =	sadd.s32 $0x88, s3;
	s6 =	simm.s32 @!p1 $0x1082;
	[sflag:s4] =	ssyncset.s32 $0xFFFFF086  }
0x25: {  	[simem:s6], [sflag:s4] =	dma.local [hbm:s3], $0xF7A  }
0x26: {  	[smem:$0x3F92] =	sst s1;
	(tag) =	ssettag s2;
	_ =	strace s9  }
0x27: {  	s1 =	sld [smem:$0x3FA2]  }
0x28: {  	s2 =	sld [smem:$0x3FA3]  }
0x29: {  	s4 =	sld [smem:$0x3FA5]  }
0x2a: {  	p0 =	seq.s32 s5, $0x0;
	s5 =	sld [smem:$0x3FA6]  }
0x2b: {  	s6 =	sld [smem:$0x3FA7]  }
0x2c: {  	s7 =	sld [smem:$0x3FA8]  }
0x2d: {  	s3 =	simm.s32 $0x108;
	s8 =	sld [smem:$0x3FA9]  }
0x2e: {  	s3 =	simm.s32 @!p0 $0x1082;
	s9 =	sld [smem:$0x3FAA]  }
0x2f: {  	lr =	sadd.s32 s0, s3;
	s0 =	sld [smem:$0x3FA1]  }
0x30: {  	s3 =	sld [smem:$0x3FA4]  }
0x31: {  	[smem:$0x3FAD] =	sst s10  }
0x32: {  	s10 =	sld [smem:$0x3FAB];
	_ =	sdelay $0x3  }
0x33: {  	p0 =	seq.s32 s10, $0x1;
	s10 =	sld [smem:$0x3FAD];
	_ =	sdelay $0x3  }
0x34: {  	[smem:$0x3FAD] =	sst s10  }
0x35: {  	s10 =	sld [smem:$0x3FAC];
	_ =	sdelay $0x3  }
0x36: {  	p1 =	seq.s32 s10, $0x1;
	s10 =	sld [smem:$0x3FAD];
	_ =	sdelay $0x3  }
0x37: {  	[smem:$0x3FAD] =	sst s10  }
0x38: {  	s10 =	sld [smem:$0x3FAE]  }
0x39: {  	_ = 	snop;
	(pc) =	sbr.ind lr, $3  }
0x3a: {  	_ = 	snop  }
0x3b: {  	_ = 	snop  }
0x3c: {  	p2 =	seq.s32 s10, $0x1;
	s10 =	sld [smem:$0x3FAD]  }
0x3d: {  	_ =	shalt  }
0x3e: {  	_ =	shalt  }
0x3f: {  	_ =	shalt  }
0x40: {  	_ =	shalt  }
0x41: {  	_ =	shalt  }
0x42: {  	_ =	shalt  }
0x43: {  	_ =	shalt  }
0x44: {  	_ =	shalt  }
0x45: {  	_ =	shalt  }
0x46: {  	_ =	shalt  }
0x47: {  	_ =	shalt  }
0x48: {  	_ =	shalt  }
0x49: {  	_ =	shalt  }
0x4a: {  	_ =	shalt  }
0x4b: {  	_ =	shalt  }
0x4c: {  	_ =	shalt  }
0x4d: {  	_ =	shalt  }
0x4e: {  	_ =	shalt  }
0x4f: {  	_ =	shalt  }
0x50: {  	_ =	shalt  }
0x51: {  	_ =	shalt  }
0x52: {  	_ =	shalt  }
0x53: {  	_ =	shalt  }
0x54: {  	_ =	shalt  }
0x55: {  	_ =	shalt  }
0x56: {  	_ =	shalt  }
0x57: {  	_ =	shalt  }
0x58: {  	_ =	shalt  }
0x59: {  	_ =	shalt  }
0x5a: {  	_ =	shalt  }
0x5b: {  	_ =	shalt  }
0x5c: {  	_ =	shalt  }
0x5d: {  	_ =	shalt  }
0x5e: {  	_ =	shalt  }
0x5f: {  	_ =	shalt  }
0x60: {  	_ =	shalt  }
0x61: {  	_ =	shalt  }
0x62: {  	_ =	shalt  }
0x63: {  	_ =	shalt  }
0x64: {  	_ =	shalt  }
0x65: {  	_ =	shalt  }
0x66: {  	_ =	shalt  }
0x67: {  	_ =	shalt  }
0x68: {  	_ =	shalt  }
0x69: {  	_ =	shalt  }
0x6a: {  	_ =	shalt  }
0x6b: {  	_ =	shalt  }
0x6c: {  	_ =	shalt  }
0x6d: {  	_ =	shalt  }
0x6e: {  	_ =	shalt  }
0x6f: {  	_ =	shalt  }
0x70: {  	_ =	shalt  }
0x71: {  	_ =	shalt  }
0x72: {  	_ =	shalt  }
0x73: {  	_ =	shalt  }
0x74: {  	_ =	shalt  }
0x75: {  	_ =	shalt  }
0x76: {  	_ =	shalt  }
0x77: {  	_ =	shalt  }
0x78: {  	_ =	shalt  }
0x79: {  	_ =	shalt  }
0x7a: {  	_ =	shalt  }
0x7b: {  	_ =	shalt  }
0x7c: {  	_ =	shalt  }
0x7d: {  	_ =	shalt  }
0x7e: {  	_ =	shalt  }
0x7f: {  	_ =	shalt  }
0x80: {  	_ =	shalt  }
0x81: {  	_ =	shalt  }
0x82: {  	_ =	shalt  }
0x83: {  	_ =	shalt  }
0x84: {  	_ =	shalt  }
0x85: {  	_ =	shalt  }
0x86: {  	_ =	shalt  }
0x87: {  	_ =	shalt  }
.Lfunc_end0:
.L_simem_size_0:
called_computation.7_lowered:
.L_overlay_start_0:
0x88: {  	s2 =	sld [smem:$0x3FD9]  }
0x89: {  	s3 =	sld [smem:$0x3FFE];
	_ =	sdelay $0x1  }
0x8a: {  	s1 =	srdreg.scid  }
0x8b: {  	s0 =	sand.u32 $0x1, s1  }
0x8c: {  	s17 =	sshll.u32 s0, $0xA;
	s2 =	sadd.s32 s3, s2  }
0x8d: {  	s2 =	sadd.s32 s2, s17  }
0x8e: {  	[smem:$0x3FB9] =	sst s2  }
0x8f: {  	_ = 	snop  }
0x90: {  	(tm) =	ssettm $0x1  }
0x91: {  	s18 =	sld [smem:$0x3FFB];
	_ =	sdelay $0x3  }
0x92: {  	_ =	strace s18  }
0x93: {  	s2 =	sld [smem:$0x3FFC];
	_ =	sdelay $0x3  }
0x94: {  	_ =	strace s2  }
0x95: {  	s2 =	sld [smem:$0x3FFD];
	_ =	sdelay $0x3  }
0x96: {  	_ =	strace s2  }
0x97: {  	_ =	strace $0x8FFFFFFF  }
0x98: {  	s19 =	sld [smem:$0x3FDB];
	_ =	sdelay $0x1  }
0x99: {  	s20 =	simm.s32 $_scs_section_size  }
0x9a: {  	s4 =	simm.s32 $_size__tile_overlayer_lowered;
	s5 =	simm.s32 $_tile_overlayer_lowered  }
0x9b: {  	s6 =	simm.s32 $0x1BFF;
	s21 =	sshll.u32 s5, $0x1;
	s3 =	sadd.s32 s20, s19  }
0x9c: {  	s22 =	simm.s32 $0x0;
	s4 =	sshll.u32 s4, $0x1;
	s5 =	sadd.s32 s21, s3  }
0x9d: {  	[timem:s22], [sflag:s6] =	dma.local [hbm:s5], s4  }
0x9e: {  	_ =	swait.ge [sflag:s6], s4  }
0x9f: {  	s4 =	ssub.s32 $0x0, s4;
	[sflag:s6] =	ssyncset.done $0x0  }
0xa0: {  	[sflag:s6] =	ssyncadd.s32 s4;
	_ =	sdelay $0x1  }
0xa1: {  	s23 =	simm.s32 $0x1B8B  }
0xa2: {  	_ =	swait.ge [sflag:s23], $0x1  }
0xa3: {  	[sflag:s23] =	ssyncset.done $0x0  }
0xa4: {  	[sflag:s23] =	ssyncadd.s32 $0xFFFFFFFF  }
0xa5: {  	s4 =	sld [smem:$0x0]  }
0xa6: {  	s5 =	sand.u32 $0xFFFFFFFE, s1  }
0xa7: {  	p0 =	sne.s32 s1, s5  }
0xa8: {  	s5 =	sshll.u32 @p0 s5, $0xE  }
0xa9: {  	s5 =	sadd.s32 @p0 $0x11B8D, s5;
	s6 =	sshll.u32 @p0 s4, $0x11  }
0xaa: {  	s5 =	sor.u32 @p0 s6, s5  }
0xab: {  	[sflag:s5] =	ssyncadd.remote.s32 @p0 $0x1;
	_ =	sdelay $0x1  }
0xac: {  	s5 =	simm.s32 @p0 $0x1B8D  }
0xad: {  	_ =	swait.eq @p0 [sflag:s5], $0x1  }
0xae: {  	[sflag:s5] =	ssyncadd.s32 @p0 $0xFFFFFFFF  }
0xaf: {  	s6 =	sshll.u32 @!p0 s1, $0xE  }
0xb0: {  	s6 =	sor.u32 @!p0 $0x4000, s6;
	s5 =	simm.s32 @!p0 $0x1B8D  }
0xb1: {  	s4 =	sshll.u32 @!p0 s4, $0x11;
	s6 =	sadd.s32 @!p0 $0x11B8D, s6;
	_ =	swait.eq @!p0 [sflag:s5], $0x1  }
0xb2: {  	s4 =	sor.u32 @!p0 s4, s6;
	[sflag:s5] =	ssyncadd.s32 @!p0 $0xFFFFFFFF  }
0xb3: {  	s25 =	simm.s32 $0x1B8E;
	s24 =	sld [smem:$0x3FFE];
	[sflag:s4] =	ssyncadd.remote.s32 @!p0 $0x1  }
0xb4: {  	s26 =	simm.s32 $execute0_lowered;
	[smem:$0x3FD2] =	sst s25  }
0xb5: {  	s5 =	sshll.u32 s26, $0x1;
	_ =	strace $0x8000005B;
	[dreg:$0x1] =	wrdreg $0xFFFFFFFF  }
0xb6: {  	s28 =	simm.s32 $_size_execute0_lowered;
	s3 =	sadd.s32 s3, s5;
	[dreg:$0x0] =	wrdreg $0x0  }
0xb7: {  	s5 =	sshll.u32 s28, $0x1;
	[dreg:$0x2] =	wrdreg s3  }
0xb8: {  	[dreg:$0x3] =	wrdreg s5  }
0xb9: {  	[dreg:$0x4] =	wrdreg $0xC0  }
0xba: {  	_ =	task [dreg:s22], $0x5FFFF  }
0xbb: {  	[dreg:$0x1] =	wrdreg $0xFFFFFFFF  }
0xbc: {  	[dreg:$0x0] =	wrdreg $0x60  }
0xbd: {  	[dreg:$0x2] =	wrdreg s24  }
0xbe: {  	[dreg:$0x3] =	wrdreg $0x9  }
0xbf: {  	_ =	task.clear_ibuf [dreg:s22], $0x4FFFF;
	_ =	strace $0x9000005B  }
0xc0: {  	s29 =	simm.s32 $0x9;
	_ =	strace $0x8000005D  }
0xc1: {  	_ =	swait.ge [sflag:s29], $0x1  }
0xc2: {  	[sflag:s29] =	ssyncadd.s32 $0xFFFFFFFF  }
0xc3: {  	_ =	strace $0x9000005D  }
0xc4: {  	_ =	sfence  }
0xc5: {  	s30 =	sld [smem:$0x0];
	_ =	sdelay $0x2  }
0xc6: {  	s31 =	sshll.u32 s1, $0xD;
	s1 =	sshrl.u32 s1, $0x2  }
0xc7: {  	s4 =	sand.u32 $0x4000, s31;
	s1 =	sadd.s32 s1, s30  }
0xc8: {  	s0 =	sor.u32 s4, s0;
	s1 =	sshll.u32 s1, $0x11  }
0xc9: {  	s0 =	sor.u32 s1, s0  }
0xca: {  	s0 =	sadd.s32 $0x8F2B, s0  }
0xcb: {  	[sflag:s0] =	ssyncadd.remote.s32 $0x1  }
0xcc: {  	_ =	sfence.sel $0xFFFF  }
0xcd: {  	[dreg:$0x0] =	wrdreg $0xFFFFFFFF;
	(pc) =	sbr.abs _section_cstart, $3  }
0xce: {  	[dreg:$0x1] =	wrdreg $0xFFFFFFFF  }
0xcf: {  	_ =	task.clear_ibuf [dreg:s22], $0x2FFFF;
	_ =	strace $0x9FFFFFFF  }
0xd0: {  	(tm) =	ssettm $0x7FFFFFFF  }
0xd1: {  	_ =	shalt  }
tec
execute0_lowered:
.L_overlay_start_1:
0x0: {  	(tag) =	ssettag $0x1  }
0x1: {  	s0 =	rddreg [dreg:$0x0];
	s3 =	srdreg.scid  }
0x2: {  	s1 =	stileid.u32;
	s2 =	simm.s32 $0x0;
	s7 =	simm.s32 $0x400  }
0x3: {  	s8 =	simm.s32 $0xC00;
	s9 =	simm.s32 $0x1400;
	s10 =	simm.s32 $0x1C00  }
0x4: {  	s11 =	simm.s32 $0x2400;
	s12 =	simm.s32 $0x2C00;
	s13 =	simm.s32 $0x3400  }
0x5: {  	s14 =	simm.s32 $0x3C00;
	s15 =	simm.s32 $0x4400;
	s16 =	simm.s32 $0x4C00  }
0x6: {  	s17 =	simm.s32 $0x5400;
	s18 =	simm.s32 $0x5C00;
	s19 =	simm.s32 $0x6400  }
0x7: {  	s20 =	simm.s32 $0x6C00;
	s21 =	simm.s32 $0x7400;
	s22 =	simm.s32 $0x7C00  }
0x8: {  	s23 =	simm.s32 $0x8400;
	s24 =	simm.s32 $0x8C00;
	s28 =	simm.s32 $0xA400  }
0x9: {  	s29 =	simm.s32 $0xAC00;
	s30 =	simm.s32 $0xB400;
	s31 =	simm.s32 $0xBC00  }
0xa: {  	s4 =	sand.u32 $0x1, s3;
	s25 =	sshll.u32 s1, $0x1;
	[smem:$0x7FF] =	sst s2  }
0xb: {  	s3 =	sor.u32 s4, s25;
	_ =	strace $0x8000005C;
	s4 =	ssub.s32 $0x2, s4  }
0xc: {  	s25 =	simm.s32 $0x9400;
	s5 =	sshll.u32 s3, $0x7;
	s6 =	smul.u32 $0x1800, s3  }
0xd: {  	s3 =	sadd.s32 $0x48400, s0;
	s26 =	sshrl.u32 s4, $0x1;
	s5 =	sadd.s32 s5, s0  }
0xe: {  	v2 =	vlaneseq.u32;
	s0 =	sadd.s32 s6, s0;
	s5 =	sadd.s32 $0x78400, s5;
	s6 =	ssub.s32 s4, s26  }
0xf: {  	vm0 =	vmmov $0xffff;
	v1 =	vshrl.u32 v2, $0x3;
	s26 =	simm.s32 $0x9C00;
	[dreg:$0x2] =	wrdreg s5;
	s4 =	sadd.s32 $0x79400, s0  }
0x10: {  	v0 =	vand.u32 $0x7, v2;
	v2 =	vor.u32 $0x8, v2;
	v1 =	vmul.u32 $0x8, v1;
	s5 =	smax.u32 s6, $0x1;
	s6 =	simm.s32 $0x2;
	s0 =	simm.s32 $0x1  }
.LBB2_1:
0x11: {  	s1 =	rddreg [dreg:$0x2]  }
0x12: {  	[tilespmem:s2], [sflag:$0x2] =	stream.linear.gather [hbm4b:s1+s2], $0x400, $0x38;
	[tilespmem:$0xC400] =	vst v63  }
0x13: {  	_ =	swait.ge [sflag:s6], $0x400  }
0x14: {  	[sflag:s6] =	ssyncset.done $0x0  }
0x15: {  	[sflag:s6] =	ssyncadd.s32 $0xFFFFFC00  }
0x16: {  	v3 =	vld [tilespmem:$0x0];
	_ =	sdelay $0x4  }
0x17: {  	v4 =	vshll.u32 v3, $0x1  }
0x18: {  	v3 =	vand.u32 $0x7, v3;
	v4 =	vand.u32 $0xFFFFFFF0, v4  }
0x19: {  	v3 =	vor.u32 v3, v4  }
0x1a: {  	v4 =	vperm.xlane v3, v0;
	_ =	sdelay $0x1  }
0x1b: {  	v3 =	vperm.xlane v3, v2;
	v4 =	vadd.s32 v1, v4;
	_ =	sdelay $0x1  }
0x1c: {  	v3 =	vadd.s32 v1, v3;
	_ =	sdelay $0x2  }
0x1d: {  	[tilespmem:s7], [sflag:$0x1] =	stream.indirect_vreg.gather [hbm4b:s3+s2], $0x80, v4, vm0, $0xb8;
	[tilespmem:$0xC400] =	vst v63  }
0x1e: {  	_ = 	snop  }
0x1f: {  	[tilespmem:s8], [sflag:$0x1] =	stream.indirect_vreg.gather [hbm4b:s3+s2], $0x80, v3, vm0, $0xb8;
	[tilespmem:$0xC400] =	vst v63  }
0x20: {  	v3 =	vld [tilespmem:$0x10];
	_ =	sdelay $0x4  }
0x21: {  	v53 =	vshll.u32 v3, $0x1  }
0x22: {  	v3 =	vand.u32 $0x7, v3;
	v4 =	vand.u32 $0xFFFFFFF0, v53  }
0x23: {  	v3 =	vor.u32 v3, v4  }
0x24: {  	v4 =	vperm.xlane v3, v0;
	_ =	sdelay $0x1  }
0x25: {  	v3 =	vperm.xlane v3, v2;
	v4 =	vadd.s32 v1, v4;
	_ =	sdelay $0x1  }
0x26: {  	v3 =	vadd.s32 v1, v3;
	_ =	sdelay $0x2  }
0x27: {  	[tilespmem:s9], [sflag:$0x1] =	stream.indirect_vreg.gather [hbm4b:s3+s2], $0x80, v4, vm0, $0xb8;
	[tilespmem:$0xC400] =	vst v63  }
0x28: {  	_ = 	snop  }
0x29: {  	[tilespmem:s10], [sflag:$0x1] =	stream.indirect_vreg.gather [hbm4b:s3+s2], $0x80, v3, vm0, $0xb8;
	[tilespmem:$0xC400] =	vst v63  }
0x2a: {  	v3 =	vld [tilespmem:$0x20];
	_ =	sdelay $0x4  }
0x2b: {  	v54 =	vshll.u32 v3, $0x1  }
0x2c: {  	v3 =	vand.u32 $0x7, v3;
	v4 =	vand.u32 $0xFFFFFFF0, v54  }
0x2d: {  	v3 =	vor.u32 v3, v4  }
0x2e: {  	v4 =	vperm.xlane v3, v0;
	_ =	sdelay $0x1  }
0x2f: {  	v3 =	vperm.xlane v3, v2;
	v4 =	vadd.s32 v1, v4;
	_ =	sdelay $0x1  }
0x30: {  	v3 =	vadd.s32 v1, v3;
	_ =	sdelay $0x2  }
0x31: {  	[tilespmem:s11], [sflag:$0x1] =	stream.indirect_vreg.gather [hbm4b:s3+s2], $0x80, v4, vm0, $0xb8;
	[tilespmem:$0xC400] =	vst v63  }
0x32: {  	_ = 	snop  }
0x33: {  	[tilespmem:s12], [sflag:$0x1] =	stream.indirect_vreg.gather [hbm4b:s3+s2], $0x80, v3, vm0, $0xb8;
	[tilespmem:$0xC400] =	vst v63  }
0x34: {  	v3 =	vld [tilespmem:$0x30];
	_ =	sdelay $0x4  }
0x35: {  	v55 =	vshll.u32 v3, $0x1  }
0x36: {  	v3 =	vand.u32 $0x7, v3;
	v4 =	vand.u32 $0xFFFFFFF0, v55  }
0x37: {  	v3 =	vor.u32 v3, v4  }
0x38: {  	v4 =	vperm.xlane v3, v0;
	_ =	sdelay $0x1  }
0x39: {  	v3 =	vperm.xlane v3, v2;
	v4 =	vadd.s32 v1, v4;
	_ =	sdelay $0x1  }
0x3a: {  	v3 =	vadd.s32 v1, v3;
	_ =	sdelay $0x2  }
0x3b: {  	[tilespmem:s13], [sflag:$0x1] =	stream.indirect_vreg.gather [hbm4b:s3+s2], $0x80, v4, vm0, $0xb8;
	[tilespmem:$0xC400] =	vst v63  }
0x3c: {  	_ = 	snop  }
0x3d: {  	[tilespmem:s14], [sflag:$0x1] =	stream.indirect_vreg.gather [hbm4b:s3+s2], $0x80, v3, vm0, $0xb8;
	[tilespmem:$0xC400] =	vst v63  }
0x3e: {  	v3 =	vld [tilespmem:$0x40];
	_ =	sdelay $0x4  }
0x3f: {  	v56 =	vshll.u32 v3, $0x1  }
0x40: {  	v3 =	vand.u32 $0x7, v3;
	v4 =	vand.u32 $0xFFFFFFF0, v56  }
0x41: {  	v3 =	vor.u32 v3, v4  }
0x42: {  	v4 =	vperm.xlane v3, v0;
	_ =	sdelay $0x1  }
0x43: {  	v3 =	vperm.xlane v3, v2;
	v4 =	vadd.s32 v1, v4;
	_ =	sdelay $0x1  }
0x44: {  	v3 =	vadd.s32 v1, v3;
	_ =	sdelay $0x2  }
0x45: {  	[tilespmem:s15], [sflag:$0x1] =	stream.indirect_vreg.gather [hbm4b:s3+s2], $0x80, v4, vm0, $0xb8;
	[tilespmem:$0xC400] =	vst v63  }
0x46: {  	_ = 	snop  }
0x47: {  	[tilespmem:s16], [sflag:$0x1] =	stream.indirect_vreg.gather [hbm4b:s3+s2], $0x80, v3, vm0, $0xb8;
	[tilespmem:$0xC400] =	vst v63  }
0x48: {  	v3 =	vld [tilespmem:$0x50];
	_ =	sdelay $0x4  }
0x49: {  	v57 =	vshll.u32 v3, $0x1  }
0x4a: {  	v3 =	vand.u32 $0x7, v3;
	v4 =	vand.u32 $0xFFFFFFF0, v57  }
0x4b: {  	v3 =	vor.u32 v3, v4  }
0x4c: {  	v4 =	vperm.xlane v3, v0;
	_ =	sdelay $0x1  }
0x4d: {  	v3 =	vperm.xlane v3, v2;
	v4 =	vadd.s32 v1, v4;
	_ =	sdelay $0x1  }
0x4e: {  	v3 =	vadd.s32 v1, v3;
	_ =	sdelay $0x2  }
0x4f: {  	[tilespmem:s17], [sflag:$0x1] =	stream.indirect_vreg.gather [hbm4b:s3+s2], $0x80, v4, vm0, $0xb8;
	[tilespmem:$0xC400] =	vst v63  }
0x50: {  	_ = 	snop  }
0x51: {  	[tilespmem:s18], [sflag:$0x1] =	stream.indirect_vreg.gather [hbm4b:s3+s2], $0x80, v3, vm0, $0xb8;
	[tilespmem:$0xC400] =	vst v63  }
0x52: {  	v3 =	vld [tilespmem:$0x80];
	_ =	sdelay $0x4  }
0x53: {  	v58 =	vshll.u32 v3, $0x1  }
0x54: {  	v3 =	vand.u32 $0x7, v3;
	v4 =	vand.u32 $0xFFFFFFF0, v58  }
0x55: {  	v3 =	vor.u32 v3, v4  }
0x56: {  	v4 =	vperm.xlane v3, v0;
	_ =	sdelay $0x1  }
0x57: {  	v3 =	vperm.xlane v3, v2;
	v4 =	vadd.s32 v1, v4;
	_ =	sdelay $0x1  }
0x58: {  	v3 =	vadd.s32 v1, v3;
	_ =	sdelay $0x2  }
0x59: {  	[tilespmem:s19], [sflag:$0x1] =	stream.indirect_vreg.gather [hbm4b:s3+s2], $0x80, v4, vm0, $0xb8;
	[tilespmem:$0xC400] =	vst v63  }
0x5a: {  	_ = 	snop  }
0x5b: {  	[tilespmem:s20], [sflag:$0x1] =	stream.indirect_vreg.gather [hbm4b:s3+s2], $0x80, v3, vm0, $0xb8;
	[tilespmem:$0xC400] =	vst v63  }
0x5c: {  	v3 =	vld [tilespmem:$0x90];
	_ =	sdelay $0x4  }
0x5d: {  	v59 =	vshll.u32 v3, $0x1  }
0x5e: {  	v3 =	vand.u32 $0x7, v3;
	v4 =	vand.u32 $0xFFFFFFF0, v59  }
0x5f: {  	v3 =	vor.u32 v3, v4  }
0x60: {  	v4 =	vperm.xlane v3, v0;
	_ =	sdelay $0x1  }
0x61: {  	v3 =	vperm.xlane v3, v2;
	v4 =	vadd.s32 v1, v4;
	_ =	sdelay $0x1  }
0x62: {  	v3 =	vadd.s32 v1, v3;
	_ =	sdelay $0x2  }
0x63: {  	[tilespmem:s21], [sflag:$0x1] =	stream.indirect_vreg.gather [hbm4b:s3+s2], $0x80, v4, vm0, $0xb8;
	[tilespmem:$0xC400] =	vst v63  }
0x64: {  	_ = 	snop  }
0x65: {  	[tilespmem:s22], [sflag:$0x1] =	stream.indirect_vreg.gather [hbm4b:s3+s2], $0x80, v3, vm0, $0xb8;
	[tilespmem:$0xC400] =	vst v63  }
0x66: {  	v3 =	vld [tilespmem:$0xA0];
	_ =	sdelay $0x4  }
0x67: {  	v60 =	vshll.u32 v3, $0x1  }
0x68: {  	v3 =	vand.u32 $0x7, v3;
	v4 =	vand.u32 $0xFFFFFFF0, v60  }
0x69: {  	v3 =	vor.u32 v3, v4  }
0x6a: {  	v4 =	vperm.xlane v3, v0;
	_ =	sdelay $0x1  }
0x6b: {  	v3 =	vperm.xlane v3, v2;
	v4 =	vadd.s32 v1, v4;
	_ =	sdelay $0x1  }
0x6c: {  	v3 =	vadd.s32 v1, v3;
	_ =	sdelay $0x2  }
0x6d: {  	[tilespmem:s23], [sflag:$0x1] =	stream.indirect_vreg.gather [hbm4b:s3+s2], $0x80, v4, vm0, $0xb8;
	[tilespmem:$0xC400] =	vst v63  }
0x6e: {  	_ = 	snop  }
0x6f: {  	[tilespmem:s24], [sflag:$0x1] =	stream.indirect_vreg.gather [hbm4b:s3+s2], $0x80, v3, vm0, $0xb8;
	[tilespmem:$0xC400] =	vst v63  }
0x70: {  	v3 =	vld [tilespmem:$0xB0];
	_ =	sdelay $0x4  }
0x71: {  	v61 =	vshll.u32 v3, $0x1  }
0x72: {  	v3 =	vand.u32 $0x7, v3;
	v4 =	vand.u32 $0xFFFFFFF0, v61  }
0x73: {  	v3 =	vor.u32 v3, v4  }
0x74: {  	v4 =	vperm.xlane v3, v0;
	_ =	sdelay $0x1  }
0x75: {  	v3 =	vperm.xlane v3, v2;
	v4 =	vadd.s32 v1, v4;
	_ =	sdelay $0x1  }
0x76: {  	v3 =	vadd.s32 v1, v3;
	_ =	sdelay $0x2  }
0x77: {  	[tilespmem:s25], [sflag:$0x1] =	stream.indirect_vreg.gather [hbm4b:s3+s2], $0x80, v4, vm0, $0xb8;
	[tilespmem:$0xC400] =	vst v63  }
0x78: {  	_ = 	snop  }
0x79: {  	[tilespmem:s26], [sflag:$0x1] =	stream.indirect_vreg.gather [hbm4b:s3+s2], $0x80, v3, vm0, $0xb8;
	[tilespmem:$0xC400] =	vst v63  }
0x7a: {  	v3 =	vld [tilespmem:$0xC0];
	_ =	sdelay $0x4  }
0x7b: {  	v62 =	vshll.u32 v3, $0x1  }
0x7c: {  	v3 =	vand.u32 $0x7, v3;
	v4 =	vand.u32 $0xFFFFFFF0, v62  }
0x7d: {  	v3 =	vor.u32 v3, v4  }
0x7e: {  	v4 =	vperm.xlane v3, v0;
	_ =	sdelay $0x1  }
0x7f: {  	v3 =	vperm.xlane v3, v2;
	v4 =	vadd.s32 v1, v4;
	_ =	sdelay $0x1  }
0x80: {  	v3 =	vadd.s32 v1, v3;
	_ =	sdelay $0x2  }
0x81: {  	[tilespmem:s28], [sflag:$0x1] =	stream.indirect_vreg.gather [hbm4b:s3+s2], $0x80, v4, vm0, $0xb8;
	[tilespmem:$0xC400] =	vst v63  }
0x82: {  	_ = 	snop  }
0x83: {  	[tilespmem:s29], [sflag:$0x1] =	stream.indirect_vreg.gather [hbm4b:s3+s2], $0x80, v3, vm0, $0xb8;
	[tilespmem:$0xC400] =	vst v63  }
0x84: {  	v3 =	vld [tilespmem:$0xD0];
	_ =	sdelay $0x4  }
0x85: {  	v63 =	vshll.u32 v3, $0x1  }
0x86: {  	v3 =	vand.u32 $0x7, v3;
	v4 =	vand.u32 $0xFFFFFFF0, v63  }
0x87: {  	v3 =	vor.u32 v3, v4  }
0x88: {  	v4 =	vperm.xlane v3, v0;
	_ =	sdelay $0x1  }
0x89: {  	v3 =	vperm.xlane v3, v2;
	v4 =	vadd.s32 v1, v4;
	_ =	sdelay $0x1  }
0x8a: {  	v3 =	vadd.s32 v1, v3;
	_ =	sdelay $0x2  }
0x8b: {  	[tilespmem:s30], [sflag:$0x1] =	stream.indirect_vreg.gather [hbm4b:s3+s2], $0x80, v4, vm0, $0xb8;
	[tilespmem:$0xC400] =	vst v63  }
0x8c: {  	_ = 	snop  }
0x8d: {  	[tilespmem:s31], [sflag:$0x1] =	stream.indirect_vreg.gather [hbm4b:s3+s2], $0x80, v3, vm0, $0xb8;
	[tilespmem:$0xC400] =	vst v63  }
0x8e: {  	_ =	swait.ge [sflag:s0], $0x6000  }
0x8f: {  	[sflag:s0] =	ssyncset.done $0x0  }
0x90: {  	[sflag:s0] =	ssyncadd.s32 $0xFFFFA000  }
0x91: {  	_ =	swait.ge [sflag:s0], $0x6000  }
0x92: {  	p0 =	sne.s32 s5, $0x1;
	[sflag:s0] =	ssyncset.done $0x0  }
.Ltmp0:
0x93: {  	[sflag:s0] =	ssyncadd.s32 $0xFFFFA000;
	(pc) =	sbr.rel @p0 .LBB2_1-.Ltmp0, $4  }
0x94: {  	[hbm4b:s4+s2] =	stream.linear.scatter [tilespmem:s7], [sflag:$0x2], $0xC000, $0x38;
	[tilespmem:$0xC400] =	vst v63  }
0x95: {  	_ =	swait.ge [sflag:s6], $0xC000  }
0x96: {  	[sflag:s6] =	ssyncset.done $0x0  }
0x97: {  	s5 =	sadd.s32 $0xFFFFFFFF, s5;
	[sflag:s6] =	ssyncadd.s32 $0xFFFF4000  }
0x98: {  	_ =	sfence.sel $0x180000  }
0x99: {  	[bflag:$0x0] =	sbarrier.arrive $0xFFFF  }
0x9a: {  	_ =	strace $0x9000005C  }
0x9b: {  	s0 =	stileid.u32;
	[bflag:$0x2] =	sbarrier.arrive $0xFFFF  }
0x9c: {  	p0 =	sne.s32 s0, $0x0;
	s0 =	rddreg [dreg:$0x1]  }
0x9d: {  	s0 =	sadd.s32 @!p0 $0x100000, s0  }
0x9e: {  	[sflag:s0] =	ssyncadd.tile.s32 @!p0 $0x1;
	_ =	shalt  }
.Lfunc_end2:
_tile_overlayer_lowered:
.L_overlay_start_2:
0x9f: {  	(tag) =	ssettag $0x2  }
0xa0: {  	s0 =	rddreg [dreg:$0x0];
	s2 =	stileid.u32  }
0xa1: {  	s1 =	rddreg [dreg:$0x1];
	p0 =	sne.s32 s2, $0x0  }
0xa2: {  	s3 =	rddreg [dreg:$0x2];
	[bflag:$0x3] =	sbarrier.arrive $0xFFFF;
	s2 =	simm.s32 @!p0 $0x1C02  }
0xa3: {  	[timem:s3], [sflag:s2] =	dma.local @!p0 [hbm:s0], s1  }
0xa4: {  	s0 =	simm.s32 @!p0 $0x2  }
0xa5: {  	_ =	swait.ge @!p0 [sflag:s0], s1  }
0xa6: {  	s1 =	ssub.s32 @!p0 $0x0, s1;
	[sflag:s0] =	ssyncset.done @!p0 $0x0  }
0xa7: {  	[sflag:s0] =	ssyncadd.s32 @!p0 s1  }
0xa8: {  	[bflag:$0x3] =	sbarrier.arrive $0xFFFF  }
0xa9: {  	_ =	shalt  }

</sc_bundles>
